<compile_context>
chip_gen: v7x
topology: tpu7x:2x2x1
jax: 0.10.2.dev20260603
libtpu: 0.0.44.dev20260713+nightly
codegen_flags: <defaults>
</compile_context>

<pallas_src>
import functools

import jax
import jax.numpy as jnp
from jax import lax
from jax.experimental import pallas as pl
from jax.experimental.pallas import tpu as pltpu
from jax.experimental.pallas import tpu_sc as plsc

_NEG_RATIO = 3.0
_BAL_SCALE = 5.0
_EPS = 1e-09
_L1_SCALE = 10.0
_DICE_EPS = 0.001

_B = 8
_ROWS_PER_B = 400
_LANES = 1024
_RB = 400
_JB = _ROWS_PER_B // _RB
_ROWS = _B * _ROWS_PER_B
_N = _ROWS * _LANES

_BIG = 3.0e38

_NB = 2048
_VMAX = 27.632
_BIN_SCALE = _NB / _VMAX
_BIN_W = _VMAX / _NB
_LN = 16
_WRK = 32
_NBROW = _NB // _LANES

_GROUP_ROWS = 400
_BAND = 256
_UROWS = 40
_UNITS = _GROUP_ROWS // _UROWS
_UVEC = _UROWS * _BAND // 16



def _stream_body(pr_ref, gt_ref, neg_ref, sum_ref, mm_ref, dice_ref):
    b = pl.program_id(0)
    j = pl.program_id(1)

    @pl.when(jnp.logical_and(b == 0, j == 0))
    def _init():
        sum_ref[...] = jnp.zeros((8, _LANES), jnp.float32)
        dice_ref[...] = jnp.zeros((8, _B, _LANES), jnp.float32)
        mm_ref[...] = jnp.zeros((8, _LANES), jnp.float32)
        mm_ref[0:1, :] = jnp.full((1, _LANES), _BIG, jnp.float32)
        mm_ref[1:2, :] = jnp.full((1, _LANES), -_BIG, jnp.float32)

    binary = pr_ref[0, 0]
    thresh_binary = pr_ref[0, 1]
    thresh = pr_ref[0, 2]
    gt = gt_ref[0, 0]
    mask = gt_ref[0, 1]
    thresh_map = gt_ref[0, 2]
    thresh_mask = gt_ref[0, 3]

    p = jnp.clip(binary, 1e-12, 1.0 - 1e-12)
    logp = jnp.clip(jnp.log(p), -100.0, None)
    log1mp = jnp.clip(jnp.log(1.0 - p), -100.0, None)
    loss = -(gt * logp + (1.0 - gt) * log1mp)

    pos_m = gt * mask
    neg_m = (1.0 - gt) * mask
    negl = loss * neg_m

    neg_ref[0] = negl

    def _acc_sum(row, val2d):
        sum_ref[row:row + 1, :] += jnp.sum(val2d, axis=0, keepdims=True)

    _acc_sum(0, jnp.abs(thresh - thresh_map) * thresh_mask)
    _acc_sum(1, thresh_mask)
    _acc_sum(2, pos_m)
    _acc_sum(3, neg_m)
    _acc_sum(4, loss * pos_m)

    mm_ref[0:1, :] = jnp.minimum(mm_ref[0:1, :],
                                 jnp.min(loss, axis=0, keepdims=True))
    mm_ref[1:2, :] = jnp.maximum(mm_ref[1:2, :],
                                 jnp.max(loss, axis=0, keepdims=True))

    ptm = thresh_binary * gt * mask
    ppm = thresh_binary * thresh_binary * mask
    ttm = gt * gt * mask

    def _acc_dice(q, val2d):
        dice_ref[q, pl.ds(b, 1), :] += jnp.sum(val2d, axis=0, keepdims=True)

    _acc_dice(0, ptm)
    _acc_dice(1, ptm * loss)
    _acc_dice(2, ppm)
    _acc_dice(3, ppm * loss)
    _acc_dice(4, ttm)
    _acc_dice(5, ttm * loss)


def _stream(y_pr4, y_gt4):
    return pl.pallas_call(
        _stream_body,
        grid=(_B, _JB),
        in_specs=[
            pl.BlockSpec((1, 3, _RB, _LANES), lambda b, j: (b, 0, j, 0)),
            pl.BlockSpec((1, 4, _RB, _LANES), lambda b, j: (b, 0, j, 0)),
        ],
        out_specs=[
            pl.BlockSpec((1, _RB, _LANES), lambda b, j: (b, j, 0)),
            pl.BlockSpec((8, _LANES), lambda b, j: (0, 0)),
            pl.BlockSpec((8, _LANES), lambda b, j: (0, 0)),
            pl.BlockSpec((8, _B, _LANES), lambda b, j: (0, 0, 0)),
        ],
        out_shape=[
            jax.ShapeDtypeStruct((_B, _ROWS_PER_B, _LANES), jnp.float32),
            jax.ShapeDtypeStruct((8, _LANES), jnp.float32),
            jax.ShapeDtypeStruct((8, _LANES), jnp.float32),
            jax.ShapeDtypeStruct((8, _B, _LANES), jnp.float32),
        ],
        compiler_params=pltpu.CompilerParams(
            dimension_semantics=("arbitrary", "arbitrary"),
        ),
    )(y_pr4, y_gt4)



@functools.lru_cache(maxsize=1)
def _build_sc_hist():
    @functools.partial(
        pl.kernel,
        out_type=(
            jax.ShapeDtypeStruct((_WRK, _NB), jnp.float32),
            jax.ShapeDtypeStruct((_WRK, _NB), jnp.float32),
        ),
        mesh=plsc.VectorSubcoreMesh(core_axis_name="c", subcore_axis_name="s"),
        scratch_types=[
            pltpu.VMEM((_UROWS, _BAND), jnp.float32),
            pltpu.VMEM((_UROWS, _BAND), jnp.float32),
            pltpu.VMEM((_NB * _LN,), jnp.float32),
            pltpu.VMEM((_NB * _LN,), jnp.float32),
            pltpu.VMEM((_NB,), jnp.float32),
            pltpu.VMEM((_NB,), jnp.float32),
            pltpu.SemaphoreType.DMA,
            pltpu.SemaphoreType.DMA,
        ],
        compiler_params=pltpu.CompilerParams(needs_layout_passes=False),
    )
    def _sc_hist(neg_hbm, cnt_hbm, sum_hbm, chunk_a, chunk_b,
                 hcnt_v, hsum_v, mcnt_v, msum_v, sem_a, sem_b):
        wid = lax.axis_index("s") * 2 + lax.axis_index("c")
        lane_base = lax.iota(jnp.int32, 16) * _NB
        ones = jnp.ones((16,), jnp.float32)
        zeros16 = jnp.zeros((16,), jnp.float32)

        def zero_body(i, carry):
            for u in range(8):
                hcnt_v[pl.ds(i * 128 + u * 16, 16)] = zeros16
                hsum_v[pl.ds(i * 128 + u * 16, 16)] = zeros16
            return carry

        lax.fori_loop(0, _NB * _LN // 128, zero_body, 0)

        row0 = (wid >> 2) * _GROUP_ROWS
        col0 = (wid & 3) * _BAND
        bufs = (chunk_a, chunk_b)
        sems = (sem_a, sem_b)

        def start(ci):
            pltpu.async_copy(
                neg_hbm.at[pl.ds(row0 + ci * _UROWS, _UROWS),
                           pl.ds(col0, _BAND)],
                bufs[ci % 2], sems[ci % 2])

        start(0)
        for ci in range(_UNITS):
            pltpu.make_async_copy(
                neg_hbm.at[pl.ds(row0 + ci * _UROWS, _UROWS),
                           pl.ds(col0, _BAND)],
                bufs[ci % 2], sems[ci % 2]).wait()
            if ci + 1 < _UNITS:
                start(ci + 1)
            chunk_v = bufs[ci % 2]

            @plsc.parallel_loop(0, _UVEC, unroll=16)
            def _hist_body(i, chunk_v=chunk_v):
                r = i >> 4
                co = (i & 15) << 4
                v = chunk_v[r, pl.ds(co, 16)]
                bn = jnp.clip((v * _BIN_SCALE).astype(jnp.int32),
                              0, _NB - 1)
                idx = lane_base + bn
                plsc.addupdate_scatter(hcnt_v, [idx], ones)
                plsc.addupdate_scatter(hsum_v, [idx], v)

        def merge_body(i, carry):
            acc_c = zeros16
            acc_s = zeros16
            for l in range(_LN):
                acc_c = acc_c + hcnt_v[pl.ds(l * _NB + i * 16, 16)]
                acc_s = acc_s + hsum_v[pl.ds(l * _NB + i * 16, 16)]
            mcnt_v[pl.ds(i * 16, 16)] = acc_c
            msum_v[pl.ds(i * 16, 16)] = acc_s
            return carry

        lax.fori_loop(0, _NB // 16, merge_body, 0)

        pltpu.sync_copy(mcnt_v, cnt_hbm.at[wid])
        pltpu.sync_copy(msum_v, sum_hbm.at[wid])

    return _sc_hist



def _fin_body(hcnt_ref, hsum_ref, sum_ref, mm_ref, dice_ref, out_ref):
    l1_num = jnp.sum(sum_ref[0, :])
    l1_den = jnp.sum(sum_ref[1, :])
    pos_cnt = jnp.sum(sum_ref[2, :])
    neg_cnt_raw = jnp.sum(sum_ref[3, :])
    pos_loss_sum = jnp.sum(sum_ref[4, :])
    dmin = jnp.min(mm_ref[0, :])
    dmax = jnp.max(mm_ref[1, :])

    k_f = jnp.minimum(neg_cnt_raw, pos_cnt * _NEG_RATIO)
    k_i = k_f.astype(jnp.int32)
    k_if = k_i.astype(jnp.float32)

    cnt_tot = jnp.sum(hcnt_ref[...], axis=0)
    sum_tot = jnp.sum(hsum_ref[...], axis=0)
    bin2 = (lax.broadcasted_iota(jnp.int32, (_NBROW, _LANES), 0) * _LANES
            + lax.broadcasted_iota(jnp.int32, (_NBROW, _LANES), 1))

    def suffix(bidx):
        sel = bin2 >= bidx
        c = jnp.sum(jnp.where(sel, cnt_tot, 0.0))
        s = jnp.sum(jnp.where(sel, sum_tot, 0.0))
        return c, s

    def bin_bisect(_, carry):
        lo, hi = carry
        mid = (lo + hi) // 2
        c, _s = suffix(mid)
        pred = c >= k_if
        return (jnp.where(pred, mid, lo), jnp.where(pred, hi, mid))

    b_lo, _ = lax.fori_loop(0, 11, bin_bisect,
                            (jnp.int32(0), jnp.int32(_NB)))

    c_at, s_at = suffix(b_lo)
    c_above, s_above = suffix(b_lo + 1)
    c_in = c_at - c_above
    s_in = s_at - s_above
    take = k_if - c_above
    mean_in = s_in / jnp.maximum(c_in, 1.0)
    topk_sum = s_above + take * mean_in

    balanced = (pos_loss_sum + topk_sum) / (pos_cnt + k_f + _EPS)
    balanced = balanced * _BAL_SCALE

    a = 1.0 / (dmax - dmin)
    c0 = 1.0 - dmin * a
    dice_total = jnp.float32(0.0)
    for bb in range(_B):
        s_ptm = jnp.sum(dice_ref[0, bb, :])
        s_ptml = jnp.sum(dice_ref[1, bb, :])
        s_ppm = jnp.sum(dice_ref[2, bb, :])
        s_ppml = jnp.sum(dice_ref[3, bb, :])
        s_ttm = jnp.sum(dice_ref[4, bb, :])
        s_ttml = jnp.sum(dice_ref[5, bb, :])
        inter = a * s_ptml + c0 * s_ptm
        union = a * (s_ppml + s_ttml) + c0 * (s_ppm + s_ttm) + 2.0 * _DICE_EPS
        dice_total += 1.0 - 2.0 * inter / union
    dice = dice_total / _B

    l1 = jnp.where(l1_den > 0, l1_num / l1_den, jnp.float32(0.0)) * _L1_SCALE

    out_ref[0, 0] = l1 + balanced + dice


def _finalize(hcnt3, hsum3, sums, mm, dice):
    return pl.pallas_call(
        _fin_body,
        out_specs=pl.BlockSpec(memory_space=pltpu.SMEM),
        out_shape=jax.ShapeDtypeStruct((1, 1), jnp.float32),
    )(hcnt3, hsum3, sums, mm, dice)


def kernel(y_pr, y_gt):
    y_pr4 = y_pr.reshape(_B, 3, _ROWS_PER_B, _LANES)
    y_gt4 = y_gt.reshape(_B, 4, _ROWS_PER_B, _LANES)
    neg, sums, mm, dice = _stream(y_pr4, y_gt4)
    hcnt, hsum = _build_sc_hist()(neg.reshape(_ROWS, _LANES))
    out = _finalize(hcnt.reshape(_WRK, _NBROW, _LANES),
                    hsum.reshape(_WRK, _NBROW, _LANES), sums, mm, dice)
    return out[0, 0]

# --- scband reference (transcript-rebuilt; emitter-appended) ---
"""Pipeline reference for scband-dbloss-18897856103099 (READ-ONLY COPY).

The authoritative reference and input builder live on the scoring server;
editing this copy changes nothing except your own understanding.
"""

import jax, jax.numpy as jnp
import numpy as np

NEG_RATIO = 3.0
BAL_SCALE = 5.0
EPS = 1e-09
L1_SCALE = 10.0
DICE_EPS = 0.001


def setup_inputs(seed: int = 0) -> dict:
    key = jax.random.key(seed)
    k1, k2 = jax.random.split(key)
    y_pr = jax.random.uniform(k1, (8, 3, 640, 640), dtype=jnp.float32)
    y_gt = jax.random.uniform(k2, (8, 4, 640, 640), dtype=jnp.float32)
    return {"y_pr": y_pr, "y_gt": y_gt}


def _bce(pred, gt):
    # match torch F.binary_cross_entropy: clamp log at -100
    p = jnp.clip(pred, 1e-12, 1.0 - 1e-12)
    logp = jnp.clip(jnp.log(p), -100.0, None)
    log1mp = jnp.clip(jnp.log(1.0 - p), -100.0, None)
    return -(gt * logp + (1.0 - gt) * log1mp)


def reference(y_pr, y_gt):
    binary = y_pr[:, 0, :, :]
    thresh_binary = y_pr[:, 1, :, :]
    thresh = y_pr[:, 2, :, :]
    gt = y_gt[:, 0, :, :]
    mask = y_gt[:, 1, :, :]
    thresh_map = y_gt[:, 2, :, :]
    thresh_mask = y_gt[:, 3, :, :]

    # l1 loss
    mask_sum = jnp.sum(thresh_mask)
    l1 = jnp.where(mask_sum > 0,
                   jnp.sum(jnp.abs(thresh - thresh_map) * thresh_mask) / mask_sum,
                   jnp.float32(0.0)) * L1_SCALE

    # balanced BCE loss
    loss = _bce(binary, gt)
    positive_mask = gt * mask
    negative_mask = (1.0 - gt) * mask
    positive_count = jnp.sum(positive_mask)
    negative_count = jnp.minimum(jnp.sum(negative_mask), positive_count * NEG_RATIO)
    k = negative_count.astype(jnp.int32)
    positive_loss = loss * positive_mask
    negative_loss = loss * negative_mask
    neg_flat = negative_loss.reshape(-1)
    N = neg_flat.shape[0]
    sorted_vals, _ = jax.lax.top_k(neg_flat, N)
    topk_vals = jnp.where(jnp.arange(N) < k, sorted_vals, jnp.float32(0.0))
    balanced = (jnp.sum(positive_loss) + jnp.sum(topk_vals)) / (positive_count + negative_count + EPS)
    balanced = balanced * BAL_SCALE

    # dice loss with weighted mask
    dmin = jnp.min(loss)
    dmax = jnp.max(loss)
    dice_mask = mask * ((loss - dmin) / (dmax - dmin) + 1.0)
    B = dice_mask.shape[0]
    dice_mask = dice_mask.reshape(B, -1)
    p = thresh_binary.reshape(B, -1)
    t = gt.reshape(B, -1)
    intersection = jnp.sum(p * t * dice_mask, axis=1)
    union = jnp.sum(p * p * dice_mask, axis=1) + jnp.sum(t * t * dice_mask, axis=1) + 2 * DICE_EPS
    dice = jnp.mean(1.0 - 2.0 * intersection / union)

    return l1 + balanced + dice

if __name__ == "__main__":
    import jax
    _d = setup_inputs()
    print(jax.jit(kernel)(*tuple(_d.values())))

</pallas_src>

<mosaic_0001>
#map = affine_map<(d0, d1) -> (0, 0)>
module attributes {stable_mosaic.version = 14 : i64} {
  func.func @_sc_hist(%arg0: i32, %arg1: i32, %arg2: memref<3200x1024xf32, #tpu.memory_space<hbm>>, %arg3: memref<32x2048xf32, #tpu.memory_space<hbm>>, %arg4: memref<32x2048xf32, #tpu.memory_space<hbm>>, %arg5: memref<40x256xf32, #tpu.memory_space<vmem>>, %arg6: memref<40x256xf32, #tpu.memory_space<vmem>>, %arg7: memref<32768xf32, #tpu.memory_space<vmem>>, %arg8: memref<32768xf32, #tpu.memory_space<vmem>>, %arg9: memref<2048xf32, #tpu.memory_space<vmem>>, %arg10: memref<2048xf32, #tpu.memory_space<vmem>>, %arg11: memref<!tpu.dma_semaphore, #tpu.memory_space<semaphore_mem>>, %arg12: memref<!tpu.dma_semaphore, #tpu.memory_space<semaphore_mem>>) attributes {dimension_semantics = [#tpu.dimension_semantics<core_parallel>, #tpu.dimension_semantics<subcore_parallel>], iteration_bounds = array<i64: 2, 16>, scalar_prefetch = 0 : i64, scratch_operands = 8 : i64, tpu.core_type = #tpu.core_type<sc_vector_subcore>, window_params = [{transform_indices = #map}, {transform_indices = #map}, {transform_indices = #map}]} {
    %mul3A = arith.constant 2 : i32
    %mul3A_0 = arith.muli %arg1, %mul3A : i32
    %add3A = arith.addi %mul3A_0, %arg0 : i32
    %iota3A = tpu.iota {dimensions = array<i32: 0>} : vector<16xi32>
    %mul3A_1 = arith.constant 2048 : i32
    %mul3A_2 = vector.broadcast %mul3A_1 : i32 to vector<16xi32>
    %mul3A_3 = arith.muli %iota3A, %mul3A_2 : vector<16xi32>
    %broadcast_in_dim3A = arith.constant 1.000000e+00 : f32
    %broadcast_in_dim3A_4 = vector.broadcast %broadcast_in_dim3A : f32 to vector<16xf32>
    %broadcast_in_dim3A_5 = arith.constant 0.000000e+00 : f32
    %broadcast_in_dim3A_6 = vector.broadcast %broadcast_in_dim3A_5 : f32 to vector<16xf32>
    %scan3A = arith.constant 0 : i32
    %scan3A_7 = arith.constant 0 : i32
    %scan3A_8 = arith.constant 256 : i32
    %scan3A_9 = arith.addi %scan3A_7, %scan3A_8 : i32
    %scan3A_10 = arith.constant 1 : i32
    scf.for %scan3A_131 = %scan3A_7 to %scan3A_9 step %scan3A_10  : i32 {
      %mul3A_132 = arith.constant 128 : i32
      %mul3A_133 = arith.muli %scan3A_131, %mul3A_132 : i32
      %add3A_134 = arith.constant 0 : i32
      %add3A_135 = arith.addi %mul3A_133, %add3A_134 : i32
      %swap3A = arith.index_cast %add3A_135 : i32 to index
      %swap3A_136 = tpu.vector_load %arg7[%swap3A] {strides = array<i32>} : memref<32768xf32, #tpu.memory_space<vmem>>, vector<16xf32>,
      tpu.vector_store %arg7[%swap3A], %broadcast_in_dim3A_6 {strides = array<i32>} : memref<32768xf32, #tpu.memory_space<vmem>>, vector<16xf32>,
      %mul3A_137 = arith.constant 128 : i32
      %mul3A_138 = arith.muli %scan3A_131, %mul3A_137 : i32
      %add3A_139 = arith.constant 0 : i32
      %add3A_140 = arith.addi %mul3A_138, %add3A_139 : i32
      %swap3A_141 = arith.index_cast %add3A_140 : i32 to index
      %swap3A_142 = tpu.vector_load %arg8[%swap3A_141] {strides = array<i32>} : memref<32768xf32, #tpu.memory_space<vmem>>, vector<16xf32>,
      tpu.vector_store %arg8[%swap3A_141], %broadcast_in_dim3A_6 {strides = array<i32>} : memref<32768xf32, #tpu.memory_space<vmem>>, vector<16xf32>,
      %mul3A_143 = arith.constant 128 : i32
      %mul3A_144 = arith.muli %scan3A_131, %mul3A_143 : i32
      %add3A_145 = arith.constant 16 : i32
      %add3A_146 = arith.addi %mul3A_144, %add3A_145 : i32
      %swap3A_147 = arith.index_cast %add3A_146 : i32 to index
      %swap3A_148 = tpu.vector_load %arg7[%swap3A_147] {strides = array<i32>} : memref<32768xf32, #tpu.memory_space<vmem>>, vector<16xf32>,
      tpu.vector_store %arg7[%swap3A_147], %broadcast_in_dim3A_6 {strides = array<i32>} : memref<32768xf32, #tpu.memory_space<vmem>>, vector<16xf32>,
      %mul3A_149 = arith.constant 128 : i32
      %mul3A_150 = arith.muli %scan3A_131, %mul3A_149 : i32
      %add3A_151 = arith.constant 16 : i32
      %add3A_152 = arith.addi %mul3A_150, %add3A_151 : i32
      %swap3A_153 = arith.index_cast %add3A_152 : i32 to index
      %swap3A_154 = tpu.vector_load %arg8[%swap3A_153] {strides = array<i32>} : memref<32768xf32, #tpu.memory_space<vmem>>, vector<16xf32>,
      tpu.vector_store %arg8[%swap3A_153], %broadcast_in_dim3A_6 {strides = array<i32>} : memref<32768xf32, #tpu.memory_space<vmem>>, vector<16xf32>,
      %mul3A_155 = arith.constant 128 : i32
      %mul3A_156 = arith.muli %scan3A_131, %mul3A_155 : i32
      %add3A_157 = arith.constant 32 : i32
      %add3A_158 = arith.addi %mul3A_156, %add3A_157 : i32
      %swap3A_159 = arith.index_cast %add3A_158 : i32 to index
      %swap3A_160 = tpu.vector_load %arg7[%swap3A_159] {strides = array<i32>} : memref<32768xf32, #tpu.memory_space<vmem>>, vector<16xf32>,
      tpu.vector_store %arg7[%swap3A_159], %broadcast_in_dim3A_6 {strides = array<i32>} : memref<32768xf32, #tpu.memory_space<vmem>>, vector<16xf32>,
      %mul3A_161 = arith.constant 128 : i32
      %mul3A_162 = arith.muli %scan3A_131, %mul3A_161 : i32
      %add3A_163 = arith.constant 32 : i32
      %add3A_164 = arith.addi %mul3A_162, %add3A_163 : i32
      %swap3A_165 = arith.index_cast %add3A_164 : i32 to index
      %swap3A_166 = tpu.vector_load %arg8[%swap3A_165] {strides = array<i32>} : memref<32768xf32, #tpu.memory_space<vmem>>, vector<16xf32>,
      tpu.vector_store %arg8[%swap3A_165], %broadcast_in_dim3A_6 {strides = array<i32>} : memref<32768xf32, #tpu.memory_space<vmem>>, vector<16xf32>,
      %mul3A_167 = arith.constant 128 : i32
      %mul3A_168 = arith.muli %scan3A_131, %mul3A_167 : i32
      %add3A_169 = arith.constant 48 : i32
      %add3A_170 = arith.addi %mul3A_168, %add3A_169 : i32
      %swap3A_171 = arith.index_cast %add3A_170 : i32 to index
      %swap3A_172 = tpu.vector_load %arg7[%swap3A_171] {strides = array<i32>} : memref<32768xf32, #tpu.memory_space<vmem>>, vector<16xf32>,
      tpu.vector_store %arg7[%swap3A_171], %broadcast_in_dim3A_6 {strides = array<i32>} : memref<32768xf32, #tpu.memory_space<vmem>>, vector<16xf32>,
      %mul3A_173 = arith.constant 128 : i32
      %mul3A_174 = arith.muli %scan3A_131, %mul3A_173 : i32
      %add3A_175 = arith.constant 48 : i32
      %add3A_176 = arith.addi %mul3A_174, %add3A_175 : i32
      %swap3A_177 = arith.index_cast %add3A_176 : i32 to index
      %swap3A_178 = tpu.vector_load %arg8[%swap3A_177] {strides = array<i32>} : memref<32768xf32, #tpu.memory_space<vmem>>, vector<16xf32>,
      tpu.vector_store %arg8[%swap3A_177], %broadcast_in_dim3A_6 {strides = array<i32>} : memref<32768xf32, #tpu.memory_space<vmem>>, vector<16xf32>,
      %mul3A_179 = arith.constant 128 : i32
      %mul3A_180 = arith.muli %scan3A_131, %mul3A_179 : i32
      %add3A_181 = arith.constant 64 : i32
      %add3A_182 = arith.addi %mul3A_180, %add3A_181 : i32
      %swap3A_183 = arith.index_cast %add3A_182 : i32 to index
      %swap3A_184 = tpu.vector_load %arg7[%swap3A_183] {strides = array<i32>} : memref<32768xf32, #tpu.memory_space<vmem>>, vector<16xf32>,
      tpu.vector_store %arg7[%swap3A_183], %broadcast_in_dim3A_6 {strides = array<i32>} : memref<32768xf32, #tpu.memory_space<vmem>>, vector<16xf32>,
      %mul3A_185 = arith.constant 128 : i32
      %mul3A_186 = arith.muli %scan3A_131, %mul3A_185 : i32
      %add3A_187 = arith.constant 64 : i32
      %add3A_188 = arith.addi %mul3A_186, %add3A_187 : i32
      %swap3A_189 = arith.index_cast %add3A_188 : i32 to index
      %swap3A_190 = tpu.vector_load %arg8[%swap3A_189] {strides = array<i32>} : memref<32768xf32, #tpu.memory_space<vmem>>, vector<16xf32>,
      tpu.vector_store %arg8[%swap3A_189], %broadcast_in_dim3A_6 {strides = array<i32>} : memref<32768xf32, #tpu.memory_space<vmem>>, vector<16xf32>,
      %mul3A_191 = arith.constant 128 : i32
      %mul3A_192 = arith.muli %scan3A_131, %mul3A_191 : i32
      %add3A_193 = arith.constant 80 : i32
      %add3A_194 = arith.addi %mul3A_192, %add3A_193 : i32
      %swap3A_195 = arith.index_cast %add3A_194 : i32 to index
      %swap3A_196 = tpu.vector_load %arg7[%swap3A_195] {strides = array<i32>} : memref<32768xf32, #tpu.memory_space<vmem>>, vector<16xf32>,
      tpu.vector_store %arg7[%swap3A_195], %broadcast_in_dim3A_6 {strides = array<i32>} : memref<32768xf32, #tpu.memory_space<vmem>>, vector<16xf32>,
      %mul3A_197 = arith.constant 128 : i32
      %mul3A_198 = arith.muli %scan3A_131, %mul3A_197 : i32
      %add3A_199 = arith.constant 80 : i32
      %add3A_200 = arith.addi %mul3A_198, %add3A_199 : i32
      %swap3A_201 = arith.index_cast %add3A_200 : i32 to index
      %swap3A_202 = tpu.vector_load %arg8[%swap3A_201] {strides = array<i32>} : memref<32768xf32, #tpu.memory_space<vmem>>, vector<16xf32>,
      tpu.vector_store %arg8[%swap3A_201], %broadcast_in_dim3A_6 {strides = array<i32>} : memref<32768xf32, #tpu.memory_space<vmem>>, vector<16xf32>,
      %mul3A_203 = arith.constant 128 : i32
      %mul3A_204 = arith.muli %scan3A_131, %mul3A_203 : i32
      %add3A_205 = arith.constant 96 : i32
      %add3A_206 = arith.addi %mul3A_204, %add3A_205 : i32
      %swap3A_207 = arith.index_cast %add3A_206 : i32 to index
      %swap3A_208 = tpu.vector_load %arg7[%swap3A_207] {strides = array<i32>} : memref<32768xf32, #tpu.memory_space<vmem>>, vector<16xf32>,
      tpu.vector_store %arg7[%swap3A_207], %broadcast_in_dim3A_6 {strides = array<i32>} : memref<32768xf32, #tpu.memory_space<vmem>>, vector<16xf32>,
      %mul3A_209 = arith.constant 128 : i32
      %mul3A_210 = arith.muli %scan3A_131, %mul3A_209 : i32
      %add3A_211 = arith.constant 96 : i32
      %add3A_212 = arith.addi %mul3A_210, %add3A_211 : i32
      %swap3A_213 = arith.index_cast %add3A_212 : i32 to index
      %swap3A_214 = tpu.vector_load %arg8[%swap3A_213] {strides = array<i32>} : memref<32768xf32, #tpu.memory_space<vmem>>, vector<16xf32>,
      tpu.vector_store %arg8[%swap3A_213], %broadcast_in_dim3A_6 {strides = array<i32>} : memref<32768xf32, #tpu.memory_space<vmem>>, vector<16xf32>,
      %mul3A_215 = arith.constant 128 : i32
      %mul3A_216 = arith.muli %scan3A_131, %mul3A_215 : i32
      %add3A_217 = arith.constant 112 : i32
      %add3A_218 = arith.addi %mul3A_216, %add3A_217 : i32
      %swap3A_219 = arith.index_cast %add3A_218 : i32 to index
      %swap3A_220 = tpu.vector_load %arg7[%swap3A_219] {strides = array<i32>} : memref<32768xf32, #tpu.memory_space<vmem>>, vector<16xf32>,
      tpu.vector_store %arg7[%swap3A_219], %broadcast_in_dim3A_6 {strides = array<i32>} : memref<32768xf32, #tpu.memory_space<vmem>>, vector<16xf32>,
      %mul3A_221 = arith.constant 128 : i32
      %mul3A_222 = arith.muli %scan3A_131, %mul3A_221 : i32
      %add3A_223 = arith.constant 112 : i32
      %add3A_224 = arith.addi %mul3A_222, %add3A_223 : i32
      %swap3A_225 = arith.index_cast %add3A_224 : i32 to index
      %swap3A_226 = tpu.vector_load %arg8[%swap3A_225] {strides = array<i32>} : memref<32768xf32, #tpu.memory_space<vmem>>, vector<16xf32>,
      tpu.vector_store %arg8[%swap3A_225], %broadcast_in_dim3A_6 {strides = array<i32>} : memref<32768xf32, #tpu.memory_space<vmem>>, vector<16xf32>,
    }
    %scan3A_11 = arith.constant 256 : i32
    %shift_right_arithmetic3A = arith.constant 2 : i32
    %shift_right_arithmetic3A_12 = arith.shrsi %add3A, %shift_right_arithmetic3A : i32
    %mul3A_13 = arith.constant 400 : i32
    %mul3A_14 = arith.muli %shift_right_arithmetic3A_12, %mul3A_13 : i32
    %and3A = arith.constant 3 : i32
    %and3A_15 = arith.andi %add3A, %and3A : i32
    %mul3A_16 = arith.constant 256 : i32
    %mul3A_17 = arith.muli %and3A_15, %mul3A_16 : i32
    %add3A_18 = arith.constant 0 : i32
    %add3A_19 = arith.addi %mul3A_14, %add3A_18 : i32
    %dma_start3A = tpu.memref_slice %arg2[%add3A_19, %mul3A_17] : memref<3200x1024xf32, #tpu.memory_space<hbm>> -> memref<40x256xf32, #tpu.memory_space<hbm>>
    %dma_start3A_20 = tpu.memref_slice %arg2[%add3A_19, %mul3A_17] : memref<3200x1024xf32, #tpu.memory_space<hbm>> -> memref<40x256xf32, #tpu.memory_space<hbm>>
    tpu.enqueue_dma source(%dma_start3A_20 : memref<40x256xf32, #tpu.memory_space<hbm>>) target(%arg5 : memref<40x256xf32, #tpu.memory_space<vmem>>) target_semaphore(%arg11 : memref<!tpu.dma_semaphore, #tpu.memory_space<semaphore_mem>>)
    %add3A_21 = arith.constant 0 : i32
    %add3A_22 = arith.addi %mul3A_14, %add3A_21 : i32
    %dma_wait3A = tpu.memref_slice %arg2[%add3A_22, %mul3A_17] : memref<3200x1024xf32, #tpu.memory_space<hbm>> -> memref<40x256xf32, #tpu.memory_space<hbm>>
    %dma_wait3A_23 = tpu.memref_slice %arg2[%add3A_22, %mul3A_17] : memref<3200x1024xf32, #tpu.memory_space<hbm>> -> memref<40x256xf32, #tpu.memory_space<hbm>>
    tpu.wait_dma2 semaphore(%arg11 : memref<!tpu.dma_semaphore, #tpu.memory_space<semaphore_mem>>) src(%dma_wait3A_23 : memref<40x256xf32, #tpu.memory_space<hbm>>) dst(%arg5 : memref<40x256xf32, #tpu.memory_space<vmem>>)
    %add3A_24 = arith.constant 40 : i32
    %add3A_25 = arith.addi %mul3A_14, %add3A_24 : i32
    %dma_start3A_26 = tpu.memref_slice %arg2[%add3A_25, %mul3A_17] : memref<3200x1024xf32, #tpu.memory_space<hbm>> -> memref<40x256xf32, #tpu.memory_space<hbm>>
    %dma_start3A_27 = tpu.memref_slice %arg2[%add3A_25, %mul3A_17] : memref<3200x1024xf32, #tpu.memory_space<hbm>> -> memref<40x256xf32, #tpu.memory_space<hbm>>
    tpu.enqueue_dma source(%dma_start3A_27 : memref<40x256xf32, #tpu.memory_space<hbm>>) target(%arg6 : memref<40x256xf32, #tpu.memory_space<vmem>>) target_semaphore(%arg12 : memref<!tpu.dma_semaphore, #tpu.memory_space<semaphore_mem>>)
    %parallel_loop3A = arith.constant 0 : i32
    %parallel_loop3A_28 = arith.constant 640 : i32
    %parallel_loop3A_29 = arith.constant 1 : i32
    scf.for %parallel_loop3A_131 = %parallel_loop3A to %parallel_loop3A_28 step %parallel_loop3A_29  : i32 {
      %parallel_loop3A_132 = arith.constant 4 : i32
      %parallel_loop3A_133 = arith.shrsi %parallel_loop3A_131, %parallel_loop3A_132 : i32
      %parallel_loop3A_134 = arith.constant 15 : i32
      %parallel_loop3A_135 = arith.andi %parallel_loop3A_131, %parallel_loop3A_134 : i32
      %parallel_loop3A_136 = arith.constant 4 : i32
      %parallel_loop3A_137 = arith.shli %parallel_loop3A_135, %parallel_loop3A_136 : i32
      %parallel_loop3A_138 = arith.index_cast %parallel_loop3A_133 : i32 to index
      %parallel_loop3A_139 = arith.index_cast %parallel_loop3A_137 : i32 to index
      %parallel_loop3A_140 = tpu.vector_load %arg5[%parallel_loop3A_138, %parallel_loop3A_139] {strides = array<i32>} : memref<40x256xf32, #tpu.memory_space<vmem>>, vector<16xf32>,
      %parallel_loop3A_141 = arith.constant 74.1169662 : f32
      %parallel_loop3A_142 = vector.broadcast %parallel_loop3A_141 : f32 to vector<16xf32>
      %parallel_loop3A_143 = arith.mulf %parallel_loop3A_140, %parallel_loop3A_142 : vector<16xf32>
      %parallel_loop3A_144 = arith.fptosi %parallel_loop3A_143 : vector<16xf32> to vector<16xi32>
      %parallel_loop3A_145 = arith.constant 0 : i32
      %parallel_loop3A_146 = arith.constant 2047 : i32
      %parallel_loop3A_147 = vector.broadcast %parallel_loop3A_145 : i32 to vector<16xi32>
      %parallel_loop3A_148 = arith.maxsi %parallel_loop3A_147, %parallel_loop3A_144 : vector<16xi32>
      %parallel_loop3A_149 = vector.broadcast %parallel_loop3A_146 : i32 to vector<16xi32>
      %parallel_loop3A_150 = arith.minsi %parallel_loop3A_149, %parallel_loop3A_148 : vector<16xi32>
      %parallel_loop3A_151 = arith.addi %mul3A_3, %parallel_loop3A_150 : vector<16xi32>
      tpu.vector_store_idx %arg7[%parallel_loop3A_151], %broadcast_in_dim3A_4 {add = true} : memref<32768xf32, #tpu.memory_space<vmem>>[vector<16xi32>], vector<16xf32>,
      tpu.vector_store_idx %arg8[%parallel_loop3A_151], %parallel_loop3A_140 {add = true} : memref<32768xf32, #tpu.memory_space<vmem>>[vector<16xi32>], vector<16xf32>,
    } {sc.loop_unroll_factor = 16 : i64, sc.parallel_access}
    %add3A_30 = arith.constant 40 : i32
    %add3A_31 = arith.addi %mul3A_14, %add3A_30 : i32
    %dma_wait3A_32 = tpu.memref_slice %arg2[%add3A_31, %mul3A_17] : memref<3200x1024xf32, #tpu.memory_space<hbm>> -> memref<40x256xf32, #tpu.memory_space<hbm>>
    %dma_wait3A_33 = tpu.memref_slice %arg2[%add3A_31, %mul3A_17] : memref<3200x1024xf32, #tpu.memory_space<hbm>> -> memref<40x256xf32, #tpu.memory_space<hbm>>
    tpu.wait_dma2 semaphore(%arg12 : memref<!tpu.dma_semaphore, #tpu.memory_space<semaphore_mem>>) src(%dma_wait3A_33 : memref<40x256xf32, #tpu.memory_space<hbm>>) dst(%arg6 : memref<40x256xf32, #tpu.memory_space<vmem>>)
    %add3A_34 = arith.constant 80 : i32
    %add3A_35 = arith.addi %mul3A_14, %add3A_34 : i32
    %dma_start3A_36 = tpu.memref_slice %arg2[%add3A_35, %mul3A_17] : memref<3200x1024xf32, #tpu.memory_space<hbm>> -> memref<40x256xf32, #tpu.memory_space<hbm>>
    %dma_start3A_37 = tpu.memref_slice %arg2[%add3A_35, %mul3A_17] : memref<3200x1024xf32, #tpu.memory_space<hbm>> -> memref<40x256xf32, #tpu.memory_space<hbm>>
    tpu.enqueue_dma source(%dma_start3A_37 : memref<40x256xf32, #tpu.memory_space<hbm>>) target(%arg5 : memref<40x256xf32, #tpu.memory_space<vmem>>) target_semaphore(%arg11 : memref<!tpu.dma_semaphore, #tpu.memory_space<semaphore_mem>>)
    %parallel_loop3A_38 = arith.constant 0 : i32
    %parallel_loop3A_39 = arith.constant 640 : i32
    %parallel_loop3A_40 = arith.constant 1 : i32
    scf.for %parallel_loop3A_131 = %parallel_loop3A_38 to %parallel_loop3A_39 step %parallel_loop3A_40  : i32 {
      %parallel_loop3A_132 = arith.constant 4 : i32
      %parallel_loop3A_133 = arith.shrsi %parallel_loop3A_131, %parallel_loop3A_132 : i32
      %parallel_loop3A_134 = arith.constant 15 : i32
      %parallel_loop3A_135 = arith.andi %parallel_loop3A_131, %parallel_loop3A_134 : i32
      %parallel_loop3A_136 = arith.constant 4 : i32
      %parallel_loop3A_137 = arith.shli %parallel_loop3A_135, %parallel_loop3A_136 : i32
      %parallel_loop3A_138 = arith.index_cast %parallel_loop3A_133 : i32 to index
      %parallel_loop3A_139 = arith.index_cast %parallel_loop3A_137 : i32 to index
      %parallel_loop3A_140 = tpu.vector_load %arg6[%parallel_loop3A_138, %parallel_loop3A_139] {strides = array<i32>} : memref<40x256xf32, #tpu.memory_space<vmem>>, vector<16xf32>,
      %parallel_loop3A_141 = arith.constant 74.1169662 : f32
      %parallel_loop3A_142 = vector.broadcast %parallel_loop3A_141 : f32 to vector<16xf32>
      %parallel_loop3A_143 = arith.mulf %parallel_loop3A_140, %parallel_loop3A_142 : vector<16xf32>
      %parallel_loop3A_144 = arith.fptosi %parallel_loop3A_143 : vector<16xf32> to vector<16xi32>
      %parallel_loop3A_145 = arith.constant 0 : i32
      %parallel_loop3A_146 = arith.constant 2047 : i32
      %parallel_loop3A_147 = vector.broadcast %parallel_loop3A_145 : i32 to vector<16xi32>
      %parallel_loop3A_148 = arith.maxsi %parallel_loop3A_147, %parallel_loop3A_144 : vector<16xi32>
      %parallel_loop3A_149 = vector.broadcast %parallel_loop3A_146 : i32 to vector<16xi32>
      %parallel_loop3A_150 = arith.minsi %parallel_loop3A_149, %parallel_loop3A_148 : vector<16xi32>
      %parallel_loop3A_151 = arith.addi %mul3A_3, %parallel_loop3A_150 : vector<16xi32>
      tpu.vector_store_idx %arg7[%parallel_loop3A_151], %broadcast_in_dim3A_4 {add = true} : memref<32768xf32, #tpu.memory_space<vmem>>[vector<16xi32>], vector<16xf32>,
      tpu.vector_store_idx %arg8[%parallel_loop3A_151], %parallel_loop3A_140 {add = true} : memref<32768xf32, #tpu.memory_space<vmem>>[vector<16xi32>], vector<16xf32>,
    } {sc.loop_unroll_factor = 16 : i64, sc.parallel_access}
    %add3A_41 = arith.constant 80 : i32
    %add3A_42 = arith.addi %mul3A_14, %add3A_41 : i32
    %dma_wait3A_43 = tpu.memref_slice %arg2[%add3A_42, %mul3A_17] : memref<3200x1024xf32, #tpu.memory_space<hbm>> -> memref<40x256xf32, #tpu.memory_space<hbm>>
    %dma_wait3A_44 = tpu.memref_slice %arg2[%add3A_42, %mul3A_17] : memref<3200x1024xf32, #tpu.memory_space<hbm>> -> memref<40x256xf32, #tpu.memory_space<hbm>>
    tpu.wait_dma2 semaphore(%arg11 : memref<!tpu.dma_semaphore, #tpu.memory_space<semaphore_mem>>) src(%dma_wait3A_44 : memref<40x256xf32, #tpu.memory_space<hbm>>) dst(%arg5 : memref<40x256xf32, #tpu.memory_space<vmem>>)
    %add3A_45 = arith.constant 120 : i32
    %add3A_46 = arith.addi %mul3A_14, %add3A_45 : i32
    %dma_start3A_47 = tpu.memref_slice %arg2[%add3A_46, %mul3A_17] : memref<3200x1024xf32, #tpu.memory_space<hbm>> -> memref<40x256xf32, #tpu.memory_space<hbm>>
    %dma_start3A_48 = tpu.memref_slice %arg2[%add3A_46, %mul3A_17] : memref<3200x1024xf32, #tpu.memory_space<hbm>> -> memref<40x256xf32, #tpu.memory_space<hbm>>
    tpu.enqueue_dma source(%dma_start3A_48 : memref<40x256xf32, #tpu.memory_space<hbm>>) target(%arg6 : memref<40x256xf32, #tpu.memory_space<vmem>>) target_semaphore(%arg12 : memref<!tpu.dma_semaphore, #tpu.memory_space<semaphore_mem>>)
    %parallel_loop3A_49 = arith.constant 0 : i32
    %parallel_loop3A_50 = arith.constant 640 : i32
    %parallel_loop3A_51 = arith.constant 1 : i32
    scf.for %parallel_loop3A_131 = %parallel_loop3A_49 to %parallel_loop3A_50 step %parallel_loop3A_51  : i32 {
      %parallel_loop3A_132 = arith.constant 4 : i32
      %parallel_loop3A_133 = arith.shrsi %parallel_loop3A_131, %parallel_loop3A_132 : i32
      %parallel_loop3A_134 = arith.constant 15 : i32
      %parallel_loop3A_135 = arith.andi %parallel_loop3A_131, %parallel_loop3A_134 : i32
      %parallel_loop3A_136 = arith.constant 4 : i32
      %parallel_loop3A_137 = arith.shli %parallel_loop3A_135, %parallel_loop3A_136 : i32
      %parallel_loop3A_138 = arith.index_cast %parallel_loop3A_133 : i32 to index
      %parallel_loop3A_139 = arith.index_cast %parallel_loop3A_137 : i32 to index
      %parallel_loop3A_140 = tpu.vector_load %arg5[%parallel_loop3A_138, %parallel_loop3A_139] {strides = array<i32>} : memref<40x256xf32, #tpu.memory_space<vmem>>, vector<16xf32>,
      %parallel_loop3A_141 = arith.constant 74.1169662 : f32
      %parallel_loop3A_142 = vector.broadcast %parallel_loop3A_141 : f32 to vector<16xf32>
      %parallel_loop3A_143 = arith.mulf %parallel_loop3A_140, %parallel_loop3A_142 : vector<16xf32>
      %parallel_loop3A_144 = arith.fptosi %parallel_loop3A_143 : vector<16xf32> to vector<16xi32>
      %parallel_loop3A_145 = arith.constant 0 : i32
      %parallel_loop3A_146 = arith.constant 2047 : i32
      %parallel_loop3A_147 = vector.broadcast %parallel_loop3A_145 : i32 to vector<16xi32>
      %parallel_loop3A_148 = arith.maxsi %parallel_loop3A_147, %parallel_loop3A_144 : vector<16xi32>
      %parallel_loop3A_149 = vector.broadcast %parallel_loop3A_146 : i32 to vector<16xi32>
      %parallel_loop3A_150 = arith.minsi %parallel_loop3A_149, %parallel_loop3A_148 : vector<16xi32>
      %parallel_loop3A_151 = arith.addi %mul3A_3, %parallel_loop3A_150 : vector<16xi32>
      tpu.vector_store_idx %arg7[%parallel_loop3A_151], %broadcast_in_dim3A_4 {add = true} : memref<32768xf32, #tpu.memory_space<vmem>>[vector<16xi32>], vector<16xf32>,
      tpu.vector_store_idx %arg8[%parallel_loop3A_151], %parallel_loop3A_140 {add = true} : memref<32768xf32, #tpu.memory_space<vmem>>[vector<16xi32>], vector<16xf32>,
    } {sc.loop_unroll_factor = 16 : i64, sc.parallel_access}
    %add3A_52 = arith.constant 120 : i32
    %add3A_53 = arith.addi %mul3A_14, %add3A_52 : i32
    %dma_wait3A_54 = tpu.memref_slice %arg2[%add3A_53, %mul3A_17] : memref<3200x1024xf32, #tpu.memory_space<hbm>> -> memref<40x256xf32, #tpu.memory_space<hbm>>
    %dma_wait3A_55 = tpu.memref_slice %arg2[%add3A_53, %mul3A_17] : memref<3200x1024xf32, #tpu.memory_space<hbm>> -> memref<40x256xf32, #tpu.memory_space<hbm>>
    tpu.wait_dma2 semaphore(%arg12 : memref<!tpu.dma_semaphore, #tpu.memory_space<semaphore_mem>>) src(%dma_wait3A_55 : memref<40x256xf32, #tpu.memory_space<hbm>>) dst(%arg6 : memref<40x256xf32, #tpu.memory_space<vmem>>)
    %add3A_56 = arith.constant 160 : i32
    %add3A_57 = arith.addi %mul3A_14, %add3A_56 : i32
    %dma_start3A_58 = tpu.memref_slice %arg2[%add3A_57, %mul3A_17] : memref<3200x1024xf32, #tpu.memory_space<hbm>> -> memref<40x256xf32, #tpu.memory_space<hbm>>
    %dma_start3A_59 = tpu.memref_slice %arg2[%add3A_57, %mul3A_17] : memref<3200x1024xf32, #tpu.memory_space<hbm>> -> memref<40x256xf32, #tpu.memory_space<hbm>>
    tpu.enqueue_dma source(%dma_start3A_59 : memref<40x256xf32, #tpu.memory_space<hbm>>) target(%arg5 : memref<40x256xf32, #tpu.memory_space<vmem>>) target_semaphore(%arg11 : memref<!tpu.dma_semaphore, #tpu.memory_space<semaphore_mem>>)
    %parallel_loop3A_60 = arith.constant 0 : i32
    %parallel_loop3A_61 = arith.constant 640 : i32
    %parallel_loop3A_62 = arith.constant 1 : i32
    scf.for %parallel_loop3A_131 = %parallel_loop3A_60 to %parallel_loop3A_61 step %parallel_loop3A_62  : i32 {
      %parallel_loop3A_132 = arith.constant 4 : i32
      %parallel_loop3A_133 = arith.shrsi %parallel_loop3A_131, %parallel_loop3A_132 : i32
      %parallel_loop3A_134 = arith.constant 15 : i32
      %parallel_loop3A_135 = arith.andi %parallel_loop3A_131, %parallel_loop3A_134 : i32
      %parallel_loop3A_136 = arith.constant 4 : i32
      %parallel_loop3A_137 = arith.shli %parallel_loop3A_135, %parallel_loop3A_136 : i32
      %parallel_loop3A_138 = arith.index_cast %parallel_loop3A_133 : i32 to index
      %parallel_loop3A_139 = arith.index_cast %parallel_loop3A_137 : i32 to index
      %parallel_loop3A_140 = tpu.vector_load %arg6[%parallel_loop3A_138, %parallel_loop3A_139] {strides = array<i32>} : memref<40x256xf32, #tpu.memory_space<vmem>>, vector<16xf32>,
      %parallel_loop3A_141 = arith.constant 74.1169662 : f32
      %parallel_loop3A_142 = vector.broadcast %parallel_loop3A_141 : f32 to vector<16xf32>
      %parallel_loop3A_143 = arith.mulf %parallel_loop3A_140, %parallel_loop3A_142 : vector<16xf32>
      %parallel_loop3A_144 = arith.fptosi %parallel_loop3A_143 : vector<16xf32> to vector<16xi32>
      %parallel_loop3A_145 = arith.constant 0 : i32
      %parallel_loop3A_146 = arith.constant 2047 : i32
      %parallel_loop3A_147 = vector.broadcast %parallel_loop3A_145 : i32 to vector<16xi32>
      %parallel_loop3A_148 = arith.maxsi %parallel_loop3A_147, %parallel_loop3A_144 : vector<16xi32>
      %parallel_loop3A_149 = vector.broadcast %parallel_loop3A_146 : i32 to vector<16xi32>
      %parallel_loop3A_150 = arith.minsi %parallel_loop3A_149, %parallel_loop3A_148 : vector<16xi32>
      %parallel_loop3A_151 = arith.addi %mul3A_3, %parallel_loop3A_150 : vector<16xi32>
      tpu.vector_store_idx %arg7[%parallel_loop3A_151], %broadcast_in_dim3A_4 {add = true} : memref<32768xf32, #tpu.memory_space<vmem>>[vector<16xi32>], vector<16xf32>,
      tpu.vector_store_idx %arg8[%parallel_loop3A_151], %parallel_loop3A_140 {add = true} : memref<32768xf32, #tpu.memory_space<vmem>>[vector<16xi32>], vector<16xf32>,
    } {sc.loop_unroll_factor = 16 : i64, sc.parallel_access}
    %add3A_63 = arith.constant 160 : i32
    %add3A_64 = arith.addi %mul3A_14, %add3A_63 : i32
    %dma_wait3A_65 = tpu.memref_slice %arg2[%add3A_64, %mul3A_17] : memref<3200x1024xf32, #tpu.memory_space<hbm>> -> memref<40x256xf32, #tpu.memory_space<hbm>>
    %dma_wait3A_66 = tpu.memref_slice %arg2[%add3A_64, %mul3A_17] : memref<3200x1024xf32, #tpu.memory_space<hbm>> -> memref<40x256xf32, #tpu.memory_space<hbm>>
    tpu.wait_dma2 semaphore(%arg11 : memref<!tpu.dma_semaphore, #tpu.memory_space<semaphore_mem>>) src(%dma_wait3A_66 : memref<40x256xf32, #tpu.memory_space<hbm>>) dst(%arg5 : memref<40x256xf32, #tpu.memory_space<vmem>>)
    %add3A_67 = arith.constant 200 : i32
    %add3A_68 = arith.addi %mul3A_14, %add3A_67 : i32
    %dma_start3A_69 = tpu.memref_slice %arg2[%add3A_68, %mul3A_17] : memref<3200x1024xf32, #tpu.memory_space<hbm>> -> memref<40x256xf32, #tpu.memory_space<hbm>>
    %dma_start3A_70 = tpu.memref_slice %arg2[%add3A_68, %mul3A_17] : memref<3200x1024xf32, #tpu.memory_space<hbm>> -> memref<40x256xf32, #tpu.memory_space<hbm>>
    tpu.enqueue_dma source(%dma_start3A_70 : memref<40x256xf32, #tpu.memory_space<hbm>>) target(%arg6 : memref<40x256xf32, #tpu.memory_space<vmem>>) target_semaphore(%arg12 : memref<!tpu.dma_semaphore, #tpu.memory_space<semaphore_mem>>)
    %parallel_loop3A_71 = arith.constant 0 : i32
    %parallel_loop3A_72 = arith.constant 640 : i32
    %parallel_loop3A_73 = arith.constant 1 : i32
    scf.for %parallel_loop3A_131 = %parallel_loop3A_71 to %parallel_loop3A_72 step %parallel_loop3A_73  : i32 {
      %parallel_loop3A_132 = arith.constant 4 : i32
      %parallel_loop3A_133 = arith.shrsi %parallel_loop3A_131, %parallel_loop3A_132 : i32
      %parallel_loop3A_134 = arith.constant 15 : i32
      %parallel_loop3A_135 = arith.andi %parallel_loop3A_131, %parallel_loop3A_134 : i32
      %parallel_loop3A_136 = arith.constant 4 : i32
      %parallel_loop3A_137 = arith.shli %parallel_loop3A_135, %parallel_loop3A_136 : i32
      %parallel_loop3A_138 = arith.index_cast %parallel_loop3A_133 : i32 to index
      %parallel_loop3A_139 = arith.index_cast %parallel_loop3A_137 : i32 to index
      %parallel_loop3A_140 = tpu.vector_load %arg5[%parallel_loop3A_138, %parallel_loop3A_139] {strides = array<i32>} : memref<40x256xf32, #tpu.memory_space<vmem>>, vector<16xf32>,
      %parallel_loop3A_141 = arith.constant 74.1169662 : f32
      %parallel_loop3A_142 = vector.broadcast %parallel_loop3A_141 : f32 to vector<16xf32>
      %parallel_loop3A_143 = arith.mulf %parallel_loop3A_140, %parallel_loop3A_142 : vector<16xf32>
      %parallel_loop3A_144 = arith.fptosi %parallel_loop3A_143 : vector<16xf32> to vector<16xi32>
      %parallel_loop3A_145 = arith.constant 0 : i32
      %parallel_loop3A_146 = arith.constant 2047 : i32
      %parallel_loop3A_147 = vector.broadcast %parallel_loop3A_145 : i32 to vector<16xi32>
      %parallel_loop3A_148 = arith.maxsi %parallel_loop3A_147, %parallel_loop3A_144 : vector<16xi32>
      %parallel_loop3A_149 = vector.broadcast %parallel_loop3A_146 : i32 to vector<16xi32>
      %parallel_loop3A_150 = arith.minsi %parallel_loop3A_149, %parallel_loop3A_148 : vector<16xi32>
      %parallel_loop3A_151 = arith.addi %mul3A_3, %parallel_loop3A_150 : vector<16xi32>
      tpu.vector_store_idx %arg7[%parallel_loop3A_151], %broadcast_in_dim3A_4 {add = true} : memref<32768xf32, #tpu.memory_space<vmem>>[vector<16xi32>], vector<16xf32>,
      tpu.vector_store_idx %arg8[%parallel_loop3A_151], %parallel_loop3A_140 {add = true} : memref<32768xf32, #tpu.memory_space<vmem>>[vector<16xi32>], vector<16xf32>,
    } {sc.loop_unroll_factor = 16 : i64, sc.parallel_access}
    %add3A_74 = arith.constant 200 : i32
    %add3A_75 = arith.addi %mul3A_14, %add3A_74 : i32
    %dma_wait3A_76 = tpu.memref_slice %arg2[%add3A_75, %mul3A_17] : memref<3200x1024xf32, #tpu.memory_space<hbm>> -> memref<40x256xf32, #tpu.memory_space<hbm>>
    %dma_wait3A_77 = tpu.memref_slice %arg2[%add3A_75, %mul3A_17] : memref<3200x1024xf32, #tpu.memory_space<hbm>> -> memref<40x256xf32, #tpu.memory_space<hbm>>
    tpu.wait_dma2 semaphore(%arg12 : memref<!tpu.dma_semaphore, #tpu.memory_space<semaphore_mem>>) src(%dma_wait3A_77 : memref<40x256xf32, #tpu.memory_space<hbm>>) dst(%arg6 : memref<40x256xf32, #tpu.memory_space<vmem>>)
    %add3A_78 = arith.constant 240 : i32
    %add3A_79 = arith.addi %mul3A_14, %add3A_78 : i32
    %dma_start3A_80 = tpu.memref_slice %arg2[%add3A_79, %mul3A_17] : memref<3200x1024xf32, #tpu.memory_space<hbm>> -> memref<40x256xf32, #tpu.memory_space<hbm>>
    %dma_start3A_81 = tpu.memref_slice %arg2[%add3A_79, %mul3A_17] : memref<3200x1024xf32, #tpu.memory_space<hbm>> -> memref<40x256xf32, #tpu.memory_space<hbm>>
    tpu.enqueue_dma source(%dma_start3A_81 : memref<40x256xf32, #tpu.memory_space<hbm>>) target(%arg5 : memref<40x256xf32, #tpu.memory_space<vmem>>) target_semaphore(%arg11 : memref<!tpu.dma_semaphore, #tpu.memory_space<semaphore_mem>>)
    %parallel_loop3A_82 = arith.constant 0 : i32
    %parallel_loop3A_83 = arith.constant 640 : i32
    %parallel_loop3A_84 = arith.constant 1 : i32
    scf.for %parallel_loop3A_131 = %parallel_loop3A_82 to %parallel_loop3A_83 step %parallel_loop3A_84  : i32 {
      %parallel_loop3A_132 = arith.constant 4 : i32
      %parallel_loop3A_133 = arith.shrsi %parallel_loop3A_131, %parallel_loop3A_132 : i32
      %parallel_loop3A_134 = arith.constant 15 : i32
      %parallel_loop3A_135 = arith.andi %parallel_loop3A_131, %parallel_loop3A_134 : i32
      %parallel_loop3A_136 = arith.constant 4 : i32
      %parallel_loop3A_137 = arith.shli %parallel_loop3A_135, %parallel_loop3A_136 : i32
      %parallel_loop3A_138 = arith.index_cast %parallel_loop3A_133 : i32 to index
      %parallel_loop3A_139 = arith.index_cast %parallel_loop3A_137 : i32 to index
      %parallel_loop3A_140 = tpu.vector_load %arg6[%parallel_loop3A_138, %parallel_loop3A_139] {strides = array<i32>} : memref<40x256xf32, #tpu.memory_space<vmem>>, vector<16xf32>,
      %parallel_loop3A_141 = arith.constant 74.1169662 : f32
      %parallel_loop3A_142 = vector.broadcast %parallel_loop3A_141 : f32 to vector<16xf32>
      %parallel_loop3A_143 = arith.mulf %parallel_loop3A_140, %parallel_loop3A_142 : vector<16xf32>
      %parallel_loop3A_144 = arith.fptosi %parallel_loop3A_143 : vector<16xf32> to vector<16xi32>
      %parallel_loop3A_145 = arith.constant 0 : i32
      %parallel_loop3A_146 = arith.constant 2047 : i32
      %parallel_loop3A_147 = vector.broadcast %parallel_loop3A_145 : i32 to vector<16xi32>
      %parallel_loop3A_148 = arith.maxsi %parallel_loop3A_147, %parallel_loop3A_144 : vector<16xi32>
      %parallel_loop3A_149 = vector.broadcast %parallel_loop3A_146 : i32 to vector<16xi32>
      %parallel_loop3A_150 = arith.minsi %parallel_loop3A_149, %parallel_loop3A_148 : vector<16xi32>
      %parallel_loop3A_151 = arith.addi %mul3A_3, %parallel_loop3A_150 : vector<16xi32>
      tpu.vector_store_idx %arg7[%parallel_loop3A_151], %broadcast_in_dim3A_4 {add = true} : memref<32768xf32, #tpu.memory_space<vmem>>[vector<16xi32>], vector<16xf32>,
      tpu.vector_store_idx %arg8[%parallel_loop3A_151], %parallel_loop3A_140 {add = true} : memref<32768xf32, #tpu.memory_space<vmem>>[vector<16xi32>], vector<16xf32>,
    } {sc.loop_unroll_factor = 16 : i64, sc.parallel_access}
    %add3A_85 = arith.constant 240 : i32
    %add3A_86 = arith.addi %mul3A_14, %add3A_85 : i32
    %dma_wait3A_87 = tpu.memref_slice %arg2[%add3A_86, %mul3A_17] : memref<3200x1024xf32, #tpu.memory_space<hbm>> -> memref<40x256xf32, #tpu.memory_space<hbm>>
    %dma_wait3A_88 = tpu.memref_slice %arg2[%add3A_86, %mul3A_17] : memref<3200x1024xf32, #tpu.memory_space<hbm>> -> memref<40x256xf32, #tpu.memory_space<hbm>>
    tpu.wait_dma2 semaphore(%arg11 : memref<!tpu.dma_semaphore, #tpu.memory_space<semaphore_mem>>) src(%dma_wait3A_88 : memref<40x256xf32, #tpu.memory_space<hbm>>) dst(%arg5 : memref<40x256xf32, #tpu.memory_space<vmem>>)
    %add3A_89 = arith.constant 280 : i32
    %add3A_90 = arith.addi %mul3A_14, %add3A_89 : i32
    %dma_start3A_91 = tpu.memref_slice %arg2[%add3A_90, %mul3A_17] : memref<3200x1024xf32, #tpu.memory_space<hbm>> -> memref<40x256xf32, #tpu.memory_space<hbm>>
    %dma_start3A_92 = tpu.memref_slice %arg2[%add3A_90, %mul3A_17] : memref<3200x1024xf32, #tpu.memory_space<hbm>> -> memref<40x256xf32, #tpu.memory_space<hbm>>
    tpu.enqueue_dma source(%dma_start3A_92 : memref<40x256xf32, #tpu.memory_space<hbm>>) target(%arg6 : memref<40x256xf32, #tpu.memory_space<vmem>>) target_semaphore(%arg12 : memref<!tpu.dma_semaphore, #tpu.memory_space<semaphore_mem>>)
    %parallel_loop3A_93 = arith.constant 0 : i32
    %parallel_loop3A_94 = arith.constant 640 : i32
    %parallel_loop3A_95 = arith.constant 1 : i32
    scf.for %parallel_loop3A_131 = %parallel_loop3A_93 to %parallel_loop3A_94 step %parallel_loop3A_95  : i32 {
      %parallel_loop3A_132 = arith.constant 4 : i32
      %parallel_loop3A_133 = arith.shrsi %parallel_loop3A_131, %parallel_loop3A_132 : i32
      %parallel_loop3A_134 = arith.constant 15 : i32
      %parallel_loop3A_135 = arith.andi %parallel_loop3A_131, %parallel_loop3A_134 : i32
      %parallel_loop3A_136 = arith.constant 4 : i32
      %parallel_loop3A_137 = arith.shli %parallel_loop3A_135, %parallel_loop3A_136 : i32
      %parallel_loop3A_138 = arith.index_cast %parallel_loop3A_133 : i32 to index
      %parallel_loop3A_139 = arith.index_cast %parallel_loop3A_137 : i32 to index
      %parallel_loop3A_140 = tpu.vector_load %arg5[%parallel_loop3A_138, %parallel_loop3A_139] {strides = array<i32>} : memref<40x256xf32, #tpu.memory_space<vmem>>, vector<16xf32>,
      %parallel_loop3A_141 = arith.constant 74.1169662 : f32
      %parallel_loop3A_142 = vector.broadcast %parallel_loop3A_141 : f32 to vector<16xf32>
      %parallel_loop3A_143 = arith.mulf %parallel_loop3A_140, %parallel_loop3A_142 : vector<16xf32>
      %parallel_loop3A_144 = arith.fptosi %parallel_loop3A_143 : vector<16xf32> to vector<16xi32>
      %parallel_loop3A_145 = arith.constant 0 : i32
      %parallel_loop3A_146 = arith.constant 2047 : i32
      %parallel_loop3A_147 = vector.broadcast %parallel_loop3A_145 : i32 to vector<16xi32>
      %parallel_loop3A_148 = arith.maxsi %parallel_loop3A_147, %parallel_loop3A_144 : vector<16xi32>
      %parallel_loop3A_149 = vector.broadcast %parallel_loop3A_146 : i32 to vector<16xi32>
      %parallel_loop3A_150 = arith.minsi %parallel_loop3A_149, %parallel_loop3A_148 : vector<16xi32>
      %parallel_loop3A_151 = arith.addi %mul3A_3, %parallel_loop3A_150 : vector<16xi32>
      tpu.vector_store_idx %arg7[%parallel_loop3A_151], %broadcast_in_dim3A_4 {add = true} : memref<32768xf32, #tpu.memory_space<vmem>>[vector<16xi32>], vector<16xf32>,
      tpu.vector_store_idx %arg8[%parallel_loop3A_151], %parallel_loop3A_140 {add = true} : memref<32768xf32, #tpu.memory_space<vmem>>[vector<16xi32>], vector<16xf32>,
    } {sc.loop_unroll_factor = 16 : i64, sc.parallel_access}
    %add3A_96 = arith.constant 280 : i32
    %add3A_97 = arith.addi %mul3A_14, %add3A_96 : i32
    %dma_wait3A_98 = tpu.memref_slice %arg2[%add3A_97, %mul3A_17] : memref<3200x1024xf32, #tpu.memory_space<hbm>> -> memref<40x256xf32, #tpu.memory_space<hbm>>
    %dma_wait3A_99 = tpu.memref_slice %arg2[%add3A_97, %mul3A_17] : memref<3200x1024xf32, #tpu.memory_space<hbm>> -> memref<40x256xf32, #tpu.memory_space<hbm>>
    tpu.wait_dma2 semaphore(%arg12 : memref<!tpu.dma_semaphore, #tpu.memory_space<semaphore_mem>>) src(%dma_wait3A_99 : memref<40x256xf32, #tpu.memory_space<hbm>>) dst(%arg6 : memref<40x256xf32, #tpu.memory_space<vmem>>)
    %add3A_100 = arith.constant 320 : i32
    %add3A_101 = arith.addi %mul3A_14, %add3A_100 : i32
    %dma_start3A_102 = tpu.memref_slice %arg2[%add3A_101, %mul3A_17] : memref<3200x1024xf32, #tpu.memory_space<hbm>> -> memref<40x256xf32, #tpu.memory_space<hbm>>
    %dma_start3A_103 = tpu.memref_slice %arg2[%add3A_101, %mul3A_17] : memref<3200x1024xf32, #tpu.memory_space<hbm>> -> memref<40x256xf32, #tpu.memory_space<hbm>>
    tpu.enqueue_dma source(%dma_start3A_103 : memref<40x256xf32, #tpu.memory_space<hbm>>) target(%arg5 : memref<40x256xf32, #tpu.memory_space<vmem>>) target_semaphore(%arg11 : memref<!tpu.dma_semaphore, #tpu.memory_space<semaphore_mem>>)
    %parallel_loop3A_104 = arith.constant 0 : i32
    %parallel_loop3A_105 = arith.constant 640 : i32
    %parallel_loop3A_106 = arith.constant 1 : i32
    scf.for %parallel_loop3A_131 = %parallel_loop3A_104 to %parallel_loop3A_105 step %parallel_loop3A_106  : i32 {
      %parallel_loop3A_132 = arith.constant 4 : i32
      %parallel_loop3A_133 = arith.shrsi %parallel_loop3A_131, %parallel_loop3A_132 : i32
      %parallel_loop3A_134 = arith.constant 15 : i32
      %parallel_loop3A_135 = arith.andi %parallel_loop3A_131, %parallel_loop3A_134 : i32
      %parallel_loop3A_136 = arith.constant 4 : i32
      %parallel_loop3A_137 = arith.shli %parallel_loop3A_135, %parallel_loop3A_136 : i32
      %parallel_loop3A_138 = arith.index_cast %parallel_loop3A_133 : i32 to index
      %parallel_loop3A_139 = arith.index_cast %parallel_loop3A_137 : i32 to index
      %parallel_loop3A_140 = tpu.vector_load %arg6[%parallel_loop3A_138, %parallel_loop3A_139] {strides = array<i32>} : memref<40x256xf32, #tpu.memory_space<vmem>>, vector<16xf32>,
      %parallel_loop3A_141 = arith.constant 74.1169662 : f32
      %parallel_loop3A_142 = vector.broadcast %parallel_loop3A_141 : f32 to vector<16xf32>
      %parallel_loop3A_143 = arith.mulf %parallel_loop3A_140, %parallel_loop3A_142 : vector<16xf32>
      %parallel_loop3A_144 = arith.fptosi %parallel_loop3A_143 : vector<16xf32> to vector<16xi32>
      %parallel_loop3A_145 = arith.constant 0 : i32
      %parallel_loop3A_146 = arith.constant 2047 : i32
      %parallel_loop3A_147 = vector.broadcast %parallel_loop3A_145 : i32 to vector<16xi32>
      %parallel_loop3A_148 = arith.maxsi %parallel_loop3A_147, %parallel_loop3A_144 : vector<16xi32>
      %parallel_loop3A_149 = vector.broadcast %parallel_loop3A_146 : i32 to vector<16xi32>
      %parallel_loop3A_150 = arith.minsi %parallel_loop3A_149, %parallel_loop3A_148 : vector<16xi32>
      %parallel_loop3A_151 = arith.addi %mul3A_3, %parallel_loop3A_150 : vector<16xi32>
      tpu.vector_store_idx %arg7[%parallel_loop3A_151], %broadcast_in_dim3A_4 {add = true} : memref<32768xf32, #tpu.memory_space<vmem>>[vector<16xi32>], vector<16xf32>,
      tpu.vector_store_idx %arg8[%parallel_loop3A_151], %parallel_loop3A_140 {add = true} : memref<32768xf32, #tpu.memory_space<vmem>>[vector<16xi32>], vector<16xf32>,
    } {sc.loop_unroll_factor = 16 : i64, sc.parallel_access}
    %add3A_107 = arith.constant 320 : i32
    %add3A_108 = arith.addi %mul3A_14, %add3A_107 : i32
    %dma_wait3A_109 = tpu.memref_slice %arg2[%add3A_108, %mul3A_17] : memref<3200x1024xf32, #tpu.memory_space<hbm>> -> memref<40x256xf32, #tpu.memory_space<hbm>>
    %dma_wait3A_110 = tpu.memref_slice %arg2[%add3A_108, %mul3A_17] : memref<3200x1024xf32, #tpu.memory_space<hbm>> -> memref<40x256xf32, #tpu.memory_space<hbm>>
    tpu.wait_dma2 semaphore(%arg11 : memref<!tpu.dma_semaphore, #tpu.memory_space<semaphore_mem>>) src(%dma_wait3A_110 : memref<40x256xf32, #tpu.memory_space<hbm>>) dst(%arg5 : memref<40x256xf32, #tpu.memory_space<vmem>>)
    %add3A_111 = arith.constant 360 : i32
    %add3A_112 = arith.addi %mul3A_14, %add3A_111 : i32
    %dma_start3A_113 = tpu.memref_slice %arg2[%add3A_112, %mul3A_17] : memref<3200x1024xf32, #tpu.memory_space<hbm>> -> memref<40x256xf32, #tpu.memory_space<hbm>>
    %dma_start3A_114 = tpu.memref_slice %arg2[%add3A_112, %mul3A_17] : memref<3200x1024xf32, #tpu.memory_space<hbm>> -> memref<40x256xf32, #tpu.memory_space<hbm>>
    tpu.enqueue_dma source(%dma_start3A_114 : memref<40x256xf32, #tpu.memory_space<hbm>>) target(%arg6 : memref<40x256xf32, #tpu.memory_space<vmem>>) target_semaphore(%arg12 : memref<!tpu.dma_semaphore, #tpu.memory_space<semaphore_mem>>)
    %parallel_loop3A_115 = arith.constant 0 : i32
    %parallel_loop3A_116 = arith.constant 640 : i32
    %parallel_loop3A_117 = arith.constant 1 : i32
    scf.for %parallel_loop3A_131 = %parallel_loop3A_115 to %parallel_loop3A_116 step %parallel_loop3A_117  : i32 {
      %parallel_loop3A_132 = arith.constant 4 : i32
      %parallel_loop3A_133 = arith.shrsi %parallel_loop3A_131, %parallel_loop3A_132 : i32
      %parallel_loop3A_134 = arith.constant 15 : i32
      %parallel_loop3A_135 = arith.andi %parallel_loop3A_131, %parallel_loop3A_134 : i32
      %parallel_loop3A_136 = arith.constant 4 : i32
      %parallel_loop3A_137 = arith.shli %parallel_loop3A_135, %parallel_loop3A_136 : i32
      %parallel_loop3A_138 = arith.index_cast %parallel_loop3A_133 : i32 to index
      %parallel_loop3A_139 = arith.index_cast %parallel_loop3A_137 : i32 to index
      %parallel_loop3A_140 = tpu.vector_load %arg5[%parallel_loop3A_138, %parallel_loop3A_139] {strides = array<i32>} : memref<40x256xf32, #tpu.memory_space<vmem>>, vector<16xf32>,
      %parallel_loop3A_141 = arith.constant 74.1169662 : f32
      %parallel_loop3A_142 = vector.broadcast %parallel_loop3A_141 : f32 to vector<16xf32>
      %parallel_loop3A_143 = arith.mulf %parallel_loop3A_140, %parallel_loop3A_142 : vector<16xf32>
      %parallel_loop3A_144 = arith.fptosi %parallel_loop3A_143 : vector<16xf32> to vector<16xi32>
      %parallel_loop3A_145 = arith.constant 0 : i32
      %parallel_loop3A_146 = arith.constant 2047 : i32
      %parallel_loop3A_147 = vector.broadcast %parallel_loop3A_145 : i32 to vector<16xi32>
      %parallel_loop3A_148 = arith.maxsi %parallel_loop3A_147, %parallel_loop3A_144 : vector<16xi32>
      %parallel_loop3A_149 = vector.broadcast %parallel_loop3A_146 : i32 to vector<16xi32>
      %parallel_loop3A_150 = arith.minsi %parallel_loop3A_149, %parallel_loop3A_148 : vector<16xi32>
      %parallel_loop3A_151 = arith.addi %mul3A_3, %parallel_loop3A_150 : vector<16xi32>
      tpu.vector_store_idx %arg7[%parallel_loop3A_151], %broadcast_in_dim3A_4 {add = true} : memref<32768xf32, #tpu.memory_space<vmem>>[vector<16xi32>], vector<16xf32>,
      tpu.vector_store_idx %arg8[%parallel_loop3A_151], %parallel_loop3A_140 {add = true} : memref<32768xf32, #tpu.memory_space<vmem>>[vector<16xi32>], vector<16xf32>,
    } {sc.loop_unroll_factor = 16 : i64, sc.parallel_access}
    %add3A_118 = arith.constant 360 : i32
    %add3A_119 = arith.addi %mul3A_14, %add3A_118 : i32
    %dma_wait3A_120 = tpu.memref_slice %arg2[%add3A_119, %mul3A_17] : memref<3200x1024xf32, #tpu.memory_space<hbm>> -> memref<40x256xf32, #tpu.memory_space<hbm>>
    %dma_wait3A_121 = tpu.memref_slice %arg2[%add3A_119, %mul3A_17] : memref<3200x1024xf32, #tpu.memory_space<hbm>> -> memref<40x256xf32, #tpu.memory_space<hbm>>
    tpu.wait_dma2 semaphore(%arg12 : memref<!tpu.dma_semaphore, #tpu.memory_space<semaphore_mem>>) src(%dma_wait3A_121 : memref<40x256xf32, #tpu.memory_space<hbm>>) dst(%arg6 : memref<40x256xf32, #tpu.memory_space<vmem>>)
    %parallel_loop3A_122 = arith.constant 0 : i32
    %parallel_loop3A_123 = arith.constant 640 : i32
    %parallel_loop3A_124 = arith.constant 1 : i32
    scf.for %parallel_loop3A_131 = %parallel_loop3A_122 to %parallel_loop3A_123 step %parallel_loop3A_124  : i32 {
      %parallel_loop3A_132 = arith.constant 4 : i32
      %parallel_loop3A_133 = arith.shrsi %parallel_loop3A_131, %parallel_loop3A_132 : i32
      %parallel_loop3A_134 = arith.constant 15 : i32
      %parallel_loop3A_135 = arith.andi %parallel_loop3A_131, %parallel_loop3A_134 : i32
      %parallel_loop3A_136 = arith.constant 4 : i32
      %parallel_loop3A_137 = arith.shli %parallel_loop3A_135, %parallel_loop3A_136 : i32
      %parallel_loop3A_138 = arith.index_cast %parallel_loop3A_133 : i32 to index
      %parallel_loop3A_139 = arith.index_cast %parallel_loop3A_137 : i32 to index
      %parallel_loop3A_140 = tpu.vector_load %arg6[%parallel_loop3A_138, %parallel_loop3A_139] {strides = array<i32>} : memref<40x256xf32, #tpu.memory_space<vmem>>, vector<16xf32>,
      %parallel_loop3A_141 = arith.constant 74.1169662 : f32
      %parallel_loop3A_142 = vector.broadcast %parallel_loop3A_141 : f32 to vector<16xf32>
      %parallel_loop3A_143 = arith.mulf %parallel_loop3A_140, %parallel_loop3A_142 : vector<16xf32>
      %parallel_loop3A_144 = arith.fptosi %parallel_loop3A_143 : vector<16xf32> to vector<16xi32>
      %parallel_loop3A_145 = arith.constant 0 : i32
      %parallel_loop3A_146 = arith.constant 2047 : i32
      %parallel_loop3A_147 = vector.broadcast %parallel_loop3A_145 : i32 to vector<16xi32>
      %parallel_loop3A_148 = arith.maxsi %parallel_loop3A_147, %parallel_loop3A_144 : vector<16xi32>
      %parallel_loop3A_149 = vector.broadcast %parallel_loop3A_146 : i32 to vector<16xi32>
      %parallel_loop3A_150 = arith.minsi %parallel_loop3A_149, %parallel_loop3A_148 : vector<16xi32>
      %parallel_loop3A_151 = arith.addi %mul3A_3, %parallel_loop3A_150 : vector<16xi32>
      tpu.vector_store_idx %arg7[%parallel_loop3A_151], %broadcast_in_dim3A_4 {add = true} : memref<32768xf32, #tpu.memory_space<vmem>>[vector<16xi32>], vector<16xf32>,
      tpu.vector_store_idx %arg8[%parallel_loop3A_151], %parallel_loop3A_140 {add = true} : memref<32768xf32, #tpu.memory_space<vmem>>[vector<16xi32>], vector<16xf32>,
    } {sc.loop_unroll_factor = 16 : i64, sc.parallel_access}
    %scan3A_125 = arith.constant 0 : i32
    %scan3A_126 = arith.constant 0 : i32
    %scan3A_127 = arith.constant 128 : i32
    %scan3A_128 = arith.addi %scan3A_126, %scan3A_127 : i32
    %scan3A_129 = arith.constant 1 : i32
    scf.for %scan3A_131 = %scan3A_126 to %scan3A_128 step %scan3A_129  : i32 {
      %mul3A_132 = arith.constant 16 : i32
      %mul3A_133 = arith.muli %scan3A_131, %mul3A_132 : i32
      %add3A_134 = arith.constant 0 : i32
      %add3A_135 = arith.addi %add3A_134, %mul3A_133 : i32
      %get3A = arith.index_cast %add3A_135 : i32 to index
      %get3A_136 = tpu.vector_load %arg7[%get3A] {strides = array<i32>} : memref<32768xf32, #tpu.memory_space<vmem>>, vector<16xf32>,
      %add3A_137 = arith.addf %broadcast_in_dim3A_6, %get3A_136 : vector<16xf32>
      %mul3A_138 = arith.constant 16 : i32
      %mul3A_139 = arith.muli %scan3A_131, %mul3A_138 : i32
      %add3A_140 = arith.constant 0 : i32
      %add3A_141 = arith.addi %add3A_140, %mul3A_139 : i32
      %get3A_142 = arith.index_cast %add3A_141 : i32 to index
      %get3A_143 = tpu.vector_load %arg8[%get3A_142] {strides = array<i32>} : memref<32768xf32, #tpu.memory_space<vmem>>, vector<16xf32>,
      %add3A_144 = arith.addf %broadcast_in_dim3A_6, %get3A_143 : vector<16xf32>
      %mul3A_145 = arith.constant 16 : i32
      %mul3A_146 = arith.muli %scan3A_131, %mul3A_145 : i32
      %add3A_147 = arith.constant 2048 : i32
      %add3A_148 = arith.addi %add3A_147, %mul3A_146 : i32
      %get3A_149 = arith.index_cast %add3A_148 : i32 to index
      %get3A_150 = tpu.vector_load %arg7[%get3A_149] {strides = array<i32>} : memref<32768xf32, #tpu.memory_space<vmem>>, vector<16xf32>,
      %add3A_151 = arith.addf %add3A_137, %get3A_150 : vector<16xf32>
      %mul3A_152 = arith.constant 16 : i32
      %mul3A_153 = arith.muli %scan3A_131, %mul3A_152 : i32
      %add3A_154 = arith.constant 2048 : i32
      %add3A_155 = arith.addi %add3A_154, %mul3A_153 : i32
      %get3A_156 = arith.index_cast %add3A_155 : i32 to index
      %get3A_157 = tpu.vector_load %arg8[%get3A_156] {strides = array<i32>} : memref<32768xf32, #tpu.memory_space<vmem>>, vector<16xf32>,
      %add3A_158 = arith.addf %add3A_144, %get3A_157 : vector<16xf32>
      %mul3A_159 = arith.constant 16 : i32
      %mul3A_160 = arith.muli %scan3A_131, %mul3A_159 : i32
      %add3A_161 = arith.constant 4096 : i32
      %add3A_162 = arith.addi %add3A_161, %mul3A_160 : i32
      %get3A_163 = arith.index_cast %add3A_162 : i32 to index
      %get3A_164 = tpu.vector_load %arg7[%get3A_163] {strides = array<i32>} : memref<32768xf32, #tpu.memory_space<vmem>>, vector<16xf32>,
      %add3A_165 = arith.addf %add3A_151, %get3A_164 : vector<16xf32>
      %mul3A_166 = arith.constant 16 : i32
      %mul3A_167 = arith.muli %scan3A_131, %mul3A_166 : i32
      %add3A_168 = arith.constant 4096 : i32
      %add3A_169 = arith.addi %add3A_168, %mul3A_167 : i32
      %get3A_170 = arith.index_cast %add3A_169 : i32 to index
      %get3A_171 = tpu.vector_load %arg8[%get3A_170] {strides = array<i32>} : memref<32768xf32, #tpu.memory_space<vmem>>, vector<16xf32>,
      %add3A_172 = arith.addf %add3A_158, %get3A_171 : vector<16xf32>
      %mul3A_173 = arith.constant 16 : i32
      %mul3A_174 = arith.muli %scan3A_131, %mul3A_173 : i32
      %add3A_175 = arith.constant 6144 : i32
      %add3A_176 = arith.addi %add3A_175, %mul3A_174 : i32
      %get3A_177 = arith.index_cast %add3A_176 : i32 to index
      %get3A_178 = tpu.vector_load %arg7[%get3A_177] {strides = array<i32>} : memref<32768xf32, #tpu.memory_space<vmem>>, vector<16xf32>,
      %add3A_179 = arith.addf %add3A_165, %get3A_178 : vector<16xf32>
      %mul3A_180 = arith.constant 16 : i32
      %mul3A_181 = arith.muli %scan3A_131, %mul3A_180 : i32
      %add3A_182 = arith.constant 6144 : i32
      %add3A_183 = arith.addi %add3A_182, %mul3A_181 : i32
      %get3A_184 = arith.index_cast %add3A_183 : i32 to index
      %get3A_185 = tpu.vector_load %arg8[%get3A_184] {strides = array<i32>} : memref<32768xf32, #tpu.memory_space<vmem>>, vector<16xf32>,
      %add3A_186 = arith.addf %add3A_172, %get3A_185 : vector<16xf32>
      %mul3A_187 = arith.constant 16 : i32
      %mul3A_188 = arith.muli %scan3A_131, %mul3A_187 : i32
      %add3A_189 = arith.constant 8192 : i32
      %add3A_190 = arith.addi %add3A_189, %mul3A_188 : i32
      %get3A_191 = arith.index_cast %add3A_190 : i32 to index
      %get3A_192 = tpu.vector_load %arg7[%get3A_191] {strides = array<i32>} : memref<32768xf32, #tpu.memory_space<vmem>>, vector<16xf32>,
      %add3A_193 = arith.addf %add3A_179, %get3A_192 : vector<16xf32>
      %mul3A_194 = arith.constant 16 : i32
      %mul3A_195 = arith.muli %scan3A_131, %mul3A_194 : i32
      %add3A_196 = arith.constant 8192 : i32
      %add3A_197 = arith.addi %add3A_196, %mul3A_195 : i32
      %get3A_198 = arith.index_cast %add3A_197 : i32 to index
      %get3A_199 = tpu.vector_load %arg8[%get3A_198] {strides = array<i32>} : memref<32768xf32, #tpu.memory_space<vmem>>, vector<16xf32>,
      %add3A_200 = arith.addf %add3A_186, %get3A_199 : vector<16xf32>
      %mul3A_201 = arith.constant 16 : i32
      %mul3A_202 = arith.muli %scan3A_131, %mul3A_201 : i32
      %add3A_203 = arith.constant 10240 : i32
      %add3A_204 = arith.addi %add3A_203, %mul3A_202 : i32
      %get3A_205 = arith.index_cast %add3A_204 : i32 to index
      %get3A_206 = tpu.vector_load %arg7[%get3A_205] {strides = array<i32>} : memref<32768xf32, #tpu.memory_space<vmem>>, vector<16xf32>,
      %add3A_207 = arith.addf %add3A_193, %get3A_206 : vector<16xf32>
      %mul3A_208 = arith.constant 16 : i32
      %mul3A_209 = arith.muli %scan3A_131, %mul3A_208 : i32
      %add3A_210 = arith.constant 10240 : i32
      %add3A_211 = arith.addi %add3A_210, %mul3A_209 : i32
      %get3A_212 = arith.index_cast %add3A_211 : i32 to index
      %get3A_213 = tpu.vector_load %arg8[%get3A_212] {strides = array<i32>} : memref<32768xf32, #tpu.memory_space<vmem>>, vector<16xf32>,
      %add3A_214 = arith.addf %add3A_200, %get3A_213 : vector<16xf32>
      %mul3A_215 = arith.constant 16 : i32
      %mul3A_216 = arith.muli %scan3A_131, %mul3A_215 : i32
      %add3A_217 = arith.constant 12288 : i32
      %add3A_218 = arith.addi %add3A_217, %mul3A_216 : i32
      %get3A_219 = arith.index_cast %add3A_218 : i32 to index
      %get3A_220 = tpu.vector_load %arg7[%get3A_219] {strides = array<i32>} : memref<32768xf32, #tpu.memory_space<vmem>>, vector<16xf32>,
      %add3A_221 = arith.addf %add3A_207, %get3A_220 : vector<16xf32>
      %mul3A_222 = arith.constant 16 : i32
      %mul3A_223 = arith.muli %scan3A_131, %mul3A_222 : i32
      %add3A_224 = arith.constant 12288 : i32
      %add3A_225 = arith.addi %add3A_224, %mul3A_223 : i32
      %get3A_226 = arith.index_cast %add3A_225 : i32 to index
      %get3A_227 = tpu.vector_load %arg8[%get3A_226] {strides = array<i32>} : memref<32768xf32, #tpu.memory_space<vmem>>, vector<16xf32>,
      %add3A_228 = arith.addf %add3A_214, %get3A_227 : vector<16xf32>
      %mul3A_229 = arith.constant 16 : i32
      %mul3A_230 = arith.muli %scan3A_131, %mul3A_229 : i32
      %add3A_231 = arith.constant 14336 : i32
      %add3A_232 = arith.addi %add3A_231, %mul3A_230 : i32
      %get3A_233 = arith.index_cast %add3A_232 : i32 to index
      %get3A_234 = tpu.vector_load %arg7[%get3A_233] {strides = array<i32>} : memref<32768xf32, #tpu.memory_space<vmem>>, vector<16xf32>,
      %add3A_235 = arith.addf %add3A_221, %get3A_234 : vector<16xf32>
      %mul3A_236 = arith.constant 16 : i32
      %mul3A_237 = arith.muli %scan3A_131, %mul3A_236 : i32
      %add3A_238 = arith.constant 14336 : i32
      %add3A_239 = arith.addi %add3A_238, %mul3A_237 : i32
      %get3A_240 = arith.index_cast %add3A_239 : i32 to index
      %get3A_241 = tpu.vector_load %arg8[%get3A_240] {strides = array<i32>} : memref<32768xf32, #tpu.memory_space<vmem>>, vector<16xf32>,
      %add3A_242 = arith.addf %add3A_228, %get3A_241 : vector<16xf32>
      %mul3A_243 = arith.constant 16 : i32
      %mul3A_244 = arith.muli %scan3A_131, %mul3A_243 : i32
      %add3A_245 = arith.constant 16384 : i32
      %add3A_246 = arith.addi %add3A_245, %mul3A_244 : i32
      %get3A_247 = arith.index_cast %add3A_246 : i32 to index
      %get3A_248 = tpu.vector_load %arg7[%get3A_247] {strides = array<i32>} : memref<32768xf32, #tpu.memory_space<vmem>>, vector<16xf32>,
      %add3A_249 = arith.addf %add3A_235, %get3A_248 : vector<16xf32>
      %mul3A_250 = arith.constant 16 : i32
      %mul3A_251 = arith.muli %scan3A_131, %mul3A_250 : i32
      %add3A_252 = arith.constant 16384 : i32
      %add3A_253 = arith.addi %add3A_252, %mul3A_251 : i32
      %get3A_254 = arith.index_cast %add3A_253 : i32 to index
      %get3A_255 = tpu.vector_load %arg8[%get3A_254] {strides = array<i32>} : memref<32768xf32, #tpu.memory_space<vmem>>, vector<16xf32>,
      %add3A_256 = arith.addf %add3A_242, %get3A_255 : vector<16xf32>
      %mul3A_257 = arith.constant 16 : i32
      %mul3A_258 = arith.muli %scan3A_131, %mul3A_257 : i32
      %add3A_259 = arith.constant 18432 : i32
      %add3A_260 = arith.addi %add3A_259, %mul3A_258 : i32
      %get3A_261 = arith.index_cast %add3A_260 : i32 to index
      %get3A_262 = tpu.vector_load %arg7[%get3A_261] {strides = array<i32>} : memref<32768xf32, #tpu.memory_space<vmem>>, vector<16xf32>,
      %add3A_263 = arith.addf %add3A_249, %get3A_262 : vector<16xf32>
      %mul3A_264 = arith.constant 16 : i32
      %mul3A_265 = arith.muli %scan3A_131, %mul3A_264 : i32
      %add3A_266 = arith.constant 18432 : i32
      %add3A_267 = arith.addi %add3A_266, %mul3A_265 : i32
      %get3A_268 = arith.index_cast %add3A_267 : i32 to index
      %get3A_269 = tpu.vector_load %arg8[%get3A_268] {strides = array<i32>} : memref<32768xf32, #tpu.memory_space<vmem>>, vector<16xf32>,
      %add3A_270 = arith.addf %add3A_256, %get3A_269 : vector<16xf32>
      %mul3A_271 = arith.constant 16 : i32
      %mul3A_272 = arith.muli %scan3A_131, %mul3A_271 : i32
      %add3A_273 = arith.constant 20480 : i32
      %add3A_274 = arith.addi %add3A_273, %mul3A_272 : i32
      %get3A_275 = arith.index_cast %add3A_274 : i32 to index
      %get3A_276 = tpu.vector_load %arg7[%get3A_275] {strides = array<i32>} : memref<32768xf32, #tpu.memory_space<vmem>>, vector<16xf32>,
      %add3A_277 = arith.addf %add3A_263, %get3A_276 : vector<16xf32>
      %mul3A_278 = arith.constant 16 : i32
      %mul3A_279 = arith.muli %scan3A_131, %mul3A_278 : i32
      %add3A_280 = arith.constant 20480 : i32
      %add3A_281 = arith.addi %add3A_280, %mul3A_279 : i32
      %get3A_282 = arith.index_cast %add3A_281 : i32 to index
      %get3A_283 = tpu.vector_load %arg8[%get3A_282] {strides = array<i32>} : memref<32768xf32, #tpu.memory_space<vmem>>, vector<16xf32>,
      %add3A_284 = arith.addf %add3A_270, %get3A_283 : vector<16xf32>
      %mul3A_285 = arith.constant 16 : i32
      %mul3A_286 = arith.muli %scan3A_131, %mul3A_285 : i32
      %add3A_287 = arith.constant 22528 : i32
      %add3A_288 = arith.addi %add3A_287, %mul3A_286 : i32
      %get3A_289 = arith.index_cast %add3A_288 : i32 to index
      %get3A_290 = tpu.vector_load %arg7[%get3A_289] {strides = array<i32>} : memref<32768xf32, #tpu.memory_space<vmem>>, vector<16xf32>,
      %add3A_291 = arith.addf %add3A_277, %get3A_290 : vector<16xf32>
      %mul3A_292 = arith.constant 16 : i32
      %mul3A_293 = arith.muli %scan3A_131, %mul3A_292 : i32
      %add3A_294 = arith.constant 22528 : i32
      %add3A_295 = arith.addi %add3A_294, %mul3A_293 : i32
      %get3A_296 = arith.index_cast %add3A_295 : i32 to index
      %get3A_297 = tpu.vector_load %arg8[%get3A_296] {strides = array<i32>} : memref<32768xf32, #tpu.memory_space<vmem>>, vector<16xf32>,
      %add3A_298 = arith.addf %add3A_284, %get3A_297 : vector<16xf32>
      %mul3A_299 = arith.constant 16 : i32
      %mul3A_300 = arith.muli %scan3A_131, %mul3A_299 : i32
      %add3A_301 = arith.constant 24576 : i32
      %add3A_302 = arith.addi %add3A_301, %mul3A_300 : i32
      %get3A_303 = arith.index_cast %add3A_302 : i32 to index
      %get3A_304 = tpu.vector_load %arg7[%get3A_303] {strides = array<i32>} : memref<32768xf32, #tpu.memory_space<vmem>>, vector<16xf32>,
      %add3A_305 = arith.addf %add3A_291, %get3A_304 : vector<16xf32>
      %mul3A_306 = arith.constant 16 : i32
      %mul3A_307 = arith.muli %scan3A_131, %mul3A_306 : i32
      %add3A_308 = arith.constant 24576 : i32
      %add3A_309 = arith.addi %add3A_308, %mul3A_307 : i32
      %get3A_310 = arith.index_cast %add3A_309 : i32 to index
      %get3A_311 = tpu.vector_load %arg8[%get3A_310] {strides = array<i32>} : memref<32768xf32, #tpu.memory_space<vmem>>, vector<16xf32>,
      %add3A_312 = arith.addf %add3A_298, %get3A_311 : vector<16xf32>
      %mul3A_313 = arith.constant 16 : i32
      %mul3A_314 = arith.muli %scan3A_131, %mul3A_313 : i32
      %add3A_315 = arith.constant 26624 : i32
      %add3A_316 = arith.addi %add3A_315, %mul3A_314 : i32
      %get3A_317 = arith.index_cast %add3A_316 : i32 to index
      %get3A_318 = tpu.vector_load %arg7[%get3A_317] {strides = array<i32>} : memref<32768xf32, #tpu.memory_space<vmem>>, vector<16xf32>,
      %add3A_319 = arith.addf %add3A_305, %get3A_318 : vector<16xf32>
      %mul3A_320 = arith.constant 16 : i32
      %mul3A_321 = arith.muli %scan3A_131, %mul3A_320 : i32
      %add3A_322 = arith.constant 26624 : i32
      %add3A_323 = arith.addi %add3A_322, %mul3A_321 : i32
      %get3A_324 = arith.index_cast %add3A_323 : i32 to index
      %get3A_325 = tpu.vector_load %arg8[%get3A_324] {strides = array<i32>} : memref<32768xf32, #tpu.memory_space<vmem>>, vector<16xf32>,
      %add3A_326 = arith.addf %add3A_312, %get3A_325 : vector<16xf32>
      %mul3A_327 = arith.constant 16 : i32
      %mul3A_328 = arith.muli %scan3A_131, %mul3A_327 : i32
      %add3A_329 = arith.constant 28672 : i32
      %add3A_330 = arith.addi %add3A_329, %mul3A_328 : i32
      %get3A_331 = arith.index_cast %add3A_330 : i32 to index
      %get3A_332 = tpu.vector_load %arg7[%get3A_331] {strides = array<i32>} : memref<32768xf32, #tpu.memory_space<vmem>>, vector<16xf32>,
      %add3A_333 = arith.addf %add3A_319, %get3A_332 : vector<16xf32>
      %mul3A_334 = arith.constant 16 : i32
      %mul3A_335 = arith.muli %scan3A_131, %mul3A_334 : i32
      %add3A_336 = arith.constant 28672 : i32
      %add3A_337 = arith.addi %add3A_336, %mul3A_335 : i32
      %get3A_338 = arith.index_cast %add3A_337 : i32 to index
      %get3A_339 = tpu.vector_load %arg8[%get3A_338] {strides = array<i32>} : memref<32768xf32, #tpu.memory_space<vmem>>, vector<16xf32>,
      %add3A_340 = arith.addf %add3A_326, %get3A_339 : vector<16xf32>
      %mul3A_341 = arith.constant 16 : i32
      %mul3A_342 = arith.muli %scan3A_131, %mul3A_341 : i32
      %add3A_343 = arith.constant 30720 : i32
      %add3A_344 = arith.addi %add3A_343, %mul3A_342 : i32
      %get3A_345 = arith.index_cast %add3A_344 : i32 to index
      %get3A_346 = tpu.vector_load %arg7[%get3A_345] {strides = array<i32>} : memref<32768xf32, #tpu.memory_space<vmem>>, vector<16xf32>,
      %add3A_347 = arith.addf %add3A_333, %get3A_346 : vector<16xf32>
      %mul3A_348 = arith.constant 16 : i32
      %mul3A_349 = arith.muli %scan3A_131, %mul3A_348 : i32
      %add3A_350 = arith.constant 30720 : i32
      %add3A_351 = arith.addi %add3A_350, %mul3A_349 : i32
      %get3A_352 = arith.index_cast %add3A_351 : i32 to index
      %get3A_353 = tpu.vector_load %arg8[%get3A_352] {strides = array<i32>} : memref<32768xf32, #tpu.memory_space<vmem>>, vector<16xf32>,
      %add3A_354 = arith.addf %add3A_340, %get3A_353 : vector<16xf32>
      %mul3A_355 = arith.constant 16 : i32
      %mul3A_356 = arith.muli %scan3A_131, %mul3A_355 : i32
      %swap3A = arith.index_cast %mul3A_356 : i32 to index
      %swap3A_357 = tpu.vector_load %arg9[%swap3A] {strides = array<i32>} : memref<2048xf32, #tpu.memory_space<vmem>>, vector<16xf32>,
      tpu.vector_store %arg9[%swap3A], %add3A_347 {strides = array<i32>} : memref<2048xf32, #tpu.memory_space<vmem>>, vector<16xf32>,
      %mul3A_358 = arith.constant 16 : i32
      %mul3A_359 = arith.muli %scan3A_131, %mul3A_358 : i32
      %swap3A_360 = arith.index_cast %mul3A_359 : i32 to index
      %swap3A_361 = tpu.vector_load %arg10[%swap3A_360] {strides = array<i32>} : memref<2048xf32, #tpu.memory_space<vmem>>, vector<16xf32>,
      tpu.vector_store %arg10[%swap3A_360], %add3A_354 {strides = array<i32>} : memref<2048xf32, #tpu.memory_space<vmem>>, vector<16xf32>,
    }
    %scan3A_130 = arith.constant 128 : i32
    "tpu.region"() ({
      %run_scoped3A = tpu.sem_alloc : memref<!tpu.dma_semaphore, #tpu.memory_space<semaphore_mem>>
      %dma_start3A_131 = arith.constant 0 : i32
      %dma_start3A_132 = tpu.memref_slice %arg3[%add3A, %dma_start3A_131] : memref<32x2048xf32, #tpu.memory_space<hbm>> -> memref<1x2048xf32, #tpu.memory_space<hbm>>
      %dma_start3A_133 = tpu.memref_squeeze %dma_start3A_132 : memref<1x2048xf32, #tpu.memory_space<hbm>> -> memref<2048xf32, #tpu.memory_space<hbm>>
      %dma_start3A_134 = arith.constant 0 : i32
      %dma_start3A_135 = tpu.memref_slice %arg3[%add3A, %dma_start3A_134] : memref<32x2048xf32, #tpu.memory_space<hbm>> -> memref<1x2048xf32, #tpu.memory_space<hbm>>
      %dma_start3A_136 = tpu.memref_squeeze %dma_start3A_135 : memref<1x2048xf32, #tpu.memory_space<hbm>> -> memref<2048xf32, #tpu.memory_space<hbm>>
      tpu.enqueue_dma source(%arg9 : memref<2048xf32, #tpu.memory_space<vmem>>) target(%dma_start3A_136 : memref<2048xf32, #tpu.memory_space<hbm>>) target_semaphore(%run_scoped3A : memref<!tpu.dma_semaphore, #tpu.memory_space<semaphore_mem>>)
      %dma_wait3A_137 = arith.constant 0 : i32
      %dma_wait3A_138 = tpu.memref_slice %arg3[%add3A, %dma_wait3A_137] : memref<32x2048xf32, #tpu.memory_space<hbm>> -> memref<1x2048xf32, #tpu.memory_space<hbm>>
      %dma_wait3A_139 = tpu.memref_squeeze %dma_wait3A_138 : memref<1x2048xf32, #tpu.memory_space<hbm>> -> memref<2048xf32, #tpu.memory_space<hbm>>
      %dma_wait3A_140 = arith.constant 0 : i32
      %dma_wait3A_141 = tpu.memref_slice %arg3[%add3A, %dma_wait3A_140] : memref<32x2048xf32, #tpu.memory_space<hbm>> -> memref<1x2048xf32, #tpu.memory_space<hbm>>
      %dma_wait3A_142 = tpu.memref_squeeze %dma_wait3A_141 : memref<1x2048xf32, #tpu.memory_space<hbm>> -> memref<2048xf32, #tpu.memory_space<hbm>>
      tpu.wait_dma2 semaphore(%run_scoped3A : memref<!tpu.dma_semaphore, #tpu.memory_space<semaphore_mem>>) src(%arg9 : memref<2048xf32, #tpu.memory_space<vmem>>) dst(%dma_wait3A_142 : memref<2048xf32, #tpu.memory_space<hbm>>)
      tpu.yield
    }) : () -> ()
    "tpu.region"() ({
      %run_scoped3A = tpu.sem_alloc : memref<!tpu.dma_semaphore, #tpu.memory_space<semaphore_mem>>
      %dma_start3A_131 = arith.constant 0 : i32
      %dma_start3A_132 = tpu.memref_slice %arg4[%add3A, %dma_start3A_131] : memref<32x2048xf32, #tpu.memory_space<hbm>> -> memref<1x2048xf32, #tpu.memory_space<hbm>>
      %dma_start3A_133 = tpu.memref_squeeze %dma_start3A_132 : memref<1x2048xf32, #tpu.memory_space<hbm>> -> memref<2048xf32, #tpu.memory_space<hbm>>
      %dma_start3A_134 = arith.constant 0 : i32
      %dma_start3A_135 = tpu.memref_slice %arg4[%add3A, %dma_start3A_134] : memref<32x2048xf32, #tpu.memory_space<hbm>> -> memref<1x2048xf32, #tpu.memory_space<hbm>>
      %dma_start3A_136 = tpu.memref_squeeze %dma_start3A_135 : memref<1x2048xf32, #tpu.memory_space<hbm>> -> memref<2048xf32, #tpu.memory_space<hbm>>
      tpu.enqueue_dma source(%arg10 : memref<2048xf32, #tpu.memory_space<vmem>>) target(%dma_start3A_136 : memref<2048xf32, #tpu.memory_space<hbm>>) target_semaphore(%run_scoped3A : memref<!tpu.dma_semaphore, #tpu.memory_space<semaphore_mem>>)
      %dma_wait3A_137 = arith.constant 0 : i32
      %dma_wait3A_138 = tpu.memref_slice %arg4[%add3A, %dma_wait3A_137] : memref<32x2048xf32, #tpu.memory_space<hbm>> -> memref<1x2048xf32, #tpu.memory_space<hbm>>
      %dma_wait3A_139 = tpu.memref_squeeze %dma_wait3A_138 : memref<1x2048xf32, #tpu.memory_space<hbm>> -> memref<2048xf32, #tpu.memory_space<hbm>>
      %dma_wait3A_140 = arith.constant 0 : i32
      %dma_wait3A_141 = tpu.memref_slice %arg4[%add3A, %dma_wait3A_140] : memref<32x2048xf32, #tpu.memory_space<hbm>> -> memref<1x2048xf32, #tpu.memory_space<hbm>>
      %dma_wait3A_142 = tpu.memref_squeeze %dma_wait3A_141 : memref<1x2048xf32, #tpu.memory_space<hbm>> -> memref<2048xf32, #tpu.memory_space<hbm>>
      tpu.wait_dma2 semaphore(%run_scoped3A : memref<!tpu.dma_semaphore, #tpu.memory_space<semaphore_mem>>) src(%arg10 : memref<2048xf32, #tpu.memory_space<vmem>>) dst(%dma_wait3A_142 : memref<2048xf32, #tpu.memory_space<hbm>>)
      tpu.yield
    }) : () -> ()
    return
  }
}

module attributes {stable_mosaic.version = 14 : i64} {
  func.func @_stream_body(%arg0: i32, %arg1: i32, %arg2: memref<1x3x400x1024xf32, #tpu.memory_space<vmem>>, %arg3: memref<1x4x400x1024xf32, #tpu.memory_space<vmem>>, %arg4: memref<1x400x1024xf32, #tpu.memory_space<vmem>>, %arg5: memref<8x1024xf32, #tpu.memory_space<vmem>>, %arg6: memref<8x1024xf32, #tpu.memory_space<vmem>>, %arg7: memref<8x8x1024xf32, #tpu.memory_space<vmem>>) attributes {dimension_semantics = [#tpu.dimension_semantics<arbitrary>, #tpu.dimension_semantics<arbitrary>], iteration_bounds = array<i64: 8, 1>, scalar_prefetch = 0 : i64, scratch_operands = 0 : i64, tpu.core_type = #tpu.core_type<tc>, window_params = [{transform_indices = @transform_0, window_bounds = array<i64: 1, 3, 400, 1024>}, {transform_indices = @transform_1, window_bounds = array<i64: 1, 4, 400, 1024>}, {transform_indices = @transform_2, window_bounds = array<i64: 1, 400, 1024>}, {pipeline_mode = #tpu.pipeline_mode<synchronous>, transform_indices = @transform_3, window_bounds = array<i64: 8, 1024>}, {pipeline_mode = #tpu.pipeline_mode<synchronous>, transform_indices = @transform_4, window_bounds = array<i64: 8, 1024>}, {pipeline_mode = #tpu.pipeline_mode<synchronous>, transform_indices = @transform_5, window_bounds = array<i64: 8, 8, 1024>}]} {
    %eq3A = arith.constant 0 : i32
    %eq3A_0 = arith.cmpi eq, %arg0, %eq3A : i32
    %eq3A_1 = arith.constant 0 : i32
    %eq3A_2 = arith.cmpi eq, %arg1, %eq3A_1 : i32
    %and3A = arith.andi %eq3A_0, %eq3A_2 : i1
    %convert_element_type3A = arith.extui %and3A : i1 to i32
    %cond3A = arith.constant 0 : i32
    %cond3A_3 = arith.cmpi ne, %convert_element_type3A, %cond3A : i32
    scf.if %cond3A_3 {
      %broadcast_in_dim3A_242 = arith.constant 0.000000e+00 : f32
      %broadcast_in_dim3A_243 = vector.broadcast %broadcast_in_dim3A_242 : f32 to vector<8x1024xf32>
      %swap3A_244 = arith.constant 0 : index
      %swap3A_245 = arith.constant 0 : index
      %swap3A_246 = vector.load %arg5[%swap3A_244, %swap3A_245] : memref<8x1024xf32, #tpu.memory_space<vmem>>, vector<8x1024xf32>
      tpu.vector_store %arg5[%swap3A_244, %swap3A_245], %broadcast_in_dim3A_243 {strides = array<i32>} : memref<8x1024xf32, #tpu.memory_space<vmem>>, vector<8x1024xf32>,
      %broadcast_in_dim3A_247 = arith.constant 0.000000e+00 : f32
      %broadcast_in_dim3A_248 = vector.broadcast %broadcast_in_dim3A_247 : f32 to vector<8x8x1024xf32>
      %swap3A_249 = arith.constant 0 : index
      %swap3A_250 = arith.constant 0 : index
      %swap3A_251 = arith.constant 0 : index
      %swap3A_252 = vector.load %arg7[%swap3A_249, %swap3A_250, %swap3A_251] : memref<8x8x1024xf32, #tpu.memory_space<vmem>>, vector<8x8x1024xf32>
      tpu.vector_store %arg7[%swap3A_249, %swap3A_250, %swap3A_251], %broadcast_in_dim3A_248 {strides = array<i32>} : memref<8x8x1024xf32, #tpu.memory_space<vmem>>, vector<8x8x1024xf32>,
      %broadcast_in_dim3A_253 = arith.constant 0.000000e+00 : f32
      %broadcast_in_dim3A_254 = vector.broadcast %broadcast_in_dim3A_253 : f32 to vector<8x1024xf32>
      %swap3A_255 = arith.constant 0 : index
      %swap3A_256 = arith.constant 0 : index
      %swap3A_257 = vector.load %arg6[%swap3A_255, %swap3A_256] : memref<8x1024xf32, #tpu.memory_space<vmem>>, vector<8x1024xf32>
      tpu.vector_store %arg6[%swap3A_255, %swap3A_256], %broadcast_in_dim3A_254 {strides = array<i32>} : memref<8x1024xf32, #tpu.memory_space<vmem>>, vector<8x1024xf32>,
      %broadcast_in_dim3A_258 = arith.constant 3.000000e+38 : f32
      %broadcast_in_dim3A_259 = vector.broadcast %broadcast_in_dim3A_258 : f32 to vector<1x1024xf32>
      %swap3A_260 = arith.constant 0 : index
      %swap3A_261 = arith.constant 0 : index
      %swap3A_262 = vector.load %arg6[%swap3A_260, %swap3A_261] : memref<8x1024xf32, #tpu.memory_space<vmem>>, vector<1x1024xf32>
      tpu.vector_store %arg6[%swap3A_260, %swap3A_261], %broadcast_in_dim3A_259 {strides = array<i32>} : memref<8x1024xf32, #tpu.memory_space<vmem>>, vector<1x1024xf32>,
      %broadcast_in_dim3A_263 = arith.constant -3.000000e+38 : f32
      %broadcast_in_dim3A_264 = vector.broadcast %broadcast_in_dim3A_263 : f32 to vector<1x1024xf32>
      %swap3A_265 = arith.constant 1 : index
      %swap3A_266 = arith.constant 0 : index
      %swap3A_267 = vector.load %arg6[%swap3A_265, %swap3A_266] : memref<8x1024xf32, #tpu.memory_space<vmem>>, vector<1x1024xf32>
      tpu.vector_store %arg6[%swap3A_265, %swap3A_266], %broadcast_in_dim3A_264 {strides = array<i32>} : memref<8x1024xf32, #tpu.memory_space<vmem>>, vector<1x1024xf32>,
    } else {
    }
    %get3A = arith.constant 0 : index
    %get3A_4 = arith.constant 0 : index
    %get3A_5 = arith.constant 0 : index
    %get3A_6 = arith.constant 0 : index
    %get3A_7 = vector.load %arg2[%get3A, %get3A_4, %get3A_5, %get3A_6] : memref<1x3x400x1024xf32, #tpu.memory_space<vmem>>, vector<1x1x400x1024xf32>
    %get3A_8 = vector.shape_cast %get3A_7 : vector<1x1x400x1024xf32> to vector<400x1024xf32>
    %get3A_9 = arith.constant 0 : index
    %get3A_10 = arith.constant 1 : index
    %get3A_11 = arith.constant 0 : index
    %get3A_12 = arith.constant 0 : index
    %get3A_13 = vector.load %arg2[%get3A_9, %get3A_10, %get3A_11, %get3A_12] : memref<1x3x400x1024xf32, #tpu.memory_space<vmem>>, vector<1x1x400x1024xf32>
    %get3A_14 = vector.shape_cast %get3A_13 : vector<1x1x400x1024xf32> to vector<400x1024xf32>
    %get3A_15 = arith.constant 0 : index
    %get3A_16 = arith.constant 2 : index
    %get3A_17 = arith.constant 0 : index
    %get3A_18 = arith.constant 0 : index
    %get3A_19 = vector.load %arg2[%get3A_15, %get3A_16, %get3A_17, %get3A_18] : memref<1x3x400x1024xf32, #tpu.memory_space<vmem>>, vector<1x1x400x1024xf32>
    %get3A_20 = vector.shape_cast %get3A_19 : vector<1x1x400x1024xf32> to vector<400x1024xf32>
    %get3A_21 = arith.constant 0 : index
    %get3A_22 = arith.constant 0 : index
    %get3A_23 = arith.constant 0 : index
    %get3A_24 = arith.constant 0 : index
    %get3A_25 = vector.load %arg3[%get3A_21, %get3A_22, %get3A_23, %get3A_24] : memref<1x4x400x1024xf32, #tpu.memory_space<vmem>>, vector<1x1x400x1024xf32>
    %get3A_26 = vector.shape_cast %get3A_25 : vector<1x1x400x1024xf32> to vector<400x1024xf32>
    %get3A_27 = arith.constant 0 : index
    %get3A_28 = arith.constant 1 : index
    %get3A_29 = arith.constant 0 : index
    %get3A_30 = arith.constant 0 : index
    %get3A_31 = vector.load %arg3[%get3A_27, %get3A_28, %get3A_29, %get3A_30] : memref<1x4x400x1024xf32, #tpu.memory_space<vmem>>, vector<1x1x400x1024xf32>
    %get3A_32 = vector.shape_cast %get3A_31 : vector<1x1x400x1024xf32> to vector<400x1024xf32>
    %get3A_33 = arith.constant 0 : index
    %get3A_34 = arith.constant 2 : index
    %get3A_35 = arith.constant 0 : index
    %get3A_36 = arith.constant 0 : index
    %get3A_37 = vector.load %arg3[%get3A_33, %get3A_34, %get3A_35, %get3A_36] : memref<1x4x400x1024xf32, #tpu.memory_space<vmem>>, vector<1x1x400x1024xf32>
    %get3A_38 = vector.shape_cast %get3A_37 : vector<1x1x400x1024xf32> to vector<400x1024xf32>
    %get3A_39 = arith.constant 0 : index
    %get3A_40 = arith.constant 3 : index
    %get3A_41 = arith.constant 0 : index
    %get3A_42 = arith.constant 0 : index
    %get3A_43 = vector.load %arg3[%get3A_39, %get3A_40, %get3A_41, %get3A_42] : memref<1x4x400x1024xf32, #tpu.memory_space<vmem>>, vector<1x1x400x1024xf32>
    %get3A_44 = vector.shape_cast %get3A_43 : vector<1x1x400x1024xf32> to vector<400x1024xf32>
    %jit3A = arith.constant 9.99999996E-13 : f32
    %jit3A_45 = arith.constant 1.000000e+00 : f32
    %max3A = vector.broadcast %jit3A : f32 to vector<400x1024xf32>
    %max3A_46 = arith.maximumf %max3A, %get3A_8 : vector<400x1024xf32>
    %min3A = vector.broadcast %jit3A_45 : f32 to vector<400x1024xf32>
    %min3A_47 = arith.minimumf %min3A, %max3A_46 : vector<400x1024xf32>
    %log3A = math.log %min3A_47 : vector<400x1024xf32>
    %jit3A_48 = arith.constant -1.000000e+02 : f32
    %max3A_49 = vector.broadcast %jit3A_48 : f32 to vector<400x1024xf32>
    %max3A_50 = arith.maximumf %max3A_49, %log3A : vector<400x1024xf32>
    %sub3A = arith.constant 1.000000e+00 : f32
    %sub3A_51 = vector.broadcast %sub3A : f32 to vector<400x1024xf32>
    %sub3A_52 = arith.subf %sub3A_51, %min3A_47 : vector<400x1024xf32>
    %log3A_53 = math.log %sub3A_52 : vector<400x1024xf32>
    %jit3A_54 = arith.constant -1.000000e+02 : f32
    %max3A_55 = vector.broadcast %jit3A_54 : f32 to vector<400x1024xf32>
    %max3A_56 = arith.maximumf %max3A_55, %log3A_53 : vector<400x1024xf32>
    %mul3A = arith.mulf %get3A_26, %max3A_50 : vector<400x1024xf32>
    %sub3A_57 = arith.constant 1.000000e+00 : f32
    %sub3A_58 = vector.broadcast %sub3A_57 : f32 to vector<400x1024xf32>
    %sub3A_59 = arith.subf %sub3A_58, %get3A_26 : vector<400x1024xf32>
    %mul3A_60 = arith.mulf %sub3A_59, %max3A_56 : vector<400x1024xf32>
    %add3A = arith.addf %mul3A, %mul3A_60 : vector<400x1024xf32>
    %neg3A = arith.constant 0.000000e+00 : f32
    %neg3A_61 = vector.broadcast %neg3A : f32 to vector<400x1024xf32>
    %neg3A_62 = arith.subf %neg3A_61, %add3A : vector<400x1024xf32>
    %mul3A_63 = arith.mulf %get3A_26, %get3A_32 : vector<400x1024xf32>
    %sub3A_64 = arith.constant 1.000000e+00 : f32
    %sub3A_65 = vector.broadcast %sub3A_64 : f32 to vector<400x1024xf32>
    %sub3A_66 = arith.subf %sub3A_65, %get3A_26 : vector<400x1024xf32>
    %mul3A_67 = arith.mulf %sub3A_66, %get3A_32 : vector<400x1024xf32>
    %mul3A_68 = arith.mulf %neg3A_62, %mul3A_67 : vector<400x1024xf32>
    %swap3A = arith.constant 0 : index
    %swap3A_69 = arith.constant 0 : index
    %swap3A_70 = arith.constant 0 : index
    %swap3A_71 = vector.load %arg4[%swap3A, %swap3A_69, %swap3A_70] : memref<1x400x1024xf32, #tpu.memory_space<vmem>>, vector<1x400x1024xf32>
    %swap3A_72 = vector.shape_cast %swap3A_71 : vector<1x400x1024xf32> to vector<400x1024xf32>
    %swap3A_73 = vector.shape_cast %mul3A_68 : vector<400x1024xf32> to vector<1x400x1024xf32>
    tpu.vector_store %arg4[%swap3A, %swap3A_69, %swap3A_70], %swap3A_73 {strides = array<i32>} : memref<1x400x1024xf32, #tpu.memory_space<vmem>>, vector<1x400x1024xf32>,
    %sub3A_74 = arith.subf %get3A_20, %get3A_38 : vector<400x1024xf32>
    %abs3A = math.absf %sub3A_74 : vector<400x1024xf32>
    %mul3A_75 = arith.mulf %abs3A, %get3A_44 : vector<400x1024xf32>
    %get3A_76 = arith.constant 0 : index
    %get3A_77 = arith.constant 0 : index
    %get3A_78 = vector.load %arg5[%get3A_76, %get3A_77] : memref<8x1024xf32, #tpu.memory_space<vmem>>, vector<1x1024xf32>
    %reduce_sum3A = arith.constant dense<0.000000e+00> : vector<1024xf32>
    %reduce_sum3A_79 = vector.multi_reduction <add>, %mul3A_75, %reduce_sum3A [0] : vector<400x1024xf32> to vector<1024xf32>
    %broadcast_in_dim3A = vector.shape_cast %reduce_sum3A_79 : vector<1024xf32> to vector<1x1024xf32>
    %add3A_80 = arith.addf %get3A_78, %broadcast_in_dim3A : vector<1x1024xf32>
    %swap3A_81 = arith.constant 0 : index
    %swap3A_82 = arith.constant 0 : index
    %swap3A_83 = vector.load %arg5[%swap3A_81, %swap3A_82] : memref<8x1024xf32, #tpu.memory_space<vmem>>, vector<1x1024xf32>
    tpu.vector_store %arg5[%swap3A_81, %swap3A_82], %add3A_80 {strides = array<i32>} : memref<8x1024xf32, #tpu.memory_space<vmem>>, vector<1x1024xf32>,
    %get3A_84 = arith.constant 1 : index
    %get3A_85 = arith.constant 0 : index
    %get3A_86 = vector.load %arg5[%get3A_84, %get3A_85] : memref<8x1024xf32, #tpu.memory_space<vmem>>, vector<1x1024xf32>
    %reduce_sum3A_87 = arith.constant dense<0.000000e+00> : vector<1024xf32>
    %reduce_sum3A_88 = vector.multi_reduction <add>, %get3A_44, %reduce_sum3A_87 [0] : vector<400x1024xf32> to vector<1024xf32>
    %broadcast_in_dim3A_89 = vector.shape_cast %reduce_sum3A_88 : vector<1024xf32> to vector<1x1024xf32>
    %add3A_90 = arith.addf %get3A_86, %broadcast_in_dim3A_89 : vector<1x1024xf32>
    %swap3A_91 = arith.constant 1 : index
    %swap3A_92 = arith.constant 0 : index
    %swap3A_93 = vector.load %arg5[%swap3A_91, %swap3A_92] : memref<8x1024xf32, #tpu.memory_space<vmem>>, vector<1x1024xf32>
    tpu.vector_store %arg5[%swap3A_91, %swap3A_92], %add3A_90 {strides = array<i32>} : memref<8x1024xf32, #tpu.memory_space<vmem>>, vector<1x1024xf32>,
    %get3A_94 = arith.constant 2 : index
    %get3A_95 = arith.constant 0 : index
    %get3A_96 = vector.load %arg5[%get3A_94, %get3A_95] : memref<8x1024xf32, #tpu.memory_space<vmem>>, vector<1x1024xf32>
    %reduce_sum3A_97 = arith.constant dense<0.000000e+00> : vector<1024xf32>
    %reduce_sum3A_98 = vector.multi_reduction <add>, %mul3A_63, %reduce_sum3A_97 [0] : vector<400x1024xf32> to vector<1024xf32>
    %broadcast_in_dim3A_99 = vector.shape_cast %reduce_sum3A_98 : vector<1024xf32> to vector<1x1024xf32>
    %add3A_100 = arith.addf %get3A_96, %broadcast_in_dim3A_99 : vector<1x1024xf32>
    %swap3A_101 = arith.constant 2 : index
    %swap3A_102 = arith.constant 0 : index
    %swap3A_103 = vector.load %arg5[%swap3A_101, %swap3A_102] : memref<8x1024xf32, #tpu.memory_space<vmem>>, vector<1x1024xf32>
    tpu.vector_store %arg5[%swap3A_101, %swap3A_102], %add3A_100 {strides = array<i32>} : memref<8x1024xf32, #tpu.memory_space<vmem>>, vector<1x1024xf32>,
    %get3A_104 = arith.constant 3 : index
    %get3A_105 = arith.constant 0 : index
    %get3A_106 = vector.load %arg5[%get3A_104, %get3A_105] : memref<8x1024xf32, #tpu.memory_space<vmem>>, vector<1x1024xf32>
    %reduce_sum3A_107 = arith.constant dense<0.000000e+00> : vector<1024xf32>
    %reduce_sum3A_108 = vector.multi_reduction <add>, %mul3A_67, %reduce_sum3A_107 [0] : vector<400x1024xf32> to vector<1024xf32>
    %broadcast_in_dim3A_109 = vector.shape_cast %reduce_sum3A_108 : vector<1024xf32> to vector<1x1024xf32>
    %add3A_110 = arith.addf %get3A_106, %broadcast_in_dim3A_109 : vector<1x1024xf32>
    %swap3A_111 = arith.constant 3 : index
    %swap3A_112 = arith.constant 0 : index
    %swap3A_113 = vector.load %arg5[%swap3A_111, %swap3A_112] : memref<8x1024xf32, #tpu.memory_space<vmem>>, vector<1x1024xf32>
    tpu.vector_store %arg5[%swap3A_111, %swap3A_112], %add3A_110 {strides = array<i32>} : memref<8x1024xf32, #tpu.memory_space<vmem>>, vector<1x1024xf32>,
    %mul3A_114 = arith.mulf %neg3A_62, %mul3A_63 : vector<400x1024xf32>
    %get3A_115 = arith.constant 4 : index
    %get3A_116 = arith.constant 0 : index
    %get3A_117 = vector.load %arg5[%get3A_115, %get3A_116] : memref<8x1024xf32, #tpu.memory_space<vmem>>, vector<1x1024xf32>
    %reduce_sum3A_118 = arith.constant dense<0.000000e+00> : vector<1024xf32>
    %reduce_sum3A_119 = vector.multi_reduction <add>, %mul3A_114, %reduce_sum3A_118 [0] : vector<400x1024xf32> to vector<1024xf32>
    %broadcast_in_dim3A_120 = vector.shape_cast %reduce_sum3A_119 : vector<1024xf32> to vector<1x1024xf32>
    %add3A_121 = arith.addf %get3A_117, %broadcast_in_dim3A_120 : vector<1x1024xf32>
    %swap3A_122 = arith.constant 4 : index
    %swap3A_123 = arith.constant 0 : index
    %swap3A_124 = vector.load %arg5[%swap3A_122, %swap3A_123] : memref<8x1024xf32, #tpu.memory_space<vmem>>, vector<1x1024xf32>
    tpu.vector_store %arg5[%swap3A_122, %swap3A_123], %add3A_121 {strides = array<i32>} : memref<8x1024xf32, #tpu.memory_space<vmem>>, vector<1x1024xf32>,
    %get3A_125 = arith.constant 0 : index
    %get3A_126 = arith.constant 0 : index
    %get3A_127 = vector.load %arg6[%get3A_125, %get3A_126] : memref<8x1024xf32, #tpu.memory_space<vmem>>, vector<1x1024xf32>
    %reduce_min3A = arith.constant dense<0x7F800000> : vector<1024xf32>
    %reduce_min3A_128 = vector.multi_reduction <minimumf>, %neg3A_62, %reduce_min3A [0] : vector<400x1024xf32> to vector<1024xf32>
    %broadcast_in_dim3A_129 = vector.shape_cast %reduce_min3A_128 : vector<1024xf32> to vector<1x1024xf32>
    %min3A_130 = arith.minimumf %get3A_127, %broadcast_in_dim3A_129 : vector<1x1024xf32>
    %swap3A_131 = arith.constant 0 : index
    %swap3A_132 = arith.constant 0 : index
    %swap3A_133 = vector.load %arg6[%swap3A_131, %swap3A_132] : memref<8x1024xf32, #tpu.memory_space<vmem>>, vector<1x1024xf32>
    tpu.vector_store %arg6[%swap3A_131, %swap3A_132], %min3A_130 {strides = array<i32>} : memref<8x1024xf32, #tpu.memory_space<vmem>>, vector<1x1024xf32>,
    %get3A_134 = arith.constant 1 : index
    %get3A_135 = arith.constant 0 : index
    %get3A_136 = vector.load %arg6[%get3A_134, %get3A_135] : memref<8x1024xf32, #tpu.memory_space<vmem>>, vector<1x1024xf32>
    %reduce_max3A = arith.constant dense<0xFF800000> : vector<1024xf32>
    %reduce_max3A_137 = vector.multi_reduction <maximumf>, %neg3A_62, %reduce_max3A [0] : vector<400x1024xf32> to vector<1024xf32>
    %broadcast_in_dim3A_138 = vector.shape_cast %reduce_max3A_137 : vector<1024xf32> to vector<1x1024xf32>
    %max3A_139 = arith.maximumf %get3A_136, %broadcast_in_dim3A_138 : vector<1x1024xf32>
    %swap3A_140 = arith.constant 1 : index
    %swap3A_141 = arith.constant 0 : index
    %swap3A_142 = vector.load %arg6[%swap3A_140, %swap3A_141] : memref<8x1024xf32, #tpu.memory_space<vmem>>, vector<1x1024xf32>
    tpu.vector_store %arg6[%swap3A_140, %swap3A_141], %max3A_139 {strides = array<i32>} : memref<8x1024xf32, #tpu.memory_space<vmem>>, vector<1x1024xf32>,
    %mul3A_143 = arith.mulf %get3A_14, %get3A_26 : vector<400x1024xf32>
    %mul3A_144 = arith.mulf %mul3A_143, %get3A_32 : vector<400x1024xf32>
    %mul3A_145 = arith.mulf %get3A_14, %get3A_14 : vector<400x1024xf32>
    %mul3A_146 = arith.mulf %mul3A_145, %get3A_32 : vector<400x1024xf32>
    %mul3A_147 = arith.mulf %get3A_26, %get3A_26 : vector<400x1024xf32>
    %mul3A_148 = arith.mulf %mul3A_147, %get3A_32 : vector<400x1024xf32>
    %get3A_149 = arith.constant 0 : index
    %get3A_150 = arith.index_cast %arg0 : i32 to index
    %get3A_151 = arith.constant 0 : index
    %get3A_152 = vector.load %arg7[%get3A_149, %get3A_150, %get3A_151] : memref<8x8x1024xf32, #tpu.memory_space<vmem>>, vector<1x1x1024xf32>
    %get3A_153 = vector.shape_cast %get3A_152 : vector<1x1x1024xf32> to vector<1x1024xf32>
    %reduce_sum3A_154 = arith.constant dense<0.000000e+00> : vector<1024xf32>
    %reduce_sum3A_155 = vector.multi_reduction <add>, %mul3A_144, %reduce_sum3A_154 [0] : vector<400x1024xf32> to vector<1024xf32>
    %broadcast_in_dim3A_156 = vector.shape_cast %reduce_sum3A_155 : vector<1024xf32> to vector<1x1024xf32>
    %add3A_157 = arith.addf %get3A_153, %broadcast_in_dim3A_156 : vector<1x1024xf32>
    %swap3A_158 = arith.constant 0 : index
    %swap3A_159 = arith.index_cast %arg0 : i32 to index
    %swap3A_160 = arith.constant 0 : index
    %swap3A_161 = vector.load %arg7[%swap3A_158, %swap3A_159, %swap3A_160] : memref<8x8x1024xf32, #tpu.memory_space<vmem>>, vector<1x1x1024xf32>
    %swap3A_162 = vector.shape_cast %swap3A_161 : vector<1x1x1024xf32> to vector<1x1024xf32>
    %swap3A_163 = vector.shape_cast %add3A_157 : vector<1x1024xf32> to vector<1x1x1024xf32>
    tpu.vector_store %arg7[%swap3A_158, %swap3A_159, %swap3A_160], %swap3A_163 {strides = array<i32>} : memref<8x8x1024xf32, #tpu.memory_space<vmem>>, vector<1x1x1024xf32>,
    %mul3A_164 = arith.mulf %mul3A_144, %neg3A_62 : vector<400x1024xf32>
    %get3A_165 = arith.constant 1 : index
    %get3A_166 = arith.index_cast %arg0 : i32 to index
    %get3A_167 = arith.constant 0 : index
    %get3A_168 = vector.load %arg7[%get3A_165, %get3A_166, %get3A_167] : memref<8x8x1024xf32, #tpu.memory_space<vmem>>, vector<1x1x1024xf32>
    %get3A_169 = vector.shape_cast %get3A_168 : vector<1x1x1024xf32> to vector<1x1024xf32>
    %reduce_sum3A_170 = arith.constant dense<0.000000e+00> : vector<1024xf32>
    %reduce_sum3A_171 = vector.multi_reduction <add>, %mul3A_164, %reduce_sum3A_170 [0] : vector<400x1024xf32> to vector<1024xf32>
    %broadcast_in_dim3A_172 = vector.shape_cast %reduce_sum3A_171 : vector<1024xf32> to vector<1x1024xf32>
    %add3A_173 = arith.addf %get3A_169, %broadcast_in_dim3A_172 : vector<1x1024xf32>
    %swap3A_174 = arith.constant 1 : index
    %swap3A_175 = arith.index_cast %arg0 : i32 to index
    %swap3A_176 = arith.constant 0 : index
    %swap3A_177 = vector.load %arg7[%swap3A_174, %swap3A_175, %swap3A_176] : memref<8x8x1024xf32, #tpu.memory_space<vmem>>, vector<1x1x1024xf32>
    %swap3A_178 = vector.shape_cast %swap3A_177 : vector<1x1x1024xf32> to vector<1x1024xf32>
    %swap3A_179 = vector.shape_cast %add3A_173 : vector<1x1024xf32> to vector<1x1x1024xf32>
    tpu.vector_store %arg7[%swap3A_174, %swap3A_175, %swap3A_176], %swap3A_179 {strides = array<i32>} : memref<8x8x1024xf32, #tpu.memory_space<vmem>>, vector<1x1x1024xf32>,
    %get3A_180 = arith.constant 2 : index
    %get3A_181 = arith.index_cast %arg0 : i32 to index
    %get3A_182 = arith.constant 0 : index
    %get3A_183 = vector.load %arg7[%get3A_180, %get3A_181, %get3A_182] : memref<8x8x1024xf32, #tpu.memory_space<vmem>>, vector<1x1x1024xf32>
    %get3A_184 = vector.shape_cast %get3A_183 : vector<1x1x1024xf32> to vector<1x1024xf32>
    %reduce_sum3A_185 = arith.constant dense<0.000000e+00> : vector<1024xf32>
    %reduce_sum3A_186 = vector.multi_reduction <add>, %mul3A_146, %reduce_sum3A_185 [0] : vector<400x1024xf32> to vector<1024xf32>
    %broadcast_in_dim3A_187 = vector.shape_cast %reduce_sum3A_186 : vector<1024xf32> to vector<1x1024xf32>
    %add3A_188 = arith.addf %get3A_184, %broadcast_in_dim3A_187 : vector<1x1024xf32>
    %swap3A_189 = arith.constant 2 : index
    %swap3A_190 = arith.index_cast %arg0 : i32 to index
    %swap3A_191 = arith.constant 0 : index
    %swap3A_192 = vector.load %arg7[%swap3A_189, %swap3A_190, %swap3A_191] : memref<8x8x1024xf32, #tpu.memory_space<vmem>>, vector<1x1x1024xf32>
    %swap3A_193 = vector.shape_cast %swap3A_192 : vector<1x1x1024xf32> to vector<1x1024xf32>
    %swap3A_194 = vector.shape_cast %add3A_188 : vector<1x1024xf32> to vector<1x1x1024xf32>
    tpu.vector_store %arg7[%swap3A_189, %swap3A_190, %swap3A_191], %swap3A_194 {strides = array<i32>} : memref<8x8x1024xf32, #tpu.memory_space<vmem>>, vector<1x1x1024xf32>,
    %mul3A_195 = arith.mulf %mul3A_146, %neg3A_62 : vector<400x1024xf32>
    %get3A_196 = arith.constant 3 : index
    %get3A_197 = arith.index_cast %arg0 : i32 to index
    %get3A_198 = arith.constant 0 : index
    %get3A_199 = vector.load %arg7[%get3A_196, %get3A_197, %get3A_198] : memref<8x8x1024xf32, #tpu.memory_space<vmem>>, vector<1x1x1024xf32>
    %get3A_200 = vector.shape_cast %get3A_199 : vector<1x1x1024xf32> to vector<1x1024xf32>
    %reduce_sum3A_201 = arith.constant dense<0.000000e+00> : vector<1024xf32>
    %reduce_sum3A_202 = vector.multi_reduction <add>, %mul3A_195, %reduce_sum3A_201 [0] : vector<400x1024xf32> to vector<1024xf32>
    %broadcast_in_dim3A_203 = vector.shape_cast %reduce_sum3A_202 : vector<1024xf32> to vector<1x1024xf32>
    %add3A_204 = arith.addf %get3A_200, %broadcast_in_dim3A_203 : vector<1x1024xf32>
    %swap3A_205 = arith.constant 3 : index
    %swap3A_206 = arith.index_cast %arg0 : i32 to index
    %swap3A_207 = arith.constant 0 : index
    %swap3A_208 = vector.load %arg7[%swap3A_205, %swap3A_206, %swap3A_207] : memref<8x8x1024xf32, #tpu.memory_space<vmem>>, vector<1x1x1024xf32>
    %swap3A_209 = vector.shape_cast %swap3A_208 : vector<1x1x1024xf32> to vector<1x1024xf32>
    %swap3A_210 = vector.shape_cast %add3A_204 : vector<1x1024xf32> to vector<1x1x1024xf32>
    tpu.vector_store %arg7[%swap3A_205, %swap3A_206, %swap3A_207], %swap3A_210 {strides = array<i32>} : memref<8x8x1024xf32, #tpu.memory_space<vmem>>, vector<1x1x1024xf32>,
    %get3A_211 = arith.constant 4 : index
    %get3A_212 = arith.index_cast %arg0 : i32 to index
    %get3A_213 = arith.constant 0 : index
    %get3A_214 = vector.load %arg7[%get3A_211, %get3A_212, %get3A_213] : memref<8x8x1024xf32, #tpu.memory_space<vmem>>, vector<1x1x1024xf32>
    %get3A_215 = vector.shape_cast %get3A_214 : vector<1x1x1024xf32> to vector<1x1024xf32>
    %reduce_sum3A_216 = arith.constant dense<0.000000e+00> : vector<1024xf32>
    %reduce_sum3A_217 = vector.multi_reduction <add>, %mul3A_148, %reduce_sum3A_216 [0] : vector<400x1024xf32> to vector<1024xf32>
    %broadcast_in_dim3A_218 = vector.shape_cast %reduce_sum3A_217 : vector<1024xf32> to vector<1x1024xf32>
    %add3A_219 = arith.addf %get3A_215, %broadcast_in_dim3A_218 : vector<1x1024xf32>
    %swap3A_220 = arith.constant 4 : index
    %swap3A_221 = arith.index_cast %arg0 : i32 to index
    %swap3A_222 = arith.constant 0 : index
    %swap3A_223 = vector.load %arg7[%swap3A_220, %swap3A_221, %swap3A_222] : memref<8x8x1024xf32, #tpu.memory_space<vmem>>, vector<1x1x1024xf32>
    %swap3A_224 = vector.shape_cast %swap3A_223 : vector<1x1x1024xf32> to vector<1x1024xf32>
    %swap3A_225 = vector.shape_cast %add3A_219 : vector<1x1024xf32> to vector<1x1x1024xf32>
    tpu.vector_store %arg7[%swap3A_220, %swap3A_221, %swap3A_222], %swap3A_225 {strides = array<i32>} : memref<8x8x1024xf32, #tpu.memory_space<vmem>>, vector<1x1x1024xf32>,
    %mul3A_226 = arith.mulf %mul3A_148, %neg3A_62 : vector<400x1024xf32>
    %get3A_227 = arith.constant 5 : index
    %get3A_228 = arith.index_cast %arg0 : i32 to index
    %get3A_229 = arith.constant 0 : index
    %get3A_230 = vector.load %arg7[%get3A_227, %get3A_228, %get3A_229] : memref<8x8x1024xf32, #tpu.memory_space<vmem>>, vector<1x1x1024xf32>
    %get3A_231 = vector.shape_cast %get3A_230 : vector<1x1x1024xf32> to vector<1x1024xf32>
    %reduce_sum3A_232 = arith.constant dense<0.000000e+00> : vector<1024xf32>
    %reduce_sum3A_233 = vector.multi_reduction <add>, %mul3A_226, %reduce_sum3A_232 [0] : vector<400x1024xf32> to vector<1024xf32>
    %broadcast_in_dim3A_234 = vector.shape_cast %reduce_sum3A_233 : vector<1024xf32> to vector<1x1024xf32>
    %add3A_235 = arith.addf %get3A_231, %broadcast_in_dim3A_234 : vector<1x1024xf32>
    %swap3A_236 = arith.constant 5 : index
    %swap3A_237 = arith.index_cast %arg0 : i32 to index
    %swap3A_238 = arith.constant 0 : index
    %swap3A_239 = vector.load %arg7[%swap3A_236, %swap3A_237, %swap3A_238] : memref<8x8x1024xf32, #tpu.memory_space<vmem>>, vector<1x1x1024xf32>
    %swap3A_240 = vector.shape_cast %swap3A_239 : vector<1x1x1024xf32> to vector<1x1024xf32>
    %swap3A_241 = vector.shape_cast %add3A_235 : vector<1x1024xf32> to vector<1x1x1024xf32>
    tpu.vector_store %arg7[%swap3A_236, %swap3A_237, %swap3A_238], %swap3A_241 {strides = array<i32>} : memref<8x8x1024xf32, #tpu.memory_space<vmem>>, vector<1x1x1024xf32>,
    return
  }
  func.func @transform_0(%arg0: i32, %arg1: i32) -> (i32, i32, i32, i32) {
    %c0_i32 = arith.constant 0 : i32
    %c0_i32_0 = arith.constant 0 : i32
    %c0_i32_1 = arith.constant 0 : i32
    return %arg0, %c0_i32, %arg1, %c0_i32_0 : i32, i32, i32, i32
  }
  func.func @transform_1(%arg0: i32, %arg1: i32) -> (i32, i32, i32, i32) {
    %c0_i32 = arith.constant 0 : i32
    %c0_i32_0 = arith.constant 0 : i32
    %c0_i32_1 = arith.constant 0 : i32
    return %arg0, %c0_i32, %arg1, %c0_i32_0 : i32, i32, i32, i32
  }
  func.func @transform_2(%arg0: i32, %arg1: i32) -> (i32, i32, i32) {
    %c0_i32 = arith.constant 0 : i32
    %c0_i32_0 = arith.constant 0 : i32
    return %arg0, %arg1, %c0_i32 : i32, i32, i32
  }
  func.func @transform_3(%arg0: i32, %arg1: i32) -> (i32, i32) {
    %c0_i32 = arith.constant 0 : i32
    %c0_i32_0 = arith.constant 0 : i32
    %c0_i32_1 = arith.constant 0 : i32
    return %c0_i32, %c0_i32_0 : i32, i32
  }
  func.func @transform_4(%arg0: i32, %arg1: i32) -> (i32, i32) {
    %c0_i32 = arith.constant 0 : i32
    %c0_i32_0 = arith.constant 0 : i32
    %c0_i32_1 = arith.constant 0 : i32
    return %c0_i32, %c0_i32_0 : i32, i32
  }
  func.func @transform_5(%arg0: i32, %arg1: i32) -> (i32, i32, i32) {
    %c0_i32 = arith.constant 0 : i32
    %c0_i32_0 = arith.constant 0 : i32
    %c0_i32_1 = arith.constant 0 : i32
    %c0_i32_2 = arith.constant 0 : i32
    return %c0_i32, %c0_i32_0, %c0_i32_1 : i32, i32, i32
  }
}

module attributes {stable_mosaic.version = 14 : i64} {
  func.func @_fin_body(%arg0: memref<32x2x1024xf32, #tpu.memory_space<vmem>>, %arg1: memref<32x2x1024xf32, #tpu.memory_space<vmem>>, %arg2: memref<8x1024xf32, #tpu.memory_space<vmem>>, %arg3: memref<8x1024xf32, #tpu.memory_space<vmem>>, %arg4: memref<8x8x1024xf32, #tpu.memory_space<vmem>>, %arg5: memref<1x1xf32, #tpu.memory_space<smem>>) attributes {dimension_semantics = [], scalar_prefetch = 0 : i64, scratch_operands = 0 : i64, tpu.core_type = #tpu.core_type<tc>} {
    %get3A = arith.constant 0 : index
    %get3A_0 = arith.constant 0 : index
    %get3A_1 = vector.load %arg2[%get3A, %get3A_0] : memref<8x1024xf32, #tpu.memory_space<vmem>>, vector<1x1024xf32>
    %get3A_2 = vector.shape_cast %get3A_1 : vector<1x1024xf32> to vector<1024xf32>
    %reduce_sum3A = vector.shape_cast %get3A_2 : vector<1024xf32> to vector<1x1024xf32>
    %reduce_sum3A_3 = arith.constant dense<0.000000e+00> : vector<1xf32>
    %reduce_sum3A_4 = vector.multi_reduction <add>, %reduce_sum3A, %reduce_sum3A_3 [1] : vector<1x1024xf32> to vector<1xf32>
    %reduce_sum3A_5 = vector.shape_cast %reduce_sum3A_4 : vector<1xf32> to vector<1x1xf32>
    %reduce_sum3A_6 = vector.extract %reduce_sum3A_5[0, 0] : f32 from vector<1x1xf32>
    %get3A_7 = arith.constant 1 : index
    %get3A_8 = arith.constant 0 : index
    %get3A_9 = vector.load %arg2[%get3A_7, %get3A_8] : memref<8x1024xf32, #tpu.memory_space<vmem>>, vector<1x1024xf32>
    %get3A_10 = vector.shape_cast %get3A_9 : vector<1x1024xf32> to vector<1024xf32>
    %reduce_sum3A_11 = vector.shape_cast %get3A_10 : vector<1024xf32> to vector<1x1024xf32>
    %reduce_sum3A_12 = arith.constant dense<0.000000e+00> : vector<1xf32>
    %reduce_sum3A_13 = vector.multi_reduction <add>, %reduce_sum3A_11, %reduce_sum3A_12 [1] : vector<1x1024xf32> to vector<1xf32>
    %reduce_sum3A_14 = vector.shape_cast %reduce_sum3A_13 : vector<1xf32> to vector<1x1xf32>
    %reduce_sum3A_15 = vector.extract %reduce_sum3A_14[0, 0] : f32 from vector<1x1xf32>
    %get3A_16 = arith.constant 2 : index
    %get3A_17 = arith.constant 0 : index
    %get3A_18 = vector.load %arg2[%get3A_16, %get3A_17] : memref<8x1024xf32, #tpu.memory_space<vmem>>, vector<1x1024xf32>
    %get3A_19 = vector.shape_cast %get3A_18 : vector<1x1024xf32> to vector<1024xf32>
    %reduce_sum3A_20 = vector.shape_cast %get3A_19 : vector<1024xf32> to vector<1x1024xf32>
    %reduce_sum3A_21 = arith.constant dense<0.000000e+00> : vector<1xf32>
    %reduce_sum3A_22 = vector.multi_reduction <add>, %reduce_sum3A_20, %reduce_sum3A_21 [1] : vector<1x1024xf32> to vector<1xf32>
    %reduce_sum3A_23 = vector.shape_cast %reduce_sum3A_22 : vector<1xf32> to vector<1x1xf32>
    %reduce_sum3A_24 = vector.extract %reduce_sum3A_23[0, 0] : f32 from vector<1x1xf32>
    %get3A_25 = arith.constant 3 : index
    %get3A_26 = arith.constant 0 : index
    %get3A_27 = vector.load %arg2[%get3A_25, %get3A_26] : memref<8x1024xf32, #tpu.memory_space<vmem>>, vector<1x1024xf32>
    %get3A_28 = vector.shape_cast %get3A_27 : vector<1x1024xf32> to vector<1024xf32>
    %reduce_sum3A_29 = vector.shape_cast %get3A_28 : vector<1024xf32> to vector<1x1024xf32>
    %reduce_sum3A_30 = arith.constant dense<0.000000e+00> : vector<1xf32>
    %reduce_sum3A_31 = vector.multi_reduction <add>, %reduce_sum3A_29, %reduce_sum3A_30 [1] : vector<1x1024xf32> to vector<1xf32>
    %reduce_sum3A_32 = vector.shape_cast %reduce_sum3A_31 : vector<1xf32> to vector<1x1xf32>
    %reduce_sum3A_33 = vector.extract %reduce_sum3A_32[0, 0] : f32 from vector<1x1xf32>
    %get3A_34 = arith.constant 4 : index
    %get3A_35 = arith.constant 0 : index
    %get3A_36 = vector.load %arg2[%get3A_34, %get3A_35] : memref<8x1024xf32, #tpu.memory_space<vmem>>, vector<1x1024xf32>
    %get3A_37 = vector.shape_cast %get3A_36 : vector<1x1024xf32> to vector<1024xf32>
    %reduce_sum3A_38 = vector.shape_cast %get3A_37 : vector<1024xf32> to vector<1x1024xf32>
    %reduce_sum3A_39 = arith.constant dense<0.000000e+00> : vector<1xf32>
    %reduce_sum3A_40 = vector.multi_reduction <add>, %reduce_sum3A_38, %reduce_sum3A_39 [1] : vector<1x1024xf32> to vector<1xf32>
    %reduce_sum3A_41 = vector.shape_cast %reduce_sum3A_40 : vector<1xf32> to vector<1x1xf32>
    %reduce_sum3A_42 = vector.extract %reduce_sum3A_41[0, 0] : f32 from vector<1x1xf32>
    %get3A_43 = arith.constant 0 : index
    %get3A_44 = arith.constant 0 : index
    %get3A_45 = vector.load %arg3[%get3A_43, %get3A_44] : memref<8x1024xf32, #tpu.memory_space<vmem>>, vector<1x1024xf32>
    %get3A_46 = vector.shape_cast %get3A_45 : vector<1x1024xf32> to vector<1024xf32>
    %reduce_min3A = vector.shape_cast %get3A_46 : vector<1024xf32> to vector<1x1024xf32>
    %reduce_min3A_47 = arith.constant dense<0x7F800000> : vector<1xf32>
    %reduce_min3A_48 = vector.multi_reduction <minimumf>, %reduce_min3A, %reduce_min3A_47 [1] : vector<1x1024xf32> to vector<1xf32>
    %reduce_min3A_49 = vector.shape_cast %reduce_min3A_48 : vector<1xf32> to vector<1x1xf32>
    %reduce_min3A_50 = vector.extract %reduce_min3A_49[0, 0] : f32 from vector<1x1xf32>
    %get3A_51 = arith.constant 1 : index
    %get3A_52 = arith.constant 0 : index
    %get3A_53 = vector.load %arg3[%get3A_51, %get3A_52] : memref<8x1024xf32, #tpu.memory_space<vmem>>, vector<1x1024xf32>
    %get3A_54 = vector.shape_cast %get3A_53 : vector<1x1024xf32> to vector<1024xf32>
    %reduce_max3A = vector.shape_cast %get3A_54 : vector<1024xf32> to vector<1x1024xf32>
    %reduce_max3A_55 = arith.constant dense<0xFF800000> : vector<1xf32>
    %reduce_max3A_56 = vector.multi_reduction <maximumf>, %reduce_max3A, %reduce_max3A_55 [1] : vector<1x1024xf32> to vector<1xf32>
    %reduce_max3A_57 = vector.shape_cast %reduce_max3A_56 : vector<1xf32> to vector<1x1xf32>
    %reduce_max3A_58 = vector.extract %reduce_max3A_57[0, 0] : f32 from vector<1x1xf32>
    %mul3A = arith.constant 3.000000e+00 : f32
    %mul3A_59 = arith.mulf %reduce_sum3A_24, %mul3A : f32
    %min3A = arith.minimumf %reduce_sum3A_33, %mul3A_59 : f32
    %convert_element_type3A = arith.fptosi %min3A : f32 to i32
    %convert_element_type3A_60 = arith.sitofp %convert_element_type3A : i32 to f32
    %get3A_61 = arith.constant 0 : index
    %get3A_62 = arith.constant 0 : index
    %get3A_63 = arith.constant 0 : index
    %get3A_64 = vector.load %arg0[%get3A_61, %get3A_62, %get3A_63] : memref<32x2x1024xf32, #tpu.memory_space<vmem>>, vector<32x2x1024xf32>
    %reduce_sum3A_65 = arith.constant dense<0.000000e+00> : vector<2x1024xf32>
    %reduce_sum3A_66 = vector.multi_reduction <add>, %get3A_64, %reduce_sum3A_65 [0] : vector<32x2x1024xf32> to vector<2x1024xf32>
    %get3A_67 = arith.constant 0 : index
    %get3A_68 = arith.constant 0 : index
    %get3A_69 = arith.constant 0 : index
    %get3A_70 = vector.load %arg1[%get3A_67, %get3A_68, %get3A_69] : memref<32x2x1024xf32, #tpu.memory_space<vmem>>, vector<32x2x1024xf32>
    %reduce_sum3A_71 = arith.constant dense<0.000000e+00> : vector<2x1024xf32>
    %reduce_sum3A_72 = vector.multi_reduction <add>, %get3A_70, %reduce_sum3A_71 [0] : vector<32x2x1024xf32> to vector<2x1024xf32>
    %iota3A = tpu.iota {dimensions = array<i32: 0>} : vector<2x1024xi32>
    %mul3A_73 = arith.constant 1024 : i32
    %mul3A_74 = vector.broadcast %mul3A_73 : i32 to vector<2x1024xi32>
    %mul3A_75 = arith.muli %iota3A, %mul3A_74 : vector<2x1024xi32>
    %iota3A_76 = tpu.iota {dimensions = array<i32: 1>} : vector<2x1024xi32>
    %add3A = arith.addi %mul3A_75, %iota3A_76 : vector<2x1024xi32>
    %scan3A = arith.constant 0 : i32
    %scan3A_77 = arith.constant 2048 : i32
    %scan3A_78 = arith.constant 0 : i32
    %scan3A_79 = arith.constant 11 : i32
    %scan3A_80 = arith.addi %scan3A_78, %scan3A_79 : i32
    %scan3A_81 = arith.constant 1 : i32
    %scan3A_82:2 = scf.for %scan3A_756 = %scan3A_78 to %scan3A_80 step %scan3A_81 iter_args(%scan3A_757 = %scan3A, %scan3A_758 = %scan3A_77) -> (i32, i32)  : i32 {
      %add3A_759 = arith.addi %scan3A_757, %scan3A_758 : i32
      %jit3A_760 = arith.constant 2 : i32
      %div3A_761 = arith.divsi %add3A_759, %jit3A_760 : i32
      %sign3A = arith.constant 0 : i32
      %sign3A_762 = arith.cmpi sgt, %add3A_759, %sign3A : i32
      %sign3A_763 = arith.extui %sign3A_762 : i1 to i32
      %sign3A_764 = arith.constant 0 : i32
      %sign3A_765 = arith.cmpi slt, %add3A_759, %sign3A_764 : i32
      %sign3A_766 = arith.extui %sign3A_765 : i1 to i32
      %sign3A_767 = arith.subi %sign3A_763, %sign3A_766 : i32
      %sign3A_768 = arith.constant 0 : i32
      %sign3A_769 = arith.cmpi sgt, %jit3A_760, %sign3A_768 : i32
      %sign3A_770 = arith.extui %sign3A_769 : i1 to i32
      %sign3A_771 = arith.constant 0 : i32
      %sign3A_772 = arith.cmpi slt, %jit3A_760, %sign3A_771 : i32
      %sign3A_773 = arith.extui %sign3A_772 : i1 to i32
      %sign3A_774 = arith.subi %sign3A_770, %sign3A_773 : i32
      %ne3A = arith.cmpi ne, %sign3A_767, %sign3A_774 : i32
      %rem3A = arith.remsi %add3A_759, %jit3A_760 : i32
      %ne3A_775 = arith.constant 0 : i32
      %ne3A_776 = arith.cmpi ne, %rem3A, %ne3A_775 : i32
      %and3A = arith.andi %ne3A, %ne3A_776 : i1
      %sub3A_777 = arith.constant 1 : i32
      %sub3A_778 = arith.subi %div3A_761, %sub3A_777 : i32
      %select_n3A_779 = arith.select %and3A, %sub3A_778, %div3A_761 : i32
      %ge3A_780 = vector.broadcast %select_n3A_779 : i32 to vector<2x1024xi32>
      %ge3A_781 = arith.cmpi sge, %add3A, %ge3A_780 : vector<2x1024xi32>
      %jit3A_782 = arith.constant 0.000000e+00 : f32
      %broadcast_in_dim3A_783 = vector.broadcast %jit3A_782 : f32 to vector<2x1024xf32>
      %select_n3A_784 = arith.select %ge3A_781, %reduce_sum3A_66, %broadcast_in_dim3A_783 : vector<2x1024xi1>, vector<2x1024xf32>
      %reduce_sum3A_785 = vector.shape_cast %select_n3A_784 : vector<2x1024xf32> to vector<1x2x1024xf32>
      %reduce_sum3A_786 = arith.constant dense<0.000000e+00> : vector<1xf32>
      %reduce_sum3A_787 = vector.multi_reduction <add>, %reduce_sum3A_785, %reduce_sum3A_786 [1, 2] : vector<1x2x1024xf32> to vector<1xf32>
      %reduce_sum3A_788 = vector.shape_cast %reduce_sum3A_787 : vector<1xf32> to vector<1x1x1xf32>
      %reduce_sum3A_789 = vector.extract %reduce_sum3A_788[0, 0, 0] : f32 from vector<1x1x1xf32>
      %ge3A_790 = arith.cmpf oge, %reduce_sum3A_789, %convert_element_type3A_60 : f32
      %select_n3A_791 = arith.select %ge3A_790, %select_n3A_779, %scan3A_757 : i32
      %select_n3A_792 = arith.select %ge3A_790, %scan3A_758, %select_n3A_779 : i32
      scf.yield %select_n3A_791, %select_n3A_792 : i32, i32
    }
    %ge3A = vector.broadcast %scan3A_82#0 : i32 to vector<2x1024xi32>
    %ge3A_83 = arith.cmpi sge, %add3A, %ge3A : vector<2x1024xi32>
    %jit3A = arith.constant 0.000000e+00 : f32
    %broadcast_in_dim3A = vector.broadcast %jit3A : f32 to vector<2x1024xf32>
    %select_n3A = arith.select %ge3A_83, %reduce_sum3A_66, %broadcast_in_dim3A : vector<2x1024xi1>, vector<2x1024xf32>
    %reduce_sum3A_84 = vector.shape_cast %select_n3A : vector<2x1024xf32> to vector<1x2x1024xf32>
    %reduce_sum3A_85 = arith.constant dense<0.000000e+00> : vector<1xf32>
    %reduce_sum3A_86 = vector.multi_reduction <add>, %reduce_sum3A_84, %reduce_sum3A_85 [1, 2] : vector<1x2x1024xf32> to vector<1xf32>
    %reduce_sum3A_87 = vector.shape_cast %reduce_sum3A_86 : vector<1xf32> to vector<1x1x1xf32>
    %reduce_sum3A_88 = vector.extract %reduce_sum3A_87[0, 0, 0] : f32 from vector<1x1x1xf32>
    %jit3A_89 = arith.constant 0.000000e+00 : f32
    %broadcast_in_dim3A_90 = vector.broadcast %jit3A_89 : f32 to vector<2x1024xf32>
    %select_n3A_91 = arith.select %ge3A_83, %reduce_sum3A_72, %broadcast_in_dim3A_90 : vector<2x1024xi1>, vector<2x1024xf32>
    %reduce_sum3A_92 = vector.shape_cast %select_n3A_91 : vector<2x1024xf32> to vector<1x2x1024xf32>
    %reduce_sum3A_93 = arith.constant dense<0.000000e+00> : vector<1xf32>
    %reduce_sum3A_94 = vector.multi_reduction <add>, %reduce_sum3A_92, %reduce_sum3A_93 [1, 2] : vector<1x2x1024xf32> to vector<1xf32>
    %reduce_sum3A_95 = vector.shape_cast %reduce_sum3A_94 : vector<1xf32> to vector<1x1x1xf32>
    %reduce_sum3A_96 = vector.extract %reduce_sum3A_95[0, 0, 0] : f32 from vector<1x1x1xf32>
    %add3A_97 = arith.constant 1 : i32
    %add3A_98 = arith.addi %scan3A_82#0, %add3A_97 : i32
    %ge3A_99 = vector.broadcast %add3A_98 : i32 to vector<2x1024xi32>
    %ge3A_100 = arith.cmpi sge, %add3A, %ge3A_99 : vector<2x1024xi32>
    %jit3A_101 = arith.constant 0.000000e+00 : f32
    %broadcast_in_dim3A_102 = vector.broadcast %jit3A_101 : f32 to vector<2x1024xf32>
    %select_n3A_103 = arith.select %ge3A_100, %reduce_sum3A_66, %broadcast_in_dim3A_102 : vector<2x1024xi1>, vector<2x1024xf32>
    %reduce_sum3A_104 = vector.shape_cast %select_n3A_103 : vector<2x1024xf32> to vector<1x2x1024xf32>
    %reduce_sum3A_105 = arith.constant dense<0.000000e+00> : vector<1xf32>
    %reduce_sum3A_106 = vector.multi_reduction <add>, %reduce_sum3A_104, %reduce_sum3A_105 [1, 2] : vector<1x2x1024xf32> to vector<1xf32>
    %reduce_sum3A_107 = vector.shape_cast %reduce_sum3A_106 : vector<1xf32> to vector<1x1x1xf32>
    %reduce_sum3A_108 = vector.extract %reduce_sum3A_107[0, 0, 0] : f32 from vector<1x1x1xf32>
    %jit3A_109 = arith.constant 0.000000e+00 : f32
    %broadcast_in_dim3A_110 = vector.broadcast %jit3A_109 : f32 to vector<2x1024xf32>
    %select_n3A_111 = arith.select %ge3A_100, %reduce_sum3A_72, %broadcast_in_dim3A_110 : vector<2x1024xi1>, vector<2x1024xf32>
    %reduce_sum3A_112 = vector.shape_cast %select_n3A_111 : vector<2x1024xf32> to vector<1x2x1024xf32>
    %reduce_sum3A_113 = arith.constant dense<0.000000e+00> : vector<1xf32>
    %reduce_sum3A_114 = vector.multi_reduction <add>, %reduce_sum3A_112, %reduce_sum3A_113 [1, 2] : vector<1x2x1024xf32> to vector<1xf32>
    %reduce_sum3A_115 = vector.shape_cast %reduce_sum3A_114 : vector<1xf32> to vector<1x1x1xf32>
    %reduce_sum3A_116 = vector.extract %reduce_sum3A_115[0, 0, 0] : f32 from vector<1x1x1xf32>
    %sub3A = arith.subf %reduce_sum3A_88, %reduce_sum3A_108 : f32
    %sub3A_117 = arith.subf %reduce_sum3A_96, %reduce_sum3A_116 : f32
    %sub3A_118 = arith.subf %convert_element_type3A_60, %reduce_sum3A_108 : f32
    %max3A = arith.constant 1.000000e+00 : f32
    %max3A_119 = arith.maximumf %sub3A, %max3A : f32
    %div3A = arith.divf %sub3A_117, %max3A_119 : f32
    %mul3A_120 = arith.mulf %sub3A_118, %div3A : f32
    %add3A_121 = arith.addf %reduce_sum3A_116, %mul3A_120 : f32
    %add3A_122 = arith.addf %reduce_sum3A_42, %add3A_121 : f32
    %add3A_123 = arith.addf %reduce_sum3A_24, %min3A : f32
    %add3A_124 = arith.constant 9.99999971E-10 : f32
    %add3A_125 = arith.addf %add3A_123, %add3A_124 : f32
    %div3A_126 = arith.divf %add3A_122, %add3A_125 : f32
    %mul3A_127 = arith.constant 5.000000e+00 : f32
    %mul3A_128 = arith.mulf %div3A_126, %mul3A_127 : f32
    %sub3A_129 = arith.subf %reduce_max3A_58, %reduce_min3A_50 : f32
    %div3A_130 = arith.constant 1.000000e+00 : f32
    %div3A_131 = arith.divf %div3A_130, %sub3A_129 : f32
    %mul3A_132 = arith.mulf %reduce_min3A_50, %div3A_131 : f32
    %sub3A_133 = arith.constant 1.000000e+00 : f32
    %sub3A_134 = arith.subf %sub3A_133, %mul3A_132 : f32
    %get3A_135 = arith.constant 0 : index
    %get3A_136 = arith.constant 0 : index
    %get3A_137 = arith.constant 0 : index
    %get3A_138 = vector.load %arg4[%get3A_135, %get3A_136, %get3A_137] : memref<8x8x1024xf32, #tpu.memory_space<vmem>>, vector<1x1x1024xf32>
    %get3A_139 = vector.shape_cast %get3A_138 : vector<1x1x1024xf32> to vector<1024xf32>
    %reduce_sum3A_140 = vector.shape_cast %get3A_139 : vector<1024xf32> to vector<1x1024xf32>
    %reduce_sum3A_141 = arith.constant dense<0.000000e+00> : vector<1xf32>
    %reduce_sum3A_142 = vector.multi_reduction <add>, %reduce_sum3A_140, %reduce_sum3A_141 [1] : vector<1x1024xf32> to vector<1xf32>
    %reduce_sum3A_143 = vector.shape_cast %reduce_sum3A_142 : vector<1xf32> to vector<1x1xf32>
    %reduce_sum3A_144 = vector.extract %reduce_sum3A_143[0, 0] : f32 from vector<1x1xf32>
    %get3A_145 = arith.constant 1 : index
    %get3A_146 = arith.constant 0 : index
    %get3A_147 = arith.constant 0 : index
    %get3A_148 = vector.load %arg4[%get3A_145, %get3A_146, %get3A_147] : memref<8x8x1024xf32, #tpu.memory_space<vmem>>, vector<1x1x1024xf32>
    %get3A_149 = vector.shape_cast %get3A_148 : vector<1x1x1024xf32> to vector<1024xf32>
    %reduce_sum3A_150 = vector.shape_cast %get3A_149 : vector<1024xf32> to vector<1x1024xf32>
    %reduce_sum3A_151 = arith.constant dense<0.000000e+00> : vector<1xf32>
    %reduce_sum3A_152 = vector.multi_reduction <add>, %reduce_sum3A_150, %reduce_sum3A_151 [1] : vector<1x1024xf32> to vector<1xf32>
    %reduce_sum3A_153 = vector.shape_cast %reduce_sum3A_152 : vector<1xf32> to vector<1x1xf32>
    %reduce_sum3A_154 = vector.extract %reduce_sum3A_153[0, 0] : f32 from vector<1x1xf32>
    %get3A_155 = arith.constant 2 : index
    %get3A_156 = arith.constant 0 : index
    %get3A_157 = arith.constant 0 : index
    %get3A_158 = vector.load %arg4[%get3A_155, %get3A_156, %get3A_157] : memref<8x8x1024xf32, #tpu.memory_space<vmem>>, vector<1x1x1024xf32>
    %get3A_159 = vector.shape_cast %get3A_158 : vector<1x1x1024xf32> to vector<1024xf32>
    %reduce_sum3A_160 = vector.shape_cast %get3A_159 : vector<1024xf32> to vector<1x1024xf32>
    %reduce_sum3A_161 = arith.constant dense<0.000000e+00> : vector<1xf32>
    %reduce_sum3A_162 = vector.multi_reduction <add>, %reduce_sum3A_160, %reduce_sum3A_161 [1] : vector<1x1024xf32> to vector<1xf32>
    %reduce_sum3A_163 = vector.shape_cast %reduce_sum3A_162 : vector<1xf32> to vector<1x1xf32>
    %reduce_sum3A_164 = vector.extract %reduce_sum3A_163[0, 0] : f32 from vector<1x1xf32>
    %get3A_165 = arith.constant 3 : index
    %get3A_166 = arith.constant 0 : index
    %get3A_167 = arith.constant 0 : index
    %get3A_168 = vector.load %arg4[%get3A_165, %get3A_166, %get3A_167] : memref<8x8x1024xf32, #tpu.memory_space<vmem>>, vector<1x1x1024xf32>
    %get3A_169 = vector.shape_cast %get3A_168 : vector<1x1x1024xf32> to vector<1024xf32>
    %reduce_sum3A_170 = vector.shape_cast %get3A_169 : vector<1024xf32> to vector<1x1024xf32>
    %reduce_sum3A_171 = arith.constant dense<0.000000e+00> : vector<1xf32>
    %reduce_sum3A_172 = vector.multi_reduction <add>, %reduce_sum3A_170, %reduce_sum3A_171 [1] : vector<1x1024xf32> to vector<1xf32>
    %reduce_sum3A_173 = vector.shape_cast %reduce_sum3A_172 : vector<1xf32> to vector<1x1xf32>
    %reduce_sum3A_174 = vector.extract %reduce_sum3A_173[0, 0] : f32 from vector<1x1xf32>
    %get3A_175 = arith.constant 4 : index
    %get3A_176 = arith.constant 0 : index
    %get3A_177 = arith.constant 0 : index
    %get3A_178 = vector.load %arg4[%get3A_175, %get3A_176, %get3A_177] : memref<8x8x1024xf32, #tpu.memory_space<vmem>>, vector<1x1x1024xf32>
    %get3A_179 = vector.shape_cast %get3A_178 : vector<1x1x1024xf32> to vector<1024xf32>
    %reduce_sum3A_180 = vector.shape_cast %get3A_179 : vector<1024xf32> to vector<1x1024xf32>
    %reduce_sum3A_181 = arith.constant dense<0.000000e+00> : vector<1xf32>
    %reduce_sum3A_182 = vector.multi_reduction <add>, %reduce_sum3A_180, %reduce_sum3A_181 [1] : vector<1x1024xf32> to vector<1xf32>
    %reduce_sum3A_183 = vector.shape_cast %reduce_sum3A_182 : vector<1xf32> to vector<1x1xf32>
    %reduce_sum3A_184 = vector.extract %reduce_sum3A_183[0, 0] : f32 from vector<1x1xf32>
    %get3A_185 = arith.constant 5 : index
    %get3A_186 = arith.constant 0 : index
    %get3A_187 = arith.constant 0 : index
    %get3A_188 = vector.load %arg4[%get3A_185, %get3A_186, %get3A_187] : memref<8x8x1024xf32, #tpu.memory_space<vmem>>, vector<1x1x1024xf32>
    %get3A_189 = vector.shape_cast %get3A_188 : vector<1x1x1024xf32> to vector<1024xf32>
    %reduce_sum3A_190 = vector.shape_cast %get3A_189 : vector<1024xf32> to vector<1x1024xf32>
    %reduce_sum3A_191 = arith.constant dense<0.000000e+00> : vector<1xf32>
    %reduce_sum3A_192 = vector.multi_reduction <add>, %reduce_sum3A_190, %reduce_sum3A_191 [1] : vector<1x1024xf32> to vector<1xf32>
    %reduce_sum3A_193 = vector.shape_cast %reduce_sum3A_192 : vector<1xf32> to vector<1x1xf32>
    %reduce_sum3A_194 = vector.extract %reduce_sum3A_193[0, 0] : f32 from vector<1x1xf32>
    %mul3A_195 = arith.mulf %div3A_131, %reduce_sum3A_154 : f32
    %mul3A_196 = arith.mulf %sub3A_134, %reduce_sum3A_144 : f32
    %add3A_197 = arith.addf %mul3A_195, %mul3A_196 : f32
    %add3A_198 = arith.addf %reduce_sum3A_174, %reduce_sum3A_194 : f32
    %mul3A_199 = arith.mulf %div3A_131, %add3A_198 : f32
    %add3A_200 = arith.addf %reduce_sum3A_164, %reduce_sum3A_184 : f32
    %mul3A_201 = arith.mulf %sub3A_134, %add3A_200 : f32
    %add3A_202 = arith.addf %mul3A_199, %mul3A_201 : f32
    %add3A_203 = arith.constant 2.000000e-03 : f32
    %add3A_204 = arith.addf %add3A_202, %add3A_203 : f32
    %mul3A_205 = arith.constant 2.000000e+00 : f32
    %mul3A_206 = arith.mulf %mul3A_205, %add3A_197 : f32
    %div3A_207 = arith.divf %mul3A_206, %add3A_204 : f32
    %sub3A_208 = arith.constant 1.000000e+00 : f32
    %sub3A_209 = arith.subf %sub3A_208, %div3A_207 : f32
    %add3A_210 = arith.constant 0.000000e+00 : f32
    %add3A_211 = arith.addf %add3A_210, %sub3A_209 : f32
    %get3A_212 = arith.constant 0 : index
    %get3A_213 = arith.constant 1 : index
    %get3A_214 = arith.constant 0 : index
    %get3A_215 = vector.load %arg4[%get3A_212, %get3A_213, %get3A_214] : memref<8x8x1024xf32, #tpu.memory_space<vmem>>, vector<1x1x1024xf32>
    %get3A_216 = vector.shape_cast %get3A_215 : vector<1x1x1024xf32> to vector<1024xf32>
    %reduce_sum3A_217 = vector.shape_cast %get3A_216 : vector<1024xf32> to vector<1x1024xf32>
    %reduce_sum3A_218 = arith.constant dense<0.000000e+00> : vector<1xf32>
    %reduce_sum3A_219 = vector.multi_reduction <add>, %reduce_sum3A_217, %reduce_sum3A_218 [1] : vector<1x1024xf32> to vector<1xf32>
    %reduce_sum3A_220 = vector.shape_cast %reduce_sum3A_219 : vector<1xf32> to vector<1x1xf32>
    %reduce_sum3A_221 = vector.extract %reduce_sum3A_220[0, 0] : f32 from vector<1x1xf32>
    %get3A_222 = arith.constant 1 : index
    %get3A_223 = arith.constant 1 : index
    %get3A_224 = arith.constant 0 : index
    %get3A_225 = vector.load %arg4[%get3A_222, %get3A_223, %get3A_224] : memref<8x8x1024xf32, #tpu.memory_space<vmem>>, vector<1x1x1024xf32>
    %get3A_226 = vector.shape_cast %get3A_225 : vector<1x1x1024xf32> to vector<1024xf32>
    %reduce_sum3A_227 = vector.shape_cast %get3A_226 : vector<1024xf32> to vector<1x1024xf32>
    %reduce_sum3A_228 = arith.constant dense<0.000000e+00> : vector<1xf32>
    %reduce_sum3A_229 = vector.multi_reduction <add>, %reduce_sum3A_227, %reduce_sum3A_228 [1] : vector<1x1024xf32> to vector<1xf32>
    %reduce_sum3A_230 = vector.shape_cast %reduce_sum3A_229 : vector<1xf32> to vector<1x1xf32>
    %reduce_sum3A_231 = vector.extract %reduce_sum3A_230[0, 0] : f32 from vector<1x1xf32>
    %get3A_232 = arith.constant 2 : index
    %get3A_233 = arith.constant 1 : index
    %get3A_234 = arith.constant 0 : index
    %get3A_235 = vector.load %arg4[%get3A_232, %get3A_233, %get3A_234] : memref<8x8x1024xf32, #tpu.memory_space<vmem>>, vector<1x1x1024xf32>
    %get3A_236 = vector.shape_cast %get3A_235 : vector<1x1x1024xf32> to vector<1024xf32>
    %reduce_sum3A_237 = vector.shape_cast %get3A_236 : vector<1024xf32> to vector<1x1024xf32>
    %reduce_sum3A_238 = arith.constant dense<0.000000e+00> : vector<1xf32>
    %reduce_sum3A_239 = vector.multi_reduction <add>, %reduce_sum3A_237, %reduce_sum3A_238 [1] : vector<1x1024xf32> to vector<1xf32>
    %reduce_sum3A_240 = vector.shape_cast %reduce_sum3A_239 : vector<1xf32> to vector<1x1xf32>
    %reduce_sum3A_241 = vector.extract %reduce_sum3A_240[0, 0] : f32 from vector<1x1xf32>
    %get3A_242 = arith.constant 3 : index
    %get3A_243 = arith.constant 1 : index
    %get3A_244 = arith.constant 0 : index
    %get3A_245 = vector.load %arg4[%get3A_242, %get3A_243, %get3A_244] : memref<8x8x1024xf32, #tpu.memory_space<vmem>>, vector<1x1x1024xf32>
    %get3A_246 = vector.shape_cast %get3A_245 : vector<1x1x1024xf32> to vector<1024xf32>
    %reduce_sum3A_247 = vector.shape_cast %get3A_246 : vector<1024xf32> to vector<1x1024xf32>
    %reduce_sum3A_248 = arith.constant dense<0.000000e+00> : vector<1xf32>
    %reduce_sum3A_249 = vector.multi_reduction <add>, %reduce_sum3A_247, %reduce_sum3A_248 [1] : vector<1x1024xf32> to vector<1xf32>
    %reduce_sum3A_250 = vector.shape_cast %reduce_sum3A_249 : vector<1xf32> to vector<1x1xf32>
    %reduce_sum3A_251 = vector.extract %reduce_sum3A_250[0, 0] : f32 from vector<1x1xf32>
    %get3A_252 = arith.constant 4 : index
    %get3A_253 = arith.constant 1 : index
    %get3A_254 = arith.constant 0 : index
    %get3A_255 = vector.load %arg4[%get3A_252, %get3A_253, %get3A_254] : memref<8x8x1024xf32, #tpu.memory_space<vmem>>, vector<1x1x1024xf32>
    %get3A_256 = vector.shape_cast %get3A_255 : vector<1x1x1024xf32> to vector<1024xf32>
    %reduce_sum3A_257 = vector.shape_cast %get3A_256 : vector<1024xf32> to vector<1x1024xf32>
    %reduce_sum3A_258 = arith.constant dense<0.000000e+00> : vector<1xf32>
    %reduce_sum3A_259 = vector.multi_reduction <add>, %reduce_sum3A_257, %reduce_sum3A_258 [1] : vector<1x1024xf32> to vector<1xf32>
    %reduce_sum3A_260 = vector.shape_cast %reduce_sum3A_259 : vector<1xf32> to vector<1x1xf32>
    %reduce_sum3A_261 = vector.extract %reduce_sum3A_260[0, 0] : f32 from vector<1x1xf32>
    %get3A_262 = arith.constant 5 : index
    %get3A_263 = arith.constant 1 : index
    %get3A_264 = arith.constant 0 : index
    %get3A_265 = vector.load %arg4[%get3A_262, %get3A_263, %get3A_264] : memref<8x8x1024xf32, #tpu.memory_space<vmem>>, vector<1x1x1024xf32>
    %get3A_266 = vector.shape_cast %get3A_265 : vector<1x1x1024xf32> to vector<1024xf32>
    %reduce_sum3A_267 = vector.shape_cast %get3A_266 : vector<1024xf32> to vector<1x1024xf32>
    %reduce_sum3A_268 = arith.constant dense<0.000000e+00> : vector<1xf32>
    %reduce_sum3A_269 = vector.multi_reduction <add>, %reduce_sum3A_267, %reduce_sum3A_268 [1] : vector<1x1024xf32> to vector<1xf32>
    %reduce_sum3A_270 = vector.shape_cast %reduce_sum3A_269 : vector<1xf32> to vector<1x1xf32>
    %reduce_sum3A_271 = vector.extract %reduce_sum3A_270[0, 0] : f32 from vector<1x1xf32>
    %mul3A_272 = arith.mulf %div3A_131, %reduce_sum3A_231 : f32
    %mul3A_273 = arith.mulf %sub3A_134, %reduce_sum3A_221 : f32
    %add3A_274 = arith.addf %mul3A_272, %mul3A_273 : f32
    %add3A_275 = arith.addf %reduce_sum3A_251, %reduce_sum3A_271 : f32
    %mul3A_276 = arith.mulf %div3A_131, %add3A_275 : f32
    %add3A_277 = arith.addf %reduce_sum3A_241, %reduce_sum3A_261 : f32
    %mul3A_278 = arith.mulf %sub3A_134, %add3A_277 : f32
    %add3A_279 = arith.addf %mul3A_276, %mul3A_278 : f32
    %add3A_280 = arith.constant 2.000000e-03 : f32
    %add3A_281 = arith.addf %add3A_279, %add3A_280 : f32
    %mul3A_282 = arith.constant 2.000000e+00 : f32
    %mul3A_283 = arith.mulf %mul3A_282, %add3A_274 : f32
    %div3A_284 = arith.divf %mul3A_283, %add3A_281 : f32
    %sub3A_285 = arith.constant 1.000000e+00 : f32
    %sub3A_286 = arith.subf %sub3A_285, %div3A_284 : f32
    %add3A_287 = arith.addf %add3A_211, %sub3A_286 : f32
    %get3A_288 = arith.constant 0 : index
    %get3A_289 = arith.constant 2 : index
    %get3A_290 = arith.constant 0 : index
    %get3A_291 = vector.load %arg4[%get3A_288, %get3A_289, %get3A_290] : memref<8x8x1024xf32, #tpu.memory_space<vmem>>, vector<1x1x1024xf32>
    %get3A_292 = vector.shape_cast %get3A_291 : vector<1x1x1024xf32> to vector<1024xf32>
    %reduce_sum3A_293 = vector.shape_cast %get3A_292 : vector<1024xf32> to vector<1x1024xf32>
    %reduce_sum3A_294 = arith.constant dense<0.000000e+00> : vector<1xf32>
    %reduce_sum3A_295 = vector.multi_reduction <add>, %reduce_sum3A_293, %reduce_sum3A_294 [1] : vector<1x1024xf32> to vector<1xf32>
    %reduce_sum3A_296 = vector.shape_cast %reduce_sum3A_295 : vector<1xf32> to vector<1x1xf32>
    %reduce_sum3A_297 = vector.extract %reduce_sum3A_296[0, 0] : f32 from vector<1x1xf32>
    %get3A_298 = arith.constant 1 : index
    %get3A_299 = arith.constant 2 : index
    %get3A_300 = arith.constant 0 : index
    %get3A_301 = vector.load %arg4[%get3A_298, %get3A_299, %get3A_300] : memref<8x8x1024xf32, #tpu.memory_space<vmem>>, vector<1x1x1024xf32>
    %get3A_302 = vector.shape_cast %get3A_301 : vector<1x1x1024xf32> to vector<1024xf32>
    %reduce_sum3A_303 = vector.shape_cast %get3A_302 : vector<1024xf32> to vector<1x1024xf32>
    %reduce_sum3A_304 = arith.constant dense<0.000000e+00> : vector<1xf32>
    %reduce_sum3A_305 = vector.multi_reduction <add>, %reduce_sum3A_303, %reduce_sum3A_304 [1] : vector<1x1024xf32> to vector<1xf32>
    %reduce_sum3A_306 = vector.shape_cast %reduce_sum3A_305 : vector<1xf32> to vector<1x1xf32>
    %reduce_sum3A_307 = vector.extract %reduce_sum3A_306[0, 0] : f32 from vector<1x1xf32>
    %get3A_308 = arith.constant 2 : index
    %get3A_309 = arith.constant 2 : index
    %get3A_310 = arith.constant 0 : index
    %get3A_311 = vector.load %arg4[%get3A_308, %get3A_309, %get3A_310] : memref<8x8x1024xf32, #tpu.memory_space<vmem>>, vector<1x1x1024xf32>
    %get3A_312 = vector.shape_cast %get3A_311 : vector<1x1x1024xf32> to vector<1024xf32>
    %reduce_sum3A_313 = vector.shape_cast %get3A_312 : vector<1024xf32> to vector<1x1024xf32>
    %reduce_sum3A_314 = arith.constant dense<0.000000e+00> : vector<1xf32>
    %reduce_sum3A_315 = vector.multi_reduction <add>, %reduce_sum3A_313, %reduce_sum3A_314 [1] : vector<1x1024xf32> to vector<1xf32>
    %reduce_sum3A_316 = vector.shape_cast %reduce_sum3A_315 : vector<1xf32> to vector<1x1xf32>
    %reduce_sum3A_317 = vector.extract %reduce_sum3A_316[0, 0] : f32 from vector<1x1xf32>
    %get3A_318 = arith.constant 3 : index
    %get3A_319 = arith.constant 2 : index
    %get3A_320 = arith.constant 0 : index
    %get3A_321 = vector.load %arg4[%get3A_318, %get3A_319, %get3A_320] : memref<8x8x1024xf32, #tpu.memory_space<vmem>>, vector<1x1x1024xf32>
    %get3A_322 = vector.shape_cast %get3A_321 : vector<1x1x1024xf32> to vector<1024xf32>
    %reduce_sum3A_323 = vector.shape_cast %get3A_322 : vector<1024xf32> to vector<1x1024xf32>
    %reduce_sum3A_324 = arith.constant dense<0.000000e+00> : vector<1xf32>
    %reduce_sum3A_325 = vector.multi_reduction <add>, %reduce_sum3A_323, %reduce_sum3A_324 [1] : vector<1x1024xf32> to vector<1xf32>
    %reduce_sum3A_326 = vector.shape_cast %reduce_sum3A_325 : vector<1xf32> to vector<1x1xf32>
    %reduce_sum3A_327 = vector.extract %reduce_sum3A_326[0, 0] : f32 from vector<1x1xf32>
    %get3A_328 = arith.constant 4 : index
    %get3A_329 = arith.constant 2 : index
    %get3A_330 = arith.constant 0 : index
    %get3A_331 = vector.load %arg4[%get3A_328, %get3A_329, %get3A_330] : memref<8x8x1024xf32, #tpu.memory_space<vmem>>, vector<1x1x1024xf32>
    %get3A_332 = vector.shape_cast %get3A_331 : vector<1x1x1024xf32> to vector<1024xf32>
    %reduce_sum3A_333 = vector.shape_cast %get3A_332 : vector<1024xf32> to vector<1x1024xf32>
    %reduce_sum3A_334 = arith.constant dense<0.000000e+00> : vector<1xf32>
    %reduce_sum3A_335 = vector.multi_reduction <add>, %reduce_sum3A_333, %reduce_sum3A_334 [1] : vector<1x1024xf32> to vector<1xf32>
    %reduce_sum3A_336 = vector.shape_cast %reduce_sum3A_335 : vector<1xf32> to vector<1x1xf32>
    %reduce_sum3A_337 = vector.extract %reduce_sum3A_336[0, 0] : f32 from vector<1x1xf32>
    %get3A_338 = arith.constant 5 : index
    %get3A_339 = arith.constant 2 : index
    %get3A_340 = arith.constant 0 : index
    %get3A_341 = vector.load %arg4[%get3A_338, %get3A_339, %get3A_340] : memref<8x8x1024xf32, #tpu.memory_space<vmem>>, vector<1x1x1024xf32>
    %get3A_342 = vector.shape_cast %get3A_341 : vector<1x1x1024xf32> to vector<1024xf32>
    %reduce_sum3A_343 = vector.shape_cast %get3A_342 : vector<1024xf32> to vector<1x1024xf32>
    %reduce_sum3A_344 = arith.constant dense<0.000000e+00> : vector<1xf32>
    %reduce_sum3A_345 = vector.multi_reduction <add>, %reduce_sum3A_343, %reduce_sum3A_344 [1] : vector<1x1024xf32> to vector<1xf32>
    %reduce_sum3A_346 = vector.shape_cast %reduce_sum3A_345 : vector<1xf32> to vector<1x1xf32>
    %reduce_sum3A_347 = vector.extract %reduce_sum3A_346[0, 0] : f32 from vector<1x1xf32>
    %mul3A_348 = arith.mulf %div3A_131, %reduce_sum3A_307 : f32
    %mul3A_349 = arith.mulf %sub3A_134, %reduce_sum3A_297 : f32
    %add3A_350 = arith.addf %mul3A_348, %mul3A_349 : f32
    %add3A_351 = arith.addf %reduce_sum3A_327, %reduce_sum3A_347 : f32
    %mul3A_352 = arith.mulf %div3A_131, %add3A_351 : f32
    %add3A_353 = arith.addf %reduce_sum3A_317, %reduce_sum3A_337 : f32
    %mul3A_354 = arith.mulf %sub3A_134, %add3A_353 : f32
    %add3A_355 = arith.addf %mul3A_352, %mul3A_354 : f32
    %add3A_356 = arith.constant 2.000000e-03 : f32
    %add3A_357 = arith.addf %add3A_355, %add3A_356 : f32
    %mul3A_358 = arith.constant 2.000000e+00 : f32
    %mul3A_359 = arith.mulf %mul3A_358, %add3A_350 : f32
    %div3A_360 = arith.divf %mul3A_359, %add3A_357 : f32
    %sub3A_361 = arith.constant 1.000000e+00 : f32
    %sub3A_362 = arith.subf %sub3A_361, %div3A_360 : f32
    %add3A_363 = arith.addf %add3A_287, %sub3A_362 : f32
    %get3A_364 = arith.constant 0 : index
    %get3A_365 = arith.constant 3 : index
    %get3A_366 = arith.constant 0 : index
    %get3A_367 = vector.load %arg4[%get3A_364, %get3A_365, %get3A_366] : memref<8x8x1024xf32, #tpu.memory_space<vmem>>, vector<1x1x1024xf32>
    %get3A_368 = vector.shape_cast %get3A_367 : vector<1x1x1024xf32> to vector<1024xf32>
    %reduce_sum3A_369 = vector.shape_cast %get3A_368 : vector<1024xf32> to vector<1x1024xf32>
    %reduce_sum3A_370 = arith.constant dense<0.000000e+00> : vector<1xf32>
    %reduce_sum3A_371 = vector.multi_reduction <add>, %reduce_sum3A_369, %reduce_sum3A_370 [1] : vector<1x1024xf32> to vector<1xf32>
    %reduce_sum3A_372 = vector.shape_cast %reduce_sum3A_371 : vector<1xf32> to vector<1x1xf32>
    %reduce_sum3A_373 = vector.extract %reduce_sum3A_372[0, 0] : f32 from vector<1x1xf32>
    %get3A_374 = arith.constant 1 : index
    %get3A_375 = arith.constant 3 : index
    %get3A_376 = arith.constant 0 : index
    %get3A_377 = vector.load %arg4[%get3A_374, %get3A_375, %get3A_376] : memref<8x8x1024xf32, #tpu.memory_space<vmem>>, vector<1x1x1024xf32>
    %get3A_378 = vector.shape_cast %get3A_377 : vector<1x1x1024xf32> to vector<1024xf32>
    %reduce_sum3A_379 = vector.shape_cast %get3A_378 : vector<1024xf32> to vector<1x1024xf32>
    %reduce_sum3A_380 = arith.constant dense<0.000000e+00> : vector<1xf32>
    %reduce_sum3A_381 = vector.multi_reduction <add>, %reduce_sum3A_379, %reduce_sum3A_380 [1] : vector<1x1024xf32> to vector<1xf32>
    %reduce_sum3A_382 = vector.shape_cast %reduce_sum3A_381 : vector<1xf32> to vector<1x1xf32>
    %reduce_sum3A_383 = vector.extract %reduce_sum3A_382[0, 0] : f32 from vector<1x1xf32>
    %get3A_384 = arith.constant 2 : index
    %get3A_385 = arith.constant 3 : index
    %get3A_386 = arith.constant 0 : index
    %get3A_387 = vector.load %arg4[%get3A_384, %get3A_385, %get3A_386] : memref<8x8x1024xf32, #tpu.memory_space<vmem>>, vector<1x1x1024xf32>
    %get3A_388 = vector.shape_cast %get3A_387 : vector<1x1x1024xf32> to vector<1024xf32>
    %reduce_sum3A_389 = vector.shape_cast %get3A_388 : vector<1024xf32> to vector<1x1024xf32>
    %reduce_sum3A_390 = arith.constant dense<0.000000e+00> : vector<1xf32>
    %reduce_sum3A_391 = vector.multi_reduction <add>, %reduce_sum3A_389, %reduce_sum3A_390 [1] : vector<1x1024xf32> to vector<1xf32>
    %reduce_sum3A_392 = vector.shape_cast %reduce_sum3A_391 : vector<1xf32> to vector<1x1xf32>
    %reduce_sum3A_393 = vector.extract %reduce_sum3A_392[0, 0] : f32 from vector<1x1xf32>
    %get3A_394 = arith.constant 3 : index
    %get3A_395 = arith.constant 3 : index
    %get3A_396 = arith.constant 0 : index
    %get3A_397 = vector.load %arg4[%get3A_394, %get3A_395, %get3A_396] : memref<8x8x1024xf32, #tpu.memory_space<vmem>>, vector<1x1x1024xf32>
    %get3A_398 = vector.shape_cast %get3A_397 : vector<1x1x1024xf32> to vector<1024xf32>
    %reduce_sum3A_399 = vector.shape_cast %get3A_398 : vector<1024xf32> to vector<1x1024xf32>
    %reduce_sum3A_400 = arith.constant dense<0.000000e+00> : vector<1xf32>
    %reduce_sum3A_401 = vector.multi_reduction <add>, %reduce_sum3A_399, %reduce_sum3A_400 [1] : vector<1x1024xf32> to vector<1xf32>
    %reduce_sum3A_402 = vector.shape_cast %reduce_sum3A_401 : vector<1xf32> to vector<1x1xf32>
    %reduce_sum3A_403 = vector.extract %reduce_sum3A_402[0, 0] : f32 from vector<1x1xf32>
    %get3A_404 = arith.constant 4 : index
    %get3A_405 = arith.constant 3 : index
    %get3A_406 = arith.constant 0 : index
    %get3A_407 = vector.load %arg4[%get3A_404, %get3A_405, %get3A_406] : memref<8x8x1024xf32, #tpu.memory_space<vmem>>, vector<1x1x1024xf32>
    %get3A_408 = vector.shape_cast %get3A_407 : vector<1x1x1024xf32> to vector<1024xf32>
    %reduce_sum3A_409 = vector.shape_cast %get3A_408 : vector<1024xf32> to vector<1x1024xf32>
    %reduce_sum3A_410 = arith.constant dense<0.000000e+00> : vector<1xf32>
    %reduce_sum3A_411 = vector.multi_reduction <add>, %reduce_sum3A_409, %reduce_sum3A_410 [1] : vector<1x1024xf32> to vector<1xf32>
    %reduce_sum3A_412 = vector.shape_cast %reduce_sum3A_411 : vector<1xf32> to vector<1x1xf32>
    %reduce_sum3A_413 = vector.extract %reduce_sum3A_412[0, 0] : f32 from vector<1x1xf32>
    %get3A_414 = arith.constant 5 : index
    %get3A_415 = arith.constant 3 : index
    %get3A_416 = arith.constant 0 : index
    %get3A_417 = vector.load %arg4[%get3A_414, %get3A_415, %get3A_416] : memref<8x8x1024xf32, #tpu.memory_space<vmem>>, vector<1x1x1024xf32>
    %get3A_418 = vector.shape_cast %get3A_417 : vector<1x1x1024xf32> to vector<1024xf32>
    %reduce_sum3A_419 = vector.shape_cast %get3A_418 : vector<1024xf32> to vector<1x1024xf32>
    %reduce_sum3A_420 = arith.constant dense<0.000000e+00> : vector<1xf32>
    %reduce_sum3A_421 = vector.multi_reduction <add>, %reduce_sum3A_419, %reduce_sum3A_420 [1] : vector<1x1024xf32> to vector<1xf32>
    %reduce_sum3A_422 = vector.shape_cast %reduce_sum3A_421 : vector<1xf32> to vector<1x1xf32>
    %reduce_sum3A_423 = vector.extract %reduce_sum3A_422[0, 0] : f32 from vector<1x1xf32>
    %mul3A_424 = arith.mulf %div3A_131, %reduce_sum3A_383 : f32
    %mul3A_425 = arith.mulf %sub3A_134, %reduce_sum3A_373 : f32
    %add3A_426 = arith.addf %mul3A_424, %mul3A_425 : f32
    %add3A_427 = arith.addf %reduce_sum3A_403, %reduce_sum3A_423 : f32
    %mul3A_428 = arith.mulf %div3A_131, %add3A_427 : f32
    %add3A_429 = arith.addf %reduce_sum3A_393, %reduce_sum3A_413 : f32
    %mul3A_430 = arith.mulf %sub3A_134, %add3A_429 : f32
    %add3A_431 = arith.addf %mul3A_428, %mul3A_430 : f32
    %add3A_432 = arith.constant 2.000000e-03 : f32
    %add3A_433 = arith.addf %add3A_431, %add3A_432 : f32
    %mul3A_434 = arith.constant 2.000000e+00 : f32
    %mul3A_435 = arith.mulf %mul3A_434, %add3A_426 : f32
    %div3A_436 = arith.divf %mul3A_435, %add3A_433 : f32
    %sub3A_437 = arith.constant 1.000000e+00 : f32
    %sub3A_438 = arith.subf %sub3A_437, %div3A_436 : f32
    %add3A_439 = arith.addf %add3A_363, %sub3A_438 : f32
    %get3A_440 = arith.constant 0 : index
    %get3A_441 = arith.constant 4 : index
    %get3A_442 = arith.constant 0 : index
    %get3A_443 = vector.load %arg4[%get3A_440, %get3A_441, %get3A_442] : memref<8x8x1024xf32, #tpu.memory_space<vmem>>, vector<1x1x1024xf32>
    %get3A_444 = vector.shape_cast %get3A_443 : vector<1x1x1024xf32> to vector<1024xf32>
    %reduce_sum3A_445 = vector.shape_cast %get3A_444 : vector<1024xf32> to vector<1x1024xf32>
    %reduce_sum3A_446 = arith.constant dense<0.000000e+00> : vector<1xf32>
    %reduce_sum3A_447 = vector.multi_reduction <add>, %reduce_sum3A_445, %reduce_sum3A_446 [1] : vector<1x1024xf32> to vector<1xf32>
    %reduce_sum3A_448 = vector.shape_cast %reduce_sum3A_447 : vector<1xf32> to vector<1x1xf32>
    %reduce_sum3A_449 = vector.extract %reduce_sum3A_448[0, 0] : f32 from vector<1x1xf32>
    %get3A_450 = arith.constant 1 : index
    %get3A_451 = arith.constant 4 : index
    %get3A_452 = arith.constant 0 : index
    %get3A_453 = vector.load %arg4[%get3A_450, %get3A_451, %get3A_452] : memref<8x8x1024xf32, #tpu.memory_space<vmem>>, vector<1x1x1024xf32>
    %get3A_454 = vector.shape_cast %get3A_453 : vector<1x1x1024xf32> to vector<1024xf32>
    %reduce_sum3A_455 = vector.shape_cast %get3A_454 : vector<1024xf32> to vector<1x1024xf32>
    %reduce_sum3A_456 = arith.constant dense<0.000000e+00> : vector<1xf32>
    %reduce_sum3A_457 = vector.multi_reduction <add>, %reduce_sum3A_455, %reduce_sum3A_456 [1] : vector<1x1024xf32> to vector<1xf32>
    %reduce_sum3A_458 = vector.shape_cast %reduce_sum3A_457 : vector<1xf32> to vector<1x1xf32>
    %reduce_sum3A_459 = vector.extract %reduce_sum3A_458[0, 0] : f32 from vector<1x1xf32>
    %get3A_460 = arith.constant 2 : index
    %get3A_461 = arith.constant 4 : index
    %get3A_462 = arith.constant 0 : index
    %get3A_463 = vector.load %arg4[%get3A_460, %get3A_461, %get3A_462] : memref<8x8x1024xf32, #tpu.memory_space<vmem>>, vector<1x1x1024xf32>
    %get3A_464 = vector.shape_cast %get3A_463 : vector<1x1x1024xf32> to vector<1024xf32>
    %reduce_sum3A_465 = vector.shape_cast %get3A_464 : vector<1024xf32> to vector<1x1024xf32>
    %reduce_sum3A_466 = arith.constant dense<0.000000e+00> : vector<1xf32>
    %reduce_sum3A_467 = vector.multi_reduction <add>, %reduce_sum3A_465, %reduce_sum3A_466 [1] : vector<1x1024xf32> to vector<1xf32>
    %reduce_sum3A_468 = vector.shape_cast %reduce_sum3A_467 : vector<1xf32> to vector<1x1xf32>
    %reduce_sum3A_469 = vector.extract %reduce_sum3A_468[0, 0] : f32 from vector<1x1xf32>
    %get3A_470 = arith.constant 3 : index
    %get3A_471 = arith.constant 4 : index
    %get3A_472 = arith.constant 0 : index
    %get3A_473 = vector.load %arg4[%get3A_470, %get3A_471, %get3A_472] : memref<8x8x1024xf32, #tpu.memory_space<vmem>>, vector<1x1x1024xf32>
    %get3A_474 = vector.shape_cast %get3A_473 : vector<1x1x1024xf32> to vector<1024xf32>
    %reduce_sum3A_475 = vector.shape_cast %get3A_474 : vector<1024xf32> to vector<1x1024xf32>
    %reduce_sum3A_476 = arith.constant dense<0.000000e+00> : vector<1xf32>
    %reduce_sum3A_477 = vector.multi_reduction <add>, %reduce_sum3A_475, %reduce_sum3A_476 [1] : vector<1x1024xf32> to vector<1xf32>
    %reduce_sum3A_478 = vector.shape_cast %reduce_sum3A_477 : vector<1xf32> to vector<1x1xf32>
    %reduce_sum3A_479 = vector.extract %reduce_sum3A_478[0, 0] : f32 from vector<1x1xf32>
    %get3A_480 = arith.constant 4 : index
    %get3A_481 = arith.constant 4 : index
    %get3A_482 = arith.constant 0 : index
    %get3A_483 = vector.load %arg4[%get3A_480, %get3A_481, %get3A_482] : memref<8x8x1024xf32, #tpu.memory_space<vmem>>, vector<1x1x1024xf32>
    %get3A_484 = vector.shape_cast %get3A_483 : vector<1x1x1024xf32> to vector<1024xf32>
    %reduce_sum3A_485 = vector.shape_cast %get3A_484 : vector<1024xf32> to vector<1x1024xf32>
    %reduce_sum3A_486 = arith.constant dense<0.000000e+00> : vector<1xf32>
    %reduce_sum3A_487 = vector.multi_reduction <add>, %reduce_sum3A_485, %reduce_sum3A_486 [1] : vector<1x1024xf32> to vector<1xf32>
    %reduce_sum3A_488 = vector.shape_cast %reduce_sum3A_487 : vector<1xf32> to vector<1x1xf32>
    %reduce_sum3A_489 = vector.extract %reduce_sum3A_488[0, 0] : f32 from vector<1x1xf32>
    %get3A_490 = arith.constant 5 : index
    %get3A_491 = arith.constant 4 : index
    %get3A_492 = arith.constant 0 : index
    %get3A_493 = vector.load %arg4[%get3A_490, %get3A_491, %get3A_492] : memref<8x8x1024xf32, #tpu.memory_space<vmem>>, vector<1x1x1024xf32>
    %get3A_494 = vector.shape_cast %get3A_493 : vector<1x1x1024xf32> to vector<1024xf32>
    %reduce_sum3A_495 = vector.shape_cast %get3A_494 : vector<1024xf32> to vector<1x1024xf32>
    %reduce_sum3A_496 = arith.constant dense<0.000000e+00> : vector<1xf32>
    %reduce_sum3A_497 = vector.multi_reduction <add>, %reduce_sum3A_495, %reduce_sum3A_496 [1] : vector<1x1024xf32> to vector<1xf32>
    %reduce_sum3A_498 = vector.shape_cast %reduce_sum3A_497 : vector<1xf32> to vector<1x1xf32>
    %reduce_sum3A_499 = vector.extract %reduce_sum3A_498[0, 0] : f32 from vector<1x1xf32>
    %mul3A_500 = arith.mulf %div3A_131, %reduce_sum3A_459 : f32
    %mul3A_501 = arith.mulf %sub3A_134, %reduce_sum3A_449 : f32
    %add3A_502 = arith.addf %mul3A_500, %mul3A_501 : f32
    %add3A_503 = arith.addf %reduce_sum3A_479, %reduce_sum3A_499 : f32
    %mul3A_504 = arith.mulf %div3A_131, %add3A_503 : f32
    %add3A_505 = arith.addf %reduce_sum3A_469, %reduce_sum3A_489 : f32
    %mul3A_506 = arith.mulf %sub3A_134, %add3A_505 : f32
    %add3A_507 = arith.addf %mul3A_504, %mul3A_506 : f32
    %add3A_508 = arith.constant 2.000000e-03 : f32
    %add3A_509 = arith.addf %add3A_507, %add3A_508 : f32
    %mul3A_510 = arith.constant 2.000000e+00 : f32
    %mul3A_511 = arith.mulf %mul3A_510, %add3A_502 : f32
    %div3A_512 = arith.divf %mul3A_511, %add3A_509 : f32
    %sub3A_513 = arith.constant 1.000000e+00 : f32
    %sub3A_514 = arith.subf %sub3A_513, %div3A_512 : f32
    %add3A_515 = arith.addf %add3A_439, %sub3A_514 : f32
    %get3A_516 = arith.constant 0 : index
    %get3A_517 = arith.constant 5 : index
    %get3A_518 = arith.constant 0 : index
    %get3A_519 = vector.load %arg4[%get3A_516, %get3A_517, %get3A_518] : memref<8x8x1024xf32, #tpu.memory_space<vmem>>, vector<1x1x1024xf32>
    %get3A_520 = vector.shape_cast %get3A_519 : vector<1x1x1024xf32> to vector<1024xf32>
    %reduce_sum3A_521 = vector.shape_cast %get3A_520 : vector<1024xf32> to vector<1x1024xf32>
    %reduce_sum3A_522 = arith.constant dense<0.000000e+00> : vector<1xf32>
    %reduce_sum3A_523 = vector.multi_reduction <add>, %reduce_sum3A_521, %reduce_sum3A_522 [1] : vector<1x1024xf32> to vector<1xf32>
    %reduce_sum3A_524 = vector.shape_cast %reduce_sum3A_523 : vector<1xf32> to vector<1x1xf32>
    %reduce_sum3A_525 = vector.extract %reduce_sum3A_524[0, 0] : f32 from vector<1x1xf32>
    %get3A_526 = arith.constant 1 : index
    %get3A_527 = arith.constant 5 : index
    %get3A_528 = arith.constant 0 : index
    %get3A_529 = vector.load %arg4[%get3A_526, %get3A_527, %get3A_528] : memref<8x8x1024xf32, #tpu.memory_space<vmem>>, vector<1x1x1024xf32>
    %get3A_530 = vector.shape_cast %get3A_529 : vector<1x1x1024xf32> to vector<1024xf32>
    %reduce_sum3A_531 = vector.shape_cast %get3A_530 : vector<1024xf32> to vector<1x1024xf32>
    %reduce_sum3A_532 = arith.constant dense<0.000000e+00> : vector<1xf32>
    %reduce_sum3A_533 = vector.multi_reduction <add>, %reduce_sum3A_531, %reduce_sum3A_532 [1] : vector<1x1024xf32> to vector<1xf32>
    %reduce_sum3A_534 = vector.shape_cast %reduce_sum3A_533 : vector<1xf32> to vector<1x1xf32>
    %reduce_sum3A_535 = vector.extract %reduce_sum3A_534[0, 0] : f32 from vector<1x1xf32>
    %get3A_536 = arith.constant 2 : index
    %get3A_537 = arith.constant 5 : index
    %get3A_538 = arith.constant 0 : index
    %get3A_539 = vector.load %arg4[%get3A_536, %get3A_537, %get3A_538] : memref<8x8x1024xf32, #tpu.memory_space<vmem>>, vector<1x1x1024xf32>
    %get3A_540 = vector.shape_cast %get3A_539 : vector<1x1x1024xf32> to vector<1024xf32>
    %reduce_sum3A_541 = vector.shape_cast %get3A_540 : vector<1024xf32> to vector<1x1024xf32>
    %reduce_sum3A_542 = arith.constant dense<0.000000e+00> : vector<1xf32>
    %reduce_sum3A_543 = vector.multi_reduction <add>, %reduce_sum3A_541, %reduce_sum3A_542 [1] : vector<1x1024xf32> to vector<1xf32>
    %reduce_sum3A_544 = vector.shape_cast %reduce_sum3A_543 : vector<1xf32> to vector<1x1xf32>
    %reduce_sum3A_545 = vector.extract %reduce_sum3A_544[0, 0] : f32 from vector<1x1xf32>
    %get3A_546 = arith.constant 3 : index
    %get3A_547 = arith.constant 5 : index
    %get3A_548 = arith.constant 0 : index
    %get3A_549 = vector.load %arg4[%get3A_546, %get3A_547, %get3A_548] : memref<8x8x1024xf32, #tpu.memory_space<vmem>>, vector<1x1x1024xf32>
    %get3A_550 = vector.shape_cast %get3A_549 : vector<1x1x1024xf32> to vector<1024xf32>
    %reduce_sum3A_551 = vector.shape_cast %get3A_550 : vector<1024xf32> to vector<1x1024xf32>
    %reduce_sum3A_552 = arith.constant dense<0.000000e+00> : vector<1xf32>
    %reduce_sum3A_553 = vector.multi_reduction <add>, %reduce_sum3A_551, %reduce_sum3A_552 [1] : vector<1x1024xf32> to vector<1xf32>
    %reduce_sum3A_554 = vector.shape_cast %reduce_sum3A_553 : vector<1xf32> to vector<1x1xf32>
    %reduce_sum3A_555 = vector.extract %reduce_sum3A_554[0, 0] : f32 from vector<1x1xf32>
    %get3A_556 = arith.constant 4 : index
    %get3A_557 = arith.constant 5 : index
    %get3A_558 = arith.constant 0 : index
    %get3A_559 = vector.load %arg4[%get3A_556, %get3A_557, %get3A_558] : memref<8x8x1024xf32, #tpu.memory_space<vmem>>, vector<1x1x1024xf32>
    %get3A_560 = vector.shape_cast %get3A_559 : vector<1x1x1024xf32> to vector<1024xf32>
    %reduce_sum3A_561 = vector.shape_cast %get3A_560 : vector<1024xf32> to vector<1x1024xf32>
    %reduce_sum3A_562 = arith.constant dense<0.000000e+00> : vector<1xf32>
    %reduce_sum3A_563 = vector.multi_reduction <add>, %reduce_sum3A_561, %reduce_sum3A_562 [1] : vector<1x1024xf32> to vector<1xf32>
    %reduce_sum3A_564 = vector.shape_cast %reduce_sum3A_563 : vector<1xf32> to vector<1x1xf32>
    %reduce_sum3A_565 = vector.extract %reduce_sum3A_564[0, 0] : f32 from vector<1x1xf32>
    %get3A_566 = arith.constant 5 : index
    %get3A_567 = arith.constant 5 : index
    %get3A_568 = arith.constant 0 : index
    %get3A_569 = vector.load %arg4[%get3A_566, %get3A_567, %get3A_568] : memref<8x8x1024xf32, #tpu.memory_space<vmem>>, vector<1x1x1024xf32>
    %get3A_570 = vector.shape_cast %get3A_569 : vector<1x1x1024xf32> to vector<1024xf32>
    %reduce_sum3A_571 = vector.shape_cast %get3A_570 : vector<1024xf32> to vector<1x1024xf32>
    %reduce_sum3A_572 = arith.constant dense<0.000000e+00> : vector<1xf32>
    %reduce_sum3A_573 = vector.multi_reduction <add>, %reduce_sum3A_571, %reduce_sum3A_572 [1] : vector<1x1024xf32> to vector<1xf32>
    %reduce_sum3A_574 = vector.shape_cast %reduce_sum3A_573 : vector<1xf32> to vector<1x1xf32>
    %reduce_sum3A_575 = vector.extract %reduce_sum3A_574[0, 0] : f32 from vector<1x1xf32>
    %mul3A_576 = arith.mulf %div3A_131, %reduce_sum3A_535 : f32
    %mul3A_577 = arith.mulf %sub3A_134, %reduce_sum3A_525 : f32
    %add3A_578 = arith.addf %mul3A_576, %mul3A_577 : f32
    %add3A_579 = arith.addf %reduce_sum3A_555, %reduce_sum3A_575 : f32
    %mul3A_580 = arith.mulf %div3A_131, %add3A_579 : f32
    %add3A_581 = arith.addf %reduce_sum3A_545, %reduce_sum3A_565 : f32
    %mul3A_582 = arith.mulf %sub3A_134, %add3A_581 : f32
    %add3A_583 = arith.addf %mul3A_580, %mul3A_582 : f32
    %add3A_584 = arith.constant 2.000000e-03 : f32
    %add3A_585 = arith.addf %add3A_583, %add3A_584 : f32
    %mul3A_586 = arith.constant 2.000000e+00 : f32
    %mul3A_587 = arith.mulf %mul3A_586, %add3A_578 : f32
    %div3A_588 = arith.divf %mul3A_587, %add3A_585 : f32
    %sub3A_589 = arith.constant 1.000000e+00 : f32
    %sub3A_590 = arith.subf %sub3A_589, %div3A_588 : f32
    %add3A_591 = arith.addf %add3A_515, %sub3A_590 : f32
    %get3A_592 = arith.constant 0 : index
    %get3A_593 = arith.constant 6 : index
    %get3A_594 = arith.constant 0 : index
    %get3A_595 = vector.load %arg4[%get3A_592, %get3A_593, %get3A_594] : memref<8x8x1024xf32, #tpu.memory_space<vmem>>, vector<1x1x1024xf32>
    %get3A_596 = vector.shape_cast %get3A_595 : vector<1x1x1024xf32> to vector<1024xf32>
    %reduce_sum3A_597 = vector.shape_cast %get3A_596 : vector<1024xf32> to vector<1x1024xf32>
    %reduce_sum3A_598 = arith.constant dense<0.000000e+00> : vector<1xf32>
    %reduce_sum3A_599 = vector.multi_reduction <add>, %reduce_sum3A_597, %reduce_sum3A_598 [1] : vector<1x1024xf32> to vector<1xf32>
    %reduce_sum3A_600 = vector.shape_cast %reduce_sum3A_599 : vector<1xf32> to vector<1x1xf32>
    %reduce_sum3A_601 = vector.extract %reduce_sum3A_600[0, 0] : f32 from vector<1x1xf32>
    %get3A_602 = arith.constant 1 : index
    %get3A_603 = arith.constant 6 : index
    %get3A_604 = arith.constant 0 : index
    %get3A_605 = vector.load %arg4[%get3A_602, %get3A_603, %get3A_604] : memref<8x8x1024xf32, #tpu.memory_space<vmem>>, vector<1x1x1024xf32>
    %get3A_606 = vector.shape_cast %get3A_605 : vector<1x1x1024xf32> to vector<1024xf32>
    %reduce_sum3A_607 = vector.shape_cast %get3A_606 : vector<1024xf32> to vector<1x1024xf32>
    %reduce_sum3A_608 = arith.constant dense<0.000000e+00> : vector<1xf32>
    %reduce_sum3A_609 = vector.multi_reduction <add>, %reduce_sum3A_607, %reduce_sum3A_608 [1] : vector<1x1024xf32> to vector<1xf32>
    %reduce_sum3A_610 = vector.shape_cast %reduce_sum3A_609 : vector<1xf32> to vector<1x1xf32>
    %reduce_sum3A_611 = vector.extract %reduce_sum3A_610[0, 0] : f32 from vector<1x1xf32>
    %get3A_612 = arith.constant 2 : index
    %get3A_613 = arith.constant 6 : index
    %get3A_614 = arith.constant 0 : index
    %get3A_615 = vector.load %arg4[%get3A_612, %get3A_613, %get3A_614] : memref<8x8x1024xf32, #tpu.memory_space<vmem>>, vector<1x1x1024xf32>
    %get3A_616 = vector.shape_cast %get3A_615 : vector<1x1x1024xf32> to vector<1024xf32>
    %reduce_sum3A_617 = vector.shape_cast %get3A_616 : vector<1024xf32> to vector<1x1024xf32>
    %reduce_sum3A_618 = arith.constant dense<0.000000e+00> : vector<1xf32>
    %reduce_sum3A_619 = vector.multi_reduction <add>, %reduce_sum3A_617, %reduce_sum3A_618 [1] : vector<1x1024xf32> to vector<1xf32>
    %reduce_sum3A_620 = vector.shape_cast %reduce_sum3A_619 : vector<1xf32> to vector<1x1xf32>
    %reduce_sum3A_621 = vector.extract %reduce_sum3A_620[0, 0] : f32 from vector<1x1xf32>
    %get3A_622 = arith.constant 3 : index
    %get3A_623 = arith.constant 6 : index
    %get3A_624 = arith.constant 0 : index
    %get3A_625 = vector.load %arg4[%get3A_622, %get3A_623, %get3A_624] : memref<8x8x1024xf32, #tpu.memory_space<vmem>>, vector<1x1x1024xf32>
    %get3A_626 = vector.shape_cast %get3A_625 : vector<1x1x1024xf32> to vector<1024xf32>
    %reduce_sum3A_627 = vector.shape_cast %get3A_626 : vector<1024xf32> to vector<1x1024xf32>
    %reduce_sum3A_628 = arith.constant dense<0.000000e+00> : vector<1xf32>
    %reduce_sum3A_629 = vector.multi_reduction <add>, %reduce_sum3A_627, %reduce_sum3A_628 [1] : vector<1x1024xf32> to vector<1xf32>
    %reduce_sum3A_630 = vector.shape_cast %reduce_sum3A_629 : vector<1xf32> to vector<1x1xf32>
    %reduce_sum3A_631 = vector.extract %reduce_sum3A_630[0, 0] : f32 from vector<1x1xf32>
    %get3A_632 = arith.constant 4 : index
    %get3A_633 = arith.constant 6 : index
    %get3A_634 = arith.constant 0 : index
    %get3A_635 = vector.load %arg4[%get3A_632, %get3A_633, %get3A_634] : memref<8x8x1024xf32, #tpu.memory_space<vmem>>, vector<1x1x1024xf32>
    %get3A_636 = vector.shape_cast %get3A_635 : vector<1x1x1024xf32> to vector<1024xf32>
    %reduce_sum3A_637 = vector.shape_cast %get3A_636 : vector<1024xf32> to vector<1x1024xf32>
    %reduce_sum3A_638 = arith.constant dense<0.000000e+00> : vector<1xf32>
    %reduce_sum3A_639 = vector.multi_reduction <add>, %reduce_sum3A_637, %reduce_sum3A_638 [1] : vector<1x1024xf32> to vector<1xf32>
    %reduce_sum3A_640 = vector.shape_cast %reduce_sum3A_639 : vector<1xf32> to vector<1x1xf32>
    %reduce_sum3A_641 = vector.extract %reduce_sum3A_640[0, 0] : f32 from vector<1x1xf32>
    %get3A_642 = arith.constant 5 : index
    %get3A_643 = arith.constant 6 : index
    %get3A_644 = arith.constant 0 : index
    %get3A_645 = vector.load %arg4[%get3A_642, %get3A_643, %get3A_644] : memref<8x8x1024xf32, #tpu.memory_space<vmem>>, vector<1x1x1024xf32>
    %get3A_646 = vector.shape_cast %get3A_645 : vector<1x1x1024xf32> to vector<1024xf32>
    %reduce_sum3A_647 = vector.shape_cast %get3A_646 : vector<1024xf32> to vector<1x1024xf32>
    %reduce_sum3A_648 = arith.constant dense<0.000000e+00> : vector<1xf32>
    %reduce_sum3A_649 = vector.multi_reduction <add>, %reduce_sum3A_647, %reduce_sum3A_648 [1] : vector<1x1024xf32> to vector<1xf32>
    %reduce_sum3A_650 = vector.shape_cast %reduce_sum3A_649 : vector<1xf32> to vector<1x1xf32>
    %reduce_sum3A_651 = vector.extract %reduce_sum3A_650[0, 0] : f32 from vector<1x1xf32>
    %mul3A_652 = arith.mulf %div3A_131, %reduce_sum3A_611 : f32
    %mul3A_653 = arith.mulf %sub3A_134, %reduce_sum3A_601 : f32
    %add3A_654 = arith.addf %mul3A_652, %mul3A_653 : f32
    %add3A_655 = arith.addf %reduce_sum3A_631, %reduce_sum3A_651 : f32
    %mul3A_656 = arith.mulf %div3A_131, %add3A_655 : f32
    %add3A_657 = arith.addf %reduce_sum3A_621, %reduce_sum3A_641 : f32
    %mul3A_658 = arith.mulf %sub3A_134, %add3A_657 : f32
    %add3A_659 = arith.addf %mul3A_656, %mul3A_658 : f32
    %add3A_660 = arith.constant 2.000000e-03 : f32
    %add3A_661 = arith.addf %add3A_659, %add3A_660 : f32
    %mul3A_662 = arith.constant 2.000000e+00 : f32
    %mul3A_663 = arith.mulf %mul3A_662, %add3A_654 : f32
    %div3A_664 = arith.divf %mul3A_663, %add3A_661 : f32
    %sub3A_665 = arith.constant 1.000000e+00 : f32
    %sub3A_666 = arith.subf %sub3A_665, %div3A_664 : f32
    %add3A_667 = arith.addf %add3A_591, %sub3A_666 : f32
    %get3A_668 = arith.constant 0 : index
    %get3A_669 = arith.constant 7 : index
    %get3A_670 = arith.constant 0 : index
    %get3A_671 = vector.load %arg4[%get3A_668, %get3A_669, %get3A_670] : memref<8x8x1024xf32, #tpu.memory_space<vmem>>, vector<1x1x1024xf32>
    %get3A_672 = vector.shape_cast %get3A_671 : vector<1x1x1024xf32> to vector<1024xf32>
    %reduce_sum3A_673 = vector.shape_cast %get3A_672 : vector<1024xf32> to vector<1x1024xf32>
    %reduce_sum3A_674 = arith.constant dense<0.000000e+00> : vector<1xf32>
    %reduce_sum3A_675 = vector.multi_reduction <add>, %reduce_sum3A_673, %reduce_sum3A_674 [1] : vector<1x1024xf32> to vector<1xf32>
    %reduce_sum3A_676 = vector.shape_cast %reduce_sum3A_675 : vector<1xf32> to vector<1x1xf32>
    %reduce_sum3A_677 = vector.extract %reduce_sum3A_676[0, 0] : f32 from vector<1x1xf32>
    %get3A_678 = arith.constant 1 : index
    %get3A_679 = arith.constant 7 : index
    %get3A_680 = arith.constant 0 : index
    %get3A_681 = vector.load %arg4[%get3A_678, %get3A_679, %get3A_680] : memref<8x8x1024xf32, #tpu.memory_space<vmem>>, vector<1x1x1024xf32>
    %get3A_682 = vector.shape_cast %get3A_681 : vector<1x1x1024xf32> to vector<1024xf32>
    %reduce_sum3A_683 = vector.shape_cast %get3A_682 : vector<1024xf32> to vector<1x1024xf32>
    %reduce_sum3A_684 = arith.constant dense<0.000000e+00> : vector<1xf32>
    %reduce_sum3A_685 = vector.multi_reduction <add>, %reduce_sum3A_683, %reduce_sum3A_684 [1] : vector<1x1024xf32> to vector<1xf32>
    %reduce_sum3A_686 = vector.shape_cast %reduce_sum3A_685 : vector<1xf32> to vector<1x1xf32>
    %reduce_sum3A_687 = vector.extract %reduce_sum3A_686[0, 0] : f32 from vector<1x1xf32>
    %get3A_688 = arith.constant 2 : index
    %get3A_689 = arith.constant 7 : index
    %get3A_690 = arith.constant 0 : index
    %get3A_691 = vector.load %arg4[%get3A_688, %get3A_689, %get3A_690] : memref<8x8x1024xf32, #tpu.memory_space<vmem>>, vector<1x1x1024xf32>
    %get3A_692 = vector.shape_cast %get3A_691 : vector<1x1x1024xf32> to vector<1024xf32>
    %reduce_sum3A_693 = vector.shape_cast %get3A_692 : vector<1024xf32> to vector<1x1024xf32>
    %reduce_sum3A_694 = arith.constant dense<0.000000e+00> : vector<1xf32>
    %reduce_sum3A_695 = vector.multi_reduction <add>, %reduce_sum3A_693, %reduce_sum3A_694 [1] : vector<1x1024xf32> to vector<1xf32>
    %reduce_sum3A_696 = vector.shape_cast %reduce_sum3A_695 : vector<1xf32> to vector<1x1xf32>
    %reduce_sum3A_697 = vector.extract %reduce_sum3A_696[0, 0] : f32 from vector<1x1xf32>
    %get3A_698 = arith.constant 3 : index
    %get3A_699 = arith.constant 7 : index
    %get3A_700 = arith.constant 0 : index
    %get3A_701 = vector.load %arg4[%get3A_698, %get3A_699, %get3A_700] : memref<8x8x1024xf32, #tpu.memory_space<vmem>>, vector<1x1x1024xf32>
    %get3A_702 = vector.shape_cast %get3A_701 : vector<1x1x1024xf32> to vector<1024xf32>
    %reduce_sum3A_703 = vector.shape_cast %get3A_702 : vector<1024xf32> to vector<1x1024xf32>
    %reduce_sum3A_704 = arith.constant dense<0.000000e+00> : vector<1xf32>
    %reduce_sum3A_705 = vector.multi_reduction <add>, %reduce_sum3A_703, %reduce_sum3A_704 [1] : vector<1x1024xf32> to vector<1xf32>
    %reduce_sum3A_706 = vector.shape_cast %reduce_sum3A_705 : vector<1xf32> to vector<1x1xf32>
    %reduce_sum3A_707 = vector.extract %reduce_sum3A_706[0, 0] : f32 from vector<1x1xf32>
    %get3A_708 = arith.constant 4 : index
    %get3A_709 = arith.constant 7 : index
    %get3A_710 = arith.constant 0 : index
    %get3A_711 = vector.load %arg4[%get3A_708, %get3A_709, %get3A_710] : memref<8x8x1024xf32, #tpu.memory_space<vmem>>, vector<1x1x1024xf32>
    %get3A_712 = vector.shape_cast %get3A_711 : vector<1x1x1024xf32> to vector<1024xf32>
    %reduce_sum3A_713 = vector.shape_cast %get3A_712 : vector<1024xf32> to vector<1x1024xf32>
    %reduce_sum3A_714 = arith.constant dense<0.000000e+00> : vector<1xf32>
    %reduce_sum3A_715 = vector.multi_reduction <add>, %reduce_sum3A_713, %reduce_sum3A_714 [1] : vector<1x1024xf32> to vector<1xf32>
    %reduce_sum3A_716 = vector.shape_cast %reduce_sum3A_715 : vector<1xf32> to vector<1x1xf32>
    %reduce_sum3A_717 = vector.extract %reduce_sum3A_716[0, 0] : f32 from vector<1x1xf32>
    %get3A_718 = arith.constant 5 : index
    %get3A_719 = arith.constant 7 : index
    %get3A_720 = arith.constant 0 : index
    %get3A_721 = vector.load %arg4[%get3A_718, %get3A_719, %get3A_720] : memref<8x8x1024xf32, #tpu.memory_space<vmem>>, vector<1x1x1024xf32>
    %get3A_722 = vector.shape_cast %get3A_721 : vector<1x1x1024xf32> to vector<1024xf32>
    %reduce_sum3A_723 = vector.shape_cast %get3A_722 : vector<1024xf32> to vector<1x1024xf32>
    %reduce_sum3A_724 = arith.constant dense<0.000000e+00> : vector<1xf32>
    %reduce_sum3A_725 = vector.multi_reduction <add>, %reduce_sum3A_723, %reduce_sum3A_724 [1] : vector<1x1024xf32> to vector<1xf32>
    %reduce_sum3A_726 = vector.shape_cast %reduce_sum3A_725 : vector<1xf32> to vector<1x1xf32>
    %reduce_sum3A_727 = vector.extract %reduce_sum3A_726[0, 0] : f32 from vector<1x1xf32>
    %mul3A_728 = arith.mulf %div3A_131, %reduce_sum3A_687 : f32
    %mul3A_729 = arith.mulf %sub3A_134, %reduce_sum3A_677 : f32
    %add3A_730 = arith.addf %mul3A_728, %mul3A_729 : f32
    %add3A_731 = arith.addf %reduce_sum3A_707, %reduce_sum3A_727 : f32
    %mul3A_732 = arith.mulf %div3A_131, %add3A_731 : f32
    %add3A_733 = arith.addf %reduce_sum3A_697, %reduce_sum3A_717 : f32
    %mul3A_734 = arith.mulf %sub3A_134, %add3A_733 : f32
    %add3A_735 = arith.addf %mul3A_732, %mul3A_734 : f32
    %add3A_736 = arith.constant 2.000000e-03 : f32
    %add3A_737 = arith.addf %add3A_735, %add3A_736 : f32
    %mul3A_738 = arith.constant 2.000000e+00 : f32
    %mul3A_739 = arith.mulf %mul3A_738, %add3A_730 : f32
    %div3A_740 = arith.divf %mul3A_739, %add3A_737 : f32
    %sub3A_741 = arith.constant 1.000000e+00 : f32
    %sub3A_742 = arith.subf %sub3A_741, %div3A_740 : f32
    %add3A_743 = arith.addf %add3A_667, %sub3A_742 : f32
    %div3A_744 = arith.constant 8.000000e+00 : f32
    %div3A_745 = arith.divf %add3A_743, %div3A_744 : f32
    %gt3A = arith.constant 0.000000e+00 : f32
    %gt3A_746 = arith.cmpf ogt, %reduce_sum3A_15, %gt3A : f32
    %div3A_747 = arith.divf %reduce_sum3A_6, %reduce_sum3A_15 : f32
    %jit3A_748 = arith.constant 0.000000e+00 : f32
    %select_n3A_749 = arith.select %gt3A_746, %div3A_747, %jit3A_748 : f32
    %mul3A_750 = arith.constant 1.000000e+01 : f32
    %mul3A_751 = arith.mulf %select_n3A_749, %mul3A_750 : f32
    %add3A_752 = arith.addf %mul3A_751, %mul3A_128 : f32
    %add3A_753 = arith.addf %add3A_752, %div3A_745 : f32
    %swap3A = arith.constant 0 : index
    %swap3A_754 = arith.constant 0 : index
    %swap3A_755 = memref.load %arg5[%swap3A, %swap3A_754] : memref<1x1xf32, #tpu.memory_space<smem>>
    memref.store %add3A_753, %arg5[%swap3A, %swap3A_754] : memref<1x1xf32, #tpu.memory_space<smem>>
    return
  }
}

</mosaic_0001>

<sc_bundles>
// kernel: kernel.5.cloned.1.call-start
scs
__scs_entry_jumppad:
0x0: {  	(pc) =	sbr.rel $0x88, $3  }
0x1: {  	(tag) =	ssettag $0x0;
	lr =	simm.s32 $0x1  }
0x2: {  	[smem:$0x3F9F] =	sst lr;
	_ =	strace $0xD0000000  }
0x3: {  	_ = 	snop  }
0x4: {  	_ = 	snop  }
0x5: {  	_ = 	snop  }
0x6: {  	_ = 	snop  }
0x7: {  	_ = 	snop  }
__scs_overlays_trampoline_lowered:
0x8: {  	[smem:$0x3FAE] =	sst s0  }
0x9: {  	[smem:$0x3FAF] =	sst s1  }
0xa: {  	[smem:$0x3FB0] =	sst s2  }
0xb: {  	[smem:$0x3FB1] =	sst s3  }
0xc: {  	[smem:$0x3FB2] =	sst s4  }
0xd: {  	[smem:$0x3FB3] =	sst s5  }
0xe: {  	[smem:$0x3FB4] =	sst s6  }
0xf: {  	[smem:$0x3FB5] =	sst s7  }
0x10: {  	[smem:$0x3FB6] =	sst s8  }
0x11: {  	[smem:$0x3FB7] =	sst s9;
	s0 =	simm.s32 @!p0 $0x0  }
0x12: {  	s1 =	sld [smem:$0x3F9D];
	s0 =	simm.s32 @p0 $0x1  }
0x13: {  	[smem:$0x3FB8] =	sst s0;
	s0 =	simm.s32 @!p1 $0x0  }
0x14: {  	s2 =	sld [smem:$0x3F9C];
	s0 =	simm.s32 @p1 $0x1  }
0x15: {  	[smem:$0x3FB9] =	sst s0;
	s0 =	simm.s32 @!p2 $0x0  }
0x16: {  	s3 =	sld [smem:$0x3FDB];
	s0 =	simm.s32 @p2 $0x1  }
0x17: {  	s4 =	simm.s32 $0x1BF5;
	[smem:$0x3FBB] =	sst s0  }
0x18: {  	s0 =	sld [smem:$0x3F9E];
	_ =	swait.ge [sflag:s4], $0x0  }
0x19: {  	s7 =	sld [smem:$0x3F9F]  }
0x1a: {  	s8 =	sadd.s32 $0xFFFFE003, lr  }
0x1b: {  	s9 =	sadd.s32 $0xFFFFFEF7, lr;
	s5 =	simm.s32 $0xFFFFFFFF;
	p2 =	slt.u32 s8, $0xFFFFF086  }
0x1c: {  	p1 =	slt.u32 s9, $0xF7A;
	s5 =	simm.s32 @!p2 $0x0  }
0x1d: {  	s5 =	simm.s32 @p1 $0x1;
	p0 =	seq.s32 s7, s2  }
0x1e: {  	s7 =	smul.u32 @!p0 $0xF7A, s2;
	p2 =	seq.s32 @!p0 s5, $0x0  }
0x1f: {  	s9 =	smul.u32 $0xF7A, s1;
	s8 =	simm.s32 @!p0 $0x1BF5;
	p2 =	por !p2, p0  }
0x20: {  	[sflag:s8] =	ssyncset.s32 @!p0 $0xFFFFF086;
	s6 =	sadd.s32 @!p0 s3, s7;
	s7 =	simm.s32 @!p0 $0x108  }
0x21: {  	s3 =	sadd.s32 s3, s9;
	s6 =	sadd.s32 @!p0 $0x88, s6;
	s7 =	simm.s32 @p2 $0x1082  }
0x22: {  	[simem:s7], [sflag:s8] =	dma.local @!p0 [hbm:s6], $0xF7A  }
0x23: {  	s9 =	sor.u32 $0xD0000000, s2;
	s6 =	simm.s32 $0x108;
	_ =	swait.ge @!p0 [sflag:s8], $0x0  }
0x24: {  	s3 =	sadd.s32 $0x88, s3;
	s6 =	simm.s32 @!p1 $0x1082;
	[sflag:s4] =	ssyncset.s32 $0xFFFFF086  }
0x25: {  	[simem:s6], [sflag:s4] =	dma.local [hbm:s3], $0xF7A  }
0x26: {  	[smem:$0x3F9F] =	sst s1;
	(tag) =	ssettag s2;
	_ =	strace s9  }
0x27: {  	s1 =	sld [smem:$0x3FAF]  }
0x28: {  	s2 =	sld [smem:$0x3FB0]  }
0x29: {  	s4 =	sld [smem:$0x3FB2]  }
0x2a: {  	p0 =	seq.s32 s5, $0x0;
	s5 =	sld [smem:$0x3FB3]  }
0x2b: {  	s6 =	sld [smem:$0x3FB4]  }
0x2c: {  	s7 =	sld [smem:$0x3FB5]  }
0x2d: {  	s3 =	simm.s32 $0x108;
	s8 =	sld [smem:$0x3FB6]  }
0x2e: {  	s3 =	simm.s32 @!p0 $0x1082;
	s9 =	sld [smem:$0x3FB7]  }
0x2f: {  	lr =	sadd.s32 s0, s3;
	s0 =	sld [smem:$0x3FAE]  }
0x30: {  	s3 =	sld [smem:$0x3FB1]  }
0x31: {  	[smem:$0x3FBA] =	sst s10  }
0x32: {  	s10 =	sld [smem:$0x3FB8];
	_ =	sdelay $0x3  }
0x33: {  	p0 =	seq.s32 s10, $0x1;
	s10 =	sld [smem:$0x3FBA];
	_ =	sdelay $0x3  }
0x34: {  	[smem:$0x3FBA] =	sst s10  }
0x35: {  	s10 =	sld [smem:$0x3FB9];
	_ =	sdelay $0x3  }
0x36: {  	p1 =	seq.s32 s10, $0x1;
	s10 =	sld [smem:$0x3FBA];
	_ =	sdelay $0x3  }
0x37: {  	[smem:$0x3FBA] =	sst s10  }
0x38: {  	s10 =	sld [smem:$0x3FBB]  }
0x39: {  	_ = 	snop;
	(pc) =	sbr.ind lr, $3  }
0x3a: {  	_ = 	snop  }
0x3b: {  	_ = 	snop  }
0x3c: {  	p2 =	seq.s32 s10, $0x1;
	s10 =	sld [smem:$0x3FBA]  }
0x3d: {  	_ =	shalt  }
0x3e: {  	_ =	shalt  }
0x3f: {  	_ =	shalt  }
0x40: {  	_ =	shalt  }
0x41: {  	_ =	shalt  }
0x42: {  	_ =	shalt  }
0x43: {  	_ =	shalt  }
0x44: {  	_ =	shalt  }
0x45: {  	_ =	shalt  }
0x46: {  	_ =	shalt  }
0x47: {  	_ =	shalt  }
0x48: {  	_ =	shalt  }
0x49: {  	_ =	shalt  }
0x4a: {  	_ =	shalt  }
0x4b: {  	_ =	shalt  }
0x4c: {  	_ =	shalt  }
0x4d: {  	_ =	shalt  }
0x4e: {  	_ =	shalt  }
0x4f: {  	_ =	shalt  }
0x50: {  	_ =	shalt  }
0x51: {  	_ =	shalt  }
0x52: {  	_ =	shalt  }
0x53: {  	_ =	shalt  }
0x54: {  	_ =	shalt  }
0x55: {  	_ =	shalt  }
0x56: {  	_ =	shalt  }
0x57: {  	_ =	shalt  }
0x58: {  	_ =	shalt  }
0x59: {  	_ =	shalt  }
0x5a: {  	_ =	shalt  }
0x5b: {  	_ =	shalt  }
0x5c: {  	_ =	shalt  }
0x5d: {  	_ =	shalt  }
0x5e: {  	_ =	shalt  }
0x5f: {  	_ =	shalt  }
0x60: {  	_ =	shalt  }
0x61: {  	_ =	shalt  }
0x62: {  	_ =	shalt  }
0x63: {  	_ =	shalt  }
0x64: {  	_ =	shalt  }
0x65: {  	_ =	shalt  }
0x66: {  	_ =	shalt  }
0x67: {  	_ =	shalt  }
0x68: {  	_ =	shalt  }
0x69: {  	_ =	shalt  }
0x6a: {  	_ =	shalt  }
0x6b: {  	_ =	shalt  }
0x6c: {  	_ =	shalt  }
0x6d: {  	_ =	shalt  }
0x6e: {  	_ =	shalt  }
0x6f: {  	_ =	shalt  }
0x70: {  	_ =	shalt  }
0x71: {  	_ =	shalt  }
0x72: {  	_ =	shalt  }
0x73: {  	_ =	shalt  }
0x74: {  	_ =	shalt  }
0x75: {  	_ =	shalt  }
0x76: {  	_ =	shalt  }
0x77: {  	_ =	shalt  }
0x78: {  	_ =	shalt  }
0x79: {  	_ =	shalt  }
0x7a: {  	_ =	shalt  }
0x7b: {  	_ =	shalt  }
0x7c: {  	_ =	shalt  }
0x7d: {  	_ =	shalt  }
0x7e: {  	_ =	shalt  }
0x7f: {  	_ =	shalt  }
0x80: {  	_ =	shalt  }
0x81: {  	_ =	shalt  }
0x82: {  	_ =	shalt  }
0x83: {  	_ =	shalt  }
0x84: {  	_ =	shalt  }
0x85: {  	_ =	shalt  }
0x86: {  	_ =	shalt  }
0x87: {  	_ =	shalt  }
.Lfunc_end0:
.L_simem_size_0:
called_computation_lowered:
.L_overlay_start_0:
0x88: {  	s2 =	sld [smem:$0x3FD9]  }
0x89: {  	s3 =	sld [smem:$0x3FFE];
	_ =	sdelay $0x1  }
0x8a: {  	s1 =	srdreg.scid  }
0x8b: {  	s0 =	sand.u32 $0x1, s1  }
0x8c: {  	s16 =	sshll.u32 s0, $0xA;
	s2 =	sadd.s32 s3, s2  }
0x8d: {  	s2 =	sadd.s32 s2, s16  }
0x8e: {  	[smem:$0x3FC6] =	sst s2  }
0x8f: {  	_ = 	snop  }
0x90: {  	(tm) =	ssettm $0x1  }
0x91: {  	s17 =	sld [smem:$0x3FFB];
	_ =	sdelay $0x3  }
0x92: {  	_ =	strace s17  }
0x93: {  	s2 =	sld [smem:$0x3FFC];
	_ =	sdelay $0x3  }
0x94: {  	_ =	strace s2  }
0x95: {  	s2 =	sld [smem:$0x3FFD];
	_ =	sdelay $0x3  }
0x96: {  	_ =	strace s2  }
0x97: {  	_ =	strace $0x8FFFFFFF  }
0x98: {  	s18 =	sld [smem:$0x3FDB];
	_ =	sdelay $0x1  }
0x99: {  	s19 =	simm.s32 $_scs_section_size  }
0x9a: {  	s4 =	simm.s32 $_size__tile_overlayer_lowered;
	s5 =	simm.s32 $_tile_overlayer_lowered  }
0x9b: {  	s22 =	simm.s32 $0x1BFF;
	s21 =	sshll.u32 s5, $0x1;
	s2 =	sadd.s32 s19, s18  }
0x9c: {  	s6 =	simm.s32 $0x0;
	s20 =	sshll.u32 s4, $0x1;
	s4 =	sadd.s32 s21, s2  }
0x9d: {  	[timem:s6], [sflag:s22] =	dma.local [hbm:s4], s20  }
0x9e: {  	_ =	swait.ge [sflag:s22], s20  }
0x9f: {  	s3 =	ssub.s32 $0x0, s20;
	[sflag:s22] =	ssyncset.done $0x0  }
0xa0: {  	[sflag:s22] =	ssyncadd.s32 s3;
	_ =	sdelay $0x1  }
0xa1: {  	s23 =	simm.s32 $0x1B8B  }
0xa2: {  	_ =	swait.ge [sflag:s23], $0x1  }
0xa3: {  	[sflag:s23] =	ssyncset.done $0x0  }
0xa4: {  	s25 =	simm.s32 $0x1B8E;
	s24 =	sld [smem:$0x3FFE];
	[sflag:s23] =	ssyncadd.s32 $0xFFFFFFFF  }
0xa5: {  	s26 =	simm.s32 $execute0_lowered;
	[smem:$0x3FD2] =	sst s25  }
0xa6: {  	s4 =	sshll.u32 s26, $0x1;
	_ =	strace $0x80000046;
	[dreg:$0x1] =	wrdreg $0xFFFFFFFF  }
0xa7: {  	s28 =	simm.s32 $_size_execute0_lowered;
	s2 =	sadd.s32 s2, s4;
	[dreg:$0x0] =	wrdreg $0x0  }
0xa8: {  	s4 =	sshll.u32 s28, $0x1;
	[dreg:$0x2] =	wrdreg s2  }
0xa9: {  	[dreg:$0x3] =	wrdreg s4  }
0xaa: {  	[dreg:$0x4] =	wrdreg $0xC0  }
0xab: {  	_ =	task [dreg:s6], $0x5FFFF  }
0xac: {  	[dreg:$0x1] =	wrdreg $0xFFFFFFFF  }
0xad: {  	[dreg:$0x0] =	wrdreg $0x60  }
0xae: {  	[dreg:$0x2] =	wrdreg s24  }
0xaf: {  	[dreg:$0x3] =	wrdreg $0x9  }
0xb0: {  	_ =	task.clear_ibuf [dreg:s6], $0x4FFFF;
	_ =	strace $0x90000046  }
0xb1: {  	s29 =	simm.s32 $0x9;
	_ =	strace $0x80000048  }
0xb2: {  	_ =	swait.ge [sflag:s29], $0x1  }
0xb3: {  	[sflag:s29] =	ssyncadd.s32 $0xFFFFFFFF  }
0xb4: {  	_ =	strace $0x90000048  }
0xb5: {  	_ =	sfence  }
0xb6: {  	s30 =	sld [smem:$0x0];
	_ =	sdelay $0x2  }
0xb7: {  	s31 =	sshll.u32 s1, $0xD;
	s1 =	sshrl.u32 s1, $0x2  }
0xb8: {  	s3 =	sand.u32 $0x4000, s31;
	s1 =	sadd.s32 s1, s30  }
0xb9: {  	s0 =	sor.u32 s3, s0;
	s1 =	sshll.u32 s1, $0x11  }
0xba: {  	s0 =	sor.u32 s1, s0  }
0xbb: {  	s0 =	sadd.s32 $0x8F2B, s0  }
0xbc: {  	[sflag:s0] =	ssyncadd.remote.s32 $0x1  }
0xbd: {  	_ =	sfence.sel $0xFFFF  }
0xbe: {  	[dreg:$0x0] =	wrdreg $0xFFFFFFFF;
	(pc) =	sbr.abs _section_cstart, $3  }
0xbf: {  	[dreg:$0x1] =	wrdreg $0xFFFFFFFF  }
0xc0: {  	_ =	task.clear_ibuf [dreg:s6], $0x2FFFF;
	_ =	strace $0x9FFFFFFF  }
0xc1: {  	(tm) =	ssettm $0x7FFFFFFF  }
tec
execute0_lowered:
.L_overlay_start_1:
0x0: {  	(tag) =	ssettag $0x1  }
0x1: {  	s3 =	rddreg [dreg:$0x0]  }
0x2: {  	s2 =	simm.s32 $0x0;
	s4 =	srdreg.scid;
	s0 =	stileid.u32  }
0x3: {  	s17 =	simm.s32 $0x2000;
	s18 =	simm.s32 $0x1;
	s19 =	simm.s32 $0x2800  }
0x4: {  	s20 =	simm.s32 $0x5000;
	s21 =	simm.s32 $0xD000;
	s22 =	simm.s32 $0x2  }
0x5: {  	s23 =	simm.s32 $0x80;
	s24 =	simm.s32 $0x400;
	s28 =	simm.s32 $0x15800  }
0x6: {  	[smem:$0x7FF] =	sst s2;
	s4 =	sand.u32 $0x1, s4;
	s5 =	sshll.u32 s0, $0x1  }
0x7: {  	s6 =	sshrl.u32 s0, $0x1;
	s12 =	sadd.s32 $0xC00, s3;
	_ =	strace $0x80000047  }
0x8: {  	s5 =	sor.u32 s4, s5;
	s6 =	smul.u32 $0x64000, s6;
	s4 =	ssub.s32 $0x2, s4  }
0x9: {  	s7 =	sshll.u32 s5, $0xB;
	s5 =	sshll.u32 s5, $0x7;
	s25 =	sshrl.u32 s4, $0x1  }
0xa: {  	s5 =	sor.u32 s5, s7;
	s7 =	sand.u32 $0x1800, s7;
	s15 =	ssub.s32 s4, s25  }
0xb: {  	s25 =	simm.s32 $0x15000;
	s5 =	sand.u32 $0xC380, s5;
	s10 =	sor.u32 s6, s7  }
0xc: {  	s15 =	smax.u32 s15, $0x1;
	s5 =	sshrl.u32 s5, $0x3;
	s7 =	sshrl.u32 s10, $0x3  }
0xd: {  	s26 =	sadd.s32 $0xA000, s10;
	s29 =	sadd.s32 $0x14000, s10;
	s30 =	sadd.s32 $0x1E000, s10  }
0xe: {  	s31 =	sadd.s32 $0x28000, s10;
	s8 =	sadd.s32 $0x32000, s10;
	s9 =	sadd.s32 $0x3C000, s10  }
0xf: {  	s11 =	sadd.s32 $0x46000, s10;
	s13 =	sadd.s32 $0x50000, s10;
	s10 =	sadd.s32 $0x5A000, s10  }
0x10: {  	s14 =	sadd.s32 s5, s3;
	s3 =	sadd.s32 s12, s7;
	s4 =	sshrl.u32 s26, $0x3  }
0x11: {  	s5 =	sshrl.u32 s29, $0x3;
	s6 =	sshrl.u32 s30, $0x3;
	s7 =	sshrl.u32 s31, $0x3  }
0x12: {  	s8 =	sshrl.u32 s8, $0x3;
	s9 =	sshrl.u32 s9, $0x3;
	s11 =	sshrl.u32 s11, $0x3  }
0x13: {  	s13 =	sshrl.u32 s13, $0x3;
	s16 =	sshrl.u32 s10, $0x3;
	s26 =	simm.s32 $0x3  }
0x14: {  	s4 =	sadd.s32 s12, s4;
	s5 =	sadd.s32 s12, s5;
	s6 =	sadd.s32 s12, s6  }
0x15: {  	s7 =	sadd.s32 s12, s7;
	s8 =	sadd.s32 s12, s8;
	s9 =	sadd.s32 s12, s9  }
0x16: {  	v1 =	vlaneseq.u32;
	s10 =	sadd.s32 s12, s11;
	s11 =	sadd.s32 s12, s13;
	s12 =	sadd.s32 s12, s16  }
0x17: {  	v0 =	vimm.f32 $0.0e+00;
	v2 =	vimm.f32 $1.000000000e+00;
	v1 =	vmul.u32 $0x800, v1;
	s13 =	sadd.s32 $0x64C00, s14;
	s14 =	sadd.s32 $0x66C00, s14;
	s16 =	simm.s32 $0x800  }
.LBB2_1:
0x18: {  	s29 =	simm.s32 $0x0;
	s30 =	simm.s32 $0x200  }
.LBB2_2:
0x19: {  	p0 =	sne.s32 s30, $0x1FE00;
	[tilespmem:s29+$0xD070] =	vst v0  }
0x1a: {  	[tilespmem:s29+$0x5000] =	vst v0  }
0x1b: {  	[tilespmem:s29+$0xD000] =	vst v0  }
0x1c: {  	[tilespmem:s29+$0x5010] =	vst v0  }
0x1d: {  	[tilespmem:s29+$0xD010] =	vst v0  }
0x1e: {  	[tilespmem:s29+$0x5020] =	vst v0  }
0x1f: {  	[tilespmem:s29+$0xD020] =	vst v0  }
0x20: {  	[tilespmem:s29+$0x5030] =	vst v0  }
0x21: {  	[tilespmem:s29+$0xD030] =	vst v0  }
0x22: {  	[tilespmem:s29+$0x5040] =	vst v0  }
0x23: {  	[tilespmem:s29+$0xD040] =	vst v0  }
.Ltmp0:
0x24: {  	[tilespmem:s29+$0x5050] =	vst v0;
	(pc) =	sbr.rel @p0 .LBB2_2-.Ltmp0, $4  }
0x25: {  	[tilespmem:s29+$0xD050] =	vst v0  }
0x26: {  	[tilespmem:s29+$0x5060] =	vst v0  }
0x27: {  	[tilespmem:s29+$0xD060] =	vst v0  }
0x28: {  	[tilespmem:s29+$0x5070] =	vst v0;
	s29 =	sshra.s32 s30, $0x2;
	s30 =	sadd.s32 $0x200, s30  }
0x29: {  	[tilespmem:s29+$0xD070] =	vst v0  }
0x2a: {  	[tilespmem:s29+$0x5000] =	vst v0  }
0x2b: {  	[tilespmem:s29+$0xD000] =	vst v0  }
0x2c: {  	[tilespmem:s29+$0x5010] =	vst v0  }
0x2d: {  	[tilespmem:s29+$0xD010] =	vst v0  }
0x2e: {  	[tilespmem:s29+$0x5020] =	vst v0  }
0x2f: {  	[tilespmem:s29+$0xD020] =	vst v0  }
0x30: {  	[tilespmem:s29+$0x5030] =	vst v0  }
0x31: {  	[tilespmem:s29+$0xD030] =	vst v0  }
0x32: {  	[tilespmem:s29+$0x5040] =	vst v0  }
0x33: {  	[tilespmem:s29+$0xD040] =	vst v0  }
0x34: {  	[tilespmem:s29+$0x5050] =	vst v0  }
0x35: {  	[tilespmem:s29+$0xD050] =	vst v0  }
0x36: {  	[tilespmem:s29+$0x5060] =	vst v0  }
0x37: {  	[tilespmem:s29+$0xD060] =	vst v0  }
0x38: {  	[tilespmem:s29+$0x5070] =	vst v0;
	s29 =	simm.s32 $0x0  }
0x39: {  	[tilespmem:s29], [sflag:$0x1] =	stream.strided.gather [hbm4b:s3+s16], $0x2800, s17, s16, $0x38;
	[tilespmem:$0x16000] =	vst v63  }
0x3a: {  	_ =	swait.ge [sflag:s18], $0x2800  }
0x3b: {  	s30 =	sand.u32 $0x3800, s29;
	s29 =	sand.u32 $0x380, s29;
	[sflag:s18] =	ssyncset.done $0x0  }
0x3c: {  	s29 =	sor.u32 s29, s30;
	[sflag:s18] =	ssyncadd.s32 $0xFFFFD800  }
0x3d: {  	[tilespmem:s19], [sflag:$0x2] =	stream.strided.gather [hbm4b:s4+s16], $0x2800, s17, s16, $0x38;
	[tilespmem:$0x16000] =	vst v63  }
0x3e: {  	v17 =	vld [tilespmem:s29+$0x470]  }
0x3f: {  	v18 =	vld [tilespmem:s29+$0x0]  }
0x40: {  	v16 =	vld [tilespmem:s29+$0x10]  }
0x41: {  	v7 =	vld [tilespmem:s29+$0x20]  }
0x42: {  	v4 =	vld [tilespmem:s29+$0x30]  }
0x43: {  	v3 =	vld [tilespmem:s29+$0x40]  }
0x44: {  	v5 =	vld [tilespmem:s29+$0x50]  }
0x45: {  	v6 =	vld [tilespmem:s29+$0x60]  }
0x46: {  	v8 =	vmul.f32 $7.411696620e+01, v17  }
0x47: {  	v9 =	vmul.f32 $7.411696620e+01, v18;
	v10 =	vmul.f32 $7.411696620e+01, v16  }
0x48: {  	v12 =	vmul.f32 $7.411696620e+01, v7;
	v13 =	vmul.f32 $7.411696620e+01, v4  }
0x49: {  	v14 =	vmul.f32 $7.411696620e+01, v3;
	v15 =	vmul.f32 $7.411696620e+01, v5  }
0x4a: {  	v24 =	vmul.f32 $7.411696620e+01, v6;
	v11 =	vtrunc.f32 v8  }
0x4b: {  	v20 =	vtrunc.f32 v9;
	v21 =	vtrunc.f32 v10  }
0x4c: {  	v22 =	vtrunc.f32 v12;
	v23 =	vtrunc.f32 v13  }
0x4d: {  	v25 =	vtrunc.f32 v14;
	v27 =	vtrunc.f32 v15  }
0x4e: {  	v8 =	vld [tilespmem:s29+$0x70];
	v24 =	vtrunc.f32 v24;
	v19 =	vcvt.f32.s32 v11  }
0x4f: {  	v9 =	vld [tilespmem:s29+$0x400];
	v20 =	vcvt.f32.s32 v20;
	v21 =	vcvt.f32.s32 v21  }
0x50: {  	v10 =	vld [tilespmem:s29+$0x410];
	v22 =	vcvt.f32.s32 v22;
	v23 =	vcvt.f32.s32 v23  }
0x51: {  	v12 =	vld [tilespmem:s29+$0x430];
	v25 =	vcvt.f32.s32 v25;
	v27 =	vcvt.f32.s32 v27  }
0x52: {  	v13 =	vld [tilespmem:s29+$0x440];
	v24 =	vcvt.f32.s32 v24;
	vm0 =	vgt.s32 v19, $0x0;
	vm1 =	vgt.s32 v21, $0x0  }
0x53: {  	v14 =	vld [tilespmem:s29+$0x450];
	vm2 =	vgt.s32 v22, $0x0;
	vm3 =	vgt.s32 v23, $0x0;
	vm4 =	vgt.s32 v25, $0x0  }
0x54: {  	v15 =	vld [tilespmem:s29+$0x460];
	vm5 =	vgt.s32 v27, $0x0;
	vm6 =	vgt.s32 v24, $0x0;
	v19 =	vnsel vm0, $0x0, v19  }
0x55: {  	vm0 =	vgt.s32 v20, $0x0;
	v21 =	vnsel vm1, $0x0, v21;
	v22 =	vnsel vm2, $0x0, v22  }
0x56: {  	v11 =	vld [tilespmem:s29+$0x420];
	v23 =	vnsel vm3, $0x0, v23;
	v25 =	vnsel vm4, $0x0, v25;
	v26 =	vmul.f32 $7.411696620e+01, v8  }
0x57: {  	v27 =	vnsel vm5, $0x0, v27;
	v28 =	vmul.f32 $7.411696620e+01, v9;
	v29 =	vmul.f32 $7.411696620e+01, v10  }
0x58: {  	v24 =	vnsel vm6, $0x0, v24;
	v31 =	vmul.f32 $7.411696620e+01, v12;
	v32 =	vmul.f32 $7.411696620e+01, v13  }
0x59: {  	v33 =	vmul.f32 $7.411696620e+01, v14;
	v34 =	vmul.f32 $7.411696620e+01, v15;
	v19 =	vmin.u32 v19, $0x7FF  }
0x5a: {  	v20 =	vnsel vm0, $0x0, v20;
	v21 =	vmin.u32 v21, $0x7FF;
	v22 =	vmin.u32 v22, $0x7FF  }
0x5b: {  	v23 =	vmin.u32 v23, $0x7FF;
	v30 =	vmul.f32 $7.411696620e+01, v11;
	v26 =	vtrunc.f32 v26  }
0x5c: {  	v25 =	vmin.u32 v25, $0x7FF;
	v28 =	vtrunc.f32 v28;
	v29 =	vtrunc.f32 v29  }
0x5d: {  	v27 =	vmin.u32 v27, $0x7FF;
	v31 =	vtrunc.f32 v31;
	v32 =	vtrunc.f32 v32  }
0x5e: {  	v24 =	vmin.u32 v24, $0x7FF;
	v33 =	vtrunc.f32 v33;
	v34 =	vtrunc.f32 v34  }
0x5f: {  	v19 =	vor.u32 v1, v19;
	v30 =	vtrunc.f32 v30;
	v26 =	vcvt.f32.s32 v26  }
0x60: {  	v20 =	vmin.u32 v20, $0x7FF;
	v28 =	vcvt.f32.s32 v28;
	v29 =	vcvt.f32.s32 v29  }
0x61: {  	v27 =	vor.u32 v1, v27;
	v31 =	vcvt.f32.s32 v31;
	v32 =	vcvt.f32.s32 v32  }
0x62: {  	v20 =	vor.u32 v1, v20;
	v33 =	vcvt.f32.s32 v33;
	v34 =	vcvt.f32.s32 v34  }
0x63: {  	v30 =	vcvt.f32.s32 v30;
	vm7 =	vgt.s32 v26, $0x0;
	vm8 =	vgt.s32 v28, $0x0  }
0x64: {  	vm9 =	vgt.s32 v29, $0x0;
	vm11 =	vgt.s32 v31, $0x0;
	vm12 =	vgt.s32 v32, $0x0  }
0x65: {  	vm14 =	vgt.s32 v33, $0x0;
	vm15 =	vgt.s32 v34, $0x0;
	vm10 =	vgt.s32 v30, $0x0  }
0x66: {  	v26 =	vnsel vm7, $0x0, v26;
	v28 =	vnsel vm8, $0x0, v28;
	v29 =	vnsel vm9, $0x0, v29  }
0x67: {  	v31 =	vnsel vm11, $0x0, v31;
	v32 =	vnsel vm12, $0x0, v32;
	v33 =	vnsel vm14, $0x0, v33  }
0x68: {  	v34 =	vnsel vm15, $0x0, v34;
	v30 =	vnsel vm10, $0x0, v30;
	v35 =	vmin.u32 v26, $0x7FF  }
0x69: {  	[tilespmem:v19+s20+$0x0] =	vst.idx.add.f32.msk $0xffff, v2;
	v36 =	vmin.u32 v28, $0x7FF;
	v37 =	vmin.u32 v29, $0x7FF;
	v31 =	vmin.u32 v31, $0x7FF  }
0x6a: {  	[tilespmem:v19+s21+$0x0] =	vst.idx.add.f32.msk $0xffff, v17;
	v17 =	vmin.u32 v32, $0x7FF;
	v29 =	vor.u32 v1, v21;
	v32 =	vor.u32 v1, v22  }
0x6b: {  	v28 =	vor.u32 v1, v25;
	v26 =	vor.u32 v1, v24;
	v33 =	vmin.u32 v33, $0x7FF  }
0x6c: {  	[tilespmem:v20+s20+$0x0] =	vst.idx.add.f32.msk $0xffff, v2;
	v38 =	vmin.u32 v30, $0x7FF;
	v30 =	vor.u32 v1, v23;
	v25 =	vor.u32 v1, v35  }
0x6d: {  	v24 =	vor.u32 v1, v36;
	v23 =	vor.u32 v1, v37;
	v21 =	vor.u32 v1, v31  }
0x6e: {  	v34 =	vmin.u32 v34, $0x7FF;
	v19 =	vor.u32 v1, v17;
	[tilespmem:v20+s21+$0x0] =	vst.idx.add.f32.msk $0xffff, v18;
	v18 =	vor.u32 v1, v33  }
0x6f: {  	s31 =	simm.s32 $0x100;
	s30 =	simm.s32 $0x80;
	s29 =	simm.s32 $0x0;
	v17 =	vor.u32 v1, v34;
	v22 =	vor.u32 v1, v38;
	[tilespmem:v29+s20+$0x0] =	vst.idx.add.f32.msk $0xffff, v2  }
.LBB2_4:
0x70: {  	s0 =	sand.u32 $0x3800, s31;
	s1 =	sand.u32 $0x380, s30;
	[tilespmem:v29+s21+$0x0] =	vst.idx.add.f32.msk $0xffff, v16  }
0x71: {  	s29 =	sadd.s32 $0x10, s29;
	s0 =	sor.u32 s1, s0;
	[tilespmem:v32+s20+$0x0] =	vst.idx.add.f32.msk $0xffff, v2  }
0x72: {  	p0 =	slt.u32 s29, $0x270;
	v33 =	vld [tilespmem:s0+$0x470]  }
0x73: {  	v20 =	vld [tilespmem:s0+$0x0]  }
0x74: {  	v16 =	vld [tilespmem:s0+$0x10]  }
0x75: {  	v34 =	vld [tilespmem:s0+$0x20]  }
0x76: {  	v35 =	vld [tilespmem:s0+$0x30]  }
0x77: {  	v36 =	vld [tilespmem:s0+$0x40];
	v29 =	vmul.f32 $7.411696620e+01, v33  }
0x78: {  	v31 =	vmul.f32 $7.411696620e+01, v20;
	v37 =	vld [tilespmem:s0+$0x50]  }
0x79: {  	v38 =	vmul.f32 $7.411696620e+01, v16;
	v39 =	vld [tilespmem:s0+$0x60];
	v29 =	vtrunc.f32 v29  }
0x7a: {  	v40 =	vmul.f32 $7.411696620e+01, v34;
	v41 =	vld [tilespmem:s0+$0x70];
	v29 =	vcvt.f32.s32 v29  }
0x7b: {  	v42 =	vtrunc.f32 v31;
	v31 =	vmul.f32 $7.411696620e+01, v35;
	v43 =	vld [tilespmem:s0+$0x400]  }
0x7c: {  	v38 =	vtrunc.f32 v38;
	v44 =	vmul.f32 $7.411696620e+01, v36;
	v45 =	vld [tilespmem:s0+$0x410];
	vm0 =	vgt.s32 v29, $0x0  }
0x7d: {  	v40 =	vtrunc.f32 v40;
	v46 =	vmul.f32 $7.411696620e+01, v37;
	v47 =	vld [tilespmem:s0+$0x420];
	v29 =	vnsel vm0, $0x0, v29  }
0x7e: {  	v48 =	vtrunc.f32 v31;
	v49 =	vmul.f32 $7.411696620e+01, v39;
	v50 =	vld [tilespmem:s0+$0x430];
	v29 =	vmin.u32 v29, $0x7FF  }
0x7f: {  	v44 =	vtrunc.f32 v44;
	v51 =	vmul.f32 $7.411696620e+01, v41;
	v52 =	vld [tilespmem:s0+$0x440];
	v53 =	vor.u32 v1, v29  }
0x80: {  	v46 =	vtrunc.f32 v46;
	v54 =	vmul.f32 $7.411696620e+01, v43;
	v31 =	vld [tilespmem:s0+$0x450]  }
0x81: {  	v49 =	vtrunc.f32 v49;
	v55 =	vmul.f32 $7.411696620e+01, v45;
	v29 =	vld [tilespmem:s0+$0x460]  }
0x82: {  	v51 =	vtrunc.f32 v51;
	v56 =	vmul.f32 $7.411696620e+01, v47;
	[tilespmem:v32+s21+$0x0] =	vst.idx.add.f32.msk $0xffff, v7;
	v7 =	vmov v34  }
0x83: {  	v32 =	vtrunc.f32 v54;
	v34 =	vmul.f32 $7.411696620e+01, v50;
	[tilespmem:v30+s20+$0x0] =	vst.idx.add.f32.msk $0xffff, v2  }
0x84: {  	v54 =	vtrunc.f32 v55;
	v55 =	vmul.f32 $7.411696620e+01, v52;
	[tilespmem:v53+s20+$0x0] =	vst.idx.add.f32.msk $0xffff, v2  }
0x85: {  	v56 =	vtrunc.f32 v56;
	v57 =	vmul.f32 $7.411696620e+01, v31;
	[tilespmem:v53+s21+$0x0] =	vst.idx.add.f32.msk $0xffff, v33  }
0x86: {  	v33 =	vtrunc.f32 v34;
	v34 =	vmul.f32 $7.411696620e+01, v29;
	[tilespmem:v30+s21+$0x0] =	vst.idx.add.f32.msk $0xffff, v4;
	v4 =	vmov v35  }
0x87: {  	v30 =	vtrunc.f32 v55;
	v35 =	vtrunc.f32 v57;
	[tilespmem:v28+s20+$0x0] =	vst.idx.add.f32.msk $0xffff, v2  }
0x88: {  	v42 =	vcvt.f32.s32 v42;
	v34 =	vtrunc.f32 v34;
	[tilespmem:v28+s21+$0x0] =	vst.idx.add.f32.msk $0xffff, v3;
	v3 =	vmov v36  }
0x89: {  	v28 =	vcvt.f32.s32 v38;
	v36 =	vcvt.f32.s32 v40;
	[tilespmem:v27+s20+$0x0] =	vst.idx.add.f32.msk $0xffff, v2  }
0x8a: {  	vm0 =	vgt.s32 v42, $0x0;
	v38 =	vcvt.f32.s32 v48;
	v40 =	vcvt.f32.s32 v44;
	[tilespmem:v27+s21+$0x0] =	vst.idx.add.f32.msk $0xffff, v5;
	v5 =	vmovc v37  }
0x8b: {  	vm1 =	vgt.s32 v28, $0x0;
	v27 =	vcvt.f32.s32 v46;
	v37 =	vcvt.f32.s32 v49;
	[tilespmem:v26+s20+$0x0] =	vst.idx.add.f32.msk $0xffff, v2  }
0x8c: {  	v32 =	vcvt.f32.s32 v32;
	v44 =	vcvt.f32.s32 v51;
	vm2 =	vgt.s32 v36, $0x0;
	[tilespmem:v26+s21+$0x0] =	vst.idx.add.f32.msk $0xffff, v6;
	v6 =	vmovc v39  }
0x8d: {  	vm3 =	vgt.s32 v38, $0x0;
	v26 =	vcvt.f32.s32 v54;
	v39 =	vcvt.f32.s32 v56;
	[tilespmem:v25+s20+$0x0] =	vst.idx.add.f32.msk $0xffff, v2  }
0x8e: {  	v33 =	vcvt.f32.s32 v33;
	v30 =	vcvt.f32.s32 v30;
	vm4 =	vgt.s32 v40, $0x0;
	[tilespmem:v25+s21+$0x0] =	vst.idx.add.f32.msk $0xffff, v8;
	v8 =	vmovc v41  }
0x8f: {  	v34 =	vcvt.f32.s32 v34;
	vm5 =	vgt.s32 v27, $0x0;
	v25 =	vcvt.f32.s32 v35;
	[tilespmem:v24+s20+$0x0] =	vst.idx.add.f32.msk $0xffff, v2  }
0x90: {  	vm8 =	vgt.s32 v32, $0x0;
	vm7 =	vgt.s32 v44, $0x0;
	vm6 =	vgt.s32 v37, $0x0;
	[tilespmem:v24+s21+$0x0] =	vst.idx.add.f32.msk $0xffff, v9;
	v9 =	vmovc v43  }
0x91: {  	vm11 =	vgt.s32 v33, $0x0;
	vm9 =	vgt.s32 v26, $0x0;
	vm10 =	vgt.s32 v39, $0x0;
	[tilespmem:v23+s20+$0x0] =	vst.idx.add.f32.msk $0xffff, v2  }
0x92: {  	vm12 =	vgt.s32 v30, $0x0;
	vm14 =	vgt.s32 v34, $0x0;
	vm13 =	vgt.s32 v25, $0x0;
	[tilespmem:v23+s21+$0x0] =	vst.idx.add.f32.msk $0xffff, v10;
	v10 =	vmovc v45  }
0x93: {  	v24 =	vnsel vm1, $0x0, v28;
	v28 =	vnsel vm2, $0x0, v36;
	v23 =	vnsel vm0, $0x0, v42;
	[tilespmem:v22+s20+$0x0] =	vst.idx.add.f32.msk $0xffff, v2  }
0x94: {  	v27 =	vnsel vm5, $0x0, v27;
	v35 =	vnsel vm3, $0x0, v38;
	v36 =	vnsel vm4, $0x0, v40;
	[tilespmem:v22+s21+$0x0] =	vst.idx.add.f32.msk $0xffff, v11;
	v11 =	vmovc v47  }
0x95: {  	v32 =	vnsel vm8, $0x0, v32;
	v22 =	vnsel vm6, $0x0, v37;
	v37 =	vnsel vm7, $0x0, v44;
	[tilespmem:v21+s20+$0x0] =	vst.idx.add.f32.msk $0xffff, v2  }
0x96: {  	v33 =	vnsel vm11, $0x0, v33;
	v26 =	vnsel vm9, $0x0, v26;
	v38 =	vnsel vm10, $0x0, v39;
	[tilespmem:v21+s21+$0x0] =	vst.idx.add.f32.msk $0xffff, v12;
	v12 =	vmovc v50  }
0x97: {  	v25 =	vnsel vm13, $0x0, v25;
	v21 =	vnsel vm12, $0x0, v30;
	v30 =	vnsel vm14, $0x0, v34;
	[tilespmem:v19+s20+$0x0] =	vst.idx.add.f32.msk $0xffff, v2  }
0x98: {  	v24 =	vmin.u32 v24, $0x7FF;
	v28 =	vmin.u32 v28, $0x7FF;
	v23 =	vmin.u32 v23, $0x7FF;
	[tilespmem:v19+s21+$0x0] =	vst.idx.add.f32.msk $0xffff, v13;
	v13 =	vmovc v52  }
0x99: {  	v27 =	vmin.u32 v27, $0x7FF;
	v34 =	vmin.u32 v36, $0x7FF;
	v19 =	vmin.u32 v35, $0x7FF;
	[tilespmem:v18+s20+$0x0] =	vst.idx.add.f32.msk $0xffff, v2  }
0x9a: {  	v22 =	vmin.u32 v22, $0x7FF;
	v36 =	vmin.u32 v32, $0x7FF;
	v35 =	vmin.u32 v37, $0x7FF;
	[tilespmem:v18+s21+$0x0] =	vst.idx.add.f32.msk $0xffff, v14;
	v14 =	vmovc v31  }
0x9b: {  	v33 =	vmin.u32 v33, $0x7FF;
	v18 =	vmin.u32 v26, $0x7FF;
	v31 =	vmin.u32 v38, $0x7FF;
	[tilespmem:v17+s20+$0x0] =	vst.idx.add.f32.msk $0xffff, v2  }
0x9c: {  	v39 =	vmin.u32 v30, $0x7FF;
	v37 =	vmin.u32 v21, $0x7FF;
	v38 =	vmin.u32 v25, $0x7FF;
	[tilespmem:v17+s21+$0x0] =	vst.idx.add.f32.msk $0xffff, v15;
	v15 =	vmovc v29  }
0x9d: {  	v40 =	vor.u32 v1, v23;
	v32 =	vor.u32 v1, v28;
	v29 =	vor.u32 v1, v24  }
0x9e: {  	v27 =	vor.u32 v1, v27;
	v28 =	vor.u32 v1, v34;
	v30 =	vor.u32 v1, v19  }
0x9f: {  	v26 =	vor.u32 v1, v22;
	v25 =	vor.u32 v1, v35;
	v24 =	vor.u32 v1, v36  }
.Ltmp1:
0xa0: {  	v21 =	vor.u32 v1, v33;
	v23 =	vor.u32 v1, v18;
	v22 =	vor.u32 v1, v31;
	(pc) =	sbr.rel @p0 .LBB2_4-.Ltmp1, $4  }
0xa1: {  	v19 =	vor.u32 v1, v37;
	v18 =	vor.u32 v1, v38;
	v17 =	vor.u32 v1, v39  }
0xa2: {  	[tilespmem:v40+s20+$0x0] =	vst.idx.add.f32.msk $0xffff, v2  }
0xa3: {  	[tilespmem:v40+s21+$0x0] =	vst.idx.add.f32.msk $0xffff, v20  }
0xa4: {  	s30 =	sadd.s32 $0x80, s30;
	s31 =	sadd.s32 $0x100, s31;
	[tilespmem:v29+s20+$0x0] =	vst.idx.add.f32.msk $0xffff, v2  }
0xa5: {  	_ =	sdelay $0x3  }
0xa6: {  	[tilespmem:v29+s21+$0x0] =	vst.idx.add.f32.msk $0xffff, v16  }
0xa7: {  	[tilespmem:v32+s20+$0x0] =	vst.idx.add.f32.msk $0xffff, v2  }
0xa8: {  	[tilespmem:v30+s20+$0x0] =	vst.idx.add.f32.msk $0xffff, v2  }
0xa9: {  	[tilespmem:v28+s20+$0x0] =	vst.idx.add.f32.msk $0xffff, v2  }
0xaa: {  	[tilespmem:v27+s20+$0x0] =	vst.idx.add.f32.msk $0xffff, v2  }
0xab: {  	[tilespmem:v26+s20+$0x0] =	vst.idx.add.f32.msk $0xffff, v2  }
0xac: {  	[tilespmem:v25+s20+$0x0] =	vst.idx.add.f32.msk $0xffff, v2  }
0xad: {  	[tilespmem:v24+s20+$0x0] =	vst.idx.add.f32.msk $0xffff, v2  }
0xae: {  	[tilespmem:v23+s20+$0x0] =	vst.idx.add.f32.msk $0xffff, v2  }
0xaf: {  	[tilespmem:v22+s20+$0x0] =	vst.idx.add.f32.msk $0xffff, v2  }
0xb0: {  	[tilespmem:v21+s20+$0x0] =	vst.idx.add.f32.msk $0xffff, v2  }
0xb1: {  	[tilespmem:v19+s20+$0x0] =	vst.idx.add.f32.msk $0xffff, v2  }
0xb2: {  	[tilespmem:v18+s20+$0x0] =	vst.idx.add.f32.msk $0xffff, v2  }
0xb3: {  	[tilespmem:v17+s20+$0x0] =	vst.idx.add.f32.msk $0xffff, v2  }
0xb4: {  	[tilespmem:v32+s21+$0x0] =	vst.idx.add.f32.msk $0xffff, v7  }
0xb5: {  	[tilespmem:v30+s21+$0x0] =	vst.idx.add.f32.msk $0xffff, v4  }
0xb6: {  	[tilespmem:v28+s21+$0x0] =	vst.idx.add.f32.msk $0xffff, v3  }
0xb7: {  	[tilespmem:v27+s21+$0x0] =	vst.idx.add.f32.msk $0xffff, v5  }
0xb8: {  	[tilespmem:v26+s21+$0x0] =	vst.idx.add.f32.msk $0xffff, v6  }
0xb9: {  	[tilespmem:v25+s21+$0x0] =	vst.idx.add.f32.msk $0xffff, v8  }
0xba: {  	[tilespmem:v24+s21+$0x0] =	vst.idx.add.f32.msk $0xffff, v9  }
0xbb: {  	[tilespmem:v23+s21+$0x0] =	vst.idx.add.f32.msk $0xffff, v10  }
0xbc: {  	[tilespmem:v22+s21+$0x0] =	vst.idx.add.f32.msk $0xffff, v11  }
0xbd: {  	[tilespmem:v21+s21+$0x0] =	vst.idx.add.f32.msk $0xffff, v12  }
0xbe: {  	[tilespmem:v19+s21+$0x0] =	vst.idx.add.f32.msk $0xffff, v13  }
0xbf: {  	[tilespmem:v18+s21+$0x0] =	vst.idx.add.f32.msk $0xffff, v14  }
0xc0: {  	[tilespmem:v17+s21+$0x0] =	vst.idx.add.f32.msk $0xffff, v15  }
0xc1: {  	_ =	swait.ge [sflag:s22], $0x2800  }
0xc2: {  	[sflag:s22] =	ssyncset.done $0x0  }
0xc3: {  	s0 =	simm.s32 $0x0;
	[sflag:s22] =	ssyncadd.s32 $0xFFFFD800  }
0xc4: {  	[tilespmem:s0], [sflag:$0x1] =	stream.strided.gather [hbm4b:s5+s16], $0x2800, s17, s16, $0x38;
	[tilespmem:$0x16000] =	vst v63  }
0xc5: {  	s1 =	sand.u32 $0x3800, s0;
	s0 =	sand.u32 $0x380, s0  }
0xc6: {  	s0 =	sor.u32 s0, s1  }
0xc7: {  	v17 =	vld [tilespmem:s0+$0x2C70]  }
0xc8: {  	v18 =	vld [tilespmem:s0+$0x2800]  }
0xc9: {  	v16 =	vld [tilespmem:s0+$0x2810]  }
0xca: {  	v7 =	vld [tilespmem:s0+$0x2820]  }
0xcb: {  	v4 =	vld [tilespmem:s0+$0x2830]  }
0xcc: {  	v3 =	vld [tilespmem:s0+$0x2840]  }
0xcd: {  	v5 =	vld [tilespmem:s0+$0x2850]  }
0xce: {  	v6 =	vld [tilespmem:s0+$0x2860]  }
0xcf: {  	v8 =	vmul.f32 $7.411696620e+01, v17  }
0xd0: {  	v9 =	vmul.f32 $7.411696620e+01, v18;
	v10 =	vmul.f32 $7.411696620e+01, v16  }
0xd1: {  	v12 =	vmul.f32 $7.411696620e+01, v7;
	v13 =	vmul.f32 $7.411696620e+01, v4  }
0xd2: {  	v14 =	vmul.f32 $7.411696620e+01, v3;
	v15 =	vmul.f32 $7.411696620e+01, v5  }
0xd3: {  	v24 =	vmul.f32 $7.411696620e+01, v6;
	v11 =	vtrunc.f32 v8  }
0xd4: {  	v20 =	vtrunc.f32 v9;
	v21 =	vtrunc.f32 v10  }
0xd5: {  	v22 =	vtrunc.f32 v12;
	v23 =	vtrunc.f32 v13  }
0xd6: {  	v25 =	vtrunc.f32 v14;
	v27 =	vtrunc.f32 v15  }
0xd7: {  	v8 =	vld [tilespmem:s0+$0x2870];
	v24 =	vtrunc.f32 v24;
	v19 =	vcvt.f32.s32 v11  }
0xd8: {  	v9 =	vld [tilespmem:s0+$0x2C00];
	v20 =	vcvt.f32.s32 v20;
	v21 =	vcvt.f32.s32 v21  }
0xd9: {  	v10 =	vld [tilespmem:s0+$0x2C10];
	v22 =	vcvt.f32.s32 v22;
	v23 =	vcvt.f32.s32 v23  }
0xda: {  	v12 =	vld [tilespmem:s0+$0x2C30];
	v25 =	vcvt.f32.s32 v25;
	v27 =	vcvt.f32.s32 v27  }
0xdb: {  	v13 =	vld [tilespmem:s0+$0x2C40];
	v24 =	vcvt.f32.s32 v24;
	vm0 =	vgt.s32 v19, $0x0;
	vm1 =	vgt.s32 v21, $0x0  }
0xdc: {  	v14 =	vld [tilespmem:s0+$0x2C50];
	vm2 =	vgt.s32 v22, $0x0;
	vm3 =	vgt.s32 v23, $0x0;
	vm4 =	vgt.s32 v25, $0x0  }
0xdd: {  	v15 =	vld [tilespmem:s0+$0x2C60];
	vm5 =	vgt.s32 v27, $0x0;
	vm6 =	vgt.s32 v24, $0x0;
	v19 =	vnsel vm0, $0x0, v19  }
0xde: {  	vm0 =	vgt.s32 v20, $0x0;
	v21 =	vnsel vm1, $0x0, v21;
	v22 =	vnsel vm2, $0x0, v22  }
0xdf: {  	v11 =	vld [tilespmem:s0+$0x2C20];
	v23 =	vnsel vm3, $0x0, v23;
	v25 =	vnsel vm4, $0x0, v25;
	v26 =	vmul.f32 $7.411696620e+01, v8  }
0xe0: {  	v27 =	vnsel vm5, $0x0, v27;
	v28 =	vmul.f32 $7.411696620e+01, v9;
	v29 =	vmul.f32 $7.411696620e+01, v10  }
0xe1: {  	v24 =	vnsel vm6, $0x0, v24;
	v31 =	vmul.f32 $7.411696620e+01, v12;
	v63 =	vmul.f32 $7.411696620e+01, v13  }
0xe2: {  	v33 =	vmul.f32 $7.411696620e+01, v14;
	v34 =	vmul.f32 $7.411696620e+01, v15;
	v19 =	vmin.u32 v19, $0x7FF  }
0xe3: {  	v20 =	vnsel vm0, $0x0, v20;
	v21 =	vmin.u32 v21, $0x7FF;
	v22 =	vmin.u32 v22, $0x7FF  }
0xe4: {  	v23 =	vmin.u32 v23, $0x7FF;
	v30 =	vmul.f32 $7.411696620e+01, v11;
	v26 =	vtrunc.f32 v26  }
0xe5: {  	v25 =	vmin.u32 v25, $0x7FF;
	v28 =	vtrunc.f32 v28;
	v29 =	vtrunc.f32 v29  }
0xe6: {  	v27 =	vmin.u32 v27, $0x7FF;
	v31 =	vtrunc.f32 v31;
	v32 =	vtrunc.f32 v63  }
0xe7: {  	v24 =	vmin.u32 v24, $0x7FF;
	v33 =	vtrunc.f32 v33;
	v34 =	vtrunc.f32 v34  }
0xe8: {  	v19 =	vor.u32 v1, v19;
	v30 =	vtrunc.f32 v30;
	v26 =	vcvt.f32.s32 v26  }
0xe9: {  	v20 =	vmin.u32 v20, $0x7FF;
	v28 =	vcvt.f32.s32 v28;
	v29 =	vcvt.f32.s32 v29  }
0xea: {  	v27 =	vor.u32 v1, v27;
	v31 =	vcvt.f32.s32 v31;
	v32 =	vcvt.f32.s32 v32  }
0xeb: {  	v20 =	vor.u32 v1, v20;
	v33 =	vcvt.f32.s32 v33;
	v34 =	vcvt.f32.s32 v34  }
0xec: {  	v30 =	vcvt.f32.s32 v30;
	vm7 =	vgt.s32 v26, $0x0;
	vm8 =	vgt.s32 v28, $0x0  }
0xed: {  	vm9 =	vgt.s32 v29, $0x0;
	vm11 =	vgt.s32 v31, $0x0;
	vm12 =	vgt.s32 v32, $0x0  }
0xee: {  	vm14 =	vgt.s32 v33, $0x0;
	vm15 =	vgt.s32 v34, $0x0;
	vm10 =	vgt.s32 v30, $0x0  }
0xef: {  	v26 =	vnsel vm7, $0x0, v26;
	v28 =	vnsel vm8, $0x0, v28;
	v29 =	vnsel vm9, $0x0, v29  }
0xf0: {  	v31 =	vnsel vm11, $0x0, v31;
	v32 =	vnsel vm12, $0x0, v32;
	v33 =	vnsel vm14, $0x0, v33  }
0xf1: {  	v34 =	vnsel vm15, $0x0, v34;
	v30 =	vnsel vm10, $0x0, v30;
	v35 =	vmin.u32 v26, $0x7FF  }
0xf2: {  	[tilespmem:v19+s20+$0x0] =	vst.idx.add.f32.msk $0xffff, v2;
	v36 =	vmin.u32 v28, $0x7FF;
	v37 =	vmin.u32 v29, $0x7FF;
	v31 =	vmin.u32 v31, $0x7FF  }
0xf3: {  	[tilespmem:v19+s21+$0x0] =	vst.idx.add.f32.msk $0xffff, v17;
	v17 =	vmin.u32 v32, $0x7FF;
	v29 =	vor.u32 v1, v21;
	v32 =	vor.u32 v1, v22  }
0xf4: {  	v28 =	vor.u32 v1, v25;
	v26 =	vor.u32 v1, v24;
	v33 =	vmin.u32 v33, $0x7FF  }
0xf5: {  	[tilespmem:v20+s20+$0x0] =	vst.idx.add.f32.msk $0xffff, v2;
	v38 =	vmin.u32 v30, $0x7FF;
	v30 =	vor.u32 v1, v23;
	v25 =	vor.u32 v1, v35  }
0xf6: {  	v24 =	vor.u32 v1, v36;
	v23 =	vor.u32 v1, v37;
	v21 =	vor.u32 v1, v31  }
0xf7: {  	v34 =	vmin.u32 v34, $0x7FF;
	v19 =	vor.u32 v1, v17;
	[tilespmem:v20+s21+$0x0] =	vst.idx.add.f32.msk $0xffff, v18;
	v18 =	vor.u32 v1, v33  }
0xf8: {  	s29 =	simm.s32 $0x0;
	s30 =	simm.s32 $0x80;
	s31 =	simm.s32 $0x100;
	v17 =	vor.u32 v1, v34;
	v22 =	vor.u32 v1, v38;
	[tilespmem:v29+s20+$0x0] =	vst.idx.add.f32.msk $0xffff, v2  }
.LBB2_6:
0xf9: {  	s0 =	sand.u32 $0x3800, s31;
	s1 =	sand.u32 $0x380, s30;
	[tilespmem:v29+s21+$0x0] =	vst.idx.add.f32.msk $0xffff, v16  }
0xfa: {  	s29 =	sadd.s32 $0x10, s29;
	s0 =	sor.u32 s1, s0;
	[tilespmem:v32+s20+$0x0] =	vst.idx.add.f32.msk $0xffff, v2  }
0xfb: {  	p0 =	slt.u32 s29, $0x270;
	v33 =	vld [tilespmem:s0+$0x2C70]  }
0xfc: {  	v20 =	vld [tilespmem:s0+$0x2800]  }
0xfd: {  	v16 =	vld [tilespmem:s0+$0x2810]  }
0xfe: {  	v34 =	vld [tilespmem:s0+$0x2820]  }
0xff: {  	v35 =	vld [tilespmem:s0+$0x2830]  }
0x100: {  	v36 =	vld [tilespmem:s0+$0x2840];
	v29 =	vmul.f32 $7.411696620e+01, v33  }
0x101: {  	v31 =	vmul.f32 $7.411696620e+01, v20;
	v37 =	vld [tilespmem:s0+$0x2850]  }
0x102: {  	v38 =	vmul.f32 $7.411696620e+01, v16;
	v39 =	vld [tilespmem:s0+$0x2860];
	v29 =	vtrunc.f32 v29  }
0x103: {  	v40 =	vmul.f32 $7.411696620e+01, v34;
	v41 =	vld [tilespmem:s0+$0x2870];
	v29 =	vcvt.f32.s32 v29  }
0x104: {  	v42 =	vtrunc.f32 v31;
	v31 =	vmul.f32 $7.411696620e+01, v35;
	v43 =	vld [tilespmem:s0+$0x2C00]  }
0x105: {  	v38 =	vtrunc.f32 v38;
	v44 =	vmul.f32 $7.411696620e+01, v36;
	v45 =	vld [tilespmem:s0+$0x2C10];
	vm0 =	vgt.s32 v29, $0x0  }
0x106: {  	v40 =	vtrunc.f32 v40;
	v46 =	vmul.f32 $7.411696620e+01, v37;
	v47 =	vld [tilespmem:s0+$0x2C20];
	v29 =	vnsel vm0, $0x0, v29  }
0x107: {  	v48 =	vtrunc.f32 v31;
	v49 =	vmul.f32 $7.411696620e+01, v39;
	v50 =	vld [tilespmem:s0+$0x2C30];
	v29 =	vmin.u32 v29, $0x7FF  }
0x108: {  	v44 =	vtrunc.f32 v44;
	v51 =	vmul.f32 $7.411696620e+01, v41;
	v52 =	vld [tilespmem:s0+$0x2C40];
	v53 =	vor.u32 v1, v29  }
0x109: {  	v46 =	vtrunc.f32 v46;
	v54 =	vmul.f32 $7.411696620e+01, v43;
	v31 =	vld [tilespmem:s0+$0x2C50]  }
0x10a: {  	v49 =	vtrunc.f32 v49;
	v55 =	vmul.f32 $7.411696620e+01, v45;
	v29 =	vld [tilespmem:s0+$0x2C60]  }
0x10b: {  	v51 =	vtrunc.f32 v51;
	v56 =	vmul.f32 $7.411696620e+01, v47;
	[tilespmem:v32+s21+$0x0] =	vst.idx.add.f32.msk $0xffff, v7;
	v7 =	vmov v34  }
0x10c: {  	v32 =	vtrunc.f32 v54;
	v34 =	vmul.f32 $7.411696620e+01, v50;
	[tilespmem:v30+s20+$0x0] =	vst.idx.add.f32.msk $0xffff, v2  }
0x10d: {  	v54 =	vtrunc.f32 v55;
	v55 =	vmul.f32 $7.411696620e+01, v52;
	[tilespmem:v53+s20+$0x0] =	vst.idx.add.f32.msk $0xffff, v2  }
0x10e: {  	v56 =	vtrunc.f32 v56;
	v57 =	vmul.f32 $7.411696620e+01, v31;
	[tilespmem:v53+s21+$0x0] =	vst.idx.add.f32.msk $0xffff, v33  }
0x10f: {  	v33 =	vtrunc.f32 v34;
	v34 =	vmul.f32 $7.411696620e+01, v29;
	[tilespmem:v30+s21+$0x0] =	vst.idx.add.f32.msk $0xffff, v4;
	v4 =	vmov v35  }
0x110: {  	v30 =	vtrunc.f32 v55;
	v35 =	vtrunc.f32 v57;
	[tilespmem:v28+s20+$0x0] =	vst.idx.add.f32.msk $0xffff, v2  }
0x111: {  	v42 =	vcvt.f32.s32 v42;
	v34 =	vtrunc.f32 v34;
	[tilespmem:v28+s21+$0x0] =	vst.idx.add.f32.msk $0xffff, v3;
	v3 =	vmov v36  }
0x112: {  	v28 =	vcvt.f32.s32 v38;
	v36 =	vcvt.f32.s32 v40;
	[tilespmem:v27+s20+$0x0] =	vst.idx.add.f32.msk $0xffff, v2  }
0x113: {  	vm0 =	vgt.s32 v42, $0x0;
	v38 =	vcvt.f32.s32 v48;
	v40 =	vcvt.f32.s32 v44;
	[tilespmem:v27+s21+$0x0] =	vst.idx.add.f32.msk $0xffff, v5;
	v5 =	vmovc v37  }
0x114: {  	vm1 =	vgt.s32 v28, $0x0;
	v27 =	vcvt.f32.s32 v46;
	v37 =	vcvt.f32.s32 v49;
	[tilespmem:v26+s20+$0x0] =	vst.idx.add.f32.msk $0xffff, v2  }
0x115: {  	v32 =	vcvt.f32.s32 v32;
	v44 =	vcvt.f32.s32 v51;
	vm2 =	vgt.s32 v36, $0x0;
	[tilespmem:v26+s21+$0x0] =	vst.idx.add.f32.msk $0xffff, v6;
	v6 =	vmovc v39  }
0x116: {  	vm3 =	vgt.s32 v38, $0x0;
	v26 =	vcvt.f32.s32 v54;
	v39 =	vcvt.f32.s32 v56;
	[tilespmem:v25+s20+$0x0] =	vst.idx.add.f32.msk $0xffff, v2  }
0x117: {  	v33 =	vcvt.f32.s32 v33;
	v30 =	vcvt.f32.s32 v30;
	vm4 =	vgt.s32 v40, $0x0;
	[tilespmem:v25+s21+$0x0] =	vst.idx.add.f32.msk $0xffff, v8;
	v8 =	vmovc v41  }
0x118: {  	v34 =	vcvt.f32.s32 v34;
	vm5 =	vgt.s32 v27, $0x0;
	v25 =	vcvt.f32.s32 v35;
	[tilespmem:v24+s20+$0x0] =	vst.idx.add.f32.msk $0xffff, v2  }
0x119: {  	vm8 =	vgt.s32 v32, $0x0;
	vm7 =	vgt.s32 v44, $0x0;
	vm6 =	vgt.s32 v37, $0x0;
	[tilespmem:v24+s21+$0x0] =	vst.idx.add.f32.msk $0xffff, v9;
	v9 =	vmovc v43  }
0x11a: {  	vm11 =	vgt.s32 v33, $0x0;
	vm9 =	vgt.s32 v26, $0x0;
	vm10 =	vgt.s32 v39, $0x0;
	[tilespmem:v23+s20+$0x0] =	vst.idx.add.f32.msk $0xffff, v2  }
0x11b: {  	vm12 =	vgt.s32 v30, $0x0;
	vm14 =	vgt.s32 v34, $0x0;
	vm13 =	vgt.s32 v25, $0x0;
	[tilespmem:v23+s21+$0x0] =	vst.idx.add.f32.msk $0xffff, v10;
	v10 =	vmovc v45  }
0x11c: {  	v24 =	vnsel vm1, $0x0, v28;
	v28 =	vnsel vm2, $0x0, v36;
	v23 =	vnsel vm0, $0x0, v42;
	[tilespmem:v22+s20+$0x0] =	vst.idx.add.f32.msk $0xffff, v2  }
0x11d: {  	v27 =	vnsel vm5, $0x0, v27;
	v35 =	vnsel vm3, $0x0, v38;
	v36 =	vnsel vm4, $0x0, v40;
	[tilespmem:v22+s21+$0x0] =	vst.idx.add.f32.msk $0xffff, v11;
	v11 =	vmovc v47  }
0x11e: {  	v32 =	vnsel vm8, $0x0, v32;
	v22 =	vnsel vm6, $0x0, v37;
	v37 =	vnsel vm7, $0x0, v44;
	[tilespmem:v21+s20+$0x0] =	vst.idx.add.f32.msk $0xffff, v2  }
0x11f: {  	v33 =	vnsel vm11, $0x0, v33;
	v26 =	vnsel vm9, $0x0, v26;
	v38 =	vnsel vm10, $0x0, v39;
	[tilespmem:v21+s21+$0x0] =	vst.idx.add.f32.msk $0xffff, v12;
	v12 =	vmovc v50  }
0x120: {  	v25 =	vnsel vm13, $0x0, v25;
	v21 =	vnsel vm12, $0x0, v30;
	v30 =	vnsel vm14, $0x0, v34;
	[tilespmem:v19+s20+$0x0] =	vst.idx.add.f32.msk $0xffff, v2  }
0x121: {  	v24 =	vmin.u32 v24, $0x7FF;
	v28 =	vmin.u32 v28, $0x7FF;
	v23 =	vmin.u32 v23, $0x7FF;
	[tilespmem:v19+s21+$0x0] =	vst.idx.add.f32.msk $0xffff, v13;
	v13 =	vmovc v52  }
0x122: {  	v27 =	vmin.u32 v27, $0x7FF;
	v34 =	vmin.u32 v36, $0x7FF;
	v19 =	vmin.u32 v35, $0x7FF;
	[tilespmem:v18+s20+$0x0] =	vst.idx.add.f32.msk $0xffff, v2  }
0x123: {  	v22 =	vmin.u32 v22, $0x7FF;
	v36 =	vmin.u32 v32, $0x7FF;
	v35 =	vmin.u32 v37, $0x7FF;
	[tilespmem:v18+s21+$0x0] =	vst.idx.add.f32.msk $0xffff, v14;
	v14 =	vmovc v31  }
0x124: {  	v33 =	vmin.u32 v33, $0x7FF;
	v18 =	vmin.u32 v26, $0x7FF;
	v31 =	vmin.u32 v38, $0x7FF;
	[tilespmem:v17+s20+$0x0] =	vst.idx.add.f32.msk $0xffff, v2  }
0x125: {  	v39 =	vmin.u32 v30, $0x7FF;
	v37 =	vmin.u32 v21, $0x7FF;
	v38 =	vmin.u32 v25, $0x7FF;
	[tilespmem:v17+s21+$0x0] =	vst.idx.add.f32.msk $0xffff, v15;
	v15 =	vmovc v29  }
0x126: {  	v40 =	vor.u32 v1, v23;
	v32 =	vor.u32 v1, v28;
	v29 =	vor.u32 v1, v24  }
0x127: {  	v27 =	vor.u32 v1, v27;
	v28 =	vor.u32 v1, v34;
	v30 =	vor.u32 v1, v19  }
0x128: {  	v26 =	vor.u32 v1, v22;
	v25 =	vor.u32 v1, v35;
	v24 =	vor.u32 v1, v36  }
.Ltmp2:
0x129: {  	v21 =	vor.u32 v1, v33;
	v23 =	vor.u32 v1, v18;
	v22 =	vor.u32 v1, v31;
	(pc) =	sbr.rel @p0 .LBB2_6-.Ltmp2, $4  }
0x12a: {  	v19 =	vor.u32 v1, v37;
	v18 =	vor.u32 v1, v38;
	v17 =	vor.u32 v1, v39  }
0x12b: {  	[tilespmem:v40+s20+$0x0] =	vst.idx.add.f32.msk $0xffff, v2  }
0x12c: {  	[tilespmem:v40+s21+$0x0] =	vst.idx.add.f32.msk $0xffff, v20  }
0x12d: {  	s30 =	sadd.s32 $0x80, s30;
	s31 =	sadd.s32 $0x100, s31;
	[tilespmem:v29+s20+$0x0] =	vst.idx.add.f32.msk $0xffff, v2  }
0x12e: {  	_ =	sdelay $0x3  }
0x12f: {  	[tilespmem:v29+s21+$0x0] =	vst.idx.add.f32.msk $0xffff, v16  }
0x130: {  	[tilespmem:v32+s20+$0x0] =	vst.idx.add.f32.msk $0xffff, v2  }
0x131: {  	[tilespmem:v30+s20+$0x0] =	vst.idx.add.f32.msk $0xffff, v2  }
0x132: {  	[tilespmem:v28+s20+$0x0] =	vst.idx.add.f32.msk $0xffff, v2  }
0x133: {  	[tilespmem:v27+s20+$0x0] =	vst.idx.add.f32.msk $0xffff, v2  }
0x134: {  	[tilespmem:v26+s20+$0x0] =	vst.idx.add.f32.msk $0xffff, v2  }
0x135: {  	[tilespmem:v25+s20+$0x0] =	vst.idx.add.f32.msk $0xffff, v2  }
0x136: {  	[tilespmem:v24+s20+$0x0] =	vst.idx.add.f32.msk $0xffff, v2  }
0x137: {  	[tilespmem:v23+s20+$0x0] =	vst.idx.add.f32.msk $0xffff, v2  }
0x138: {  	[tilespmem:v22+s20+$0x0] =	vst.idx.add.f32.msk $0xffff, v2  }
0x139: {  	[tilespmem:v21+s20+$0x0] =	vst.idx.add.f32.msk $0xffff, v2  }
0x13a: {  	[tilespmem:v19+s20+$0x0] =	vst.idx.add.f32.msk $0xffff, v2  }
0x13b: {  	[tilespmem:v18+s20+$0x0] =	vst.idx.add.f32.msk $0xffff, v2  }
0x13c: {  	[tilespmem:v17+s20+$0x0] =	vst.idx.add.f32.msk $0xffff, v2  }
0x13d: {  	[tilespmem:v32+s21+$0x0] =	vst.idx.add.f32.msk $0xffff, v7  }
0x13e: {  	[tilespmem:v30+s21+$0x0] =	vst.idx.add.f32.msk $0xffff, v4  }
0x13f: {  	[tilespmem:v28+s21+$0x0] =	vst.idx.add.f32.msk $0xffff, v3  }
0x140: {  	[tilespmem:v27+s21+$0x0] =	vst.idx.add.f32.msk $0xffff, v5  }
0x141: {  	[tilespmem:v26+s21+$0x0] =	vst.idx.add.f32.msk $0xffff, v6  }
0x142: {  	[tilespmem:v25+s21+$0x0] =	vst.idx.add.f32.msk $0xffff, v8  }
0x143: {  	[tilespmem:v24+s21+$0x0] =	vst.idx.add.f32.msk $0xffff, v9  }
0x144: {  	[tilespmem:v23+s21+$0x0] =	vst.idx.add.f32.msk $0xffff, v10  }
0x145: {  	[tilespmem:v22+s21+$0x0] =	vst.idx.add.f32.msk $0xffff, v11  }
0x146: {  	[tilespmem:v21+s21+$0x0] =	vst.idx.add.f32.msk $0xffff, v12  }
0x147: {  	[tilespmem:v19+s21+$0x0] =	vst.idx.add.f32.msk $0xffff, v13  }
0x148: {  	[tilespmem:v18+s21+$0x0] =	vst.idx.add.f32.msk $0xffff, v14  }
0x149: {  	[tilespmem:v17+s21+$0x0] =	vst.idx.add.f32.msk $0xffff, v15  }
0x14a: {  	s0 =	simm.s32 $0x0;
	_ =	swait.ge [sflag:s18], $0x2800  }
0x14b: {  	s1 =	sand.u32 $0x3800, s0;
	s0 =	sand.u32 $0x380, s0;
	[sflag:s18] =	ssyncset.done $0x0  }
0x14c: {  	s0 =	sor.u32 s0, s1;
	[sflag:s18] =	ssyncadd.s32 $0xFFFFD800  }
0x14d: {  	[tilespmem:s19], [sflag:$0x2] =	stream.strided.gather [hbm4b:s6+s16], $0x2800, s17, s16, $0x38;
	[tilespmem:$0x16000] =	vst v63  }
0x14e: {  	v17 =	vld [tilespmem:s0+$0x470]  }
0x14f: {  	v18 =	vld [tilespmem:s0+$0x0]  }
0x150: {  	v16 =	vld [tilespmem:s0+$0x10]  }
0x151: {  	v7 =	vld [tilespmem:s0+$0x20]  }
0x152: {  	v4 =	vld [tilespmem:s0+$0x30]  }
0x153: {  	v3 =	vld [tilespmem:s0+$0x40]  }
0x154: {  	v5 =	vld [tilespmem:s0+$0x50]  }
0x155: {  	v6 =	vld [tilespmem:s0+$0x60]  }
0x156: {  	v8 =	vmul.f32 $7.411696620e+01, v17  }
0x157: {  	v9 =	vmul.f32 $7.411696620e+01, v18;
	v10 =	vmul.f32 $7.411696620e+01, v16  }
0x158: {  	v12 =	vmul.f32 $7.411696620e+01, v7;
	v13 =	vmul.f32 $7.411696620e+01, v4  }
0x159: {  	v14 =	vmul.f32 $7.411696620e+01, v3;
	v15 =	vmul.f32 $7.411696620e+01, v5  }
0x15a: {  	v24 =	vmul.f32 $7.411696620e+01, v6;
	v11 =	vtrunc.f32 v8  }
0x15b: {  	v20 =	vtrunc.f32 v9;
	v21 =	vtrunc.f32 v10  }
0x15c: {  	v22 =	vtrunc.f32 v12;
	v23 =	vtrunc.f32 v13  }
0x15d: {  	v25 =	vtrunc.f32 v14;
	v27 =	vtrunc.f32 v15  }
0x15e: {  	v8 =	vld [tilespmem:s0+$0x70];
	v24 =	vtrunc.f32 v24;
	v19 =	vcvt.f32.s32 v11  }
0x15f: {  	v9 =	vld [tilespmem:s0+$0x400];
	v20 =	vcvt.f32.s32 v20;
	v21 =	vcvt.f32.s32 v21  }
0x160: {  	v10 =	vld [tilespmem:s0+$0x410];
	v22 =	vcvt.f32.s32 v22;
	v23 =	vcvt.f32.s32 v23  }
0x161: {  	v12 =	vld [tilespmem:s0+$0x430];
	v25 =	vcvt.f32.s32 v25;
	v27 =	vcvt.f32.s32 v27  }
0x162: {  	v13 =	vld [tilespmem:s0+$0x440];
	v24 =	vcvt.f32.s32 v24;
	vm0 =	vgt.s32 v19, $0x0;
	vm1 =	vgt.s32 v21, $0x0  }
0x163: {  	v14 =	vld [tilespmem:s0+$0x450];
	vm2 =	vgt.s32 v22, $0x0;
	vm3 =	vgt.s32 v23, $0x0;
	vm4 =	vgt.s32 v25, $0x0  }
0x164: {  	v15 =	vld [tilespmem:s0+$0x460];
	vm5 =	vgt.s32 v27, $0x0;
	vm6 =	vgt.s32 v24, $0x0;
	v19 =	vnsel vm0, $0x0, v19  }
0x165: {  	vm0 =	vgt.s32 v20, $0x0;
	v21 =	vnsel vm1, $0x0, v21;
	v22 =	vnsel vm2, $0x0, v22  }
0x166: {  	v11 =	vld [tilespmem:s0+$0x420];
	v23 =	vnsel vm3, $0x0, v23;
	v25 =	vnsel vm4, $0x0, v25;
	v26 =	vmul.f32 $7.411696620e+01, v8  }
0x167: {  	v27 =	vnsel vm5, $0x0, v27;
	v28 =	vmul.f32 $7.411696620e+01, v9;
	v29 =	vmul.f32 $7.411696620e+01, v10  }
0x168: {  	v24 =	vnsel vm6, $0x0, v24;
	v31 =	vmul.f32 $7.411696620e+01, v12;
	v63 =	vmul.f32 $7.411696620e+01, v13  }
0x169: {  	v33 =	vmul.f32 $7.411696620e+01, v14;
	v34 =	vmul.f32 $7.411696620e+01, v15;
	v19 =	vmin.u32 v19, $0x7FF  }
0x16a: {  	v20 =	vnsel vm0, $0x0, v20;
	v21 =	vmin.u32 v21, $0x7FF;
	v22 =	vmin.u32 v22, $0x7FF  }
0x16b: {  	v23 =	vmin.u32 v23, $0x7FF;
	v30 =	vmul.f32 $7.411696620e+01, v11;
	v26 =	vtrunc.f32 v26  }
0x16c: {  	v25 =	vmin.u32 v25, $0x7FF;
	v28 =	vtrunc.f32 v28;
	v29 =	vtrunc.f32 v29  }
0x16d: {  	v27 =	vmin.u32 v27, $0x7FF;
	v31 =	vtrunc.f32 v31;
	v32 =	vtrunc.f32 v63  }
0x16e: {  	v24 =	vmin.u32 v24, $0x7FF;
	v33 =	vtrunc.f32 v33;
	v34 =	vtrunc.f32 v34  }
0x16f: {  	v19 =	vor.u32 v1, v19;
	v30 =	vtrunc.f32 v30;
	v26 =	vcvt.f32.s32 v26  }
0x170: {  	v20 =	vmin.u32 v20, $0x7FF;
	v28 =	vcvt.f32.s32 v28;
	v29 =	vcvt.f32.s32 v29  }
0x171: {  	v27 =	vor.u32 v1, v27;
	v31 =	vcvt.f32.s32 v31;
	v32 =	vcvt.f32.s32 v32  }
0x172: {  	v20 =	vor.u32 v1, v20;
	v33 =	vcvt.f32.s32 v33;
	v34 =	vcvt.f32.s32 v34  }
0x173: {  	v30 =	vcvt.f32.s32 v30;
	vm7 =	vgt.s32 v26, $0x0;
	vm8 =	vgt.s32 v28, $0x0  }
0x174: {  	vm9 =	vgt.s32 v29, $0x0;
	vm11 =	vgt.s32 v31, $0x0;
	vm12 =	vgt.s32 v32, $0x0  }
0x175: {  	vm14 =	vgt.s32 v33, $0x0;
	vm15 =	vgt.s32 v34, $0x0;
	vm10 =	vgt.s32 v30, $0x0  }
0x176: {  	v26 =	vnsel vm7, $0x0, v26;
	v28 =	vnsel vm8, $0x0, v28;
	v29 =	vnsel vm9, $0x0, v29  }
0x177: {  	v31 =	vnsel vm11, $0x0, v31;
	v32 =	vnsel vm12, $0x0, v32;
	v33 =	vnsel vm14, $0x0, v33  }
0x178: {  	v34 =	vnsel vm15, $0x0, v34;
	v30 =	vnsel vm10, $0x0, v30;
	v35 =	vmin.u32 v26, $0x7FF  }
0x179: {  	[tilespmem:v19+s20+$0x0] =	vst.idx.add.f32.msk $0xffff, v2;
	v36 =	vmin.u32 v28, $0x7FF;
	v37 =	vmin.u32 v29, $0x7FF;
	v31 =	vmin.u32 v31, $0x7FF  }
0x17a: {  	[tilespmem:v19+s21+$0x0] =	vst.idx.add.f32.msk $0xffff, v17;
	v17 =	vmin.u32 v32, $0x7FF;
	v29 =	vor.u32 v1, v21;
	v32 =	vor.u32 v1, v22  }
0x17b: {  	v28 =	vor.u32 v1, v25;
	v26 =	vor.u32 v1, v24;
	v33 =	vmin.u32 v33, $0x7FF  }
0x17c: {  	[tilespmem:v20+s20+$0x0] =	vst.idx.add.f32.msk $0xffff, v2;
	v38 =	vmin.u32 v30, $0x7FF;
	v30 =	vor.u32 v1, v23;
	v25 =	vor.u32 v1, v35  }
0x17d: {  	v24 =	vor.u32 v1, v36;
	v23 =	vor.u32 v1, v37;
	v21 =	vor.u32 v1, v31  }
0x17e: {  	v34 =	vmin.u32 v34, $0x7FF;
	v19 =	vor.u32 v1, v17;
	[tilespmem:v20+s21+$0x0] =	vst.idx.add.f32.msk $0xffff, v18;
	v18 =	vor.u32 v1, v33  }
0x17f: {  	s29 =	simm.s32 $0x0;
	s30 =	simm.s32 $0x80;
	s31 =	simm.s32 $0x100;
	v17 =	vor.u32 v1, v34;
	v22 =	vor.u32 v1, v38;
	[tilespmem:v29+s20+$0x0] =	vst.idx.add.f32.msk $0xffff, v2  }
.LBB2_8:
0x180: {  	s0 =	sand.u32 $0x3800, s31;
	s1 =	sand.u32 $0x380, s30;
	[tilespmem:v29+s21+$0x0] =	vst.idx.add.f32.msk $0xffff, v16  }
0x181: {  	s29 =	sadd.s32 $0x10, s29;
	s0 =	sor.u32 s1, s0;
	[tilespmem:v32+s20+$0x0] =	vst.idx.add.f32.msk $0xffff, v2  }
0x182: {  	p0 =	slt.u32 s29, $0x270;
	v33 =	vld [tilespmem:s0+$0x470]  }
0x183: {  	v20 =	vld [tilespmem:s0+$0x0]  }
0x184: {  	v16 =	vld [tilespmem:s0+$0x10]  }
0x185: {  	v34 =	vld [tilespmem:s0+$0x20]  }
0x186: {  	v35 =	vld [tilespmem:s0+$0x30]  }
0x187: {  	v36 =	vld [tilespmem:s0+$0x40];
	v29 =	vmul.f32 $7.411696620e+01, v33  }
0x188: {  	v31 =	vmul.f32 $7.411696620e+01, v20;
	v37 =	vld [tilespmem:s0+$0x50]  }
0x189: {  	v38 =	vmul.f32 $7.411696620e+01, v16;
	v39 =	vld [tilespmem:s0+$0x60];
	v29 =	vtrunc.f32 v29  }
0x18a: {  	v40 =	vmul.f32 $7.411696620e+01, v34;
	v41 =	vld [tilespmem:s0+$0x70];
	v29 =	vcvt.f32.s32 v29  }
0x18b: {  	v42 =	vtrunc.f32 v31;
	v31 =	vmul.f32 $7.411696620e+01, v35;
	v43 =	vld [tilespmem:s0+$0x400]  }
0x18c: {  	v38 =	vtrunc.f32 v38;
	v44 =	vmul.f32 $7.411696620e+01, v36;
	v45 =	vld [tilespmem:s0+$0x410];
	vm0 =	vgt.s32 v29, $0x0  }
0x18d: {  	v40 =	vtrunc.f32 v40;
	v46 =	vmul.f32 $7.411696620e+01, v37;
	v47 =	vld [tilespmem:s0+$0x420];
	v29 =	vnsel vm0, $0x0, v29  }
0x18e: {  	v48 =	vtrunc.f32 v31;
	v49 =	vmul.f32 $7.411696620e+01, v39;
	v50 =	vld [tilespmem:s0+$0x430];
	v29 =	vmin.u32 v29, $0x7FF  }
0x18f: {  	v44 =	vtrunc.f32 v44;
	v51 =	vmul.f32 $7.411696620e+01, v41;
	v52 =	vld [tilespmem:s0+$0x440];
	v53 =	vor.u32 v1, v29  }
0x190: {  	v46 =	vtrunc.f32 v46;
	v54 =	vmul.f32 $7.411696620e+01, v43;
	v31 =	vld [tilespmem:s0+$0x450]  }
0x191: {  	v49 =	vtrunc.f32 v49;
	v55 =	vmul.f32 $7.411696620e+01, v45;
	v29 =	vld [tilespmem:s0+$0x460]  }
0x192: {  	v51 =	vtrunc.f32 v51;
	v56 =	vmul.f32 $7.411696620e+01, v47;
	[tilespmem:v32+s21+$0x0] =	vst.idx.add.f32.msk $0xffff, v7;
	v7 =	vmov v34  }
0x193: {  	v32 =	vtrunc.f32 v54;
	v34 =	vmul.f32 $7.411696620e+01, v50;
	[tilespmem:v30+s20+$0x0] =	vst.idx.add.f32.msk $0xffff, v2  }
0x194: {  	v54 =	vtrunc.f32 v55;
	v55 =	vmul.f32 $7.411696620e+01, v52;
	[tilespmem:v53+s20+$0x0] =	vst.idx.add.f32.msk $0xffff, v2  }
0x195: {  	v56 =	vtrunc.f32 v56;
	v57 =	vmul.f32 $7.411696620e+01, v31;
	[tilespmem:v53+s21+$0x0] =	vst.idx.add.f32.msk $0xffff, v33  }
0x196: {  	v33 =	vtrunc.f32 v34;
	v34 =	vmul.f32 $7.411696620e+01, v29;
	[tilespmem:v30+s21+$0x0] =	vst.idx.add.f32.msk $0xffff, v4;
	v4 =	vmov v35  }
0x197: {  	v30 =	vtrunc.f32 v55;
	v35 =	vtrunc.f32 v57;
	[tilespmem:v28+s20+$0x0] =	vst.idx.add.f32.msk $0xffff, v2  }
0x198: {  	v42 =	vcvt.f32.s32 v42;
	v34 =	vtrunc.f32 v34;
	[tilespmem:v28+s21+$0x0] =	vst.idx.add.f32.msk $0xffff, v3;
	v3 =	vmov v36  }
0x199: {  	v28 =	vcvt.f32.s32 v38;
	v36 =	vcvt.f32.s32 v40;
	[tilespmem:v27+s20+$0x0] =	vst.idx.add.f32.msk $0xffff, v2  }
0x19a: {  	vm0 =	vgt.s32 v42, $0x0;
	v38 =	vcvt.f32.s32 v48;
	v40 =	vcvt.f32.s32 v44;
	[tilespmem:v27+s21+$0x0] =	vst.idx.add.f32.msk $0xffff, v5;
	v5 =	vmovc v37  }
0x19b: {  	vm1 =	vgt.s32 v28, $0x0;
	v27 =	vcvt.f32.s32 v46;
	v37 =	vcvt.f32.s32 v49;
	[tilespmem:v26+s20+$0x0] =	vst.idx.add.f32.msk $0xffff, v2  }
0x19c: {  	v32 =	vcvt.f32.s32 v32;
	v44 =	vcvt.f32.s32 v51;
	vm2 =	vgt.s32 v36, $0x0;
	[tilespmem:v26+s21+$0x0] =	vst.idx.add.f32.msk $0xffff, v6;
	v6 =	vmovc v39  }
0x19d: {  	vm3 =	vgt.s32 v38, $0x0;
	v26 =	vcvt.f32.s32 v54;
	v39 =	vcvt.f32.s32 v56;
	[tilespmem:v25+s20+$0x0] =	vst.idx.add.f32.msk $0xffff, v2  }
0x19e: {  	v33 =	vcvt.f32.s32 v33;
	v30 =	vcvt.f32.s32 v30;
	vm4 =	vgt.s32 v40, $0x0;
	[tilespmem:v25+s21+$0x0] =	vst.idx.add.f32.msk $0xffff, v8;
	v8 =	vmovc v41  }
0x19f: {  	v34 =	vcvt.f32.s32 v34;
	vm5 =	vgt.s32 v27, $0x0;
	v25 =	vcvt.f32.s32 v35;
	[tilespmem:v24+s20+$0x0] =	vst.idx.add.f32.msk $0xffff, v2  }
0x1a0: {  	vm8 =	vgt.s32 v32, $0x0;
	vm7 =	vgt.s32 v44, $0x0;
	vm6 =	vgt.s32 v37, $0x0;
	[tilespmem:v24+s21+$0x0] =	vst.idx.add.f32.msk $0xffff, v9;
	v9 =	vmovc v43  }
0x1a1: {  	vm11 =	vgt.s32 v33, $0x0;
	vm9 =	vgt.s32 v26, $0x0;
	vm10 =	vgt.s32 v39, $0x0;
	[tilespmem:v23+s20+$0x0] =	vst.idx.add.f32.msk $0xffff, v2  }
0x1a2: {  	vm12 =	vgt.s32 v30, $0x0;
	vm14 =	vgt.s32 v34, $0x0;
	vm13 =	vgt.s32 v25, $0x0;
	[tilespmem:v23+s21+$0x0] =	vst.idx.add.f32.msk $0xffff, v10;
	v10 =	vmovc v45  }
0x1a3: {  	v24 =	vnsel vm1, $0x0, v28;
	v28 =	vnsel vm2, $0x0, v36;
	v23 =	vnsel vm0, $0x0, v42;
	[tilespmem:v22+s20+$0x0] =	vst.idx.add.f32.msk $0xffff, v2  }
0x1a4: {  	v27 =	vnsel vm5, $0x0, v27;
	v35 =	vnsel vm3, $0x0, v38;
	v36 =	vnsel vm4, $0x0, v40;
	[tilespmem:v22+s21+$0x0] =	vst.idx.add.f32.msk $0xffff, v11;
	v11 =	vmovc v47  }
0x1a5: {  	v32 =	vnsel vm8, $0x0, v32;
	v22 =	vnsel vm6, $0x0, v37;
	v37 =	vnsel vm7, $0x0, v44;
	[tilespmem:v21+s20+$0x0] =	vst.idx.add.f32.msk $0xffff, v2  }
0x1a6: {  	v33 =	vnsel vm11, $0x0, v33;
	v26 =	vnsel vm9, $0x0, v26;
	v38 =	vnsel vm10, $0x0, v39;
	[tilespmem:v21+s21+$0x0] =	vst.idx.add.f32.msk $0xffff, v12;
	v12 =	vmovc v50  }
0x1a7: {  	v25 =	vnsel vm13, $0x0, v25;
	v21 =	vnsel vm12, $0x0, v30;
	v30 =	vnsel vm14, $0x0, v34;
	[tilespmem:v19+s20+$0x0] =	vst.idx.add.f32.msk $0xffff, v2  }
0x1a8: {  	v24 =	vmin.u32 v24, $0x7FF;
	v28 =	vmin.u32 v28, $0x7FF;
	v23 =	vmin.u32 v23, $0x7FF;
	[tilespmem:v19+s21+$0x0] =	vst.idx.add.f32.msk $0xffff, v13;
	v13 =	vmovc v52  }
0x1a9: {  	v27 =	vmin.u32 v27, $0x7FF;
	v34 =	vmin.u32 v36, $0x7FF;
	v19 =	vmin.u32 v35, $0x7FF;
	[tilespmem:v18+s20+$0x0] =	vst.idx.add.f32.msk $0xffff, v2  }
0x1aa: {  	v22 =	vmin.u32 v22, $0x7FF;
	v36 =	vmin.u32 v32, $0x7FF;
	v35 =	vmin.u32 v37, $0x7FF;
	[tilespmem:v18+s21+$0x0] =	vst.idx.add.f32.msk $0xffff, v14;
	v14 =	vmovc v31  }
0x1ab: {  	v33 =	vmin.u32 v33, $0x7FF;
	v18 =	vmin.u32 v26, $0x7FF;
	v31 =	vmin.u32 v38, $0x7FF;
	[tilespmem:v17+s20+$0x0] =	vst.idx.add.f32.msk $0xffff, v2  }
0x1ac: {  	v39 =	vmin.u32 v30, $0x7FF;
	v37 =	vmin.u32 v21, $0x7FF;
	v38 =	vmin.u32 v25, $0x7FF;
	[tilespmem:v17+s21+$0x0] =	vst.idx.add.f32.msk $0xffff, v15;
	v15 =	vmovc v29  }
0x1ad: {  	v40 =	vor.u32 v1, v23;
	v32 =	vor.u32 v1, v28;
	v29 =	vor.u32 v1, v24  }
0x1ae: {  	v27 =	vor.u32 v1, v27;
	v28 =	vor.u32 v1, v34;
	v30 =	vor.u32 v1, v19  }
0x1af: {  	v26 =	vor.u32 v1, v22;
	v25 =	vor.u32 v1, v35;
	v24 =	vor.u32 v1, v36  }
.Ltmp3:
0x1b0: {  	v21 =	vor.u32 v1, v33;
	v23 =	vor.u32 v1, v18;
	v22 =	vor.u32 v1, v31;
	(pc) =	sbr.rel @p0 .LBB2_8-.Ltmp3, $4  }
0x1b1: {  	v19 =	vor.u32 v1, v37;
	v18 =	vor.u32 v1, v38;
	v17 =	vor.u32 v1, v39  }
0x1b2: {  	[tilespmem:v40+s20+$0x0] =	vst.idx.add.f32.msk $0xffff, v2  }
0x1b3: {  	[tilespmem:v40+s21+$0x0] =	vst.idx.add.f32.msk $0xffff, v20  }
0x1b4: {  	s30 =	sadd.s32 $0x80, s30;
	s31 =	sadd.s32 $0x100, s31;
	[tilespmem:v29+s20+$0x0] =	vst.idx.add.f32.msk $0xffff, v2  }
0x1b5: {  	_ =	sdelay $0x3  }
0x1b6: {  	[tilespmem:v29+s21+$0x0] =	vst.idx.add.f32.msk $0xffff, v16  }
0x1b7: {  	[tilespmem:v32+s20+$0x0] =	vst.idx.add.f32.msk $0xffff, v2  }
0x1b8: {  	[tilespmem:v30+s20+$0x0] =	vst.idx.add.f32.msk $0xffff, v2  }
0x1b9: {  	[tilespmem:v28+s20+$0x0] =	vst.idx.add.f32.msk $0xffff, v2  }
0x1ba: {  	[tilespmem:v27+s20+$0x0] =	vst.idx.add.f32.msk $0xffff, v2  }
0x1bb: {  	[tilespmem:v26+s20+$0x0] =	vst.idx.add.f32.msk $0xffff, v2  }
0x1bc: {  	[tilespmem:v25+s20+$0x0] =	vst.idx.add.f32.msk $0xffff, v2  }
0x1bd: {  	[tilespmem:v24+s20+$0x0] =	vst.idx.add.f32.msk $0xffff, v2  }
0x1be: {  	[tilespmem:v23+s20+$0x0] =	vst.idx.add.f32.msk $0xffff, v2  }
0x1bf: {  	[tilespmem:v22+s20+$0x0] =	vst.idx.add.f32.msk $0xffff, v2  }
0x1c0: {  	[tilespmem:v21+s20+$0x0] =	vst.idx.add.f32.msk $0xffff, v2  }
0x1c1: {  	[tilespmem:v19+s20+$0x0] =	vst.idx.add.f32.msk $0xffff, v2  }
0x1c2: {  	[tilespmem:v18+s20+$0x0] =	vst.idx.add.f32.msk $0xffff, v2  }
0x1c3: {  	[tilespmem:v17+s20+$0x0] =	vst.idx.add.f32.msk $0xffff, v2  }
0x1c4: {  	[tilespmem:v32+s21+$0x0] =	vst.idx.add.f32.msk $0xffff, v7  }
0x1c5: {  	[tilespmem:v30+s21+$0x0] =	vst.idx.add.f32.msk $0xffff, v4  }
0x1c6: {  	[tilespmem:v28+s21+$0x0] =	vst.idx.add.f32.msk $0xffff, v3  }
0x1c7: {  	[tilespmem:v27+s21+$0x0] =	vst.idx.add.f32.msk $0xffff, v5  }
0x1c8: {  	[tilespmem:v26+s21+$0x0] =	vst.idx.add.f32.msk $0xffff, v6  }
0x1c9: {  	[tilespmem:v25+s21+$0x0] =	vst.idx.add.f32.msk $0xffff, v8  }
0x1ca: {  	[tilespmem:v24+s21+$0x0] =	vst.idx.add.f32.msk $0xffff, v9  }
0x1cb: {  	[tilespmem:v23+s21+$0x0] =	vst.idx.add.f32.msk $0xffff, v10  }
0x1cc: {  	[tilespmem:v22+s21+$0x0] =	vst.idx.add.f32.msk $0xffff, v11  }
0x1cd: {  	[tilespmem:v21+s21+$0x0] =	vst.idx.add.f32.msk $0xffff, v12  }
0x1ce: {  	[tilespmem:v19+s21+$0x0] =	vst.idx.add.f32.msk $0xffff, v13  }
0x1cf: {  	[tilespmem:v18+s21+$0x0] =	vst.idx.add.f32.msk $0xffff, v14  }
0x1d0: {  	[tilespmem:v17+s21+$0x0] =	vst.idx.add.f32.msk $0xffff, v15  }
0x1d1: {  	_ =	swait.ge [sflag:s22], $0x2800  }
0x1d2: {  	[sflag:s22] =	ssyncset.done $0x0  }
0x1d3: {  	s0 =	simm.s32 $0x0;
	[sflag:s22] =	ssyncadd.s32 $0xFFFFD800  }
0x1d4: {  	[tilespmem:s0], [sflag:$0x1] =	stream.strided.gather [hbm4b:s7+s16], $0x2800, s17, s16, $0x38;
	[tilespmem:$0x16000] =	vst v63  }
0x1d5: {  	s1 =	sand.u32 $0x3800, s0;
	s0 =	sand.u32 $0x380, s0  }
0x1d6: {  	s0 =	sor.u32 s0, s1  }
0x1d7: {  	v17 =	vld [tilespmem:s0+$0x2C70]  }
0x1d8: {  	v18 =	vld [tilespmem:s0+$0x2800]  }
0x1d9: {  	v16 =	vld [tilespmem:s0+$0x2810]  }
0x1da: {  	v7 =	vld [tilespmem:s0+$0x2820]  }
0x1db: {  	v4 =	vld [tilespmem:s0+$0x2830]  }
0x1dc: {  	v3 =	vld [tilespmem:s0+$0x2840]  }
0x1dd: {  	v5 =	vld [tilespmem:s0+$0x2850]  }
0x1de: {  	v6 =	vld [tilespmem:s0+$0x2860]  }
0x1df: {  	v8 =	vmul.f32 $7.411696620e+01, v17  }
0x1e0: {  	v9 =	vmul.f32 $7.411696620e+01, v18;
	v10 =	vmul.f32 $7.411696620e+01, v16  }
0x1e1: {  	v12 =	vmul.f32 $7.411696620e+01, v7;
	v13 =	vmul.f32 $7.411696620e+01, v4  }
0x1e2: {  	v14 =	vmul.f32 $7.411696620e+01, v3;
	v15 =	vmul.f32 $7.411696620e+01, v5  }
0x1e3: {  	v24 =	vmul.f32 $7.411696620e+01, v6;
	v11 =	vtrunc.f32 v8  }
0x1e4: {  	v20 =	vtrunc.f32 v9;
	v21 =	vtrunc.f32 v10  }
0x1e5: {  	v22 =	vtrunc.f32 v12;
	v23 =	vtrunc.f32 v13  }
0x1e6: {  	v25 =	vtrunc.f32 v14;
	v27 =	vtrunc.f32 v15  }
0x1e7: {  	v8 =	vld [tilespmem:s0+$0x2870];
	v24 =	vtrunc.f32 v24;
	v19 =	vcvt.f32.s32 v11  }
0x1e8: {  	v9 =	vld [tilespmem:s0+$0x2C00];
	v20 =	vcvt.f32.s32 v20;
	v21 =	vcvt.f32.s32 v21  }
0x1e9: {  	v10 =	vld [tilespmem:s0+$0x2C10];
	v22 =	vcvt.f32.s32 v22;
	v23 =	vcvt.f32.s32 v23  }
0x1ea: {  	v12 =	vld [tilespmem:s0+$0x2C30];
	v25 =	vcvt.f32.s32 v25;
	v27 =	vcvt.f32.s32 v27  }
0x1eb: {  	v13 =	vld [tilespmem:s0+$0x2C40];
	v24 =	vcvt.f32.s32 v24;
	vm0 =	vgt.s32 v19, $0x0;
	vm1 =	vgt.s32 v21, $0x0  }
0x1ec: {  	v14 =	vld [tilespmem:s0+$0x2C50];
	vm2 =	vgt.s32 v22, $0x0;
	vm3 =	vgt.s32 v23, $0x0;
	vm4 =	vgt.s32 v25, $0x0  }
0x1ed: {  	v15 =	vld [tilespmem:s0+$0x2C60];
	vm5 =	vgt.s32 v27, $0x0;
	vm6 =	vgt.s32 v24, $0x0;
	v19 =	vnsel vm0, $0x0, v19  }
0x1ee: {  	vm0 =	vgt.s32 v20, $0x0;
	v21 =	vnsel vm1, $0x0, v21;
	v22 =	vnsel vm2, $0x0, v22  }
0x1ef: {  	v11 =	vld [tilespmem:s0+$0x2C20];
	v23 =	vnsel vm3, $0x0, v23;
	v25 =	vnsel vm4, $0x0, v25;
	v26 =	vmul.f32 $7.411696620e+01, v8  }
0x1f0: {  	v27 =	vnsel vm5, $0x0, v27;
	v28 =	vmul.f32 $7.411696620e+01, v9;
	v29 =	vmul.f32 $7.411696620e+01, v10  }
0x1f1: {  	v24 =	vnsel vm6, $0x0, v24;
	v31 =	vmul.f32 $7.411696620e+01, v12;
	v63 =	vmul.f32 $7.411696620e+01, v13  }
0x1f2: {  	v33 =	vmul.f32 $7.411696620e+01, v14;
	v34 =	vmul.f32 $7.411696620e+01, v15;
	v19 =	vmin.u32 v19, $0x7FF  }
0x1f3: {  	v20 =	vnsel vm0, $0x0, v20;
	v21 =	vmin.u32 v21, $0x7FF;
	v22 =	vmin.u32 v22, $0x7FF  }
0x1f4: {  	v23 =	vmin.u32 v23, $0x7FF;
	v30 =	vmul.f32 $7.411696620e+01, v11;
	v26 =	vtrunc.f32 v26  }
0x1f5: {  	v25 =	vmin.u32 v25, $0x7FF;
	v28 =	vtrunc.f32 v28;
	v29 =	vtrunc.f32 v29  }
0x1f6: {  	v27 =	vmin.u32 v27, $0x7FF;
	v31 =	vtrunc.f32 v31;
	v32 =	vtrunc.f32 v63  }
0x1f7: {  	v24 =	vmin.u32 v24, $0x7FF;
	v33 =	vtrunc.f32 v33;
	v34 =	vtrunc.f32 v34  }
0x1f8: {  	v19 =	vor.u32 v1, v19;
	v30 =	vtrunc.f32 v30;
	v26 =	vcvt.f32.s32 v26  }
0x1f9: {  	v20 =	vmin.u32 v20, $0x7FF;
	v28 =	vcvt.f32.s32 v28;
	v29 =	vcvt.f32.s32 v29  }
0x1fa: {  	v27 =	vor.u32 v1, v27;
	v31 =	vcvt.f32.s32 v31;
	v32 =	vcvt.f32.s32 v32  }
0x1fb: {  	v20 =	vor.u32 v1, v20;
	v33 =	vcvt.f32.s32 v33;
	v34 =	vcvt.f32.s32 v34  }
0x1fc: {  	v30 =	vcvt.f32.s32 v30;
	vm7 =	vgt.s32 v26, $0x0;
	vm8 =	vgt.s32 v28, $0x0  }
0x1fd: {  	vm9 =	vgt.s32 v29, $0x0;
	vm11 =	vgt.s32 v31, $0x0;
	vm12 =	vgt.s32 v32, $0x0  }
0x1fe: {  	vm14 =	vgt.s32 v33, $0x0;
	vm15 =	vgt.s32 v34, $0x0;
	vm10 =	vgt.s32 v30, $0x0  }
0x1ff: {  	v26 =	vnsel vm7, $0x0, v26;
	v28 =	vnsel vm8, $0x0, v28;
	v29 =	vnsel vm9, $0x0, v29  }
0x200: {  	v31 =	vnsel vm11, $0x0, v31;
	v32 =	vnsel vm12, $0x0, v32;
	v33 =	vnsel vm14, $0x0, v33  }
0x201: {  	v34 =	vnsel vm15, $0x0, v34;
	v30 =	vnsel vm10, $0x0, v30;
	v35 =	vmin.u32 v26, $0x7FF  }
0x202: {  	[tilespmem:v19+s20+$0x0] =	vst.idx.add.f32.msk $0xffff, v2;
	v36 =	vmin.u32 v28, $0x7FF;
	v37 =	vmin.u32 v29, $0x7FF;
	v31 =	vmin.u32 v31, $0x7FF  }
0x203: {  	[tilespmem:v19+s21+$0x0] =	vst.idx.add.f32.msk $0xffff, v17;
	v17 =	vmin.u32 v32, $0x7FF;
	v29 =	vor.u32 v1, v21;
	v32 =	vor.u32 v1, v22  }
0x204: {  	v28 =	vor.u32 v1, v25;
	v26 =	vor.u32 v1, v24;
	v33 =	vmin.u32 v33, $0x7FF  }
0x205: {  	[tilespmem:v20+s20+$0x0] =	vst.idx.add.f32.msk $0xffff, v2;
	v38 =	vmin.u32 v30, $0x7FF;
	v30 =	vor.u32 v1, v23;
	v25 =	vor.u32 v1, v35  }
0x206: {  	v24 =	vor.u32 v1, v36;
	v23 =	vor.u32 v1, v37;
	v21 =	vor.u32 v1, v31  }
0x207: {  	v34 =	vmin.u32 v34, $0x7FF;
	v19 =	vor.u32 v1, v17;
	[tilespmem:v20+s21+$0x0] =	vst.idx.add.f32.msk $0xffff, v18;
	v18 =	vor.u32 v1, v33  }
0x208: {  	s29 =	simm.s32 $0x0;
	s30 =	simm.s32 $0x80;
	s31 =	simm.s32 $0x100;
	v17 =	vor.u32 v1, v34;
	v22 =	vor.u32 v1, v38;
	[tilespmem:v29+s20+$0x0] =	vst.idx.add.f32.msk $0xffff, v2  }
.LBB2_10:
0x209: {  	s0 =	sand.u32 $0x3800, s31;
	s1 =	sand.u32 $0x380, s30;
	[tilespmem:v29+s21+$0x0] =	vst.idx.add.f32.msk $0xffff, v16  }
0x20a: {  	s29 =	sadd.s32 $0x10, s29;
	s0 =	sor.u32 s1, s0;
	[tilespmem:v32+s20+$0x0] =	vst.idx.add.f32.msk $0xffff, v2  }
0x20b: {  	p0 =	slt.u32 s29, $0x270;
	v33 =	vld [tilespmem:s0+$0x2C70]  }
0x20c: {  	v20 =	vld [tilespmem:s0+$0x2800]  }
0x20d: {  	v16 =	vld [tilespmem:s0+$0x2810]  }
0x20e: {  	v34 =	vld [tilespmem:s0+$0x2820]  }
0x20f: {  	v35 =	vld [tilespmem:s0+$0x2830]  }
0x210: {  	v36 =	vld [tilespmem:s0+$0x2840];
	v29 =	vmul.f32 $7.411696620e+01, v33  }
0x211: {  	v31 =	vmul.f32 $7.411696620e+01, v20;
	v37 =	vld [tilespmem:s0+$0x2850]  }
0x212: {  	v38 =	vmul.f32 $7.411696620e+01, v16;
	v39 =	vld [tilespmem:s0+$0x2860];
	v29 =	vtrunc.f32 v29  }
0x213: {  	v40 =	vmul.f32 $7.411696620e+01, v34;
	v41 =	vld [tilespmem:s0+$0x2870];
	v29 =	vcvt.f32.s32 v29  }
0x214: {  	v42 =	vtrunc.f32 v31;
	v31 =	vmul.f32 $7.411696620e+01, v35;
	v43 =	vld [tilespmem:s0+$0x2C00]  }
0x215: {  	v38 =	vtrunc.f32 v38;
	v44 =	vmul.f32 $7.411696620e+01, v36;
	v45 =	vld [tilespmem:s0+$0x2C10];
	vm0 =	vgt.s32 v29, $0x0  }
0x216: {  	v40 =	vtrunc.f32 v40;
	v46 =	vmul.f32 $7.411696620e+01, v37;
	v47 =	vld [tilespmem:s0+$0x2C20];
	v29 =	vnsel vm0, $0x0, v29  }
0x217: {  	v48 =	vtrunc.f32 v31;
	v49 =	vmul.f32 $7.411696620e+01, v39;
	v50 =	vld [tilespmem:s0+$0x2C30];
	v29 =	vmin.u32 v29, $0x7FF  }
0x218: {  	v44 =	vtrunc.f32 v44;
	v51 =	vmul.f32 $7.411696620e+01, v41;
	v52 =	vld [tilespmem:s0+$0x2C40];
	v53 =	vor.u32 v1, v29  }
0x219: {  	v46 =	vtrunc.f32 v46;
	v54 =	vmul.f32 $7.411696620e+01, v43;
	v31 =	vld [tilespmem:s0+$0x2C50]  }
0x21a: {  	v49 =	vtrunc.f32 v49;
	v55 =	vmul.f32 $7.411696620e+01, v45;
	v29 =	vld [tilespmem:s0+$0x2C60]  }
0x21b: {  	v51 =	vtrunc.f32 v51;
	v56 =	vmul.f32 $7.411696620e+01, v47;
	[tilespmem:v32+s21+$0x0] =	vst.idx.add.f32.msk $0xffff, v7;
	v7 =	vmov v34  }
0x21c: {  	v32 =	vtrunc.f32 v54;
	v34 =	vmul.f32 $7.411696620e+01, v50;
	[tilespmem:v30+s20+$0x0] =	vst.idx.add.f32.msk $0xffff, v2  }
0x21d: {  	v54 =	vtrunc.f32 v55;
	v55 =	vmul.f32 $7.411696620e+01, v52;
	[tilespmem:v53+s20+$0x0] =	vst.idx.add.f32.msk $0xffff, v2  }
0x21e: {  	v56 =	vtrunc.f32 v56;
	v57 =	vmul.f32 $7.411696620e+01, v31;
	[tilespmem:v53+s21+$0x0] =	vst.idx.add.f32.msk $0xffff, v33  }
0x21f: {  	v33 =	vtrunc.f32 v34;
	v34 =	vmul.f32 $7.411696620e+01, v29;
	[tilespmem:v30+s21+$0x0] =	vst.idx.add.f32.msk $0xffff, v4;
	v4 =	vmov v35  }
0x220: {  	v30 =	vtrunc.f32 v55;
	v35 =	vtrunc.f32 v57;
	[tilespmem:v28+s20+$0x0] =	vst.idx.add.f32.msk $0xffff, v2  }
0x221: {  	v42 =	vcvt.f32.s32 v42;
	v34 =	vtrunc.f32 v34;
	[tilespmem:v28+s21+$0x0] =	vst.idx.add.f32.msk $0xffff, v3;
	v3 =	vmov v36  }
0x222: {  	v28 =	vcvt.f32.s32 v38;
	v36 =	vcvt.f32.s32 v40;
	[tilespmem:v27+s20+$0x0] =	vst.idx.add.f32.msk $0xffff, v2  }
0x223: {  	vm0 =	vgt.s32 v42, $0x0;
	v38 =	vcvt.f32.s32 v48;
	v40 =	vcvt.f32.s32 v44;
	[tilespmem:v27+s21+$0x0] =	vst.idx.add.f32.msk $0xffff, v5;
	v5 =	vmovc v37  }
0x224: {  	vm1 =	vgt.s32 v28, $0x0;
	v27 =	vcvt.f32.s32 v46;
	v37 =	vcvt.f32.s32 v49;
	[tilespmem:v26+s20+$0x0] =	vst.idx.add.f32.msk $0xffff, v2  }
0x225: {  	v32 =	vcvt.f32.s32 v32;
	v44 =	vcvt.f32.s32 v51;
	vm2 =	vgt.s32 v36, $0x0;
	[tilespmem:v26+s21+$0x0] =	vst.idx.add.f32.msk $0xffff, v6;
	v6 =	vmovc v39  }
0x226: {  	vm3 =	vgt.s32 v38, $0x0;
	v26 =	vcvt.f32.s32 v54;
	v39 =	vcvt.f32.s32 v56;
	[tilespmem:v25+s20+$0x0] =	vst.idx.add.f32.msk $0xffff, v2  }
0x227: {  	v33 =	vcvt.f32.s32 v33;
	v30 =	vcvt.f32.s32 v30;
	vm4 =	vgt.s32 v40, $0x0;
	[tilespmem:v25+s21+$0x0] =	vst.idx.add.f32.msk $0xffff, v8;
	v8 =	vmovc v41  }
0x228: {  	v34 =	vcvt.f32.s32 v34;
	vm5 =	vgt.s32 v27, $0x0;
	v25 =	vcvt.f32.s32 v35;
	[tilespmem:v24+s20+$0x0] =	vst.idx.add.f32.msk $0xffff, v2  }
0x229: {  	vm8 =	vgt.s32 v32, $0x0;
	vm7 =	vgt.s32 v44, $0x0;
	vm6 =	vgt.s32 v37, $0x0;
	[tilespmem:v24+s21+$0x0] =	vst.idx.add.f32.msk $0xffff, v9;
	v9 =	vmovc v43  }
0x22a: {  	vm11 =	vgt.s32 v33, $0x0;
	vm9 =	vgt.s32 v26, $0x0;
	vm10 =	vgt.s32 v39, $0x0;
	[tilespmem:v23+s20+$0x0] =	vst.idx.add.f32.msk $0xffff, v2  }
0x22b: {  	vm12 =	vgt.s32 v30, $0x0;
	vm14 =	vgt.s32 v34, $0x0;
	vm13 =	vgt.s32 v25, $0x0;
	[tilespmem:v23+s21+$0x0] =	vst.idx.add.f32.msk $0xffff, v10;
	v10 =	vmovc v45  }
0x22c: {  	v24 =	vnsel vm1, $0x0, v28;
	v28 =	vnsel vm2, $0x0, v36;
	v23 =	vnsel vm0, $0x0, v42;
	[tilespmem:v22+s20+$0x0] =	vst.idx.add.f32.msk $0xffff, v2  }
0x22d: {  	v27 =	vnsel vm5, $0x0, v27;
	v35 =	vnsel vm3, $0x0, v38;
	v36 =	vnsel vm4, $0x0, v40;
	[tilespmem:v22+s21+$0x0] =	vst.idx.add.f32.msk $0xffff, v11;
	v11 =	vmovc v47  }
0x22e: {  	v32 =	vnsel vm8, $0x0, v32;
	v22 =	vnsel vm6, $0x0, v37;
	v37 =	vnsel vm7, $0x0, v44;
	[tilespmem:v21+s20+$0x0] =	vst.idx.add.f32.msk $0xffff, v2  }
0x22f: {  	v33 =	vnsel vm11, $0x0, v33;
	v26 =	vnsel vm9, $0x0, v26;
	v38 =	vnsel vm10, $0x0, v39;
	[tilespmem:v21+s21+$0x0] =	vst.idx.add.f32.msk $0xffff, v12;
	v12 =	vmovc v50  }
0x230: {  	v25 =	vnsel vm13, $0x0, v25;
	v21 =	vnsel vm12, $0x0, v30;
	v30 =	vnsel vm14, $0x0, v34;
	[tilespmem:v19+s20+$0x0] =	vst.idx.add.f32.msk $0xffff, v2  }
0x231: {  	v24 =	vmin.u32 v24, $0x7FF;
	v28 =	vmin.u32 v28, $0x7FF;
	v23 =	vmin.u32 v23, $0x7FF;
	[tilespmem:v19+s21+$0x0] =	vst.idx.add.f32.msk $0xffff, v13;
	v13 =	vmovc v52  }
0x232: {  	v27 =	vmin.u32 v27, $0x7FF;
	v34 =	vmin.u32 v36, $0x7FF;
	v19 =	vmin.u32 v35, $0x7FF;
	[tilespmem:v18+s20+$0x0] =	vst.idx.add.f32.msk $0xffff, v2  }
0x233: {  	v22 =	vmin.u32 v22, $0x7FF;
	v36 =	vmin.u32 v32, $0x7FF;
	v35 =	vmin.u32 v37, $0x7FF;
	[tilespmem:v18+s21+$0x0] =	vst.idx.add.f32.msk $0xffff, v14;
	v14 =	vmovc v31  }
0x234: {  	v33 =	vmin.u32 v33, $0x7FF;
	v18 =	vmin.u32 v26, $0x7FF;
	v31 =	vmin.u32 v38, $0x7FF;
	[tilespmem:v17+s20+$0x0] =	vst.idx.add.f32.msk $0xffff, v2  }
0x235: {  	v39 =	vmin.u32 v30, $0x7FF;
	v37 =	vmin.u32 v21, $0x7FF;
	v38 =	vmin.u32 v25, $0x7FF;
	[tilespmem:v17+s21+$0x0] =	vst.idx.add.f32.msk $0xffff, v15;
	v15 =	vmovc v29  }
0x236: {  	v40 =	vor.u32 v1, v23;
	v32 =	vor.u32 v1, v28;
	v29 =	vor.u32 v1, v24  }
0x237: {  	v27 =	vor.u32 v1, v27;
	v28 =	vor.u32 v1, v34;
	v30 =	vor.u32 v1, v19  }
0x238: {  	v26 =	vor.u32 v1, v22;
	v25 =	vor.u32 v1, v35;
	v24 =	vor.u32 v1, v36  }
.Ltmp4:
0x239: {  	v21 =	vor.u32 v1, v33;
	v23 =	vor.u32 v1, v18;
	v22 =	vor.u32 v1, v31;
	(pc) =	sbr.rel @p0 .LBB2_10-.Ltmp4, $4  }
0x23a: {  	v19 =	vor.u32 v1, v37;
	v18 =	vor.u32 v1, v38;
	v17 =	vor.u32 v1, v39  }
0x23b: {  	[tilespmem:v40+s20+$0x0] =	vst.idx.add.f32.msk $0xffff, v2  }
0x23c: {  	[tilespmem:v40+s21+$0x0] =	vst.idx.add.f32.msk $0xffff, v20  }
0x23d: {  	s30 =	sadd.s32 $0x80, s30;
	s31 =	sadd.s32 $0x100, s31;
	[tilespmem:v29+s20+$0x0] =	vst.idx.add.f32.msk $0xffff, v2  }
0x23e: {  	_ =	sdelay $0x3  }
0x23f: {  	[tilespmem:v29+s21+$0x0] =	vst.idx.add.f32.msk $0xffff, v16  }
0x240: {  	[tilespmem:v32+s20+$0x0] =	vst.idx.add.f32.msk $0xffff, v2  }
0x241: {  	[tilespmem:v30+s20+$0x0] =	vst.idx.add.f32.msk $0xffff, v2  }
0x242: {  	[tilespmem:v28+s20+$0x0] =	vst.idx.add.f32.msk $0xffff, v2  }
0x243: {  	[tilespmem:v27+s20+$0x0] =	vst.idx.add.f32.msk $0xffff, v2  }
0x244: {  	[tilespmem:v26+s20+$0x0] =	vst.idx.add.f32.msk $0xffff, v2  }
0x245: {  	[tilespmem:v25+s20+$0x0] =	vst.idx.add.f32.msk $0xffff, v2  }
0x246: {  	[tilespmem:v24+s20+$0x0] =	vst.idx.add.f32.msk $0xffff, v2  }
0x247: {  	[tilespmem:v23+s20+$0x0] =	vst.idx.add.f32.msk $0xffff, v2  }
0x248: {  	[tilespmem:v22+s20+$0x0] =	vst.idx.add.f32.msk $0xffff, v2  }
0x249: {  	[tilespmem:v21+s20+$0x0] =	vst.idx.add.f32.msk $0xffff, v2  }
0x24a: {  	[tilespmem:v19+s20+$0x0] =	vst.idx.add.f32.msk $0xffff, v2  }
0x24b: {  	[tilespmem:v18+s20+$0x0] =	vst.idx.add.f32.msk $0xffff, v2  }
0x24c: {  	[tilespmem:v17+s20+$0x0] =	vst.idx.add.f32.msk $0xffff, v2  }
0x24d: {  	[tilespmem:v32+s21+$0x0] =	vst.idx.add.f32.msk $0xffff, v7  }
0x24e: {  	[tilespmem:v30+s21+$0x0] =	vst.idx.add.f32.msk $0xffff, v4  }
0x24f: {  	[tilespmem:v28+s21+$0x0] =	vst.idx.add.f32.msk $0xffff, v3  }
0x250: {  	[tilespmem:v27+s21+$0x0] =	vst.idx.add.f32.msk $0xffff, v5  }
0x251: {  	[tilespmem:v26+s21+$0x0] =	vst.idx.add.f32.msk $0xffff, v6  }
0x252: {  	[tilespmem:v25+s21+$0x0] =	vst.idx.add.f32.msk $0xffff, v8  }
0x253: {  	[tilespmem:v24+s21+$0x0] =	vst.idx.add.f32.msk $0xffff, v9  }
0x254: {  	[tilespmem:v23+s21+$0x0] =	vst.idx.add.f32.msk $0xffff, v10  }
0x255: {  	[tilespmem:v22+s21+$0x0] =	vst.idx.add.f32.msk $0xffff, v11  }
0x256: {  	[tilespmem:v21+s21+$0x0] =	vst.idx.add.f32.msk $0xffff, v12  }
0x257: {  	[tilespmem:v19+s21+$0x0] =	vst.idx.add.f32.msk $0xffff, v13  }
0x258: {  	[tilespmem:v18+s21+$0x0] =	vst.idx.add.f32.msk $0xffff, v14  }
0x259: {  	[tilespmem:v17+s21+$0x0] =	vst.idx.add.f32.msk $0xffff, v15  }
0x25a: {  	s0 =	simm.s32 $0x0;
	_ =	swait.ge [sflag:s18], $0x2800  }
0x25b: {  	s1 =	sand.u32 $0x3800, s0;
	s0 =	sand.u32 $0x380, s0;
	[sflag:s18] =	ssyncset.done $0x0  }
0x25c: {  	s0 =	sor.u32 s0, s1;
	[sflag:s18] =	ssyncadd.s32 $0xFFFFD800  }
0x25d: {  	[tilespmem:s19], [sflag:$0x2] =	stream.strided.gather [hbm4b:s8+s16], $0x2800, s17, s16, $0x38;
	[tilespmem:$0x16000] =	vst v63  }
0x25e: {  	v17 =	vld [tilespmem:s0+$0x470]  }
0x25f: {  	v18 =	vld [tilespmem:s0+$0x0]  }
0x260: {  	v16 =	vld [tilespmem:s0+$0x10]  }
0x261: {  	v7 =	vld [tilespmem:s0+$0x20]  }
0x262: {  	v4 =	vld [tilespmem:s0+$0x30]  }
0x263: {  	v3 =	vld [tilespmem:s0+$0x40]  }
0x264: {  	v5 =	vld [tilespmem:s0+$0x50]  }
0x265: {  	v6 =	vld [tilespmem:s0+$0x60]  }
0x266: {  	v8 =	vmul.f32 $7.411696620e+01, v17  }
0x267: {  	v9 =	vmul.f32 $7.411696620e+01, v18;
	v10 =	vmul.f32 $7.411696620e+01, v16  }
0x268: {  	v12 =	vmul.f32 $7.411696620e+01, v7;
	v13 =	vmul.f32 $7.411696620e+01, v4  }
0x269: {  	v14 =	vmul.f32 $7.411696620e+01, v3;
	v15 =	vmul.f32 $7.411696620e+01, v5  }
0x26a: {  	v24 =	vmul.f32 $7.411696620e+01, v6;
	v11 =	vtrunc.f32 v8  }
0x26b: {  	v20 =	vtrunc.f32 v9;
	v21 =	vtrunc.f32 v10  }
0x26c: {  	v22 =	vtrunc.f32 v12;
	v23 =	vtrunc.f32 v13  }
0x26d: {  	v25 =	vtrunc.f32 v14;
	v27 =	vtrunc.f32 v15  }
0x26e: {  	v8 =	vld [tilespmem:s0+$0x70];
	v24 =	vtrunc.f32 v24;
	v19 =	vcvt.f32.s32 v11  }
0x26f: {  	v9 =	vld [tilespmem:s0+$0x400];
	v20 =	vcvt.f32.s32 v20;
	v21 =	vcvt.f32.s32 v21  }
0x270: {  	v10 =	vld [tilespmem:s0+$0x410];
	v22 =	vcvt.f32.s32 v22;
	v23 =	vcvt.f32.s32 v23  }
0x271: {  	v12 =	vld [tilespmem:s0+$0x430];
	v25 =	vcvt.f32.s32 v25;
	v27 =	vcvt.f32.s32 v27  }
0x272: {  	v13 =	vld [tilespmem:s0+$0x440];
	v24 =	vcvt.f32.s32 v24;
	vm0 =	vgt.s32 v19, $0x0;
	vm1 =	vgt.s32 v21, $0x0  }
0x273: {  	v14 =	vld [tilespmem:s0+$0x450];
	vm2 =	vgt.s32 v22, $0x0;
	vm3 =	vgt.s32 v23, $0x0;
	vm4 =	vgt.s32 v25, $0x0  }
0x274: {  	v15 =	vld [tilespmem:s0+$0x460];
	vm5 =	vgt.s32 v27, $0x0;
	vm6 =	vgt.s32 v24, $0x0;
	v19 =	vnsel vm0, $0x0, v19  }
0x275: {  	vm0 =	vgt.s32 v20, $0x0;
	v21 =	vnsel vm1, $0x0, v21;
	v22 =	vnsel vm2, $0x0, v22  }
0x276: {  	v11 =	vld [tilespmem:s0+$0x420];
	v23 =	vnsel vm3, $0x0, v23;
	v25 =	vnsel vm4, $0x0, v25;
	v26 =	vmul.f32 $7.411696620e+01, v8  }
0x277: {  	v27 =	vnsel vm5, $0x0, v27;
	v28 =	vmul.f32 $7.411696620e+01, v9;
	v29 =	vmul.f32 $7.411696620e+01, v10  }
0x278: {  	v24 =	vnsel vm6, $0x0, v24;
	v31 =	vmul.f32 $7.411696620e+01, v12;
	v63 =	vmul.f32 $7.411696620e+01, v13  }
0x279: {  	v33 =	vmul.f32 $7.411696620e+01, v14;
	v34 =	vmul.f32 $7.411696620e+01, v15;
	v19 =	vmin.u32 v19, $0x7FF  }
0x27a: {  	v20 =	vnsel vm0, $0x0, v20;
	v21 =	vmin.u32 v21, $0x7FF;
	v22 =	vmin.u32 v22, $0x7FF  }
0x27b: {  	v23 =	vmin.u32 v23, $0x7FF;
	v30 =	vmul.f32 $7.411696620e+01, v11;
	v26 =	vtrunc.f32 v26  }
0x27c: {  	v25 =	vmin.u32 v25, $0x7FF;
	v28 =	vtrunc.f32 v28;
	v29 =	vtrunc.f32 v29  }
0x27d: {  	v27 =	vmin.u32 v27, $0x7FF;
	v31 =	vtrunc.f32 v31;
	v32 =	vtrunc.f32 v63  }
0x27e: {  	v24 =	vmin.u32 v24, $0x7FF;
	v33 =	vtrunc.f32 v33;
	v34 =	vtrunc.f32 v34  }
0x27f: {  	v19 =	vor.u32 v1, v19;
	v30 =	vtrunc.f32 v30;
	v26 =	vcvt.f32.s32 v26  }
0x280: {  	v20 =	vmin.u32 v20, $0x7FF;
	v28 =	vcvt.f32.s32 v28;
	v29 =	vcvt.f32.s32 v29  }
0x281: {  	v27 =	vor.u32 v1, v27;
	v31 =	vcvt.f32.s32 v31;
	v32 =	vcvt.f32.s32 v32  }
0x282: {  	v20 =	vor.u32 v1, v20;
	v33 =	vcvt.f32.s32 v33;
	v34 =	vcvt.f32.s32 v34  }
0x283: {  	v30 =	vcvt.f32.s32 v30;
	vm7 =	vgt.s32 v26, $0x0;
	vm8 =	vgt.s32 v28, $0x0  }
0x284: {  	vm9 =	vgt.s32 v29, $0x0;
	vm11 =	vgt.s32 v31, $0x0;
	vm12 =	vgt.s32 v32, $0x0  }
0x285: {  	vm14 =	vgt.s32 v33, $0x0;
	vm15 =	vgt.s32 v34, $0x0;
	vm10 =	vgt.s32 v30, $0x0  }
0x286: {  	v26 =	vnsel vm7, $0x0, v26;
	v28 =	vnsel vm8, $0x0, v28;
	v29 =	vnsel vm9, $0x0, v29  }
0x287: {  	v31 =	vnsel vm11, $0x0, v31;
	v32 =	vnsel vm12, $0x0, v32;
	v33 =	vnsel vm14, $0x0, v33  }
0x288: {  	v34 =	vnsel vm15, $0x0, v34;
	v30 =	vnsel vm10, $0x0, v30;
	v35 =	vmin.u32 v26, $0x7FF  }
0x289: {  	[tilespmem:v19+s20+$0x0] =	vst.idx.add.f32.msk $0xffff, v2;
	v36 =	vmin.u32 v28, $0x7FF;
	v37 =	vmin.u32 v29, $0x7FF;
	v31 =	vmin.u32 v31, $0x7FF  }
0x28a: {  	[tilespmem:v19+s21+$0x0] =	vst.idx.add.f32.msk $0xffff, v17;
	v17 =	vmin.u32 v32, $0x7FF;
	v29 =	vor.u32 v1, v21;
	v32 =	vor.u32 v1, v22  }
0x28b: {  	v28 =	vor.u32 v1, v25;
	v26 =	vor.u32 v1, v24;
	v33 =	vmin.u32 v33, $0x7FF  }
0x28c: {  	[tilespmem:v20+s20+$0x0] =	vst.idx.add.f32.msk $0xffff, v2;
	v38 =	vmin.u32 v30, $0x7FF;
	v30 =	vor.u32 v1, v23;
	v25 =	vor.u32 v1, v35  }
0x28d: {  	v24 =	vor.u32 v1, v36;
	v23 =	vor.u32 v1, v37;
	v21 =	vor.u32 v1, v31  }
0x28e: {  	v34 =	vmin.u32 v34, $0x7FF;
	v19 =	vor.u32 v1, v17;
	[tilespmem:v20+s21+$0x0] =	vst.idx.add.f32.msk $0xffff, v18;
	v18 =	vor.u32 v1, v33  }
0x28f: {  	s29 =	simm.s32 $0x0;
	s30 =	simm.s32 $0x80;
	s31 =	simm.s32 $0x100;
	v17 =	vor.u32 v1, v34;
	v22 =	vor.u32 v1, v38;
	[tilespmem:v29+s20+$0x0] =	vst.idx.add.f32.msk $0xffff, v2  }
.LBB2_12:
0x290: {  	s0 =	sand.u32 $0x3800, s31;
	s1 =	sand.u32 $0x380, s30;
	[tilespmem:v29+s21+$0x0] =	vst.idx.add.f32.msk $0xffff, v16  }
0x291: {  	s29 =	sadd.s32 $0x10, s29;
	s0 =	sor.u32 s1, s0;
	[tilespmem:v32+s20+$0x0] =	vst.idx.add.f32.msk $0xffff, v2  }
0x292: {  	p0 =	slt.u32 s29, $0x270;
	v33 =	vld [tilespmem:s0+$0x470]  }
0x293: {  	v20 =	vld [tilespmem:s0+$0x0]  }
0x294: {  	v16 =	vld [tilespmem:s0+$0x10]  }
0x295: {  	v34 =	vld [tilespmem:s0+$0x20]  }
0x296: {  	v35 =	vld [tilespmem:s0+$0x30]  }
0x297: {  	v36 =	vld [tilespmem:s0+$0x40];
	v29 =	vmul.f32 $7.411696620e+01, v33  }
0x298: {  	v31 =	vmul.f32 $7.411696620e+01, v20;
	v37 =	vld [tilespmem:s0+$0x50]  }
0x299: {  	v38 =	vmul.f32 $7.411696620e+01, v16;
	v39 =	vld [tilespmem:s0+$0x60];
	v29 =	vtrunc.f32 v29  }
0x29a: {  	v40 =	vmul.f32 $7.411696620e+01, v34;
	v41 =	vld [tilespmem:s0+$0x70];
	v29 =	vcvt.f32.s32 v29  }
0x29b: {  	v42 =	vtrunc.f32 v31;
	v31 =	vmul.f32 $7.411696620e+01, v35;
	v43 =	vld [tilespmem:s0+$0x400]  }
0x29c: {  	v38 =	vtrunc.f32 v38;
	v44 =	vmul.f32 $7.411696620e+01, v36;
	v45 =	vld [tilespmem:s0+$0x410];
	vm0 =	vgt.s32 v29, $0x0  }
0x29d: {  	v40 =	vtrunc.f32 v40;
	v46 =	vmul.f32 $7.411696620e+01, v37;
	v47 =	vld [tilespmem:s0+$0x420];
	v29 =	vnsel vm0, $0x0, v29  }
0x29e: {  	v48 =	vtrunc.f32 v31;
	v49 =	vmul.f32 $7.411696620e+01, v39;
	v50 =	vld [tilespmem:s0+$0x430];
	v29 =	vmin.u32 v29, $0x7FF  }
0x29f: {  	v44 =	vtrunc.f32 v44;
	v51 =	vmul.f32 $7.411696620e+01, v41;
	v52 =	vld [tilespmem:s0+$0x440];
	v53 =	vor.u32 v1, v29  }
0x2a0: {  	v46 =	vtrunc.f32 v46;
	v54 =	vmul.f32 $7.411696620e+01, v43;
	v31 =	vld [tilespmem:s0+$0x450]  }
0x2a1: {  	v49 =	vtrunc.f32 v49;
	v55 =	vmul.f32 $7.411696620e+01, v45;
	v29 =	vld [tilespmem:s0+$0x460]  }
0x2a2: {  	v51 =	vtrunc.f32 v51;
	v56 =	vmul.f32 $7.411696620e+01, v47;
	[tilespmem:v32+s21+$0x0] =	vst.idx.add.f32.msk $0xffff, v7;
	v7 =	vmov v34  }
0x2a3: {  	v32 =	vtrunc.f32 v54;
	v34 =	vmul.f32 $7.411696620e+01, v50;
	[tilespmem:v30+s20+$0x0] =	vst.idx.add.f32.msk $0xffff, v2  }
0x2a4: {  	v54 =	vtrunc.f32 v55;
	v55 =	vmul.f32 $7.411696620e+01, v52;
	[tilespmem:v53+s20+$0x0] =	vst.idx.add.f32.msk $0xffff, v2  }
0x2a5: {  	v56 =	vtrunc.f32 v56;
	v57 =	vmul.f32 $7.411696620e+01, v31;
	[tilespmem:v53+s21+$0x0] =	vst.idx.add.f32.msk $0xffff, v33  }
0x2a6: {  	v33 =	vtrunc.f32 v34;
	v34 =	vmul.f32 $7.411696620e+01, v29;
	[tilespmem:v30+s21+$0x0] =	vst.idx.add.f32.msk $0xffff, v4;
	v4 =	vmov v35  }
0x2a7: {  	v30 =	vtrunc.f32 v55;
	v35 =	vtrunc.f32 v57;
	[tilespmem:v28+s20+$0x0] =	vst.idx.add.f32.msk $0xffff, v2  }
0x2a8: {  	v42 =	vcvt.f32.s32 v42;
	v34 =	vtrunc.f32 v34;
	[tilespmem:v28+s21+$0x0] =	vst.idx.add.f32.msk $0xffff, v3;
	v3 =	vmov v36  }
0x2a9: {  	v28 =	vcvt.f32.s32 v38;
	v36 =	vcvt.f32.s32 v40;
	[tilespmem:v27+s20+$0x0] =	vst.idx.add.f32.msk $0xffff, v2  }
0x2aa: {  	vm0 =	vgt.s32 v42, $0x0;
	v38 =	vcvt.f32.s32 v48;
	v40 =	vcvt.f32.s32 v44;
	[tilespmem:v27+s21+$0x0] =	vst.idx.add.f32.msk $0xffff, v5;
	v5 =	vmovc v37  }
0x2ab: {  	vm1 =	vgt.s32 v28, $0x0;
	v27 =	vcvt.f32.s32 v46;
	v37 =	vcvt.f32.s32 v49;
	[tilespmem:v26+s20+$0x0] =	vst.idx.add.f32.msk $0xffff, v2  }
0x2ac: {  	v32 =	vcvt.f32.s32 v32;
	v44 =	vcvt.f32.s32 v51;
	vm2 =	vgt.s32 v36, $0x0;
	[tilespmem:v26+s21+$0x0] =	vst.idx.add.f32.msk $0xffff, v6;
	v6 =	vmovc v39  }
0x2ad: {  	vm3 =	vgt.s32 v38, $0x0;
	v26 =	vcvt.f32.s32 v54;
	v39 =	vcvt.f32.s32 v56;
	[tilespmem:v25+s20+$0x0] =	vst.idx.add.f32.msk $0xffff, v2  }
0x2ae: {  	v33 =	vcvt.f32.s32 v33;
	v30 =	vcvt.f32.s32 v30;
	vm4 =	vgt.s32 v40, $0x0;
	[tilespmem:v25+s21+$0x0] =	vst.idx.add.f32.msk $0xffff, v8;
	v8 =	vmovc v41  }
0x2af: {  	v34 =	vcvt.f32.s32 v34;
	vm5 =	vgt.s32 v27, $0x0;
	v25 =	vcvt.f32.s32 v35;
	[tilespmem:v24+s20+$0x0] =	vst.idx.add.f32.msk $0xffff, v2  }
0x2b0: {  	vm8 =	vgt.s32 v32, $0x0;
	vm7 =	vgt.s32 v44, $0x0;
	vm6 =	vgt.s32 v37, $0x0;
	[tilespmem:v24+s21+$0x0] =	vst.idx.add.f32.msk $0xffff, v9;
	v9 =	vmovc v43  }
0x2b1: {  	vm11 =	vgt.s32 v33, $0x0;
	vm9 =	vgt.s32 v26, $0x0;
	vm10 =	vgt.s32 v39, $0x0;
	[tilespmem:v23+s20+$0x0] =	vst.idx.add.f32.msk $0xffff, v2  }
0x2b2: {  	vm12 =	vgt.s32 v30, $0x0;
	vm14 =	vgt.s32 v34, $0x0;
	vm13 =	vgt.s32 v25, $0x0;
	[tilespmem:v23+s21+$0x0] =	vst.idx.add.f32.msk $0xffff, v10;
	v10 =	vmovc v45  }
0x2b3: {  	v24 =	vnsel vm1, $0x0, v28;
	v28 =	vnsel vm2, $0x0, v36;
	v23 =	vnsel vm0, $0x0, v42;
	[tilespmem:v22+s20+$0x0] =	vst.idx.add.f32.msk $0xffff, v2  }
0x2b4: {  	v27 =	vnsel vm5, $0x0, v27;
	v35 =	vnsel vm3, $0x0, v38;
	v36 =	vnsel vm4, $0x0, v40;
	[tilespmem:v22+s21+$0x0] =	vst.idx.add.f32.msk $0xffff, v11;
	v11 =	vmovc v47  }
0x2b5: {  	v32 =	vnsel vm8, $0x0, v32;
	v22 =	vnsel vm6, $0x0, v37;
	v37 =	vnsel vm7, $0x0, v44;
	[tilespmem:v21+s20+$0x0] =	vst.idx.add.f32.msk $0xffff, v2  }
0x2b6: {  	v33 =	vnsel vm11, $0x0, v33;
	v26 =	vnsel vm9, $0x0, v26;
	v38 =	vnsel vm10, $0x0, v39;
	[tilespmem:v21+s21+$0x0] =	vst.idx.add.f32.msk $0xffff, v12;
	v12 =	vmovc v50  }
0x2b7: {  	v25 =	vnsel vm13, $0x0, v25;
	v21 =	vnsel vm12, $0x0, v30;
	v30 =	vnsel vm14, $0x0, v34;
	[tilespmem:v19+s20+$0x0] =	vst.idx.add.f32.msk $0xffff, v2  }
0x2b8: {  	v24 =	vmin.u32 v24, $0x7FF;
	v28 =	vmin.u32 v28, $0x7FF;
	v23 =	vmin.u32 v23, $0x7FF;
	[tilespmem:v19+s21+$0x0] =	vst.idx.add.f32.msk $0xffff, v13;
	v13 =	vmovc v52  }
0x2b9: {  	v27 =	vmin.u32 v27, $0x7FF;
	v34 =	vmin.u32 v36, $0x7FF;
	v19 =	vmin.u32 v35, $0x7FF;
	[tilespmem:v18+s20+$0x0] =	vst.idx.add.f32.msk $0xffff, v2  }
0x2ba: {  	v22 =	vmin.u32 v22, $0x7FF;
	v36 =	vmin.u32 v32, $0x7FF;
	v35 =	vmin.u32 v37, $0x7FF;
	[tilespmem:v18+s21+$0x0] =	vst.idx.add.f32.msk $0xffff, v14;
	v14 =	vmovc v31  }
0x2bb: {  	v33 =	vmin.u32 v33, $0x7FF;
	v18 =	vmin.u32 v26, $0x7FF;
	v31 =	vmin.u32 v38, $0x7FF;
	[tilespmem:v17+s20+$0x0] =	vst.idx.add.f32.msk $0xffff, v2  }
0x2bc: {  	v39 =	vmin.u32 v30, $0x7FF;
	v37 =	vmin.u32 v21, $0x7FF;
	v38 =	vmin.u32 v25, $0x7FF;
	[tilespmem:v17+s21+$0x0] =	vst.idx.add.f32.msk $0xffff, v15;
	v15 =	vmovc v29  }
0x2bd: {  	v40 =	vor.u32 v1, v23;
	v32 =	vor.u32 v1, v28;
	v29 =	vor.u32 v1, v24  }
0x2be: {  	v27 =	vor.u32 v1, v27;
	v28 =	vor.u32 v1, v34;
	v30 =	vor.u32 v1, v19  }
0x2bf: {  	v26 =	vor.u32 v1, v22;
	v25 =	vor.u32 v1, v35;
	v24 =	vor.u32 v1, v36  }
.Ltmp5:
0x2c0: {  	v21 =	vor.u32 v1, v33;
	v23 =	vor.u32 v1, v18;
	v22 =	vor.u32 v1, v31;
	(pc) =	sbr.rel @p0 .LBB2_12-.Ltmp5, $4  }
0x2c1: {  	v19 =	vor.u32 v1, v37;
	v18 =	vor.u32 v1, v38;
	v17 =	vor.u32 v1, v39  }
0x2c2: {  	[tilespmem:v40+s20+$0x0] =	vst.idx.add.f32.msk $0xffff, v2  }
0x2c3: {  	[tilespmem:v40+s21+$0x0] =	vst.idx.add.f32.msk $0xffff, v20  }
0x2c4: {  	s30 =	sadd.s32 $0x80, s30;
	s31 =	sadd.s32 $0x100, s31;
	[tilespmem:v29+s20+$0x0] =	vst.idx.add.f32.msk $0xffff, v2  }
0x2c5: {  	_ =	sdelay $0x3  }
0x2c6: {  	[tilespmem:v29+s21+$0x0] =	vst.idx.add.f32.msk $0xffff, v16  }
0x2c7: {  	[tilespmem:v32+s20+$0x0] =	vst.idx.add.f32.msk $0xffff, v2  }
0x2c8: {  	[tilespmem:v30+s20+$0x0] =	vst.idx.add.f32.msk $0xffff, v2  }
0x2c9: {  	[tilespmem:v28+s20+$0x0] =	vst.idx.add.f32.msk $0xffff, v2  }
0x2ca: {  	[tilespmem:v27+s20+$0x0] =	vst.idx.add.f32.msk $0xffff, v2  }
0x2cb: {  	[tilespmem:v26+s20+$0x0] =	vst.idx.add.f32.msk $0xffff, v2  }
0x2cc: {  	[tilespmem:v25+s20+$0x0] =	vst.idx.add.f32.msk $0xffff, v2  }
0x2cd: {  	[tilespmem:v24+s20+$0x0] =	vst.idx.add.f32.msk $0xffff, v2  }
0x2ce: {  	[tilespmem:v23+s20+$0x0] =	vst.idx.add.f32.msk $0xffff, v2  }
0x2cf: {  	[tilespmem:v22+s20+$0x0] =	vst.idx.add.f32.msk $0xffff, v2  }
0x2d0: {  	[tilespmem:v21+s20+$0x0] =	vst.idx.add.f32.msk $0xffff, v2  }
0x2d1: {  	[tilespmem:v19+s20+$0x0] =	vst.idx.add.f32.msk $0xffff, v2  }
0x2d2: {  	[tilespmem:v18+s20+$0x0] =	vst.idx.add.f32.msk $0xffff, v2  }
0x2d3: {  	[tilespmem:v17+s20+$0x0] =	vst.idx.add.f32.msk $0xffff, v2  }
0x2d4: {  	[tilespmem:v32+s21+$0x0] =	vst.idx.add.f32.msk $0xffff, v7  }
0x2d5: {  	[tilespmem:v30+s21+$0x0] =	vst.idx.add.f32.msk $0xffff, v4  }
0x2d6: {  	[tilespmem:v28+s21+$0x0] =	vst.idx.add.f32.msk $0xffff, v3  }
0x2d7: {  	[tilespmem:v27+s21+$0x0] =	vst.idx.add.f32.msk $0xffff, v5  }
0x2d8: {  	[tilespmem:v26+s21+$0x0] =	vst.idx.add.f32.msk $0xffff, v6  }
0x2d9: {  	[tilespmem:v25+s21+$0x0] =	vst.idx.add.f32.msk $0xffff, v8  }
0x2da: {  	[tilespmem:v24+s21+$0x0] =	vst.idx.add.f32.msk $0xffff, v9  }
0x2db: {  	[tilespmem:v23+s21+$0x0] =	vst.idx.add.f32.msk $0xffff, v10  }
0x2dc: {  	[tilespmem:v22+s21+$0x0] =	vst.idx.add.f32.msk $0xffff, v11  }
0x2dd: {  	[tilespmem:v21+s21+$0x0] =	vst.idx.add.f32.msk $0xffff, v12  }
0x2de: {  	[tilespmem:v19+s21+$0x0] =	vst.idx.add.f32.msk $0xffff, v13  }
0x2df: {  	[tilespmem:v18+s21+$0x0] =	vst.idx.add.f32.msk $0xffff, v14  }
0x2e0: {  	[tilespmem:v17+s21+$0x0] =	vst.idx.add.f32.msk $0xffff, v15  }
0x2e1: {  	_ =	swait.ge [sflag:s22], $0x2800  }
0x2e2: {  	[sflag:s22] =	ssyncset.done $0x0  }
0x2e3: {  	s0 =	simm.s32 $0x0;
	[sflag:s22] =	ssyncadd.s32 $0xFFFFD800  }
0x2e4: {  	[tilespmem:s0], [sflag:$0x1] =	stream.strided.gather [hbm4b:s9+s16], $0x2800, s17, s16, $0x38;
	[tilespmem:$0x16000] =	vst v63  }
0x2e5: {  	s1 =	sand.u32 $0x3800, s0;
	s0 =	sand.u32 $0x380, s0  }
0x2e6: {  	s0 =	sor.u32 s0, s1  }
0x2e7: {  	v17 =	vld [tilespmem:s0+$0x2C70]  }
0x2e8: {  	v18 =	vld [tilespmem:s0+$0x2800]  }
0x2e9: {  	v16 =	vld [tilespmem:s0+$0x2810]  }
0x2ea: {  	v7 =	vld [tilespmem:s0+$0x2820]  }
0x2eb: {  	v4 =	vld [tilespmem:s0+$0x2830]  }
0x2ec: {  	v3 =	vld [tilespmem:s0+$0x2840]  }
0x2ed: {  	v5 =	vld [tilespmem:s0+$0x2850]  }
0x2ee: {  	v6 =	vld [tilespmem:s0+$0x2860]  }
0x2ef: {  	v8 =	vmul.f32 $7.411696620e+01, v17  }
0x2f0: {  	v9 =	vmul.f32 $7.411696620e+01, v18;
	v10 =	vmul.f32 $7.411696620e+01, v16  }
0x2f1: {  	v12 =	vmul.f32 $7.411696620e+01, v7;
	v13 =	vmul.f32 $7.411696620e+01, v4  }
0x2f2: {  	v14 =	vmul.f32 $7.411696620e+01, v3;
	v15 =	vmul.f32 $7.411696620e+01, v5  }
0x2f3: {  	v24 =	vmul.f32 $7.411696620e+01, v6;
	v11 =	vtrunc.f32 v8  }
0x2f4: {  	v20 =	vtrunc.f32 v9;
	v21 =	vtrunc.f32 v10  }
0x2f5: {  	v22 =	vtrunc.f32 v12;
	v23 =	vtrunc.f32 v13  }
0x2f6: {  	v25 =	vtrunc.f32 v14;
	v27 =	vtrunc.f32 v15  }
0x2f7: {  	v8 =	vld [tilespmem:s0+$0x2870];
	v24 =	vtrunc.f32 v24;
	v19 =	vcvt.f32.s32 v11  }
0x2f8: {  	v9 =	vld [tilespmem:s0+$0x2C00];
	v20 =	vcvt.f32.s32 v20;
	v21 =	vcvt.f32.s32 v21  }
0x2f9: {  	v10 =	vld [tilespmem:s0+$0x2C10];
	v22 =	vcvt.f32.s32 v22;
	v23 =	vcvt.f32.s32 v23  }
0x2fa: {  	v12 =	vld [tilespmem:s0+$0x2C30];
	v25 =	vcvt.f32.s32 v25;
	v27 =	vcvt.f32.s32 v27  }
0x2fb: {  	v13 =	vld [tilespmem:s0+$0x2C40];
	v24 =	vcvt.f32.s32 v24;
	vm0 =	vgt.s32 v19, $0x0;
	vm1 =	vgt.s32 v21, $0x0  }
0x2fc: {  	v14 =	vld [tilespmem:s0+$0x2C50];
	vm2 =	vgt.s32 v22, $0x0;
	vm3 =	vgt.s32 v23, $0x0;
	vm4 =	vgt.s32 v25, $0x0  }
0x2fd: {  	v15 =	vld [tilespmem:s0+$0x2C60];
	vm5 =	vgt.s32 v27, $0x0;
	vm6 =	vgt.s32 v24, $0x0;
	v19 =	vnsel vm0, $0x0, v19  }
0x2fe: {  	vm0 =	vgt.s32 v20, $0x0;
	v21 =	vnsel vm1, $0x0, v21;
	v22 =	vnsel vm2, $0x0, v22  }
0x2ff: {  	v11 =	vld [tilespmem:s0+$0x2C20];
	v23 =	vnsel vm3, $0x0, v23;
	v25 =	vnsel vm4, $0x0, v25;
	v26 =	vmul.f32 $7.411696620e+01, v8  }
0x300: {  	v27 =	vnsel vm5, $0x0, v27;
	v28 =	vmul.f32 $7.411696620e+01, v9;
	v29 =	vmul.f32 $7.411696620e+01, v10  }
0x301: {  	v24 =	vnsel vm6, $0x0, v24;
	v31 =	vmul.f32 $7.411696620e+01, v12;
	v63 =	vmul.f32 $7.411696620e+01, v13  }
0x302: {  	v33 =	vmul.f32 $7.411696620e+01, v14;
	v34 =	vmul.f32 $7.411696620e+01, v15;
	v19 =	vmin.u32 v19, $0x7FF  }
0x303: {  	v20 =	vnsel vm0, $0x0, v20;
	v21 =	vmin.u32 v21, $0x7FF;
	v22 =	vmin.u32 v22, $0x7FF  }
0x304: {  	v23 =	vmin.u32 v23, $0x7FF;
	v30 =	vmul.f32 $7.411696620e+01, v11;
	v26 =	vtrunc.f32 v26  }
0x305: {  	v25 =	vmin.u32 v25, $0x7FF;
	v28 =	vtrunc.f32 v28;
	v29 =	vtrunc.f32 v29  }
0x306: {  	v27 =	vmin.u32 v27, $0x7FF;
	v31 =	vtrunc.f32 v31;
	v32 =	vtrunc.f32 v63  }
0x307: {  	v24 =	vmin.u32 v24, $0x7FF;
	v33 =	vtrunc.f32 v33;
	v34 =	vtrunc.f32 v34  }
0x308: {  	v19 =	vor.u32 v1, v19;
	v30 =	vtrunc.f32 v30;
	v26 =	vcvt.f32.s32 v26  }
0x309: {  	v20 =	vmin.u32 v20, $0x7FF;
	v28 =	vcvt.f32.s32 v28;
	v29 =	vcvt.f32.s32 v29  }
0x30a: {  	v27 =	vor.u32 v1, v27;
	v31 =	vcvt.f32.s32 v31;
	v32 =	vcvt.f32.s32 v32  }
0x30b: {  	v20 =	vor.u32 v1, v20;
	v33 =	vcvt.f32.s32 v33;
	v34 =	vcvt.f32.s32 v34  }
0x30c: {  	v30 =	vcvt.f32.s32 v30;
	vm7 =	vgt.s32 v26, $0x0;
	vm8 =	vgt.s32 v28, $0x0  }
0x30d: {  	vm9 =	vgt.s32 v29, $0x0;
	vm11 =	vgt.s32 v31, $0x0;
	vm12 =	vgt.s32 v32, $0x0  }
0x30e: {  	vm14 =	vgt.s32 v33, $0x0;
	vm15 =	vgt.s32 v34, $0x0;
	vm10 =	vgt.s32 v30, $0x0  }
0x30f: {  	v26 =	vnsel vm7, $0x0, v26;
	v28 =	vnsel vm8, $0x0, v28;
	v29 =	vnsel vm9, $0x0, v29  }
0x310: {  	v31 =	vnsel vm11, $0x0, v31;
	v32 =	vnsel vm12, $0x0, v32;
	v33 =	vnsel vm14, $0x0, v33  }
0x311: {  	v34 =	vnsel vm15, $0x0, v34;
	v30 =	vnsel vm10, $0x0, v30;
	v35 =	vmin.u32 v26, $0x7FF  }
0x312: {  	[tilespmem:v19+s20+$0x0] =	vst.idx.add.f32.msk $0xffff, v2;
	v36 =	vmin.u32 v28, $0x7FF;
	v37 =	vmin.u32 v29, $0x7FF;
	v31 =	vmin.u32 v31, $0x7FF  }
0x313: {  	[tilespmem:v19+s21+$0x0] =	vst.idx.add.f32.msk $0xffff, v17;
	v17 =	vmin.u32 v32, $0x7FF;
	v29 =	vor.u32 v1, v21;
	v32 =	vor.u32 v1, v22  }
0x314: {  	v28 =	vor.u32 v1, v25;
	v26 =	vor.u32 v1, v24;
	v33 =	vmin.u32 v33, $0x7FF  }
0x315: {  	[tilespmem:v20+s20+$0x0] =	vst.idx.add.f32.msk $0xffff, v2;
	v38 =	vmin.u32 v30, $0x7FF;
	v30 =	vor.u32 v1, v23;
	v25 =	vor.u32 v1, v35  }
0x316: {  	v24 =	vor.u32 v1, v36;
	v23 =	vor.u32 v1, v37;
	v21 =	vor.u32 v1, v31  }
0x317: {  	v34 =	vmin.u32 v34, $0x7FF;
	v19 =	vor.u32 v1, v17;
	[tilespmem:v20+s21+$0x0] =	vst.idx.add.f32.msk $0xffff, v18;
	v18 =	vor.u32 v1, v33  }
0x318: {  	s29 =	simm.s32 $0x0;
	s30 =	simm.s32 $0x80;
	s31 =	simm.s32 $0x100;
	v17 =	vor.u32 v1, v34;
	v22 =	vor.u32 v1, v38;
	[tilespmem:v29+s20+$0x0] =	vst.idx.add.f32.msk $0xffff, v2  }
.LBB2_14:
0x319: {  	s0 =	sand.u32 $0x3800, s31;
	s1 =	sand.u32 $0x380, s30;
	[tilespmem:v29+s21+$0x0] =	vst.idx.add.f32.msk $0xffff, v16  }
0x31a: {  	s29 =	sadd.s32 $0x10, s29;
	s0 =	sor.u32 s1, s0;
	[tilespmem:v32+s20+$0x0] =	vst.idx.add.f32.msk $0xffff, v2  }
0x31b: {  	p0 =	slt.u32 s29, $0x270;
	v33 =	vld [tilespmem:s0+$0x2C70]  }
0x31c: {  	v20 =	vld [tilespmem:s0+$0x2800]  }
0x31d: {  	v16 =	vld [tilespmem:s0+$0x2810]  }
0x31e: {  	v34 =	vld [tilespmem:s0+$0x2820]  }
0x31f: {  	v35 =	vld [tilespmem:s0+$0x2830]  }
0x320: {  	v36 =	vld [tilespmem:s0+$0x2840];
	v29 =	vmul.f32 $7.411696620e+01, v33  }
0x321: {  	v31 =	vmul.f32 $7.411696620e+01, v20;
	v37 =	vld [tilespmem:s0+$0x2850]  }
0x322: {  	v38 =	vmul.f32 $7.411696620e+01, v16;
	v39 =	vld [tilespmem:s0+$0x2860];
	v29 =	vtrunc.f32 v29  }
0x323: {  	v40 =	vmul.f32 $7.411696620e+01, v34;
	v41 =	vld [tilespmem:s0+$0x2870];
	v29 =	vcvt.f32.s32 v29  }
0x324: {  	v42 =	vtrunc.f32 v31;
	v31 =	vmul.f32 $7.411696620e+01, v35;
	v43 =	vld [tilespmem:s0+$0x2C00]  }
0x325: {  	v38 =	vtrunc.f32 v38;
	v44 =	vmul.f32 $7.411696620e+01, v36;
	v45 =	vld [tilespmem:s0+$0x2C10];
	vm0 =	vgt.s32 v29, $0x0  }
0x326: {  	v40 =	vtrunc.f32 v40;
	v46 =	vmul.f32 $7.411696620e+01, v37;
	v47 =	vld [tilespmem:s0+$0x2C20];
	v29 =	vnsel vm0, $0x0, v29  }
0x327: {  	v48 =	vtrunc.f32 v31;
	v49 =	vmul.f32 $7.411696620e+01, v39;
	v50 =	vld [tilespmem:s0+$0x2C30];
	v29 =	vmin.u32 v29, $0x7FF  }
0x328: {  	v44 =	vtrunc.f32 v44;
	v51 =	vmul.f32 $7.411696620e+01, v41;
	v52 =	vld [tilespmem:s0+$0x2C40];
	v53 =	vor.u32 v1, v29  }
0x329: {  	v46 =	vtrunc.f32 v46;
	v54 =	vmul.f32 $7.411696620e+01, v43;
	v31 =	vld [tilespmem:s0+$0x2C50]  }
0x32a: {  	v49 =	vtrunc.f32 v49;
	v55 =	vmul.f32 $7.411696620e+01, v45;
	v29 =	vld [tilespmem:s0+$0x2C60]  }
0x32b: {  	v51 =	vtrunc.f32 v51;
	v56 =	vmul.f32 $7.411696620e+01, v47;
	[tilespmem:v32+s21+$0x0] =	vst.idx.add.f32.msk $0xffff, v7;
	v7 =	vmov v34  }
0x32c: {  	v32 =	vtrunc.f32 v54;
	v34 =	vmul.f32 $7.411696620e+01, v50;
	[tilespmem:v30+s20+$0x0] =	vst.idx.add.f32.msk $0xffff, v2  }
0x32d: {  	v54 =	vtrunc.f32 v55;
	v55 =	vmul.f32 $7.411696620e+01, v52;
	[tilespmem:v53+s20+$0x0] =	vst.idx.add.f32.msk $0xffff, v2  }
0x32e: {  	v56 =	vtrunc.f32 v56;
	v57 =	vmul.f32 $7.411696620e+01, v31;
	[tilespmem:v53+s21+$0x0] =	vst.idx.add.f32.msk $0xffff, v33  }
0x32f: {  	v33 =	vtrunc.f32 v34;
	v34 =	vmul.f32 $7.411696620e+01, v29;
	[tilespmem:v30+s21+$0x0] =	vst.idx.add.f32.msk $0xffff, v4;
	v4 =	vmov v35  }
0x330: {  	v30 =	vtrunc.f32 v55;
	v35 =	vtrunc.f32 v57;
	[tilespmem:v28+s20+$0x0] =	vst.idx.add.f32.msk $0xffff, v2  }
0x331: {  	v42 =	vcvt.f32.s32 v42;
	v34 =	vtrunc.f32 v34;
	[tilespmem:v28+s21+$0x0] =	vst.idx.add.f32.msk $0xffff, v3;
	v3 =	vmov v36  }
0x332: {  	v28 =	vcvt.f32.s32 v38;
	v36 =	vcvt.f32.s32 v40;
	[tilespmem:v27+s20+$0x0] =	vst.idx.add.f32.msk $0xffff, v2  }
0x333: {  	vm0 =	vgt.s32 v42, $0x0;
	v38 =	vcvt.f32.s32 v48;
	v40 =	vcvt.f32.s32 v44;
	[tilespmem:v27+s21+$0x0] =	vst.idx.add.f32.msk $0xffff, v5;
	v5 =	vmovc v37  }
0x334: {  	vm1 =	vgt.s32 v28, $0x0;
	v27 =	vcvt.f32.s32 v46;
	v37 =	vcvt.f32.s32 v49;
	[tilespmem:v26+s20+$0x0] =	vst.idx.add.f32.msk $0xffff, v2  }
0x335: {  	v32 =	vcvt.f32.s32 v32;
	v44 =	vcvt.f32.s32 v51;
	vm2 =	vgt.s32 v36, $0x0;
	[tilespmem:v26+s21+$0x0] =	vst.idx.add.f32.msk $0xffff, v6;
	v6 =	vmovc v39  }
0x336: {  	vm3 =	vgt.s32 v38, $0x0;
	v26 =	vcvt.f32.s32 v54;
	v39 =	vcvt.f32.s32 v56;
	[tilespmem:v25+s20+$0x0] =	vst.idx.add.f32.msk $0xffff, v2  }
0x337: {  	v33 =	vcvt.f32.s32 v33;
	v30 =	vcvt.f32.s32 v30;
	vm4 =	vgt.s32 v40, $0x0;
	[tilespmem:v25+s21+$0x0] =	vst.idx.add.f32.msk $0xffff, v8;
	v8 =	vmovc v41  }
0x338: {  	v34 =	vcvt.f32.s32 v34;
	vm5 =	vgt.s32 v27, $0x0;
	v25 =	vcvt.f32.s32 v35;
	[tilespmem:v24+s20+$0x0] =	vst.idx.add.f32.msk $0xffff, v2  }
0x339: {  	vm8 =	vgt.s32 v32, $0x0;
	vm7 =	vgt.s32 v44, $0x0;
	vm6 =	vgt.s32 v37, $0x0;
	[tilespmem:v24+s21+$0x0] =	vst.idx.add.f32.msk $0xffff, v9;
	v9 =	vmovc v43  }
0x33a: {  	vm11 =	vgt.s32 v33, $0x0;
	vm9 =	vgt.s32 v26, $0x0;
	vm10 =	vgt.s32 v39, $0x0;
	[tilespmem:v23+s20+$0x0] =	vst.idx.add.f32.msk $0xffff, v2  }
0x33b: {  	vm12 =	vgt.s32 v30, $0x0;
	vm14 =	vgt.s32 v34, $0x0;
	vm13 =	vgt.s32 v25, $0x0;
	[tilespmem:v23+s21+$0x0] =	vst.idx.add.f32.msk $0xffff, v10;
	v10 =	vmovc v45  }
0x33c: {  	v24 =	vnsel vm1, $0x0, v28;
	v28 =	vnsel vm2, $0x0, v36;
	v23 =	vnsel vm0, $0x0, v42;
	[tilespmem:v22+s20+$0x0] =	vst.idx.add.f32.msk $0xffff, v2  }
0x33d: {  	v27 =	vnsel vm5, $0x0, v27;
	v35 =	vnsel vm3, $0x0, v38;
	v36 =	vnsel vm4, $0x0, v40;
	[tilespmem:v22+s21+$0x0] =	vst.idx.add.f32.msk $0xffff, v11;
	v11 =	vmovc v47  }
0x33e: {  	v32 =	vnsel vm8, $0x0, v32;
	v22 =	vnsel vm6, $0x0, v37;
	v37 =	vnsel vm7, $0x0, v44;
	[tilespmem:v21+s20+$0x0] =	vst.idx.add.f32.msk $0xffff, v2  }
0x33f: {  	v33 =	vnsel vm11, $0x0, v33;
	v26 =	vnsel vm9, $0x0, v26;
	v38 =	vnsel vm10, $0x0, v39;
	[tilespmem:v21+s21+$0x0] =	vst.idx.add.f32.msk $0xffff, v12;
	v12 =	vmovc v50  }
0x340: {  	v25 =	vnsel vm13, $0x0, v25;
	v21 =	vnsel vm12, $0x0, v30;
	v30 =	vnsel vm14, $0x0, v34;
	[tilespmem:v19+s20+$0x0] =	vst.idx.add.f32.msk $0xffff, v2  }
0x341: {  	v24 =	vmin.u32 v24, $0x7FF;
	v28 =	vmin.u32 v28, $0x7FF;
	v23 =	vmin.u32 v23, $0x7FF;
	[tilespmem:v19+s21+$0x0] =	vst.idx.add.f32.msk $0xffff, v13;
	v13 =	vmovc v52  }
0x342: {  	v27 =	vmin.u32 v27, $0x7FF;
	v34 =	vmin.u32 v36, $0x7FF;
	v19 =	vmin.u32 v35, $0x7FF;
	[tilespmem:v18+s20+$0x0] =	vst.idx.add.f32.msk $0xffff, v2  }
0x343: {  	v22 =	vmin.u32 v22, $0x7FF;
	v36 =	vmin.u32 v32, $0x7FF;
	v35 =	vmin.u32 v37, $0x7FF;
	[tilespmem:v18+s21+$0x0] =	vst.idx.add.f32.msk $0xffff, v14;
	v14 =	vmovc v31  }
0x344: {  	v33 =	vmin.u32 v33, $0x7FF;
	v18 =	vmin.u32 v26, $0x7FF;
	v31 =	vmin.u32 v38, $0x7FF;
	[tilespmem:v17+s20+$0x0] =	vst.idx.add.f32.msk $0xffff, v2  }
0x345: {  	v39 =	vmin.u32 v30, $0x7FF;
	v37 =	vmin.u32 v21, $0x7FF;
	v38 =	vmin.u32 v25, $0x7FF;
	[tilespmem:v17+s21+$0x0] =	vst.idx.add.f32.msk $0xffff, v15;
	v15 =	vmovc v29  }
0x346: {  	v40 =	vor.u32 v1, v23;
	v32 =	vor.u32 v1, v28;
	v29 =	vor.u32 v1, v24  }
0x347: {  	v27 =	vor.u32 v1, v27;
	v28 =	vor.u32 v1, v34;
	v30 =	vor.u32 v1, v19  }
0x348: {  	v26 =	vor.u32 v1, v22;
	v25 =	vor.u32 v1, v35;
	v24 =	vor.u32 v1, v36  }
.Ltmp6:
0x349: {  	v21 =	vor.u32 v1, v33;
	v23 =	vor.u32 v1, v18;
	v22 =	vor.u32 v1, v31;
	(pc) =	sbr.rel @p0 .LBB2_14-.Ltmp6, $4  }
0x34a: {  	v19 =	vor.u32 v1, v37;
	v18 =	vor.u32 v1, v38;
	v17 =	vor.u32 v1, v39  }
0x34b: {  	[tilespmem:v40+s20+$0x0] =	vst.idx.add.f32.msk $0xffff, v2  }
0x34c: {  	[tilespmem:v40+s21+$0x0] =	vst.idx.add.f32.msk $0xffff, v20  }
0x34d: {  	s30 =	sadd.s32 $0x80, s30;
	s31 =	sadd.s32 $0x100, s31;
	[tilespmem:v29+s20+$0x0] =	vst.idx.add.f32.msk $0xffff, v2  }
0x34e: {  	_ =	sdelay $0x3  }
0x34f: {  	[tilespmem:v29+s21+$0x0] =	vst.idx.add.f32.msk $0xffff, v16  }
0x350: {  	[tilespmem:v32+s20+$0x0] =	vst.idx.add.f32.msk $0xffff, v2  }
0x351: {  	[tilespmem:v30+s20+$0x0] =	vst.idx.add.f32.msk $0xffff, v2  }
0x352: {  	[tilespmem:v28+s20+$0x0] =	vst.idx.add.f32.msk $0xffff, v2  }
0x353: {  	[tilespmem:v27+s20+$0x0] =	vst.idx.add.f32.msk $0xffff, v2  }
0x354: {  	[tilespmem:v26+s20+$0x0] =	vst.idx.add.f32.msk $0xffff, v2  }
0x355: {  	[tilespmem:v25+s20+$0x0] =	vst.idx.add.f32.msk $0xffff, v2  }
0x356: {  	[tilespmem:v24+s20+$0x0] =	vst.idx.add.f32.msk $0xffff, v2  }
0x357: {  	[tilespmem:v23+s20+$0x0] =	vst.idx.add.f32.msk $0xffff, v2  }
0x358: {  	[tilespmem:v22+s20+$0x0] =	vst.idx.add.f32.msk $0xffff, v2  }
0x359: {  	[tilespmem:v21+s20+$0x0] =	vst.idx.add.f32.msk $0xffff, v2  }
0x35a: {  	[tilespmem:v19+s20+$0x0] =	vst.idx.add.f32.msk $0xffff, v2  }
0x35b: {  	[tilespmem:v18+s20+$0x0] =	vst.idx.add.f32.msk $0xffff, v2  }
0x35c: {  	[tilespmem:v17+s20+$0x0] =	vst.idx.add.f32.msk $0xffff, v2  }
0x35d: {  	[tilespmem:v32+s21+$0x0] =	vst.idx.add.f32.msk $0xffff, v7  }
0x35e: {  	[tilespmem:v30+s21+$0x0] =	vst.idx.add.f32.msk $0xffff, v4  }
0x35f: {  	[tilespmem:v28+s21+$0x0] =	vst.idx.add.f32.msk $0xffff, v3  }
0x360: {  	[tilespmem:v27+s21+$0x0] =	vst.idx.add.f32.msk $0xffff, v5  }
0x361: {  	[tilespmem:v26+s21+$0x0] =	vst.idx.add.f32.msk $0xffff, v6  }
0x362: {  	[tilespmem:v25+s21+$0x0] =	vst.idx.add.f32.msk $0xffff, v8  }
0x363: {  	[tilespmem:v24+s21+$0x0] =	vst.idx.add.f32.msk $0xffff, v9  }
0x364: {  	[tilespmem:v23+s21+$0x0] =	vst.idx.add.f32.msk $0xffff, v10  }
0x365: {  	[tilespmem:v22+s21+$0x0] =	vst.idx.add.f32.msk $0xffff, v11  }
0x366: {  	[tilespmem:v21+s21+$0x0] =	vst.idx.add.f32.msk $0xffff, v12  }
0x367: {  	[tilespmem:v19+s21+$0x0] =	vst.idx.add.f32.msk $0xffff, v13  }
0x368: {  	[tilespmem:v18+s21+$0x0] =	vst.idx.add.f32.msk $0xffff, v14  }
0x369: {  	[tilespmem:v17+s21+$0x0] =	vst.idx.add.f32.msk $0xffff, v15  }
0x36a: {  	s0 =	simm.s32 $0x0;
	_ =	swait.ge [sflag:s18], $0x2800  }
0x36b: {  	s1 =	sand.u32 $0x3800, s0;
	s0 =	sand.u32 $0x380, s0;
	[sflag:s18] =	ssyncset.done $0x0  }
0x36c: {  	s0 =	sor.u32 s0, s1;
	[sflag:s18] =	ssyncadd.s32 $0xFFFFD800  }
0x36d: {  	[tilespmem:s19], [sflag:$0x2] =	stream.strided.gather [hbm4b:s10+s16], $0x2800, s17, s16, $0x38;
	[tilespmem:$0x16000] =	vst v63  }
0x36e: {  	v17 =	vld [tilespmem:s0+$0x470]  }
0x36f: {  	v18 =	vld [tilespmem:s0+$0x0]  }
0x370: {  	v16 =	vld [tilespmem:s0+$0x10]  }
0x371: {  	v7 =	vld [tilespmem:s0+$0x20]  }
0x372: {  	v4 =	vld [tilespmem:s0+$0x30]  }
0x373: {  	v3 =	vld [tilespmem:s0+$0x40]  }
0x374: {  	v5 =	vld [tilespmem:s0+$0x50]  }
0x375: {  	v6 =	vld [tilespmem:s0+$0x60]  }
0x376: {  	v8 =	vmul.f32 $7.411696620e+01, v17  }
0x377: {  	v9 =	vmul.f32 $7.411696620e+01, v18;
	v10 =	vmul.f32 $7.411696620e+01, v16  }
0x378: {  	v12 =	vmul.f32 $7.411696620e+01, v7;
	v13 =	vmul.f32 $7.411696620e+01, v4  }
0x379: {  	v14 =	vmul.f32 $7.411696620e+01, v3;
	v15 =	vmul.f32 $7.411696620e+01, v5  }
0x37a: {  	v24 =	vmul.f32 $7.411696620e+01, v6;
	v11 =	vtrunc.f32 v8  }
0x37b: {  	v20 =	vtrunc.f32 v9;
	v21 =	vtrunc.f32 v10  }
0x37c: {  	v22 =	vtrunc.f32 v12;
	v23 =	vtrunc.f32 v13  }
0x37d: {  	v25 =	vtrunc.f32 v14;
	v27 =	vtrunc.f32 v15  }
0x37e: {  	v8 =	vld [tilespmem:s0+$0x70];
	v24 =	vtrunc.f32 v24;
	v19 =	vcvt.f32.s32 v11  }
0x37f: {  	v9 =	vld [tilespmem:s0+$0x400];
	v20 =	vcvt.f32.s32 v20;
	v21 =	vcvt.f32.s32 v21  }
0x380: {  	v10 =	vld [tilespmem:s0+$0x410];
	v22 =	vcvt.f32.s32 v22;
	v23 =	vcvt.f32.s32 v23  }
0x381: {  	v12 =	vld [tilespmem:s0+$0x430];
	v25 =	vcvt.f32.s32 v25;
	v27 =	vcvt.f32.s32 v27  }
0x382: {  	v13 =	vld [tilespmem:s0+$0x440];
	v24 =	vcvt.f32.s32 v24;
	vm0 =	vgt.s32 v19, $0x0;
	vm1 =	vgt.s32 v21, $0x0  }
0x383: {  	v14 =	vld [tilespmem:s0+$0x450];
	vm2 =	vgt.s32 v22, $0x0;
	vm3 =	vgt.s32 v23, $0x0;
	vm4 =	vgt.s32 v25, $0x0  }
0x384: {  	v15 =	vld [tilespmem:s0+$0x460];
	vm5 =	vgt.s32 v27, $0x0;
	vm6 =	vgt.s32 v24, $0x0;
	v19 =	vnsel vm0, $0x0, v19  }
0x385: {  	vm0 =	vgt.s32 v20, $0x0;
	v21 =	vnsel vm1, $0x0, v21;
	v22 =	vnsel vm2, $0x0, v22  }
0x386: {  	v11 =	vld [tilespmem:s0+$0x420];
	v23 =	vnsel vm3, $0x0, v23;
	v25 =	vnsel vm4, $0x0, v25;
	v26 =	vmul.f32 $7.411696620e+01, v8  }
0x387: {  	v27 =	vnsel vm5, $0x0, v27;
	v28 =	vmul.f32 $7.411696620e+01, v9;
	v29 =	vmul.f32 $7.411696620e+01, v10  }
0x388: {  	v24 =	vnsel vm6, $0x0, v24;
	v31 =	vmul.f32 $7.411696620e+01, v12;
	v63 =	vmul.f32 $7.411696620e+01, v13  }
0x389: {  	v33 =	vmul.f32 $7.411696620e+01, v14;
	v34 =	vmul.f32 $7.411696620e+01, v15;
	v19 =	vmin.u32 v19, $0x7FF  }
0x38a: {  	v20 =	vnsel vm0, $0x0, v20;
	v21 =	vmin.u32 v21, $0x7FF;
	v22 =	vmin.u32 v22, $0x7FF  }
0x38b: {  	v23 =	vmin.u32 v23, $0x7FF;
	v30 =	vmul.f32 $7.411696620e+01, v11;
	v26 =	vtrunc.f32 v26  }
0x38c: {  	v25 =	vmin.u32 v25, $0x7FF;
	v28 =	vtrunc.f32 v28;
	v29 =	vtrunc.f32 v29  }
0x38d: {  	v27 =	vmin.u32 v27, $0x7FF;
	v31 =	vtrunc.f32 v31;
	v32 =	vtrunc.f32 v63  }
0x38e: {  	v24 =	vmin.u32 v24, $0x7FF;
	v33 =	vtrunc.f32 v33;
	v34 =	vtrunc.f32 v34  }
0x38f: {  	v19 =	vor.u32 v1, v19;
	v30 =	vtrunc.f32 v30;
	v26 =	vcvt.f32.s32 v26  }
0x390: {  	v20 =	vmin.u32 v20, $0x7FF;
	v28 =	vcvt.f32.s32 v28;
	v29 =	vcvt.f32.s32 v29  }
0x391: {  	v27 =	vor.u32 v1, v27;
	v31 =	vcvt.f32.s32 v31;
	v32 =	vcvt.f32.s32 v32  }
0x392: {  	v20 =	vor.u32 v1, v20;
	v33 =	vcvt.f32.s32 v33;
	v34 =	vcvt.f32.s32 v34  }
0x393: {  	v30 =	vcvt.f32.s32 v30;
	vm7 =	vgt.s32 v26, $0x0;
	vm8 =	vgt.s32 v28, $0x0  }
0x394: {  	vm9 =	vgt.s32 v29, $0x0;
	vm11 =	vgt.s32 v31, $0x0;
	vm12 =	vgt.s32 v32, $0x0  }
0x395: {  	vm14 =	vgt.s32 v33, $0x0;
	vm15 =	vgt.s32 v34, $0x0;
	vm10 =	vgt.s32 v30, $0x0  }
0x396: {  	v26 =	vnsel vm7, $0x0, v26;
	v28 =	vnsel vm8, $0x0, v28;
	v29 =	vnsel vm9, $0x0, v29  }
0x397: {  	v31 =	vnsel vm11, $0x0, v31;
	v32 =	vnsel vm12, $0x0, v32;
	v33 =	vnsel vm14, $0x0, v33  }
0x398: {  	v34 =	vnsel vm15, $0x0, v34;
	v30 =	vnsel vm10, $0x0, v30;
	v35 =	vmin.u32 v26, $0x7FF  }
0x399: {  	[tilespmem:v19+s20+$0x0] =	vst.idx.add.f32.msk $0xffff, v2;
	v36 =	vmin.u32 v28, $0x7FF;
	v37 =	vmin.u32 v29, $0x7FF;
	v31 =	vmin.u32 v31, $0x7FF  }
0x39a: {  	[tilespmem:v19+s21+$0x0] =	vst.idx.add.f32.msk $0xffff, v17;
	v17 =	vmin.u32 v32, $0x7FF;
	v29 =	vor.u32 v1, v21;
	v32 =	vor.u32 v1, v22  }
0x39b: {  	v28 =	vor.u32 v1, v25;
	v26 =	vor.u32 v1, v24;
	v33 =	vmin.u32 v33, $0x7FF  }
0x39c: {  	[tilespmem:v20+s20+$0x0] =	vst.idx.add.f32.msk $0xffff, v2;
	v38 =	vmin.u32 v30, $0x7FF;
	v30 =	vor.u32 v1, v23;
	v25 =	vor.u32 v1, v35  }
0x39d: {  	v24 =	vor.u32 v1, v36;
	v23 =	vor.u32 v1, v37;
	v21 =	vor.u32 v1, v31  }
0x39e: {  	v34 =	vmin.u32 v34, $0x7FF;
	v19 =	vor.u32 v1, v17;
	[tilespmem:v20+s21+$0x0] =	vst.idx.add.f32.msk $0xffff, v18;
	v18 =	vor.u32 v1, v33  }
0x39f: {  	s29 =	simm.s32 $0x0;
	s30 =	simm.s32 $0x80;
	s31 =	simm.s32 $0x100;
	v17 =	vor.u32 v1, v34;
	v22 =	vor.u32 v1, v38;
	[tilespmem:v29+s20+$0x0] =	vst.idx.add.f32.msk $0xffff, v2  }
.LBB2_16:
0x3a0: {  	s0 =	sand.u32 $0x3800, s31;
	s1 =	sand.u32 $0x380, s30;
	[tilespmem:v29+s21+$0x0] =	vst.idx.add.f32.msk $0xffff, v16  }
0x3a1: {  	s29 =	sadd.s32 $0x10, s29;
	s0 =	sor.u32 s1, s0;
	[tilespmem:v32+s20+$0x0] =	vst.idx.add.f32.msk $0xffff, v2  }
0x3a2: {  	p0 =	slt.u32 s29, $0x270;
	v33 =	vld [tilespmem:s0+$0x470]  }
0x3a3: {  	v20 =	vld [tilespmem:s0+$0x0]  }
0x3a4: {  	v16 =	vld [tilespmem:s0+$0x10]  }
0x3a5: {  	v34 =	vld [tilespmem:s0+$0x20]  }
0x3a6: {  	v35 =	vld [tilespmem:s0+$0x30]  }
0x3a7: {  	v36 =	vld [tilespmem:s0+$0x40];
	v29 =	vmul.f32 $7.411696620e+01, v33  }
0x3a8: {  	v31 =	vmul.f32 $7.411696620e+01, v20;
	v37 =	vld [tilespmem:s0+$0x50]  }
0x3a9: {  	v38 =	vmul.f32 $7.411696620e+01, v16;
	v39 =	vld [tilespmem:s0+$0x60];
	v29 =	vtrunc.f32 v29  }
0x3aa: {  	v40 =	vmul.f32 $7.411696620e+01, v34;
	v41 =	vld [tilespmem:s0+$0x70];
	v29 =	vcvt.f32.s32 v29  }
0x3ab: {  	v42 =	vtrunc.f32 v31;
	v31 =	vmul.f32 $7.411696620e+01, v35;
	v43 =	vld [tilespmem:s0+$0x400]  }
0x3ac: {  	v38 =	vtrunc.f32 v38;
	v44 =	vmul.f32 $7.411696620e+01, v36;
	v45 =	vld [tilespmem:s0+$0x410];
	vm0 =	vgt.s32 v29, $0x0  }
0x3ad: {  	v40 =	vtrunc.f32 v40;
	v46 =	vmul.f32 $7.411696620e+01, v37;
	v47 =	vld [tilespmem:s0+$0x420];
	v29 =	vnsel vm0, $0x0, v29  }
0x3ae: {  	v48 =	vtrunc.f32 v31;
	v49 =	vmul.f32 $7.411696620e+01, v39;
	v50 =	vld [tilespmem:s0+$0x430];
	v29 =	vmin.u32 v29, $0x7FF  }
0x3af: {  	v44 =	vtrunc.f32 v44;
	v51 =	vmul.f32 $7.411696620e+01, v41;
	v52 =	vld [tilespmem:s0+$0x440];
	v53 =	vor.u32 v1, v29  }
0x3b0: {  	v46 =	vtrunc.f32 v46;
	v54 =	vmul.f32 $7.411696620e+01, v43;
	v31 =	vld [tilespmem:s0+$0x450]  }
0x3b1: {  	v49 =	vtrunc.f32 v49;
	v55 =	vmul.f32 $7.411696620e+01, v45;
	v29 =	vld [tilespmem:s0+$0x460]  }
0x3b2: {  	v51 =	vtrunc.f32 v51;
	v56 =	vmul.f32 $7.411696620e+01, v47;
	[tilespmem:v32+s21+$0x0] =	vst.idx.add.f32.msk $0xffff, v7;
	v7 =	vmov v34  }
0x3b3: {  	v32 =	vtrunc.f32 v54;
	v34 =	vmul.f32 $7.411696620e+01, v50;
	[tilespmem:v30+s20+$0x0] =	vst.idx.add.f32.msk $0xffff, v2  }
0x3b4: {  	v54 =	vtrunc.f32 v55;
	v55 =	vmul.f32 $7.411696620e+01, v52;
	[tilespmem:v53+s20+$0x0] =	vst.idx.add.f32.msk $0xffff, v2  }
0x3b5: {  	v56 =	vtrunc.f32 v56;
	v57 =	vmul.f32 $7.411696620e+01, v31;
	[tilespmem:v53+s21+$0x0] =	vst.idx.add.f32.msk $0xffff, v33  }
0x3b6: {  	v33 =	vtrunc.f32 v34;
	v34 =	vmul.f32 $7.411696620e+01, v29;
	[tilespmem:v30+s21+$0x0] =	vst.idx.add.f32.msk $0xffff, v4;
	v4 =	vmov v35  }
0x3b7: {  	v30 =	vtrunc.f32 v55;
	v35 =	vtrunc.f32 v57;
	[tilespmem:v28+s20+$0x0] =	vst.idx.add.f32.msk $0xffff, v2  }
0x3b8: {  	v42 =	vcvt.f32.s32 v42;
	v34 =	vtrunc.f32 v34;
	[tilespmem:v28+s21+$0x0] =	vst.idx.add.f32.msk $0xffff, v3;
	v3 =	vmov v36  }
0x3b9: {  	v28 =	vcvt.f32.s32 v38;
	v36 =	vcvt.f32.s32 v40;
	[tilespmem:v27+s20+$0x0] =	vst.idx.add.f32.msk $0xffff, v2  }
0x3ba: {  	vm0 =	vgt.s32 v42, $0x0;
	v38 =	vcvt.f32.s32 v48;
	v40 =	vcvt.f32.s32 v44;
	[tilespmem:v27+s21+$0x0] =	vst.idx.add.f32.msk $0xffff, v5;
	v5 =	vmovc v37  }
0x3bb: {  	vm1 =	vgt.s32 v28, $0x0;
	v27 =	vcvt.f32.s32 v46;
	v37 =	vcvt.f32.s32 v49;
	[tilespmem:v26+s20+$0x0] =	vst.idx.add.f32.msk $0xffff, v2  }
0x3bc: {  	v32 =	vcvt.f32.s32 v32;
	v44 =	vcvt.f32.s32 v51;
	vm2 =	vgt.s32 v36, $0x0;
	[tilespmem:v26+s21+$0x0] =	vst.idx.add.f32.msk $0xffff, v6;
	v6 =	vmovc v39  }
0x3bd: {  	vm3 =	vgt.s32 v38, $0x0;
	v26 =	vcvt.f32.s32 v54;
	v39 =	vcvt.f32.s32 v56;
	[tilespmem:v25+s20+$0x0] =	vst.idx.add.f32.msk $0xffff, v2  }
0x3be: {  	v33 =	vcvt.f32.s32 v33;
	v30 =	vcvt.f32.s32 v30;
	vm4 =	vgt.s32 v40, $0x0;
	[tilespmem:v25+s21+$0x0] =	vst.idx.add.f32.msk $0xffff, v8;
	v8 =	vmovc v41  }
0x3bf: {  	v34 =	vcvt.f32.s32 v34;
	vm5 =	vgt.s32 v27, $0x0;
	v25 =	vcvt.f32.s32 v35;
	[tilespmem:v24+s20+$0x0] =	vst.idx.add.f32.msk $0xffff, v2  }
0x3c0: {  	vm8 =	vgt.s32 v32, $0x0;
	vm7 =	vgt.s32 v44, $0x0;
	vm6 =	vgt.s32 v37, $0x0;
	[tilespmem:v24+s21+$0x0] =	vst.idx.add.f32.msk $0xffff, v9;
	v9 =	vmovc v43  }
0x3c1: {  	vm11 =	vgt.s32 v33, $0x0;
	vm9 =	vgt.s32 v26, $0x0;
	vm10 =	vgt.s32 v39, $0x0;
	[tilespmem:v23+s20+$0x0] =	vst.idx.add.f32.msk $0xffff, v2  }
0x3c2: {  	vm12 =	vgt.s32 v30, $0x0;
	vm14 =	vgt.s32 v34, $0x0;
	vm13 =	vgt.s32 v25, $0x0;
	[tilespmem:v23+s21+$0x0] =	vst.idx.add.f32.msk $0xffff, v10;
	v10 =	vmovc v45  }
0x3c3: {  	v24 =	vnsel vm1, $0x0, v28;
	v28 =	vnsel vm2, $0x0, v36;
	v23 =	vnsel vm0, $0x0, v42;
	[tilespmem:v22+s20+$0x0] =	vst.idx.add.f32.msk $0xffff, v2  }
0x3c4: {  	v27 =	vnsel vm5, $0x0, v27;
	v35 =	vnsel vm3, $0x0, v38;
	v36 =	vnsel vm4, $0x0, v40;
	[tilespmem:v22+s21+$0x0] =	vst.idx.add.f32.msk $0xffff, v11;
	v11 =	vmovc v47  }
0x3c5: {  	v32 =	vnsel vm8, $0x0, v32;
	v22 =	vnsel vm6, $0x0, v37;
	v37 =	vnsel vm7, $0x0, v44;
	[tilespmem:v21+s20+$0x0] =	vst.idx.add.f32.msk $0xffff, v2  }
0x3c6: {  	v33 =	vnsel vm11, $0x0, v33;
	v26 =	vnsel vm9, $0x0, v26;
	v38 =	vnsel vm10, $0x0, v39;
	[tilespmem:v21+s21+$0x0] =	vst.idx.add.f32.msk $0xffff, v12;
	v12 =	vmovc v50  }
0x3c7: {  	v25 =	vnsel vm13, $0x0, v25;
	v21 =	vnsel vm12, $0x0, v30;
	v30 =	vnsel vm14, $0x0, v34;
	[tilespmem:v19+s20+$0x0] =	vst.idx.add.f32.msk $0xffff, v2  }
0x3c8: {  	v24 =	vmin.u32 v24, $0x7FF;
	v28 =	vmin.u32 v28, $0x7FF;
	v23 =	vmin.u32 v23, $0x7FF;
	[tilespmem:v19+s21+$0x0] =	vst.idx.add.f32.msk $0xffff, v13;
	v13 =	vmovc v52  }
0x3c9: {  	v27 =	vmin.u32 v27, $0x7FF;
	v34 =	vmin.u32 v36, $0x7FF;
	v19 =	vmin.u32 v35, $0x7FF;
	[tilespmem:v18+s20+$0x0] =	vst.idx.add.f32.msk $0xffff, v2  }
0x3ca: {  	v22 =	vmin.u32 v22, $0x7FF;
	v36 =	vmin.u32 v32, $0x7FF;
	v35 =	vmin.u32 v37, $0x7FF;
	[tilespmem:v18+s21+$0x0] =	vst.idx.add.f32.msk $0xffff, v14;
	v14 =	vmovc v31  }
0x3cb: {  	v33 =	vmin.u32 v33, $0x7FF;
	v18 =	vmin.u32 v26, $0x7FF;
	v31 =	vmin.u32 v38, $0x7FF;
	[tilespmem:v17+s20+$0x0] =	vst.idx.add.f32.msk $0xffff, v2  }
0x3cc: {  	v39 =	vmin.u32 v30, $0x7FF;
	v37 =	vmin.u32 v21, $0x7FF;
	v38 =	vmin.u32 v25, $0x7FF;
	[tilespmem:v17+s21+$0x0] =	vst.idx.add.f32.msk $0xffff, v15;
	v15 =	vmovc v29  }
0x3cd: {  	v40 =	vor.u32 v1, v23;
	v32 =	vor.u32 v1, v28;
	v29 =	vor.u32 v1, v24  }
0x3ce: {  	v27 =	vor.u32 v1, v27;
	v28 =	vor.u32 v1, v34;
	v30 =	vor.u32 v1, v19  }
0x3cf: {  	v26 =	vor.u32 v1, v22;
	v25 =	vor.u32 v1, v35;
	v24 =	vor.u32 v1, v36  }
.Ltmp7:
0x3d0: {  	v21 =	vor.u32 v1, v33;
	v23 =	vor.u32 v1, v18;
	v22 =	vor.u32 v1, v31;
	(pc) =	sbr.rel @p0 .LBB2_16-.Ltmp7, $4  }
0x3d1: {  	v19 =	vor.u32 v1, v37;
	v18 =	vor.u32 v1, v38;
	v17 =	vor.u32 v1, v39  }
0x3d2: {  	[tilespmem:v40+s20+$0x0] =	vst.idx.add.f32.msk $0xffff, v2  }
0x3d3: {  	[tilespmem:v40+s21+$0x0] =	vst.idx.add.f32.msk $0xffff, v20  }
0x3d4: {  	s30 =	sadd.s32 $0x80, s30;
	s31 =	sadd.s32 $0x100, s31;
	[tilespmem:v29+s20+$0x0] =	vst.idx.add.f32.msk $0xffff, v2  }
0x3d5: {  	_ =	sdelay $0x3  }
0x3d6: {  	[tilespmem:v29+s21+$0x0] =	vst.idx.add.f32.msk $0xffff, v16  }
0x3d7: {  	[tilespmem:v32+s20+$0x0] =	vst.idx.add.f32.msk $0xffff, v2  }
0x3d8: {  	[tilespmem:v30+s20+$0x0] =	vst.idx.add.f32.msk $0xffff, v2  }
0x3d9: {  	[tilespmem:v28+s20+$0x0] =	vst.idx.add.f32.msk $0xffff, v2  }
0x3da: {  	[tilespmem:v27+s20+$0x0] =	vst.idx.add.f32.msk $0xffff, v2  }
0x3db: {  	[tilespmem:v26+s20+$0x0] =	vst.idx.add.f32.msk $0xffff, v2  }
0x3dc: {  	[tilespmem:v25+s20+$0x0] =	vst.idx.add.f32.msk $0xffff, v2  }
0x3dd: {  	[tilespmem:v24+s20+$0x0] =	vst.idx.add.f32.msk $0xffff, v2  }
0x3de: {  	[tilespmem:v23+s20+$0x0] =	vst.idx.add.f32.msk $0xffff, v2  }
0x3df: {  	[tilespmem:v22+s20+$0x0] =	vst.idx.add.f32.msk $0xffff, v2  }
0x3e0: {  	[tilespmem:v21+s20+$0x0] =	vst.idx.add.f32.msk $0xffff, v2  }
0x3e1: {  	[tilespmem:v19+s20+$0x0] =	vst.idx.add.f32.msk $0xffff, v2  }
0x3e2: {  	[tilespmem:v18+s20+$0x0] =	vst.idx.add.f32.msk $0xffff, v2  }
0x3e3: {  	[tilespmem:v17+s20+$0x0] =	vst.idx.add.f32.msk $0xffff, v2  }
0x3e4: {  	[tilespmem:v32+s21+$0x0] =	vst.idx.add.f32.msk $0xffff, v7  }
0x3e5: {  	[tilespmem:v30+s21+$0x0] =	vst.idx.add.f32.msk $0xffff, v4  }
0x3e6: {  	[tilespmem:v28+s21+$0x0] =	vst.idx.add.f32.msk $0xffff, v3  }
0x3e7: {  	[tilespmem:v27+s21+$0x0] =	vst.idx.add.f32.msk $0xffff, v5  }
0x3e8: {  	[tilespmem:v26+s21+$0x0] =	vst.idx.add.f32.msk $0xffff, v6  }
0x3e9: {  	[tilespmem:v25+s21+$0x0] =	vst.idx.add.f32.msk $0xffff, v8  }
0x3ea: {  	[tilespmem:v24+s21+$0x0] =	vst.idx.add.f32.msk $0xffff, v9  }
0x3eb: {  	[tilespmem:v23+s21+$0x0] =	vst.idx.add.f32.msk $0xffff, v10  }
0x3ec: {  	[tilespmem:v22+s21+$0x0] =	vst.idx.add.f32.msk $0xffff, v11  }
0x3ed: {  	[tilespmem:v21+s21+$0x0] =	vst.idx.add.f32.msk $0xffff, v12  }
0x3ee: {  	[tilespmem:v19+s21+$0x0] =	vst.idx.add.f32.msk $0xffff, v13  }
0x3ef: {  	[tilespmem:v18+s21+$0x0] =	vst.idx.add.f32.msk $0xffff, v14  }
0x3f0: {  	[tilespmem:v17+s21+$0x0] =	vst.idx.add.f32.msk $0xffff, v15  }
0x3f1: {  	_ =	swait.ge [sflag:s22], $0x2800  }
0x3f2: {  	[sflag:s22] =	ssyncset.done $0x0  }
0x3f3: {  	s0 =	simm.s32 $0x0;
	[sflag:s22] =	ssyncadd.s32 $0xFFFFD800  }
0x3f4: {  	[tilespmem:s0], [sflag:$0x1] =	stream.strided.gather [hbm4b:s11+s16], $0x2800, s17, s16, $0x38;
	[tilespmem:$0x16000] =	vst v63  }
0x3f5: {  	s1 =	sand.u32 $0x3800, s0;
	s0 =	sand.u32 $0x380, s0  }
0x3f6: {  	s0 =	sor.u32 s0, s1  }
0x3f7: {  	v17 =	vld [tilespmem:s0+$0x2C70]  }
0x3f8: {  	v18 =	vld [tilespmem:s0+$0x2800]  }
0x3f9: {  	v16 =	vld [tilespmem:s0+$0x2810]  }
0x3fa: {  	v7 =	vld [tilespmem:s0+$0x2820]  }
0x3fb: {  	v4 =	vld [tilespmem:s0+$0x2830]  }
0x3fc: {  	v3 =	vld [tilespmem:s0+$0x2840]  }
0x3fd: {  	v5 =	vld [tilespmem:s0+$0x2850]  }
0x3fe: {  	v6 =	vld [tilespmem:s0+$0x2860]  }
0x3ff: {  	v8 =	vmul.f32 $7.411696620e+01, v17  }
0x400: {  	v9 =	vmul.f32 $7.411696620e+01, v18;
	v10 =	vmul.f32 $7.411696620e+01, v16  }
0x401: {  	v12 =	vmul.f32 $7.411696620e+01, v7;
	v13 =	vmul.f32 $7.411696620e+01, v4  }
0x402: {  	v14 =	vmul.f32 $7.411696620e+01, v3;
	v15 =	vmul.f32 $7.411696620e+01, v5  }
0x403: {  	v24 =	vmul.f32 $7.411696620e+01, v6;
	v11 =	vtrunc.f32 v8  }
0x404: {  	v20 =	vtrunc.f32 v9;
	v21 =	vtrunc.f32 v10  }
0x405: {  	v22 =	vtrunc.f32 v12;
	v23 =	vtrunc.f32 v13  }
0x406: {  	v25 =	vtrunc.f32 v14;
	v27 =	vtrunc.f32 v15  }
0x407: {  	v8 =	vld [tilespmem:s0+$0x2870];
	v24 =	vtrunc.f32 v24;
	v19 =	vcvt.f32.s32 v11  }
0x408: {  	v9 =	vld [tilespmem:s0+$0x2C00];
	v20 =	vcvt.f32.s32 v20;
	v21 =	vcvt.f32.s32 v21  }
0x409: {  	v10 =	vld [tilespmem:s0+$0x2C10];
	v22 =	vcvt.f32.s32 v22;
	v23 =	vcvt.f32.s32 v23  }
0x40a: {  	v12 =	vld [tilespmem:s0+$0x2C30];
	v25 =	vcvt.f32.s32 v25;
	v27 =	vcvt.f32.s32 v27  }
0x40b: {  	v13 =	vld [tilespmem:s0+$0x2C40];
	v24 =	vcvt.f32.s32 v24;
	vm0 =	vgt.s32 v19, $0x0;
	vm1 =	vgt.s32 v21, $0x0  }
0x40c: {  	v14 =	vld [tilespmem:s0+$0x2C50];
	vm2 =	vgt.s32 v22, $0x0;
	vm3 =	vgt.s32 v23, $0x0;
	vm4 =	vgt.s32 v25, $0x0  }
0x40d: {  	v15 =	vld [tilespmem:s0+$0x2C60];
	vm5 =	vgt.s32 v27, $0x0;
	vm6 =	vgt.s32 v24, $0x0;
	v19 =	vnsel vm0, $0x0, v19  }
0x40e: {  	vm0 =	vgt.s32 v20, $0x0;
	v21 =	vnsel vm1, $0x0, v21;
	v22 =	vnsel vm2, $0x0, v22  }
0x40f: {  	v11 =	vld [tilespmem:s0+$0x2C20];
	v23 =	vnsel vm3, $0x0, v23;
	v25 =	vnsel vm4, $0x0, v25;
	v26 =	vmul.f32 $7.411696620e+01, v8  }
0x410: {  	v27 =	vnsel vm5, $0x0, v27;
	v28 =	vmul.f32 $7.411696620e+01, v9;
	v29 =	vmul.f32 $7.411696620e+01, v10  }
0x411: {  	v24 =	vnsel vm6, $0x0, v24;
	v31 =	vmul.f32 $7.411696620e+01, v12;
	v63 =	vmul.f32 $7.411696620e+01, v13  }
0x412: {  	v33 =	vmul.f32 $7.411696620e+01, v14;
	v34 =	vmul.f32 $7.411696620e+01, v15;
	v19 =	vmin.u32 v19, $0x7FF  }
0x413: {  	v20 =	vnsel vm0, $0x0, v20;
	v21 =	vmin.u32 v21, $0x7FF;
	v22 =	vmin.u32 v22, $0x7FF  }
0x414: {  	v23 =	vmin.u32 v23, $0x7FF;
	v30 =	vmul.f32 $7.411696620e+01, v11;
	v26 =	vtrunc.f32 v26  }
0x415: {  	v25 =	vmin.u32 v25, $0x7FF;
	v28 =	vtrunc.f32 v28;
	v29 =	vtrunc.f32 v29  }
0x416: {  	v27 =	vmin.u32 v27, $0x7FF;
	v31 =	vtrunc.f32 v31;
	v32 =	vtrunc.f32 v63  }
0x417: {  	v24 =	vmin.u32 v24, $0x7FF;
	v33 =	vtrunc.f32 v33;
	v34 =	vtrunc.f32 v34  }
0x418: {  	v19 =	vor.u32 v1, v19;
	v30 =	vtrunc.f32 v30;
	v26 =	vcvt.f32.s32 v26  }
0x419: {  	v20 =	vmin.u32 v20, $0x7FF;
	v28 =	vcvt.f32.s32 v28;
	v29 =	vcvt.f32.s32 v29  }
0x41a: {  	v27 =	vor.u32 v1, v27;
	v31 =	vcvt.f32.s32 v31;
	v32 =	vcvt.f32.s32 v32  }
0x41b: {  	v20 =	vor.u32 v1, v20;
	v33 =	vcvt.f32.s32 v33;
	v34 =	vcvt.f32.s32 v34  }
0x41c: {  	v30 =	vcvt.f32.s32 v30;
	vm7 =	vgt.s32 v26, $0x0;
	vm8 =	vgt.s32 v28, $0x0  }
0x41d: {  	vm9 =	vgt.s32 v29, $0x0;
	vm11 =	vgt.s32 v31, $0x0;
	vm12 =	vgt.s32 v32, $0x0  }
0x41e: {  	vm14 =	vgt.s32 v33, $0x0;
	vm15 =	vgt.s32 v34, $0x0;
	vm10 =	vgt.s32 v30, $0x0  }
0x41f: {  	v26 =	vnsel vm7, $0x0, v26;
	v28 =	vnsel vm8, $0x0, v28;
	v29 =	vnsel vm9, $0x0, v29  }
0x420: {  	v31 =	vnsel vm11, $0x0, v31;
	v32 =	vnsel vm12, $0x0, v32;
	v33 =	vnsel vm14, $0x0, v33  }
0x421: {  	v34 =	vnsel vm15, $0x0, v34;
	v30 =	vnsel vm10, $0x0, v30;
	v35 =	vmin.u32 v26, $0x7FF  }
0x422: {  	[tilespmem:v19+s20+$0x0] =	vst.idx.add.f32.msk $0xffff, v2;
	v36 =	vmin.u32 v28, $0x7FF;
	v37 =	vmin.u32 v29, $0x7FF;
	v31 =	vmin.u32 v31, $0x7FF  }
0x423: {  	[tilespmem:v19+s21+$0x0] =	vst.idx.add.f32.msk $0xffff, v17;
	v17 =	vmin.u32 v32, $0x7FF;
	v29 =	vor.u32 v1, v21;
	v32 =	vor.u32 v1, v22  }
0x424: {  	v28 =	vor.u32 v1, v25;
	v26 =	vor.u32 v1, v24;
	v33 =	vmin.u32 v33, $0x7FF  }
0x425: {  	[tilespmem:v20+s20+$0x0] =	vst.idx.add.f32.msk $0xffff, v2;
	v38 =	vmin.u32 v30, $0x7FF;
	v30 =	vor.u32 v1, v23;
	v25 =	vor.u32 v1, v35  }
0x426: {  	v24 =	vor.u32 v1, v36;
	v23 =	vor.u32 v1, v37;
	v21 =	vor.u32 v1, v31  }
0x427: {  	v34 =	vmin.u32 v34, $0x7FF;
	v19 =	vor.u32 v1, v17;
	[tilespmem:v20+s21+$0x0] =	vst.idx.add.f32.msk $0xffff, v18;
	v18 =	vor.u32 v1, v33  }
0x428: {  	s29 =	simm.s32 $0x0;
	s30 =	simm.s32 $0x80;
	s31 =	simm.s32 $0x100;
	v17 =	vor.u32 v1, v34;
	v22 =	vor.u32 v1, v38;
	[tilespmem:v29+s20+$0x0] =	vst.idx.add.f32.msk $0xffff, v2  }
.LBB2_18:
0x429: {  	s0 =	sand.u32 $0x3800, s31;
	s1 =	sand.u32 $0x380, s30;
	[tilespmem:v29+s21+$0x0] =	vst.idx.add.f32.msk $0xffff, v16  }
0x42a: {  	s29 =	sadd.s32 $0x10, s29;
	s0 =	sor.u32 s1, s0;
	[tilespmem:v32+s20+$0x0] =	vst.idx.add.f32.msk $0xffff, v2  }
0x42b: {  	p0 =	slt.u32 s29, $0x270;
	v33 =	vld [tilespmem:s0+$0x2C70]  }
0x42c: {  	v20 =	vld [tilespmem:s0+$0x2800]  }
0x42d: {  	v16 =	vld [tilespmem:s0+$0x2810]  }
0x42e: {  	v34 =	vld [tilespmem:s0+$0x2820]  }
0x42f: {  	v35 =	vld [tilespmem:s0+$0x2830]  }
0x430: {  	v36 =	vld [tilespmem:s0+$0x2840];
	v29 =	vmul.f32 $7.411696620e+01, v33  }
0x431: {  	v31 =	vmul.f32 $7.411696620e+01, v20;
	v37 =	vld [tilespmem:s0+$0x2850]  }
0x432: {  	v38 =	vmul.f32 $7.411696620e+01, v16;
	v39 =	vld [tilespmem:s0+$0x2860];
	v29 =	vtrunc.f32 v29  }
0x433: {  	v40 =	vmul.f32 $7.411696620e+01, v34;
	v41 =	vld [tilespmem:s0+$0x2870];
	v29 =	vcvt.f32.s32 v29  }
0x434: {  	v42 =	vtrunc.f32 v31;
	v31 =	vmul.f32 $7.411696620e+01, v35;
	v43 =	vld [tilespmem:s0+$0x2C00]  }
0x435: {  	v38 =	vtrunc.f32 v38;
	v44 =	vmul.f32 $7.411696620e+01, v36;
	v45 =	vld [tilespmem:s0+$0x2C10];
	vm0 =	vgt.s32 v29, $0x0  }
0x436: {  	v40 =	vtrunc.f32 v40;
	v46 =	vmul.f32 $7.411696620e+01, v37;
	v47 =	vld [tilespmem:s0+$0x2C20];
	v29 =	vnsel vm0, $0x0, v29  }
0x437: {  	v48 =	vtrunc.f32 v31;
	v49 =	vmul.f32 $7.411696620e+01, v39;
	v50 =	vld [tilespmem:s0+$0x2C30];
	v29 =	vmin.u32 v29, $0x7FF  }
0x438: {  	v44 =	vtrunc.f32 v44;
	v51 =	vmul.f32 $7.411696620e+01, v41;
	v52 =	vld [tilespmem:s0+$0x2C40];
	v53 =	vor.u32 v1, v29  }
0x439: {  	v46 =	vtrunc.f32 v46;
	v54 =	vmul.f32 $7.411696620e+01, v43;
	v31 =	vld [tilespmem:s0+$0x2C50]  }
0x43a: {  	v49 =	vtrunc.f32 v49;
	v55 =	vmul.f32 $7.411696620e+01, v45;
	v29 =	vld [tilespmem:s0+$0x2C60]  }
0x43b: {  	v51 =	vtrunc.f32 v51;
	v56 =	vmul.f32 $7.411696620e+01, v47;
	[tilespmem:v32+s21+$0x0] =	vst.idx.add.f32.msk $0xffff, v7;
	v7 =	vmov v34  }
0x43c: {  	v32 =	vtrunc.f32 v54;
	v34 =	vmul.f32 $7.411696620e+01, v50;
	[tilespmem:v30+s20+$0x0] =	vst.idx.add.f32.msk $0xffff, v2  }
0x43d: {  	v54 =	vtrunc.f32 v55;
	v55 =	vmul.f32 $7.411696620e+01, v52;
	[tilespmem:v53+s20+$0x0] =	vst.idx.add.f32.msk $0xffff, v2  }
0x43e: {  	v56 =	vtrunc.f32 v56;
	v57 =	vmul.f32 $7.411696620e+01, v31;
	[tilespmem:v53+s21+$0x0] =	vst.idx.add.f32.msk $0xffff, v33  }
0x43f: {  	v33 =	vtrunc.f32 v34;
	v34 =	vmul.f32 $7.411696620e+01, v29;
	[tilespmem:v30+s21+$0x0] =	vst.idx.add.f32.msk $0xffff, v4;
	v4 =	vmov v35  }
0x440: {  	v30 =	vtrunc.f32 v55;
	v35 =	vtrunc.f32 v57;
	[tilespmem:v28+s20+$0x0] =	vst.idx.add.f32.msk $0xffff, v2  }
0x441: {  	v42 =	vcvt.f32.s32 v42;
	v34 =	vtrunc.f32 v34;
	[tilespmem:v28+s21+$0x0] =	vst.idx.add.f32.msk $0xffff, v3;
	v3 =	vmov v36  }
0x442: {  	v28 =	vcvt.f32.s32 v38;
	v36 =	vcvt.f32.s32 v40;
	[tilespmem:v27+s20+$0x0] =	vst.idx.add.f32.msk $0xffff, v2  }
0x443: {  	vm0 =	vgt.s32 v42, $0x0;
	v38 =	vcvt.f32.s32 v48;
	v40 =	vcvt.f32.s32 v44;
	[tilespmem:v27+s21+$0x0] =	vst.idx.add.f32.msk $0xffff, v5;
	v5 =	vmovc v37  }
0x444: {  	vm1 =	vgt.s32 v28, $0x0;
	v27 =	vcvt.f32.s32 v46;
	v37 =	vcvt.f32.s32 v49;
	[tilespmem:v26+s20+$0x0] =	vst.idx.add.f32.msk $0xffff, v2  }
0x445: {  	v32 =	vcvt.f32.s32 v32;
	v44 =	vcvt.f32.s32 v51;
	vm2 =	vgt.s32 v36, $0x0;
	[tilespmem:v26+s21+$0x0] =	vst.idx.add.f32.msk $0xffff, v6;
	v6 =	vmovc v39  }
0x446: {  	vm3 =	vgt.s32 v38, $0x0;
	v26 =	vcvt.f32.s32 v54;
	v39 =	vcvt.f32.s32 v56;
	[tilespmem:v25+s20+$0x0] =	vst.idx.add.f32.msk $0xffff, v2  }
0x447: {  	v33 =	vcvt.f32.s32 v33;
	v30 =	vcvt.f32.s32 v30;
	vm4 =	vgt.s32 v40, $0x0;
	[tilespmem:v25+s21+$0x0] =	vst.idx.add.f32.msk $0xffff, v8;
	v8 =	vmovc v41  }
0x448: {  	v34 =	vcvt.f32.s32 v34;
	vm5 =	vgt.s32 v27, $0x0;
	v25 =	vcvt.f32.s32 v35;
	[tilespmem:v24+s20+$0x0] =	vst.idx.add.f32.msk $0xffff, v2  }
0x449: {  	vm8 =	vgt.s32 v32, $0x0;
	vm7 =	vgt.s32 v44, $0x0;
	vm6 =	vgt.s32 v37, $0x0;
	[tilespmem:v24+s21+$0x0] =	vst.idx.add.f32.msk $0xffff, v9;
	v9 =	vmovc v43  }
0x44a: {  	vm11 =	vgt.s32 v33, $0x0;
	vm9 =	vgt.s32 v26, $0x0;
	vm10 =	vgt.s32 v39, $0x0;
	[tilespmem:v23+s20+$0x0] =	vst.idx.add.f32.msk $0xffff, v2  }
0x44b: {  	vm12 =	vgt.s32 v30, $0x0;
	vm14 =	vgt.s32 v34, $0x0;
	vm13 =	vgt.s32 v25, $0x0;
	[tilespmem:v23+s21+$0x0] =	vst.idx.add.f32.msk $0xffff, v10;
	v10 =	vmovc v45  }
0x44c: {  	v24 =	vnsel vm1, $0x0, v28;
	v28 =	vnsel vm2, $0x0, v36;
	v23 =	vnsel vm0, $0x0, v42;
	[tilespmem:v22+s20+$0x0] =	vst.idx.add.f32.msk $0xffff, v2  }
0x44d: {  	v27 =	vnsel vm5, $0x0, v27;
	v35 =	vnsel vm3, $0x0, v38;
	v36 =	vnsel vm4, $0x0, v40;
	[tilespmem:v22+s21+$0x0] =	vst.idx.add.f32.msk $0xffff, v11;
	v11 =	vmovc v47  }
0x44e: {  	v32 =	vnsel vm8, $0x0, v32;
	v22 =	vnsel vm6, $0x0, v37;
	v37 =	vnsel vm7, $0x0, v44;
	[tilespmem:v21+s20+$0x0] =	vst.idx.add.f32.msk $0xffff, v2  }
0x44f: {  	v33 =	vnsel vm11, $0x0, v33;
	v26 =	vnsel vm9, $0x0, v26;
	v38 =	vnsel vm10, $0x0, v39;
	[tilespmem:v21+s21+$0x0] =	vst.idx.add.f32.msk $0xffff, v12;
	v12 =	vmovc v50  }
0x450: {  	v25 =	vnsel vm13, $0x0, v25;
	v21 =	vnsel vm12, $0x0, v30;
	v30 =	vnsel vm14, $0x0, v34;
	[tilespmem:v19+s20+$0x0] =	vst.idx.add.f32.msk $0xffff, v2  }
0x451: {  	v24 =	vmin.u32 v24, $0x7FF;
	v28 =	vmin.u32 v28, $0x7FF;
	v23 =	vmin.u32 v23, $0x7FF;
	[tilespmem:v19+s21+$0x0] =	vst.idx.add.f32.msk $0xffff, v13;
	v13 =	vmovc v52  }
0x452: {  	v27 =	vmin.u32 v27, $0x7FF;
	v34 =	vmin.u32 v36, $0x7FF;
	v19 =	vmin.u32 v35, $0x7FF;
	[tilespmem:v18+s20+$0x0] =	vst.idx.add.f32.msk $0xffff, v2  }
0x453: {  	v22 =	vmin.u32 v22, $0x7FF;
	v36 =	vmin.u32 v32, $0x7FF;
	v35 =	vmin.u32 v37, $0x7FF;
	[tilespmem:v18+s21+$0x0] =	vst.idx.add.f32.msk $0xffff, v14;
	v14 =	vmovc v31  }
0x454: {  	v33 =	vmin.u32 v33, $0x7FF;
	v18 =	vmin.u32 v26, $0x7FF;
	v31 =	vmin.u32 v38, $0x7FF;
	[tilespmem:v17+s20+$0x0] =	vst.idx.add.f32.msk $0xffff, v2  }
0x455: {  	v39 =	vmin.u32 v30, $0x7FF;
	v37 =	vmin.u32 v21, $0x7FF;
	v38 =	vmin.u32 v25, $0x7FF;
	[tilespmem:v17+s21+$0x0] =	vst.idx.add.f32.msk $0xffff, v15;
	v15 =	vmovc v29  }
0x456: {  	v40 =	vor.u32 v1, v23;
	v32 =	vor.u32 v1, v28;
	v29 =	vor.u32 v1, v24  }
0x457: {  	v27 =	vor.u32 v1, v27;
	v28 =	vor.u32 v1, v34;
	v30 =	vor.u32 v1, v19  }
0x458: {  	v26 =	vor.u32 v1, v22;
	v25 =	vor.u32 v1, v35;
	v24 =	vor.u32 v1, v36  }
.Ltmp8:
0x459: {  	v21 =	vor.u32 v1, v33;
	v23 =	vor.u32 v1, v18;
	v22 =	vor.u32 v1, v31;
	(pc) =	sbr.rel @p0 .LBB2_18-.Ltmp8, $4  }
0x45a: {  	v19 =	vor.u32 v1, v37;
	v18 =	vor.u32 v1, v38;
	v17 =	vor.u32 v1, v39  }
0x45b: {  	[tilespmem:v40+s20+$0x0] =	vst.idx.add.f32.msk $0xffff, v2  }
0x45c: {  	[tilespmem:v40+s21+$0x0] =	vst.idx.add.f32.msk $0xffff, v20  }
0x45d: {  	s30 =	sadd.s32 $0x80, s30;
	s31 =	sadd.s32 $0x100, s31;
	[tilespmem:v29+s20+$0x0] =	vst.idx.add.f32.msk $0xffff, v2  }
0x45e: {  	_ =	sdelay $0x3  }
0x45f: {  	[tilespmem:v29+s21+$0x0] =	vst.idx.add.f32.msk $0xffff, v16  }
0x460: {  	[tilespmem:v32+s20+$0x0] =	vst.idx.add.f32.msk $0xffff, v2  }
0x461: {  	[tilespmem:v30+s20+$0x0] =	vst.idx.add.f32.msk $0xffff, v2  }
0x462: {  	[tilespmem:v28+s20+$0x0] =	vst.idx.add.f32.msk $0xffff, v2  }
0x463: {  	[tilespmem:v27+s20+$0x0] =	vst.idx.add.f32.msk $0xffff, v2  }
0x464: {  	[tilespmem:v26+s20+$0x0] =	vst.idx.add.f32.msk $0xffff, v2  }
0x465: {  	[tilespmem:v25+s20+$0x0] =	vst.idx.add.f32.msk $0xffff, v2  }
0x466: {  	[tilespmem:v24+s20+$0x0] =	vst.idx.add.f32.msk $0xffff, v2  }
0x467: {  	[tilespmem:v23+s20+$0x0] =	vst.idx.add.f32.msk $0xffff, v2  }
0x468: {  	[tilespmem:v22+s20+$0x0] =	vst.idx.add.f32.msk $0xffff, v2  }
0x469: {  	[tilespmem:v21+s20+$0x0] =	vst.idx.add.f32.msk $0xffff, v2  }
0x46a: {  	[tilespmem:v19+s20+$0x0] =	vst.idx.add.f32.msk $0xffff, v2  }
0x46b: {  	[tilespmem:v18+s20+$0x0] =	vst.idx.add.f32.msk $0xffff, v2  }
0x46c: {  	[tilespmem:v17+s20+$0x0] =	vst.idx.add.f32.msk $0xffff, v2  }
0x46d: {  	[tilespmem:v32+s21+$0x0] =	vst.idx.add.f32.msk $0xffff, v7  }
0x46e: {  	[tilespmem:v30+s21+$0x0] =	vst.idx.add.f32.msk $0xffff, v4  }
0x46f: {  	[tilespmem:v28+s21+$0x0] =	vst.idx.add.f32.msk $0xffff, v3  }
0x470: {  	[tilespmem:v27+s21+$0x0] =	vst.idx.add.f32.msk $0xffff, v5  }
0x471: {  	[tilespmem:v26+s21+$0x0] =	vst.idx.add.f32.msk $0xffff, v6  }
0x472: {  	[tilespmem:v25+s21+$0x0] =	vst.idx.add.f32.msk $0xffff, v8  }
0x473: {  	[tilespmem:v24+s21+$0x0] =	vst.idx.add.f32.msk $0xffff, v9  }
0x474: {  	[tilespmem:v23+s21+$0x0] =	vst.idx.add.f32.msk $0xffff, v10  }
0x475: {  	[tilespmem:v22+s21+$0x0] =	vst.idx.add.f32.msk $0xffff, v11  }
0x476: {  	[tilespmem:v21+s21+$0x0] =	vst.idx.add.f32.msk $0xffff, v12  }
0x477: {  	[tilespmem:v19+s21+$0x0] =	vst.idx.add.f32.msk $0xffff, v13  }
0x478: {  	[tilespmem:v18+s21+$0x0] =	vst.idx.add.f32.msk $0xffff, v14  }
0x479: {  	[tilespmem:v17+s21+$0x0] =	vst.idx.add.f32.msk $0xffff, v15  }
0x47a: {  	s0 =	simm.s32 $0x0;
	_ =	swait.ge [sflag:s18], $0x2800  }
0x47b: {  	s1 =	sand.u32 $0x3800, s0;
	s0 =	sand.u32 $0x380, s0;
	[sflag:s18] =	ssyncset.done $0x0  }
0x47c: {  	s0 =	sor.u32 s0, s1;
	[sflag:s18] =	ssyncadd.s32 $0xFFFFD800  }
0x47d: {  	[tilespmem:s19], [sflag:$0x2] =	stream.strided.gather [hbm4b:s12+s16], $0x2800, s17, s16, $0x38;
	[tilespmem:$0x16000] =	vst v63  }
0x47e: {  	v17 =	vld [tilespmem:s0+$0x470]  }
0x47f: {  	v18 =	vld [tilespmem:s0+$0x0]  }
0x480: {  	v16 =	vld [tilespmem:s0+$0x10]  }
0x481: {  	v7 =	vld [tilespmem:s0+$0x20]  }
0x482: {  	v4 =	vld [tilespmem:s0+$0x30]  }
0x483: {  	v3 =	vld [tilespmem:s0+$0x40]  }
0x484: {  	v5 =	vld [tilespmem:s0+$0x50]  }
0x485: {  	v6 =	vld [tilespmem:s0+$0x60]  }
0x486: {  	v8 =	vmul.f32 $7.411696620e+01, v17  }
0x487: {  	v9 =	vmul.f32 $7.411696620e+01, v18;
	v10 =	vmul.f32 $7.411696620e+01, v16  }
0x488: {  	v12 =	vmul.f32 $7.411696620e+01, v7;
	v13 =	vmul.f32 $7.411696620e+01, v4  }
0x489: {  	v14 =	vmul.f32 $7.411696620e+01, v3;
	v15 =	vmul.f32 $7.411696620e+01, v5  }
0x48a: {  	v24 =	vmul.f32 $7.411696620e+01, v6;
	v11 =	vtrunc.f32 v8  }
0x48b: {  	v20 =	vtrunc.f32 v9;
	v21 =	vtrunc.f32 v10  }
0x48c: {  	v22 =	vtrunc.f32 v12;
	v23 =	vtrunc.f32 v13  }
0x48d: {  	v25 =	vtrunc.f32 v14;
	v27 =	vtrunc.f32 v15  }
0x48e: {  	v8 =	vld [tilespmem:s0+$0x70];
	v24 =	vtrunc.f32 v24;
	v19 =	vcvt.f32.s32 v11  }
0x48f: {  	v9 =	vld [tilespmem:s0+$0x400];
	v20 =	vcvt.f32.s32 v20;
	v21 =	vcvt.f32.s32 v21  }
0x490: {  	v10 =	vld [tilespmem:s0+$0x410];
	v22 =	vcvt.f32.s32 v22;
	v23 =	vcvt.f32.s32 v23  }
0x491: {  	v12 =	vld [tilespmem:s0+$0x430];
	v25 =	vcvt.f32.s32 v25;
	v27 =	vcvt.f32.s32 v27  }
0x492: {  	v13 =	vld [tilespmem:s0+$0x440];
	v24 =	vcvt.f32.s32 v24;
	vm0 =	vgt.s32 v19, $0x0;
	vm1 =	vgt.s32 v21, $0x0  }
0x493: {  	v14 =	vld [tilespmem:s0+$0x450];
	vm2 =	vgt.s32 v22, $0x0;
	vm3 =	vgt.s32 v23, $0x0;
	vm4 =	vgt.s32 v25, $0x0  }
0x494: {  	v15 =	vld [tilespmem:s0+$0x460];
	vm5 =	vgt.s32 v27, $0x0;
	vm6 =	vgt.s32 v24, $0x0;
	v19 =	vnsel vm0, $0x0, v19  }
0x495: {  	vm0 =	vgt.s32 v20, $0x0;
	v21 =	vnsel vm1, $0x0, v21;
	v22 =	vnsel vm2, $0x0, v22  }
0x496: {  	v11 =	vld [tilespmem:s0+$0x420];
	v23 =	vnsel vm3, $0x0, v23;
	v25 =	vnsel vm4, $0x0, v25;
	v26 =	vmul.f32 $7.411696620e+01, v8  }
0x497: {  	v27 =	vnsel vm5, $0x0, v27;
	v28 =	vmul.f32 $7.411696620e+01, v9;
	v29 =	vmul.f32 $7.411696620e+01, v10  }
0x498: {  	v24 =	vnsel vm6, $0x0, v24;
	v31 =	vmul.f32 $7.411696620e+01, v12;
	v63 =	vmul.f32 $7.411696620e+01, v13  }
0x499: {  	v33 =	vmul.f32 $7.411696620e+01, v14;
	v34 =	vmul.f32 $7.411696620e+01, v15;
	v19 =	vmin.u32 v19, $0x7FF  }
0x49a: {  	v20 =	vnsel vm0, $0x0, v20;
	v21 =	vmin.u32 v21, $0x7FF;
	v22 =	vmin.u32 v22, $0x7FF  }
0x49b: {  	v23 =	vmin.u32 v23, $0x7FF;
	v30 =	vmul.f32 $7.411696620e+01, v11;
	v26 =	vtrunc.f32 v26  }
0x49c: {  	v25 =	vmin.u32 v25, $0x7FF;
	v28 =	vtrunc.f32 v28;
	v29 =	vtrunc.f32 v29  }
0x49d: {  	v27 =	vmin.u32 v27, $0x7FF;
	v31 =	vtrunc.f32 v31;
	v32 =	vtrunc.f32 v63  }
0x49e: {  	v24 =	vmin.u32 v24, $0x7FF;
	v33 =	vtrunc.f32 v33;
	v34 =	vtrunc.f32 v34  }
0x49f: {  	v19 =	vor.u32 v1, v19;
	v30 =	vtrunc.f32 v30;
	v26 =	vcvt.f32.s32 v26  }
0x4a0: {  	v20 =	vmin.u32 v20, $0x7FF;
	v28 =	vcvt.f32.s32 v28;
	v29 =	vcvt.f32.s32 v29  }
0x4a1: {  	v27 =	vor.u32 v1, v27;
	v31 =	vcvt.f32.s32 v31;
	v32 =	vcvt.f32.s32 v32  }
0x4a2: {  	v20 =	vor.u32 v1, v20;
	v33 =	vcvt.f32.s32 v33;
	v34 =	vcvt.f32.s32 v34  }
0x4a3: {  	v30 =	vcvt.f32.s32 v30;
	vm7 =	vgt.s32 v26, $0x0;
	vm8 =	vgt.s32 v28, $0x0  }
0x4a4: {  	vm9 =	vgt.s32 v29, $0x0;
	vm11 =	vgt.s32 v31, $0x0;
	vm12 =	vgt.s32 v32, $0x0  }
0x4a5: {  	vm14 =	vgt.s32 v33, $0x0;
	vm15 =	vgt.s32 v34, $0x0;
	vm10 =	vgt.s32 v30, $0x0  }
0x4a6: {  	v26 =	vnsel vm7, $0x0, v26;
	v28 =	vnsel vm8, $0x0, v28;
	v29 =	vnsel vm9, $0x0, v29  }
0x4a7: {  	v31 =	vnsel vm11, $0x0, v31;
	v32 =	vnsel vm12, $0x0, v32;
	v33 =	vnsel vm14, $0x0, v33  }
0x4a8: {  	v34 =	vnsel vm15, $0x0, v34;
	v30 =	vnsel vm10, $0x0, v30;
	v35 =	vmin.u32 v26, $0x7FF  }
0x4a9: {  	[tilespmem:v19+s20+$0x0] =	vst.idx.add.f32.msk $0xffff, v2;
	v36 =	vmin.u32 v28, $0x7FF;
	v37 =	vmin.u32 v29, $0x7FF;
	v31 =	vmin.u32 v31, $0x7FF  }
0x4aa: {  	[tilespmem:v19+s21+$0x0] =	vst.idx.add.f32.msk $0xffff, v17;
	v17 =	vmin.u32 v32, $0x7FF;
	v29 =	vor.u32 v1, v21;
	v32 =	vor.u32 v1, v22  }
0x4ab: {  	v28 =	vor.u32 v1, v25;
	v26 =	vor.u32 v1, v24;
	v33 =	vmin.u32 v33, $0x7FF  }
0x4ac: {  	[tilespmem:v20+s20+$0x0] =	vst.idx.add.f32.msk $0xffff, v2;
	v38 =	vmin.u32 v30, $0x7FF;
	v30 =	vor.u32 v1, v23;
	v25 =	vor.u32 v1, v35  }
0x4ad: {  	v24 =	vor.u32 v1, v36;
	v23 =	vor.u32 v1, v37;
	v21 =	vor.u32 v1, v31  }
0x4ae: {  	v34 =	vmin.u32 v34, $0x7FF;
	v19 =	vor.u32 v1, v17;
	[tilespmem:v20+s21+$0x0] =	vst.idx.add.f32.msk $0xffff, v18;
	v18 =	vor.u32 v1, v33  }
0x4af: {  	s29 =	simm.s32 $0x0;
	s30 =	simm.s32 $0x80;
	s31 =	simm.s32 $0x100;
	v17 =	vor.u32 v1, v34;
	v22 =	vor.u32 v1, v38;
	[tilespmem:v29+s20+$0x0] =	vst.idx.add.f32.msk $0xffff, v2  }
.LBB2_20:
0x4b0: {  	s0 =	sand.u32 $0x3800, s31;
	s1 =	sand.u32 $0x380, s30;
	[tilespmem:v29+s21+$0x0] =	vst.idx.add.f32.msk $0xffff, v16  }
0x4b1: {  	s29 =	sadd.s32 $0x10, s29;
	s0 =	sor.u32 s1, s0;
	[tilespmem:v32+s20+$0x0] =	vst.idx.add.f32.msk $0xffff, v2  }
0x4b2: {  	p0 =	slt.u32 s29, $0x270;
	v33 =	vld [tilespmem:s0+$0x470]  }
0x4b3: {  	v20 =	vld [tilespmem:s0+$0x0]  }
0x4b4: {  	v16 =	vld [tilespmem:s0+$0x10]  }
0x4b5: {  	v34 =	vld [tilespmem:s0+$0x20]  }
0x4b6: {  	v35 =	vld [tilespmem:s0+$0x30]  }
0x4b7: {  	v36 =	vld [tilespmem:s0+$0x40];
	v29 =	vmul.f32 $7.411696620e+01, v33  }
0x4b8: {  	v31 =	vmul.f32 $7.411696620e+01, v20;
	v37 =	vld [tilespmem:s0+$0x50]  }
0x4b9: {  	v38 =	vmul.f32 $7.411696620e+01, v16;
	v39 =	vld [tilespmem:s0+$0x60];
	v29 =	vtrunc.f32 v29  }
0x4ba: {  	v40 =	vmul.f32 $7.411696620e+01, v34;
	v41 =	vld [tilespmem:s0+$0x70];
	v29 =	vcvt.f32.s32 v29  }
0x4bb: {  	v42 =	vtrunc.f32 v31;
	v31 =	vmul.f32 $7.411696620e+01, v35;
	v43 =	vld [tilespmem:s0+$0x400]  }
0x4bc: {  	v38 =	vtrunc.f32 v38;
	v44 =	vmul.f32 $7.411696620e+01, v36;
	v45 =	vld [tilespmem:s0+$0x410];
	vm0 =	vgt.s32 v29, $0x0  }
0x4bd: {  	v40 =	vtrunc.f32 v40;
	v46 =	vmul.f32 $7.411696620e+01, v37;
	v47 =	vld [tilespmem:s0+$0x420];
	v29 =	vnsel vm0, $0x0, v29  }
0x4be: {  	v48 =	vtrunc.f32 v31;
	v49 =	vmul.f32 $7.411696620e+01, v39;
	v50 =	vld [tilespmem:s0+$0x430];
	v29 =	vmin.u32 v29, $0x7FF  }
0x4bf: {  	v44 =	vtrunc.f32 v44;
	v51 =	vmul.f32 $7.411696620e+01, v41;
	v52 =	vld [tilespmem:s0+$0x440];
	v53 =	vor.u32 v1, v29  }
0x4c0: {  	v46 =	vtrunc.f32 v46;
	v54 =	vmul.f32 $7.411696620e+01, v43;
	v31 =	vld [tilespmem:s0+$0x450]  }
0x4c1: {  	v49 =	vtrunc.f32 v49;
	v55 =	vmul.f32 $7.411696620e+01, v45;
	v29 =	vld [tilespmem:s0+$0x460]  }
0x4c2: {  	v51 =	vtrunc.f32 v51;
	v56 =	vmul.f32 $7.411696620e+01, v47;
	[tilespmem:v32+s21+$0x0] =	vst.idx.add.f32.msk $0xffff, v7;
	v7 =	vmov v34  }
0x4c3: {  	v32 =	vtrunc.f32 v54;
	v34 =	vmul.f32 $7.411696620e+01, v50;
	[tilespmem:v30+s20+$0x0] =	vst.idx.add.f32.msk $0xffff, v2  }
0x4c4: {  	v54 =	vtrunc.f32 v55;
	v55 =	vmul.f32 $7.411696620e+01, v52;
	[tilespmem:v53+s20+$0x0] =	vst.idx.add.f32.msk $0xffff, v2  }
0x4c5: {  	v56 =	vtrunc.f32 v56;
	v57 =	vmul.f32 $7.411696620e+01, v31;
	[tilespmem:v53+s21+$0x0] =	vst.idx.add.f32.msk $0xffff, v33  }
0x4c6: {  	v33 =	vtrunc.f32 v34;
	v34 =	vmul.f32 $7.411696620e+01, v29;
	[tilespmem:v30+s21+$0x0] =	vst.idx.add.f32.msk $0xffff, v4;
	v4 =	vmov v35  }
0x4c7: {  	v30 =	vtrunc.f32 v55;
	v35 =	vtrunc.f32 v57;
	[tilespmem:v28+s20+$0x0] =	vst.idx.add.f32.msk $0xffff, v2  }
0x4c8: {  	v42 =	vcvt.f32.s32 v42;
	v34 =	vtrunc.f32 v34;
	[tilespmem:v28+s21+$0x0] =	vst.idx.add.f32.msk $0xffff, v3;
	v3 =	vmov v36  }
0x4c9: {  	v28 =	vcvt.f32.s32 v38;
	v36 =	vcvt.f32.s32 v40;
	[tilespmem:v27+s20+$0x0] =	vst.idx.add.f32.msk $0xffff, v2  }
0x4ca: {  	vm0 =	vgt.s32 v42, $0x0;
	v38 =	vcvt.f32.s32 v48;
	v40 =	vcvt.f32.s32 v44;
	[tilespmem:v27+s21+$0x0] =	vst.idx.add.f32.msk $0xffff, v5;
	v5 =	vmovc v37  }
0x4cb: {  	vm1 =	vgt.s32 v28, $0x0;
	v27 =	vcvt.f32.s32 v46;
	v37 =	vcvt.f32.s32 v49;
	[tilespmem:v26+s20+$0x0] =	vst.idx.add.f32.msk $0xffff, v2  }
0x4cc: {  	v32 =	vcvt.f32.s32 v32;
	v44 =	vcvt.f32.s32 v51;
	vm2 =	vgt.s32 v36, $0x0;
	[tilespmem:v26+s21+$0x0] =	vst.idx.add.f32.msk $0xffff, v6;
	v6 =	vmovc v39  }
0x4cd: {  	vm3 =	vgt.s32 v38, $0x0;
	v26 =	vcvt.f32.s32 v54;
	v39 =	vcvt.f32.s32 v56;
	[tilespmem:v25+s20+$0x0] =	vst.idx.add.f32.msk $0xffff, v2  }
0x4ce: {  	v33 =	vcvt.f32.s32 v33;
	v30 =	vcvt.f32.s32 v30;
	vm4 =	vgt.s32 v40, $0x0;
	[tilespmem:v25+s21+$0x0] =	vst.idx.add.f32.msk $0xffff, v8;
	v8 =	vmovc v41  }
0x4cf: {  	v34 =	vcvt.f32.s32 v34;
	vm5 =	vgt.s32 v27, $0x0;
	v25 =	vcvt.f32.s32 v35;
	[tilespmem:v24+s20+$0x0] =	vst.idx.add.f32.msk $0xffff, v2  }
0x4d0: {  	vm8 =	vgt.s32 v32, $0x0;
	vm7 =	vgt.s32 v44, $0x0;
	vm6 =	vgt.s32 v37, $0x0;
	[tilespmem:v24+s21+$0x0] =	vst.idx.add.f32.msk $0xffff, v9;
	v9 =	vmovc v43  }
0x4d1: {  	vm11 =	vgt.s32 v33, $0x0;
	vm9 =	vgt.s32 v26, $0x0;
	vm10 =	vgt.s32 v39, $0x0;
	[tilespmem:v23+s20+$0x0] =	vst.idx.add.f32.msk $0xffff, v2  }
0x4d2: {  	vm12 =	vgt.s32 v30, $0x0;
	vm14 =	vgt.s32 v34, $0x0;
	vm13 =	vgt.s32 v25, $0x0;
	[tilespmem:v23+s21+$0x0] =	vst.idx.add.f32.msk $0xffff, v10;
	v10 =	vmovc v45  }
0x4d3: {  	v24 =	vnsel vm1, $0x0, v28;
	v28 =	vnsel vm2, $0x0, v36;
	v23 =	vnsel vm0, $0x0, v42;
	[tilespmem:v22+s20+$0x0] =	vst.idx.add.f32.msk $0xffff, v2  }
0x4d4: {  	v27 =	vnsel vm5, $0x0, v27;
	v35 =	vnsel vm3, $0x0, v38;
	v36 =	vnsel vm4, $0x0, v40;
	[tilespmem:v22+s21+$0x0] =	vst.idx.add.f32.msk $0xffff, v11;
	v11 =	vmovc v47  }
0x4d5: {  	v32 =	vnsel vm8, $0x0, v32;
	v22 =	vnsel vm6, $0x0, v37;
	v37 =	vnsel vm7, $0x0, v44;
	[tilespmem:v21+s20+$0x0] =	vst.idx.add.f32.msk $0xffff, v2  }
0x4d6: {  	v33 =	vnsel vm11, $0x0, v33;
	v26 =	vnsel vm9, $0x0, v26;
	v38 =	vnsel vm10, $0x0, v39;
	[tilespmem:v21+s21+$0x0] =	vst.idx.add.f32.msk $0xffff, v12;
	v12 =	vmovc v50  }
0x4d7: {  	v25 =	vnsel vm13, $0x0, v25;
	v21 =	vnsel vm12, $0x0, v30;
	v30 =	vnsel vm14, $0x0, v34;
	[tilespmem:v19+s20+$0x0] =	vst.idx.add.f32.msk $0xffff, v2  }
0x4d8: {  	v24 =	vmin.u32 v24, $0x7FF;
	v28 =	vmin.u32 v28, $0x7FF;
	v23 =	vmin.u32 v23, $0x7FF;
	[tilespmem:v19+s21+$0x0] =	vst.idx.add.f32.msk $0xffff, v13;
	v13 =	vmovc v52  }
0x4d9: {  	v27 =	vmin.u32 v27, $0x7FF;
	v34 =	vmin.u32 v36, $0x7FF;
	v19 =	vmin.u32 v35, $0x7FF;
	[tilespmem:v18+s20+$0x0] =	vst.idx.add.f32.msk $0xffff, v2  }
0x4da: {  	v22 =	vmin.u32 v22, $0x7FF;
	v36 =	vmin.u32 v32, $0x7FF;
	v35 =	vmin.u32 v37, $0x7FF;
	[tilespmem:v18+s21+$0x0] =	vst.idx.add.f32.msk $0xffff, v14;
	v14 =	vmovc v31  }
0x4db: {  	v33 =	vmin.u32 v33, $0x7FF;
	v18 =	vmin.u32 v26, $0x7FF;
	v31 =	vmin.u32 v38, $0x7FF;
	[tilespmem:v17+s20+$0x0] =	vst.idx.add.f32.msk $0xffff, v2  }
0x4dc: {  	v39 =	vmin.u32 v30, $0x7FF;
	v37 =	vmin.u32 v21, $0x7FF;
	v38 =	vmin.u32 v25, $0x7FF;
	[tilespmem:v17+s21+$0x0] =	vst.idx.add.f32.msk $0xffff, v15;
	v15 =	vmovc v29  }
0x4dd: {  	v40 =	vor.u32 v1, v23;
	v32 =	vor.u32 v1, v28;
	v29 =	vor.u32 v1, v24  }
0x4de: {  	v27 =	vor.u32 v1, v27;
	v28 =	vor.u32 v1, v34;
	v30 =	vor.u32 v1, v19  }
0x4df: {  	v26 =	vor.u32 v1, v22;
	v25 =	vor.u32 v1, v35;
	v24 =	vor.u32 v1, v36  }
.Ltmp9:
0x4e0: {  	v21 =	vor.u32 v1, v33;
	v23 =	vor.u32 v1, v18;
	v22 =	vor.u32 v1, v31;
	(pc) =	sbr.rel @p0 .LBB2_20-.Ltmp9, $4  }
0x4e1: {  	v19 =	vor.u32 v1, v37;
	v18 =	vor.u32 v1, v38;
	v17 =	vor.u32 v1, v39  }
0x4e2: {  	[tilespmem:v40+s20+$0x0] =	vst.idx.add.f32.msk $0xffff, v2  }
0x4e3: {  	[tilespmem:v40+s21+$0x0] =	vst.idx.add.f32.msk $0xffff, v20  }
0x4e4: {  	s30 =	sadd.s32 $0x80, s30;
	s31 =	sadd.s32 $0x100, s31;
	[tilespmem:v29+s20+$0x0] =	vst.idx.add.f32.msk $0xffff, v2  }
0x4e5: {  	_ =	sdelay $0x3  }
0x4e6: {  	[tilespmem:v29+s21+$0x0] =	vst.idx.add.f32.msk $0xffff, v16  }
0x4e7: {  	[tilespmem:v32+s20+$0x0] =	vst.idx.add.f32.msk $0xffff, v2  }
0x4e8: {  	[tilespmem:v30+s20+$0x0] =	vst.idx.add.f32.msk $0xffff, v2  }
0x4e9: {  	[tilespmem:v28+s20+$0x0] =	vst.idx.add.f32.msk $0xffff, v2  }
0x4ea: {  	[tilespmem:v27+s20+$0x0] =	vst.idx.add.f32.msk $0xffff, v2  }
0x4eb: {  	[tilespmem:v26+s20+$0x0] =	vst.idx.add.f32.msk $0xffff, v2  }
0x4ec: {  	[tilespmem:v25+s20+$0x0] =	vst.idx.add.f32.msk $0xffff, v2  }
0x4ed: {  	[tilespmem:v24+s20+$0x0] =	vst.idx.add.f32.msk $0xffff, v2  }
0x4ee: {  	[tilespmem:v23+s20+$0x0] =	vst.idx.add.f32.msk $0xffff, v2  }
0x4ef: {  	[tilespmem:v22+s20+$0x0] =	vst.idx.add.f32.msk $0xffff, v2  }
0x4f0: {  	[tilespmem:v21+s20+$0x0] =	vst.idx.add.f32.msk $0xffff, v2  }
0x4f1: {  	[tilespmem:v19+s20+$0x0] =	vst.idx.add.f32.msk $0xffff, v2  }
0x4f2: {  	[tilespmem:v18+s20+$0x0] =	vst.idx.add.f32.msk $0xffff, v2  }
0x4f3: {  	[tilespmem:v17+s20+$0x0] =	vst.idx.add.f32.msk $0xffff, v2  }
0x4f4: {  	[tilespmem:v32+s21+$0x0] =	vst.idx.add.f32.msk $0xffff, v7  }
0x4f5: {  	[tilespmem:v30+s21+$0x0] =	vst.idx.add.f32.msk $0xffff, v4  }
0x4f6: {  	[tilespmem:v28+s21+$0x0] =	vst.idx.add.f32.msk $0xffff, v3  }
0x4f7: {  	[tilespmem:v27+s21+$0x0] =	vst.idx.add.f32.msk $0xffff, v5  }
0x4f8: {  	[tilespmem:v26+s21+$0x0] =	vst.idx.add.f32.msk $0xffff, v6  }
0x4f9: {  	[tilespmem:v25+s21+$0x0] =	vst.idx.add.f32.msk $0xffff, v8  }
0x4fa: {  	[tilespmem:v24+s21+$0x0] =	vst.idx.add.f32.msk $0xffff, v9  }
0x4fb: {  	[tilespmem:v23+s21+$0x0] =	vst.idx.add.f32.msk $0xffff, v10  }
0x4fc: {  	[tilespmem:v22+s21+$0x0] =	vst.idx.add.f32.msk $0xffff, v11  }
0x4fd: {  	[tilespmem:v21+s21+$0x0] =	vst.idx.add.f32.msk $0xffff, v12  }
0x4fe: {  	[tilespmem:v19+s21+$0x0] =	vst.idx.add.f32.msk $0xffff, v13  }
0x4ff: {  	[tilespmem:v18+s21+$0x0] =	vst.idx.add.f32.msk $0xffff, v14  }
0x500: {  	[tilespmem:v17+s21+$0x0] =	vst.idx.add.f32.msk $0xffff, v15  }
0x501: {  	s0 =	simm.s32 $0x0;
	_ =	swait.ge [sflag:s22], $0x2800  }
0x502: {  	s1 =	sand.u32 $0x3800, s0;
	s0 =	sand.u32 $0x380, s0;
	[sflag:s22] =	ssyncset.done $0x0  }
0x503: {  	s0 =	sor.u32 s0, s1;
	[sflag:s22] =	ssyncadd.s32 $0xFFFFD800  }
0x504: {  	v17 =	vld [tilespmem:s0+$0x2C70]  }
0x505: {  	v18 =	vld [tilespmem:s0+$0x2800]  }
0x506: {  	v16 =	vld [tilespmem:s0+$0x2810]  }
0x507: {  	v7 =	vld [tilespmem:s0+$0x2820]  }
0x508: {  	v4 =	vld [tilespmem:s0+$0x2830]  }
0x509: {  	v3 =	vld [tilespmem:s0+$0x2840]  }
0x50a: {  	v5 =	vld [tilespmem:s0+$0x2850]  }
0x50b: {  	v6 =	vld [tilespmem:s0+$0x2860]  }
0x50c: {  	v8 =	vmul.f32 $7.411696620e+01, v17  }
0x50d: {  	v9 =	vmul.f32 $7.411696620e+01, v18;
	v10 =	vmul.f32 $7.411696620e+01, v16  }
0x50e: {  	v12 =	vmul.f32 $7.411696620e+01, v7;
	v13 =	vmul.f32 $7.411696620e+01, v4  }
0x50f: {  	v14 =	vmul.f32 $7.411696620e+01, v3;
	v15 =	vmul.f32 $7.411696620e+01, v5  }
0x510: {  	v24 =	vmul.f32 $7.411696620e+01, v6;
	v11 =	vtrunc.f32 v8  }
0x511: {  	v20 =	vtrunc.f32 v9;
	v21 =	vtrunc.f32 v10  }
0x512: {  	v22 =	vtrunc.f32 v12;
	v23 =	vtrunc.f32 v13  }
0x513: {  	v25 =	vtrunc.f32 v14;
	v27 =	vtrunc.f32 v15  }
0x514: {  	v8 =	vld [tilespmem:s0+$0x2870];
	v24 =	vtrunc.f32 v24;
	v19 =	vcvt.f32.s32 v11  }
0x515: {  	v9 =	vld [tilespmem:s0+$0x2C00];
	v20 =	vcvt.f32.s32 v20;
	v21 =	vcvt.f32.s32 v21  }
0x516: {  	v10 =	vld [tilespmem:s0+$0x2C10];
	v22 =	vcvt.f32.s32 v22;
	v23 =	vcvt.f32.s32 v23  }
0x517: {  	v12 =	vld [tilespmem:s0+$0x2C30];
	v25 =	vcvt.f32.s32 v25;
	v27 =	vcvt.f32.s32 v27  }
0x518: {  	v13 =	vld [tilespmem:s0+$0x2C40];
	v24 =	vcvt.f32.s32 v24;
	vm0 =	vgt.s32 v19, $0x0;
	vm1 =	vgt.s32 v21, $0x0  }
0x519: {  	v14 =	vld [tilespmem:s0+$0x2C50];
	vm2 =	vgt.s32 v22, $0x0;
	vm3 =	vgt.s32 v23, $0x0;
	vm4 =	vgt.s32 v25, $0x0  }
0x51a: {  	v15 =	vld [tilespmem:s0+$0x2C60];
	vm5 =	vgt.s32 v27, $0x0;
	vm6 =	vgt.s32 v24, $0x0;
	v19 =	vnsel vm0, $0x0, v19  }
0x51b: {  	vm0 =	vgt.s32 v20, $0x0;
	v21 =	vnsel vm1, $0x0, v21;
	v22 =	vnsel vm2, $0x0, v22  }
0x51c: {  	v11 =	vld [tilespmem:s0+$0x2C20];
	v23 =	vnsel vm3, $0x0, v23;
	v25 =	vnsel vm4, $0x0, v25;
	v26 =	vmul.f32 $7.411696620e+01, v8  }
0x51d: {  	v27 =	vnsel vm5, $0x0, v27;
	v28 =	vmul.f32 $7.411696620e+01, v9;
	v29 =	vmul.f32 $7.411696620e+01, v10  }
0x51e: {  	v24 =	vnsel vm6, $0x0, v24;
	v31 =	vmul.f32 $7.411696620e+01, v12;
	v63 =	vmul.f32 $7.411696620e+01, v13  }
0x51f: {  	v33 =	vmul.f32 $7.411696620e+01, v14;
	v34 =	vmul.f32 $7.411696620e+01, v15;
	v19 =	vmin.u32 v19, $0x7FF  }
0x520: {  	v20 =	vnsel vm0, $0x0, v20;
	v21 =	vmin.u32 v21, $0x7FF;
	v22 =	vmin.u32 v22, $0x7FF  }
0x521: {  	v23 =	vmin.u32 v23, $0x7FF;
	v30 =	vmul.f32 $7.411696620e+01, v11;
	v26 =	vtrunc.f32 v26  }
0x522: {  	v25 =	vmin.u32 v25, $0x7FF;
	v28 =	vtrunc.f32 v28;
	v29 =	vtrunc.f32 v29  }
0x523: {  	v27 =	vmin.u32 v27, $0x7FF;
	v31 =	vtrunc.f32 v31;
	v32 =	vtrunc.f32 v63  }
0x524: {  	v24 =	vmin.u32 v24, $0x7FF;
	v33 =	vtrunc.f32 v33;
	v34 =	vtrunc.f32 v34  }
0x525: {  	v19 =	vor.u32 v1, v19;
	v30 =	vtrunc.f32 v30;
	v26 =	vcvt.f32.s32 v26  }
0x526: {  	v20 =	vmin.u32 v20, $0x7FF;
	v28 =	vcvt.f32.s32 v28;
	v29 =	vcvt.f32.s32 v29  }
0x527: {  	v27 =	vor.u32 v1, v27;
	v31 =	vcvt.f32.s32 v31;
	v32 =	vcvt.f32.s32 v32  }
0x528: {  	v20 =	vor.u32 v1, v20;
	v33 =	vcvt.f32.s32 v33;
	v34 =	vcvt.f32.s32 v34  }
0x529: {  	v30 =	vcvt.f32.s32 v30;
	vm7 =	vgt.s32 v26, $0x0;
	vm8 =	vgt.s32 v28, $0x0  }
0x52a: {  	vm9 =	vgt.s32 v29, $0x0;
	vm11 =	vgt.s32 v31, $0x0;
	vm12 =	vgt.s32 v32, $0x0  }
0x52b: {  	vm14 =	vgt.s32 v33, $0x0;
	vm15 =	vgt.s32 v34, $0x0;
	vm10 =	vgt.s32 v30, $0x0  }
0x52c: {  	v26 =	vnsel vm7, $0x0, v26;
	v28 =	vnsel vm8, $0x0, v28;
	v29 =	vnsel vm9, $0x0, v29  }
0x52d: {  	v31 =	vnsel vm11, $0x0, v31;
	v32 =	vnsel vm12, $0x0, v32;
	v33 =	vnsel vm14, $0x0, v33  }
0x52e: {  	v34 =	vnsel vm15, $0x0, v34;
	v30 =	vnsel vm10, $0x0, v30;
	v35 =	vmin.u32 v26, $0x7FF  }
0x52f: {  	[tilespmem:v19+s20+$0x0] =	vst.idx.add.f32.msk $0xffff, v2;
	v36 =	vmin.u32 v28, $0x7FF;
	v37 =	vmin.u32 v29, $0x7FF;
	v31 =	vmin.u32 v31, $0x7FF  }
0x530: {  	[tilespmem:v19+s21+$0x0] =	vst.idx.add.f32.msk $0xffff, v17;
	v17 =	vmin.u32 v32, $0x7FF;
	v29 =	vor.u32 v1, v21;
	v32 =	vor.u32 v1, v22  }
0x531: {  	v28 =	vor.u32 v1, v25;
	v26 =	vor.u32 v1, v24;
	v33 =	vmin.u32 v33, $0x7FF  }
0x532: {  	[tilespmem:v20+s20+$0x0] =	vst.idx.add.f32.msk $0xffff, v2;
	v38 =	vmin.u32 v30, $0x7FF;
	v30 =	vor.u32 v1, v23;
	v25 =	vor.u32 v1, v35  }
0x533: {  	v24 =	vor.u32 v1, v36;
	v23 =	vor.u32 v1, v37;
	v21 =	vor.u32 v1, v31  }
0x534: {  	v34 =	vmin.u32 v34, $0x7FF;
	v19 =	vor.u32 v1, v17;
	[tilespmem:v20+s21+$0x0] =	vst.idx.add.f32.msk $0xffff, v18;
	v18 =	vor.u32 v1, v33  }
0x535: {  	s29 =	simm.s32 $0x0;
	s30 =	simm.s32 $0x80;
	s31 =	simm.s32 $0x100;
	v17 =	vor.u32 v1, v34;
	v22 =	vor.u32 v1, v38;
	[tilespmem:v29+s20+$0x0] =	vst.idx.add.f32.msk $0xffff, v2  }
.LBB2_22:
0x536: {  	s0 =	sand.u32 $0x3800, s31;
	s1 =	sand.u32 $0x380, s30;
	[tilespmem:v29+s21+$0x0] =	vst.idx.add.f32.msk $0xffff, v16  }
0x537: {  	s29 =	sadd.s32 $0x10, s29;
	s0 =	sor.u32 s1, s0;
	[tilespmem:v32+s20+$0x0] =	vst.idx.add.f32.msk $0xffff, v2  }
0x538: {  	p0 =	slt.u32 s29, $0x270;
	v33 =	vld [tilespmem:s0+$0x2C70]  }
0x539: {  	v20 =	vld [tilespmem:s0+$0x2800]  }
0x53a: {  	v16 =	vld [tilespmem:s0+$0x2810]  }
0x53b: {  	v34 =	vld [tilespmem:s0+$0x2820]  }
0x53c: {  	v35 =	vld [tilespmem:s0+$0x2830]  }
0x53d: {  	v36 =	vld [tilespmem:s0+$0x2840];
	v29 =	vmul.f32 $7.411696620e+01, v33  }
0x53e: {  	v31 =	vmul.f32 $7.411696620e+01, v20;
	v37 =	vld [tilespmem:s0+$0x2850]  }
0x53f: {  	v38 =	vmul.f32 $7.411696620e+01, v16;
	v39 =	vld [tilespmem:s0+$0x2860];
	v29 =	vtrunc.f32 v29  }
0x540: {  	v40 =	vmul.f32 $7.411696620e+01, v34;
	v41 =	vld [tilespmem:s0+$0x2870];
	v29 =	vcvt.f32.s32 v29  }
0x541: {  	v42 =	vtrunc.f32 v31;
	v31 =	vmul.f32 $7.411696620e+01, v35;
	v43 =	vld [tilespmem:s0+$0x2C00]  }
0x542: {  	v38 =	vtrunc.f32 v38;
	v44 =	vmul.f32 $7.411696620e+01, v36;
	v45 =	vld [tilespmem:s0+$0x2C10];
	vm0 =	vgt.s32 v29, $0x0  }
0x543: {  	v40 =	vtrunc.f32 v40;
	v46 =	vmul.f32 $7.411696620e+01, v37;
	v47 =	vld [tilespmem:s0+$0x2C20];
	v29 =	vnsel vm0, $0x0, v29  }
0x544: {  	v48 =	vtrunc.f32 v31;
	v49 =	vmul.f32 $7.411696620e+01, v39;
	v50 =	vld [tilespmem:s0+$0x2C30];
	v29 =	vmin.u32 v29, $0x7FF  }
0x545: {  	v44 =	vtrunc.f32 v44;
	v51 =	vmul.f32 $7.411696620e+01, v41;
	v52 =	vld [tilespmem:s0+$0x2C40];
	v53 =	vor.u32 v1, v29  }
0x546: {  	v46 =	vtrunc.f32 v46;
	v54 =	vmul.f32 $7.411696620e+01, v43;
	v31 =	vld [tilespmem:s0+$0x2C50]  }
0x547: {  	v49 =	vtrunc.f32 v49;
	v55 =	vmul.f32 $7.411696620e+01, v45;
	v29 =	vld [tilespmem:s0+$0x2C60]  }
0x548: {  	v51 =	vtrunc.f32 v51;
	v56 =	vmul.f32 $7.411696620e+01, v47;
	[tilespmem:v32+s21+$0x0] =	vst.idx.add.f32.msk $0xffff, v7;
	v7 =	vmov v34  }
0x549: {  	v32 =	vtrunc.f32 v54;
	v34 =	vmul.f32 $7.411696620e+01, v50;
	[tilespmem:v30+s20+$0x0] =	vst.idx.add.f32.msk $0xffff, v2  }
0x54a: {  	v54 =	vtrunc.f32 v55;
	v55 =	vmul.f32 $7.411696620e+01, v52;
	[tilespmem:v53+s20+$0x0] =	vst.idx.add.f32.msk $0xffff, v2  }
0x54b: {  	v56 =	vtrunc.f32 v56;
	v57 =	vmul.f32 $7.411696620e+01, v31;
	[tilespmem:v53+s21+$0x0] =	vst.idx.add.f32.msk $0xffff, v33  }
0x54c: {  	v33 =	vtrunc.f32 v34;
	v34 =	vmul.f32 $7.411696620e+01, v29;
	[tilespmem:v30+s21+$0x0] =	vst.idx.add.f32.msk $0xffff, v4;
	v4 =	vmov v35  }
0x54d: {  	v30 =	vtrunc.f32 v55;
	v35 =	vtrunc.f32 v57;
	[tilespmem:v28+s20+$0x0] =	vst.idx.add.f32.msk $0xffff, v2  }
0x54e: {  	v42 =	vcvt.f32.s32 v42;
	v34 =	vtrunc.f32 v34;
	[tilespmem:v28+s21+$0x0] =	vst.idx.add.f32.msk $0xffff, v3;
	v3 =	vmov v36  }
0x54f: {  	v28 =	vcvt.f32.s32 v38;
	v36 =	vcvt.f32.s32 v40;
	[tilespmem:v27+s20+$0x0] =	vst.idx.add.f32.msk $0xffff, v2  }
0x550: {  	vm0 =	vgt.s32 v42, $0x0;
	v38 =	vcvt.f32.s32 v48;
	v40 =	vcvt.f32.s32 v44;
	[tilespmem:v27+s21+$0x0] =	vst.idx.add.f32.msk $0xffff, v5;
	v5 =	vmovc v37  }
0x551: {  	vm1 =	vgt.s32 v28, $0x0;
	v27 =	vcvt.f32.s32 v46;
	v37 =	vcvt.f32.s32 v49;
	[tilespmem:v26+s20+$0x0] =	vst.idx.add.f32.msk $0xffff, v2  }
0x552: {  	v32 =	vcvt.f32.s32 v32;
	v44 =	vcvt.f32.s32 v51;
	vm2 =	vgt.s32 v36, $0x0;
	[tilespmem:v26+s21+$0x0] =	vst.idx.add.f32.msk $0xffff, v6;
	v6 =	vmovc v39  }
0x553: {  	vm3 =	vgt.s32 v38, $0x0;
	v26 =	vcvt.f32.s32 v54;
	v39 =	vcvt.f32.s32 v56;
	[tilespmem:v25+s20+$0x0] =	vst.idx.add.f32.msk $0xffff, v2  }
0x554: {  	v33 =	vcvt.f32.s32 v33;
	v30 =	vcvt.f32.s32 v30;
	vm4 =	vgt.s32 v40, $0x0;
	[tilespmem:v25+s21+$0x0] =	vst.idx.add.f32.msk $0xffff, v8;
	v8 =	vmovc v41  }
0x555: {  	v34 =	vcvt.f32.s32 v34;
	vm5 =	vgt.s32 v27, $0x0;
	v25 =	vcvt.f32.s32 v35;
	[tilespmem:v24+s20+$0x0] =	vst.idx.add.f32.msk $0xffff, v2  }
0x556: {  	vm8 =	vgt.s32 v32, $0x0;
	vm7 =	vgt.s32 v44, $0x0;
	vm6 =	vgt.s32 v37, $0x0;
	[tilespmem:v24+s21+$0x0] =	vst.idx.add.f32.msk $0xffff, v9;
	v9 =	vmovc v43  }
0x557: {  	vm11 =	vgt.s32 v33, $0x0;
	vm9 =	vgt.s32 v26, $0x0;
	vm10 =	vgt.s32 v39, $0x0;
	[tilespmem:v23+s20+$0x0] =	vst.idx.add.f32.msk $0xffff, v2  }
0x558: {  	vm12 =	vgt.s32 v30, $0x0;
	vm14 =	vgt.s32 v34, $0x0;
	vm13 =	vgt.s32 v25, $0x0;
	[tilespmem:v23+s21+$0x0] =	vst.idx.add.f32.msk $0xffff, v10;
	v10 =	vmovc v45  }
0x559: {  	v24 =	vnsel vm1, $0x0, v28;
	v28 =	vnsel vm2, $0x0, v36;
	v23 =	vnsel vm0, $0x0, v42;
	[tilespmem:v22+s20+$0x0] =	vst.idx.add.f32.msk $0xffff, v2  }
0x55a: {  	v27 =	vnsel vm5, $0x0, v27;
	v35 =	vnsel vm3, $0x0, v38;
	v36 =	vnsel vm4, $0x0, v40;
	[tilespmem:v22+s21+$0x0] =	vst.idx.add.f32.msk $0xffff, v11;
	v11 =	vmovc v47  }
0x55b: {  	v32 =	vnsel vm8, $0x0, v32;
	v22 =	vnsel vm6, $0x0, v37;
	v37 =	vnsel vm7, $0x0, v44;
	[tilespmem:v21+s20+$0x0] =	vst.idx.add.f32.msk $0xffff, v2  }
0x55c: {  	v33 =	vnsel vm11, $0x0, v33;
	v26 =	vnsel vm9, $0x0, v26;
	v38 =	vnsel vm10, $0x0, v39;
	[tilespmem:v21+s21+$0x0] =	vst.idx.add.f32.msk $0xffff, v12;
	v12 =	vmovc v50  }
0x55d: {  	v25 =	vnsel vm13, $0x0, v25;
	v21 =	vnsel vm12, $0x0, v30;
	v30 =	vnsel vm14, $0x0, v34;
	[tilespmem:v19+s20+$0x0] =	vst.idx.add.f32.msk $0xffff, v2  }
0x55e: {  	v24 =	vmin.u32 v24, $0x7FF;
	v28 =	vmin.u32 v28, $0x7FF;
	v23 =	vmin.u32 v23, $0x7FF;
	[tilespmem:v19+s21+$0x0] =	vst.idx.add.f32.msk $0xffff, v13;
	v13 =	vmovc v52  }
0x55f: {  	v27 =	vmin.u32 v27, $0x7FF;
	v34 =	vmin.u32 v36, $0x7FF;
	v19 =	vmin.u32 v35, $0x7FF;
	[tilespmem:v18+s20+$0x0] =	vst.idx.add.f32.msk $0xffff, v2  }
0x560: {  	v22 =	vmin.u32 v22, $0x7FF;
	v36 =	vmin.u32 v32, $0x7FF;
	v35 =	vmin.u32 v37, $0x7FF;
	[tilespmem:v18+s21+$0x0] =	vst.idx.add.f32.msk $0xffff, v14;
	v14 =	vmovc v31  }
0x561: {  	v33 =	vmin.u32 v33, $0x7FF;
	v18 =	vmin.u32 v26, $0x7FF;
	v31 =	vmin.u32 v38, $0x7FF;
	[tilespmem:v17+s20+$0x0] =	vst.idx.add.f32.msk $0xffff, v2  }
0x562: {  	v39 =	vmin.u32 v30, $0x7FF;
	v37 =	vmin.u32 v21, $0x7FF;
	v38 =	vmin.u32 v25, $0x7FF;
	[tilespmem:v17+s21+$0x0] =	vst.idx.add.f32.msk $0xffff, v15;
	v15 =	vmovc v29  }
0x563: {  	v40 =	vor.u32 v1, v23;
	v32 =	vor.u32 v1, v28;
	v29 =	vor.u32 v1, v24  }
0x564: {  	v27 =	vor.u32 v1, v27;
	v28 =	vor.u32 v1, v34;
	v30 =	vor.u32 v1, v19  }
0x565: {  	v26 =	vor.u32 v1, v22;
	v25 =	vor.u32 v1, v35;
	v24 =	vor.u32 v1, v36  }
.Ltmp10:
0x566: {  	v21 =	vor.u32 v1, v33;
	v23 =	vor.u32 v1, v18;
	v22 =	vor.u32 v1, v31;
	(pc) =	sbr.rel @p0 .LBB2_22-.Ltmp10, $4  }
0x567: {  	v19 =	vor.u32 v1, v37;
	v18 =	vor.u32 v1, v38;
	v17 =	vor.u32 v1, v39  }
0x568: {  	[tilespmem:v40+s20+$0x0] =	vst.idx.add.f32.msk $0xffff, v2  }
0x569: {  	[tilespmem:v40+s21+$0x0] =	vst.idx.add.f32.msk $0xffff, v20  }
0x56a: {  	s30 =	sadd.s32 $0x80, s30;
	s31 =	sadd.s32 $0x100, s31;
	[tilespmem:v29+s20+$0x0] =	vst.idx.add.f32.msk $0xffff, v2  }
0x56b: {  	_ =	sdelay $0x3  }
0x56c: {  	[tilespmem:v29+s21+$0x0] =	vst.idx.add.f32.msk $0xffff, v16  }
0x56d: {  	[tilespmem:v32+s20+$0x0] =	vst.idx.add.f32.msk $0xffff, v2  }
0x56e: {  	[tilespmem:v30+s20+$0x0] =	vst.idx.add.f32.msk $0xffff, v2  }
0x56f: {  	[tilespmem:v28+s20+$0x0] =	vst.idx.add.f32.msk $0xffff, v2  }
0x570: {  	[tilespmem:v27+s20+$0x0] =	vst.idx.add.f32.msk $0xffff, v2  }
0x571: {  	[tilespmem:v26+s20+$0x0] =	vst.idx.add.f32.msk $0xffff, v2  }
0x572: {  	[tilespmem:v25+s20+$0x0] =	vst.idx.add.f32.msk $0xffff, v2  }
0x573: {  	[tilespmem:v24+s20+$0x0] =	vst.idx.add.f32.msk $0xffff, v2  }
0x574: {  	[tilespmem:v23+s20+$0x0] =	vst.idx.add.f32.msk $0xffff, v2  }
0x575: {  	[tilespmem:v22+s20+$0x0] =	vst.idx.add.f32.msk $0xffff, v2  }
0x576: {  	[tilespmem:v21+s20+$0x0] =	vst.idx.add.f32.msk $0xffff, v2  }
0x577: {  	[tilespmem:v19+s20+$0x0] =	vst.idx.add.f32.msk $0xffff, v2  }
0x578: {  	[tilespmem:v18+s20+$0x0] =	vst.idx.add.f32.msk $0xffff, v2  }
0x579: {  	[tilespmem:v17+s20+$0x0] =	vst.idx.add.f32.msk $0xffff, v2  }
0x57a: {  	[tilespmem:v32+s21+$0x0] =	vst.idx.add.f32.msk $0xffff, v7  }
0x57b: {  	[tilespmem:v30+s21+$0x0] =	vst.idx.add.f32.msk $0xffff, v4  }
0x57c: {  	[tilespmem:v28+s21+$0x0] =	vst.idx.add.f32.msk $0xffff, v3  }
0x57d: {  	[tilespmem:v27+s21+$0x0] =	vst.idx.add.f32.msk $0xffff, v5  }
0x57e: {  	[tilespmem:v26+s21+$0x0] =	vst.idx.add.f32.msk $0xffff, v6  }
0x57f: {  	[tilespmem:v25+s21+$0x0] =	vst.idx.add.f32.msk $0xffff, v8  }
0x580: {  	[tilespmem:v24+s21+$0x0] =	vst.idx.add.f32.msk $0xffff, v9  }
0x581: {  	[tilespmem:v23+s21+$0x0] =	vst.idx.add.f32.msk $0xffff, v10  }
0x582: {  	[tilespmem:v22+s21+$0x0] =	vst.idx.add.f32.msk $0xffff, v11  }
0x583: {  	[tilespmem:v21+s21+$0x0] =	vst.idx.add.f32.msk $0xffff, v12  }
0x584: {  	[tilespmem:v19+s21+$0x0] =	vst.idx.add.f32.msk $0xffff, v13  }
0x585: {  	[tilespmem:v18+s21+$0x0] =	vst.idx.add.f32.msk $0xffff, v14  }
0x586: {  	s29 =	simm.s32 $0x0;
	[tilespmem:v17+s21+$0x0] =	vst.idx.add.f32.msk $0xffff, v15  }
0x587: {  	v3 =	vld [tilespmem:s29+$0xD000]  }
0x588: {  	v4 =	vld [tilespmem:s29+$0x5000]  }
0x589: {  	v5 =	vld [tilespmem:s29+$0xD800]  }
0x58a: {  	v6 =	vld [tilespmem:s29+$0x5800]  }
0x58b: {  	v7 =	vld [tilespmem:s29+$0xE000]  }
0x58c: {  	v8 =	vld [tilespmem:s29+$0x6000];
	v3 =	vadd.f32 $0.0e+00, v3  }
0x58d: {  	v9 =	vld [tilespmem:s29+$0xE800];
	v4 =	vadd.f32 $0.0e+00, v4  }
0x58e: {  	v3 =	vadd.f32 v5, v3;
	v5 =	vld [tilespmem:s29+$0x6800]  }
0x58f: {  	v10 =	vld [tilespmem:s29+$0xF000];
	v4 =	vadd.f32 v6, v4  }
0x590: {  	v6 =	vld [tilespmem:s29+$0x7000];
	v3 =	vadd.f32 v7, v3  }
0x591: {  	v7 =	vld [tilespmem:s29+$0xF800];
	v4 =	vadd.f32 v8, v4  }
0x592: {  	v8 =	vld [tilespmem:s29+$0x7800];
	v3 =	vadd.f32 v9, v3  }
0x593: {  	v9 =	vld [tilespmem:s29+$0x10000];
	v4 =	vadd.f32 v5, v4  }
0x594: {  	v5 =	vld [tilespmem:s29+$0x8000];
	v3 =	vadd.f32 v10, v3  }
0x595: {  	v10 =	vld [tilespmem:s29+$0x10800];
	v4 =	vadd.f32 v6, v4  }
0x596: {  	v6 =	vld [tilespmem:s29+$0x8800];
	v3 =	vadd.f32 v7, v3  }
0x597: {  	v7 =	vld [tilespmem:s29+$0x11000];
	v4 =	vadd.f32 v8, v4  }
0x598: {  	v8 =	vld [tilespmem:s29+$0x9000];
	v3 =	vadd.f32 v9, v3  }
0x599: {  	v9 =	vld [tilespmem:s29+$0x11800];
	v4 =	vadd.f32 v5, v4  }
0x59a: {  	v5 =	vld [tilespmem:s29+$0x9800];
	v3 =	vadd.f32 v10, v3  }
0x59b: {  	v10 =	vld [tilespmem:s29+$0x12000];
	v4 =	vadd.f32 v6, v4  }
0x59c: {  	v6 =	vld [tilespmem:s29+$0xA000];
	v3 =	vadd.f32 v7, v3  }
0x59d: {  	v7 =	vld [tilespmem:s29+$0x12800];
	v4 =	vadd.f32 v8, v4  }
0x59e: {  	v8 =	vld [tilespmem:s29+$0xA800];
	v3 =	vadd.f32 v9, v3  }
0x59f: {  	v9 =	vld [tilespmem:s29+$0x13000];
	v4 =	vadd.f32 v5, v4  }
0x5a0: {  	v3 =	vadd.f32 v10, v3;
	v10 =	vld [tilespmem:s29+$0xB000]  }
0x5a1: {  	v11 =	vld [tilespmem:s29+$0x13800];
	v5 =	vadd.f32 v6, v4  }
0x5a2: {  	v6 =	vadd.f32 v7, v3;
	v3 =	vld [tilespmem:s29+$0xB800]  }
0x5a3: {  	v4 =	vld [tilespmem:s29+$0x14000];
	v7 =	vadd.f32 v8, v5  }
0x5a4: {  	v5 =	vld [tilespmem:s29+$0xC000];
	v9 =	vadd.f32 v9, v6  }
0x5a5: {  	v6 =	vld [tilespmem:s29+$0x14800];
	v8 =	vadd.f32 v10, v7  }
0x5a6: {  	s30 =	simm.s32 $0x10;
	s31 =	simm.s32 $0x80;
	v7 =	vld [tilespmem:s29+$0xC800];
	v9 =	vadd.f32 v11, v9  }
.LBB2_24:
0x5a7: {  	p0 =	sne.s32 s31, $0x1FC0;
	v10 =	vld [tilespmem:s30+$0xD000];
	v3 =	vadd.f32 v3, v8  }
0x5a8: {  	v8 =	vld [tilespmem:s30+$0x5000];
	v4 =	vadd.f32 v4, v9  }
0x5a9: {  	v9 =	vld [tilespmem:s30+$0xD800];
	v3 =	vadd.f32 v5, v3  }
0x5aa: {  	v5 =	vld [tilespmem:s30+$0x5800];
	v4 =	vadd.f32 v6, v4  }
0x5ab: {  	v6 =	vld [tilespmem:s30+$0xE000];
	v3 =	vadd.f32 v7, v3  }
0x5ac: {  	v7 =	vadd.f32 $0.0e+00, v10;
	v10 =	vld [tilespmem:s30+$0x6000];
	[tilespmem:s29+$0x15800] =	vst v4  }
0x5ad: {  	v4 =	vadd.f32 $0.0e+00, v8;
	v8 =	vld [tilespmem:s30+$0xE800];
	[tilespmem:s29+$0x15000] =	vst v3;
	s29 =	smov.u32 s30  }
0x5ae: {  	v3 =	vadd.f32 v9, v7;
	v7 =	vld [tilespmem:s29+$0x6800]  }
0x5af: {  	v4 =	vadd.f32 v5, v4;
	v5 =	vld [tilespmem:s29+$0xF000]  }
0x5b0: {  	v3 =	vadd.f32 v6, v3;
	v6 =	vld [tilespmem:s29+$0x7000]  }
0x5b1: {  	v4 =	vadd.f32 v10, v4;
	v9 =	vld [tilespmem:s29+$0xF800]  }
0x5b2: {  	v3 =	vadd.f32 v8, v3;
	v8 =	vld [tilespmem:s29+$0x7800]  }
0x5b3: {  	v4 =	vadd.f32 v7, v4;
	v7 =	vld [tilespmem:s29+$0x10000]  }
0x5b4: {  	v3 =	vadd.f32 v5, v3;
	v5 =	vld [tilespmem:s29+$0x8000]  }
0x5b5: {  	v4 =	vadd.f32 v6, v4;
	v6 =	vld [tilespmem:s29+$0x10800]  }
0x5b6: {  	v3 =	vadd.f32 v9, v3;
	v9 =	vld [tilespmem:s29+$0x8800]  }
0x5b7: {  	v4 =	vadd.f32 v8, v4;
	v8 =	vld [tilespmem:s29+$0x11000]  }
0x5b8: {  	v3 =	vadd.f32 v7, v3;
	v7 =	vld [tilespmem:s29+$0x9000]  }
0x5b9: {  	v4 =	vadd.f32 v5, v4;
	v5 =	vld [tilespmem:s29+$0x11800]  }
0x5ba: {  	v3 =	vadd.f32 v6, v3;
	v6 =	vld [tilespmem:s29+$0x9800]  }
0x5bb: {  	v4 =	vadd.f32 v9, v4;
	v9 =	vld [tilespmem:s29+$0x12000]  }
0x5bc: {  	v3 =	vadd.f32 v8, v3;
	v8 =	vld [tilespmem:s29+$0xA000]  }
0x5bd: {  	v4 =	vadd.f32 v7, v4;
	v7 =	vld [tilespmem:s29+$0x12800]  }
0x5be: {  	v3 =	vadd.f32 v5, v3;
	v5 =	vld [tilespmem:s29+$0xA800]  }
0x5bf: {  	v4 =	vadd.f32 v6, v4;
	v6 =	vld [tilespmem:s29+$0x13000]  }
0x5c0: {  	v3 =	vadd.f32 v9, v3;
	v9 =	vld [tilespmem:s29+$0xB000]  }
0x5c1: {  	v4 =	vadd.f32 v8, v4;
	v10 =	vld [tilespmem:s29+$0x13800]  }
.Ltmp11:
0x5c2: {  	v7 =	vadd.f32 v7, v3;
	v3 =	vld [tilespmem:s29+$0xB800];
	(pc) =	sbr.rel @p0 .LBB2_24-.Ltmp11, $4  }
0x5c3: {  	v8 =	vadd.f32 v5, v4;
	v4 =	vld [tilespmem:s29+$0x14000]  }
0x5c4: {  	v7 =	vadd.f32 v6, v7;
	v5 =	vld [tilespmem:s29+$0xC000]  }
0x5c5: {  	v8 =	vadd.f32 v9, v8;
	v6 =	vld [tilespmem:s29+$0x14800]  }
0x5c6: {  	s30 =	sshra.s32 s31, $0x2;
	s31 =	sadd.s32 $0x40, s31;
	v9 =	vadd.f32 v10, v7;
	v7 =	vld [tilespmem:s29+$0xC800]  }
0x5c7: {  	v10 =	vld [tilespmem:s30+$0xD000];
	v3 =	vadd.f32 v3, v8  }
0x5c8: {  	v11 =	vld [tilespmem:s30+$0x5000];
	v4 =	vadd.f32 v4, v9  }
0x5c9: {  	v31 =	vld [tilespmem:s30+$0xD800];
	v3 =	vadd.f32 v5, v3  }
0x5ca: {  	v32 =	vld [tilespmem:s30+$0x5800];
	v4 =	vadd.f32 v6, v4  }
0x5cb: {  	v33 =	vld [tilespmem:s30+$0xE000];
	v3 =	vadd.f32 v7, v3  }
0x5cc: {  	v34 =	vld [tilespmem:s30+$0x6000];
	[tilespmem:s29+$0x15800] =	vst v4;
	v35 =	vadd.f32 $0.0e+00, v10  }
0x5cd: {  	v37 =	vadd.f32 $0.0e+00, v11;
	v36 =	vld [tilespmem:s30+$0xE800];
	[tilespmem:s29+$0x15000] =	vst v3  }
0x5ce: {  	v3 =	vadd.f32 v31, v35;
	v38 =	vld [tilespmem:s30+$0x6800]  }
0x5cf: {  	v39 =	vadd.f32 v32, v37;
	v40 =	vld [tilespmem:s30+$0xF000]  }
0x5d0: {  	v41 =	vld [tilespmem:s30+$0x7000];
	v3 =	vadd.f32 v33, v3  }
0x5d1: {  	v42 =	vld [tilespmem:s30+$0xF800];
	v6 =	vadd.f32 v34, v39  }
0x5d2: {  	v43 =	vld [tilespmem:s30+$0x7800];
	v3 =	vadd.f32 v36, v3  }
0x5d3: {  	v44 =	vld [tilespmem:s30+$0x10000];
	v4 =	vadd.f32 v38, v6  }
0x5d4: {  	v45 =	vld [tilespmem:s30+$0x8000];
	v3 =	vadd.f32 v40, v3  }
0x5d5: {  	v46 =	vld [tilespmem:s30+$0x10800];
	v4 =	vadd.f32 v41, v4  }
0x5d6: {  	v47 =	vld [tilespmem:s30+$0x8800];
	v3 =	vadd.f32 v42, v3  }
0x5d7: {  	v48 =	vld [tilespmem:s30+$0x11000];
	v4 =	vadd.f32 v43, v4  }
0x5d8: {  	v49 =	vld [tilespmem:s30+$0x9000];
	v3 =	vadd.f32 v44, v3  }
0x5d9: {  	v50 =	vld [tilespmem:s30+$0x11800];
	v4 =	vadd.f32 v45, v4  }
0x5da: {  	v51 =	vld [tilespmem:s30+$0x9800];
	v3 =	vadd.f32 v46, v3  }
0x5db: {  	v52 =	vld [tilespmem:s30+$0x12000];
	v4 =	vadd.f32 v47, v4  }
0x5dc: {  	v53 =	vld [tilespmem:s30+$0xA000];
	v3 =	vadd.f32 v48, v3  }
0x5dd: {  	v54 =	vld [tilespmem:s30+$0x12800];
	v4 =	vadd.f32 v49, v4  }
0x5de: {  	v55 =	vld [tilespmem:s30+$0xA800];
	v3 =	vadd.f32 v50, v3  }
0x5df: {  	v56 =	vld [tilespmem:s30+$0x13000];
	v4 =	vadd.f32 v51, v4  }
0x5e0: {  	v57 =	vld [tilespmem:s30+$0xB000];
	v3 =	vadd.f32 v52, v3  }
0x5e1: {  	v58 =	vld [tilespmem:s30+$0x13800];
	v4 =	vadd.f32 v53, v4  }
0x5e2: {  	v59 =	vld [tilespmem:s30+$0xB800];
	v3 =	vadd.f32 v54, v3  }
0x5e3: {  	v60 =	vld [tilespmem:s30+$0x14000];
	v4 =	vadd.f32 v55, v4  }
0x5e4: {  	v61 =	vld [tilespmem:s30+$0xC000];
	v3 =	vadd.f32 v56, v3  }
0x5e5: {  	v62 =	vld [tilespmem:s30+$0x14800];
	v4 =	vadd.f32 v57, v4  }
0x5e6: {  	v63 =	vld [tilespmem:s30+$0xC800];
	v3 =	vadd.f32 v58, v3  }
0x5e7: {  	v4 =	vadd.f32 v59, v4  }
0x5e8: {  	v3 =	vadd.f32 v60, v3  }
0x5e9: {  	v4 =	vadd.f32 v61, v4  }
0x5ea: {  	v3 =	vadd.f32 v62, v3  }
0x5eb: {  	v4 =	vadd.f32 v63, v4  }
0x5ec: {  	[tilespmem:s30+$0x15800] =	vst v3  }
0x5ed: {  	[tilespmem:s30+$0x15000] =	vst v4  }
0x5ee: {  	[hbm4b:s13+s23] =	stream.strided.scatter [tilespmem:s25], [sflag:$0x3], $0x800, s24, s23, $0x38;
	[tilespmem:$0x16000] =	vst v63  }
0x5ef: {  	s2 =	sadd.s32 $0x1, s2;
	_ =	swait.ge [sflag:s26], $0x800  }
0x5f0: {  	p0 =	sne.s32 s2, s15;
	[sflag:s26] =	ssyncset.done $0x0  }
.Ltmp12:
0x5f1: {  	[sflag:s26] =	ssyncadd.s32 $0xFFFFF800;
	(pc) =	sbr.rel @p0 .LBB2_1-.Ltmp12, $4  }
0x5f2: {  	[hbm4b:s14+s23] =	stream.strided.scatter [tilespmem:s28], [sflag:$0x3], $0x800, s24, s23, $0x38;
	[tilespmem:$0x16000] =	vst v63  }
0x5f3: {  	_ =	swait.ge [sflag:s26], $0x800  }
0x5f4: {  	[sflag:s26] =	ssyncset.done $0x0  }
0x5f5: {  	[sflag:s26] =	ssyncadd.s32 $0xFFFFF800  }
0x5f6: {  	_ =	sfence.sel $0x180000  }
0x5f7: {  	[bflag:$0x0] =	sbarrier.arrive $0xFFFF  }
0x5f8: {  	_ =	strace $0x90000047  }
0x5f9: {  	s0 =	stileid.u32;
	[bflag:$0x2] =	sbarrier.arrive $0xFFFF  }
0x5fa: {  	p0 =	sne.s32 s0, $0x0;
	s0 =	rddreg [dreg:$0x1]  }
0x5fb: {  	s0 =	sadd.s32 @!p0 $0x100000, s0  }
0x5fc: {  	[sflag:s0] =	ssyncadd.tile.s32 @!p0 $0x1;
	_ =	shalt  }
.Lfunc_end2:
_tile_overlayer_lowered:
.L_overlay_start_2:
0x5fd: {  	(tag) =	ssettag $0x2  }
0x5fe: {  	s0 =	rddreg [dreg:$0x0];
	s2 =	stileid.u32  }
0x5ff: {  	s1 =	rddreg [dreg:$0x1];
	p0 =	sne.s32 s2, $0x0  }
0x600: {  	s3 =	rddreg [dreg:$0x2];
	[bflag:$0x3] =	sbarrier.arrive $0xFFFF;
	s2 =	simm.s32 @!p0 $0x1C03  }
0x601: {  	[timem:s3], [sflag:s2] =	dma.local @!p0 [hbm:s0], s1  }
0x602: {  	s0 =	simm.s32 @!p0 $0x3  }
0x603: {  	_ =	swait.ge @!p0 [sflag:s0], s1  }
0x604: {  	s1 =	ssub.s32 @!p0 $0x0, s1;
	[sflag:s0] =	ssyncset.done @!p0 $0x0  }
0x605: {  	[sflag:s0] =	ssyncadd.s32 @!p0 s1  }
0x606: {  	[bflag:$0x3] =	sbarrier.arrive $0xFFFF  }
0x607: {  	_ =	shalt  }

</sc_bundles>
